<compile_context>
chip_gen: v7x
topology: tpu7x:2x2x1
jax: 0.10.2.dev20260603
libtpu: 0.0.44.dev20260713+nightly
codegen_flags: <defaults>
</compile_context>

<pallas_src>
import jax
import jax.numpy as jnp
from jax import lax
from jax.experimental import pallas as pl
from jax.experimental.pallas import tpu as pltpu
from jax.experimental.pallas import tpu_sc as plsc

_N = 10000
_NP = 10240
_E = 320000
_D = 128
_DH = _D // 2
_G = 64
_CH = 125
_NC = 2
_NS = 16
_NW = _NC * _NS
_CPS = _E // _CH // _NS
_CPT = _E // _CH // _NW
_RPS = _NP // _NS
_ZR = 128


_KC = 1
_MC = _CPS // _KC
_NPH = 1
_MCP = _MC // _NPH
_NB = 5


def _sc_agg_body(x2_hbm, src_hbm, dst_hbm, part,
                 src_v, dst_v, rows, acc, sg, ss):
  c = lax.axis_index("c")
  s = lax.axis_index("s")

  def zrow(i, _):
    for k in range(_DH // 16):
      rows[0][i, pl.ds(k * 16, 16)] = jnp.zeros((16,), jnp.float32)
    return 0
  lax.fori_loop(0, _ZR, zrow, 0)
  for k in range(_RPS // _ZR):
    pltpu.sync_copy(rows[0].at[pl.ds(0, _ZR)],
                    acc.at[pl.ds(s * _RPS + k * _ZR, _ZR)])

  plsc.subcore_barrier()

  for p in range(_NPH):
    pltpu.sync_copy(src_hbm.at[s].at[pl.ds(p * _MCP, _MCP)], src_v)
    pltpu.sync_copy(dst_hbm.at[s].at[pl.ds(p * _MCP, _MCP)], dst_v)
    for b in range(_NB):
      pltpu.async_copy(x2_hbm.at[c].at[src_v.at[b]], rows[b], sg[b])

    def step(i, _):
      j0 = i * _NB
      for b in range(_NB):
        j = j0 + b
        pltpu.make_async_copy(x2_hbm.at[c].at[src_v.at[j]], rows[b],
                              sg[b]).wait()
        pltpu.async_copy(rows[b], acc.at[dst_v.at[j]], ss[b], add=True)
      for b in range(_NB):
        jn = jnp.minimum(j0 + b + _NB, _MCP - 1)
        pltpu.make_async_copy(rows[b], acc.at[dst_v.at[j0 + b]],
                              ss[b]).wait()
        pltpu.async_copy(x2_hbm.at[c].at[src_v.at[jn]], rows[b], sg[b])
      return 0
    lax.fori_loop(0, _MCP // _NB, step, 0)
    for b in range(_NB):
      pltpu.make_async_copy(x2_hbm.at[c].at[src_v.at[0]], rows[b],
                            sg[b]).wait()

  plsc.subcore_barrier()
  pltpu.sync_copy(acc.at[pl.ds(s * _RPS, _RPS)],
                  part.at[c].at[pl.ds(s * _RPS, _RPS)])


def _sc_deg_body(dst_hbm, partdeg, dst_v, ones_v, zdeg, accd):
  c = lax.axis_index("c")
  s = lax.axis_index("s")
  wid = s * _NC + c

  def zdrow(i, _):
    zdeg[i, :] = jnp.zeros((16,), jnp.float32)
    return 0
  lax.fori_loop(0, _RPS, zdrow, 0)
  pltpu.sync_copy(zdeg, accd.at[pl.ds(s * _RPS, _RPS)])

  def orow(i, _):
    ones_v[i, :] = jnp.ones((16,), jnp.float32)
    return 0
  lax.fori_loop(0, _CH, orow, 0)

  pltpu.sync_copy(dst_hbm.at[wid], dst_v)
  plsc.subcore_barrier()

  def step(j, _):
    pltpu.sync_copy(ones_v, accd.at[dst_v.at[j]], add=True)
    return 0
  lax.fori_loop(0, _CPT, step, 0)

  plsc.subcore_barrier()
  pltpu.sync_copy(accd.at[pl.ds(s * _RPS, _RPS)],
                  partdeg.at[c].at[pl.ds(s * _RPS, _RPS)])


def _sc_mesh():
  return plsc.VectorSubcoreMesh(core_axis_name="c", subcore_axis_name="s")


_agg = pl.kernel(
    _sc_agg_body,
    out_type=jax.ShapeDtypeStruct((_NC, _NP, _DH), jnp.float32),
    mesh=_sc_mesh(),
    compiler_params=pltpu.CompilerParams(use_tc_tiling_on_sc=False),
    scratch_types=[
        pltpu.VMEM((_MCP, _KC * _CH), jnp.int32),
        pltpu.VMEM((_MCP, _KC * _CH), jnp.int32),
        [pltpu.VMEM((_KC * _CH, _DH), jnp.float32) for _ in range(_NB)],
        pltpu.VMEM_SHARED((_NP, _DH), jnp.float32),
        [pltpu.SemaphoreType.DMA for _ in range(_NB)],
        [pltpu.SemaphoreType.DMA for _ in range(_NB)],
    ],
)

_deg = pl.kernel(
    _sc_deg_body,
    out_type=jax.ShapeDtypeStruct((_NC, _NP, 16), jnp.float32),
    mesh=_sc_mesh(),
    compiler_params=pltpu.CompilerParams(use_tc_tiling_on_sc=False),
    scratch_types=[
        pltpu.VMEM((_CPT, _CH), jnp.int32),
        pltpu.VMEM((_CH, 16), jnp.float32),
        pltpu.VMEM((_RPS, 16), jnp.float32),
        pltpu.VMEM_SHARED((_NP, 16), jnp.float32),
    ],
)

_BN = 2048


def _tc_layer1_body(p2, d0, d1, W, b, h2, scale, maskb):
  deg = (d0[...] + d1[...])[:, 0:1]
  sc = 1.0 / jnp.maximum(deg, 1.0)
  mk = (deg > 0.0).astype(jnp.float32)
  mean = jnp.concatenate([p2[0], p2[1]], axis=1) * sc
  z = lax.dot_general(mean, W[...], (((1,), (1,)), ((), ())),
                      preferred_element_type=jnp.float32)
  z = z + b[...] * mk
  ht = jnp.tanh(jnp.maximum(z, 0.0))
  h2[0] = ht[:, :_DH]
  h2[1] = ht[:, _DH:]
  scale[...] = sc
  maskb[...] = mk


def _tc_layerk_body(p2, sc_ref, mk_ref, W, b, h2):
  mean = jnp.concatenate([p2[0], p2[1]], axis=1) * sc_ref[...]
  z = lax.dot_general(mean, W[...], (((1,), (1,)), ((), ())),
                      preferred_element_type=jnp.float32)
  z = z + b[...] * mk_ref[...]
  ht = jnp.tanh(jnp.maximum(z, 0.0))
  h2[0] = ht[:, :_DH]
  h2[1] = ht[:, _DH:]


def _blk2():
  return pl.BlockSpec((2, _BN, _DH), lambda i: (0, i, 0))


def _blk(r, c):
  return pl.BlockSpec((r, c), lambda i: (i, 0))


def _fix(r, c):
  return pl.BlockSpec((r, c), lambda i: (0, 0))


def _tc_layer1(p2, d0, d1, W, b):
  return pl.pallas_call(
      _tc_layer1_body,
      grid=(_NP // _BN,),
      in_specs=[_blk2(), _blk(_BN, 16), _blk(_BN, 16),
                _fix(_D, _D), _fix(1, _D)],
      out_specs=[_blk2(), _blk(_BN, 1), _blk(_BN, 1)],
      out_shape=[jax.ShapeDtypeStruct((2, _NP, _DH), jnp.float32),
                 jax.ShapeDtypeStruct((_NP, 1), jnp.float32),
                 jax.ShapeDtypeStruct((_NP, 1), jnp.float32)],
  )(p2, d0, d1, W, b)


def _tc_layerk(p2, scale, maskb, W, b):
  return pl.pallas_call(
      _tc_layerk_body,
      grid=(_NP // _BN,),
      in_specs=[_blk2(), _blk(_BN, 1), _blk(_BN, 1),
                _fix(_D, _D), _fix(1, _D)],
      out_specs=_blk2(),
      out_shape=jax.ShapeDtypeStruct((2, _NP, _DH), jnp.float32),
  )(p2, scale, maskb, W, b)


def _tc_l4pool_body(p2, sc_ref, mk_ref, W, b, bt, Wfc, bfc, Wr, br,
                    out, accs, cnts):
  i = pl.program_id(0)

  @pl.when(i == 0)
  def _():
    accs[...] = jnp.zeros_like(accs)
    cnts[...] = jnp.zeros_like(cnts)

  mean = jnp.concatenate([p2[0], p2[1]], axis=1) * sc_ref[...]
  z = lax.dot_general(mean, W[...], (((1,), (1,)), ((), ())),
                      preferred_element_type=jnp.float32)
  z = z + b[...] * mk_ref[...]
  h4 = jnp.tanh(jnp.maximum(z, 0.0))

  g = lax.broadcasted_iota(jnp.int32, (1, _G), 1)
  M = (bt[...] == g).astype(jnp.float32)
  accs[...] += lax.dot_general(M, h4, (((0,), (0,)), ((), ())),
                               preferred_element_type=jnp.float32)
  cnts[...] += jnp.sum(M, axis=0)[:, None]

  @pl.when(i == pl.num_programs(0) - 1)
  def _():
    pooled = accs[...] / jnp.maximum(cnts[...], 1.0)
    hfc = lax.dot_general(pooled, Wfc[...], (((1,), (1,)), ((), ())),
                          preferred_element_type=jnp.float32) + bfc[...]
    hfc = jnp.maximum(hfc, 0.0)
    out[...] = lax.dot_general(hfc, Wr[...], (((1,), (1,)), ((), ())),
                               preferred_element_type=jnp.float32) + br[...]


def _tc_l4pool(p2, scale, maskb, W, b, bt, Wfc, bfc, Wr, br):
  return pl.pallas_call(
      _tc_l4pool_body,
      grid=(_NP // _BN,),
      in_specs=[_blk2(), _blk(_BN, 1), _blk(_BN, 1), _fix(_D, _D),
                _fix(1, _D), _blk(_BN, 1), _fix(_D, _D), _fix(1, _D),
                _fix(8, _D), _fix(1, 8)],
      out_specs=_fix(_G, 8),
      out_shape=jax.ShapeDtypeStruct((_G, 8), jnp.float32),
      scratch_shapes=[pltpu.VMEM((_G, _D), jnp.float32),
                      pltpu.VMEM((_G, _D), jnp.float32)],
  )(p2, scale, maskb, W, b, bt, Wfc, bfc, Wr, br)


def kernel(x, edge_index, batch, W1, b1, W2, b2, W3, b3, W4, b4,
           Wfc, bfc, Wr, br):
  src16 = edge_index[0].reshape(_NS, _MC, _KC * _CH)
  dst16 = edge_index[1].reshape(_NS, _MC, _KC * _CH)
  dst32 = edge_index[1].reshape(_NW, _CPT, _CH)

  xp = jnp.concatenate(
      [x, jnp.zeros((_NP - _N, _D), jnp.float32)]).reshape(_NP, 2, _DH)
  x2 = jnp.transpose(xp, (1, 0, 2))

  pdeg = _deg(dst32)
  p2 = _agg(x2, src16, dst16)
  h2, scale, maskb = _tc_layer1(p2, pdeg[0], pdeg[1], W1, b1.reshape(1, _D))
  for W, b in ((W2, b2), (W3, b3)):
    p2 = _agg(h2, src16, dst16)
    h2 = _tc_layerk(p2, scale, maskb, W, b.reshape(1, _D))
  p2 = _agg(h2, src16, dst16)

  batch_p = jnp.concatenate(
      [batch, jnp.full((_NP - _N,), _G, jnp.int32)]).reshape(_NP, 1)
  out = _tc_l4pool(p2, scale, maskb, W4, b4.reshape(1, _D), batch_p,
                   Wfc, bfc.reshape(1, _D), Wr, br.reshape(1, 8))
  return out

# --- scband reference (transcript-rebuilt; emitter-appended) ---
"""Pipeline reference for scband-my-gnn-66348654789163 (READ-ONLY COPY).

The authoritative reference and input builder live on the scoring server;
editing this copy changes nothing except your own understanding.
"""

import jax
import jax.numpy as jnp
import numpy as np

N = 10000
E = 320000
DIN = 128
DH1 = 128
DH2 = 128
DH3 = 128
DH4 = 128
DFC = 128
DOUT = 8
NUM_GRAPHS = 64


def setup_inputs(seed: int = 0) -> dict:
    key = jax.random.key(seed)
    ks = jax.random.split(key, 16)
    x = jax.random.normal(ks[0], (N, DIN), dtype=jnp.float32)
    edge_index = jax.random.randint(ks[1], (2, E), 0, N, dtype=jnp.int32)
    batch = jnp.sort(jax.random.randint(ks[2], (N,), 0, NUM_GRAPHS, dtype=jnp.int32))

    def lin_params(k, dout, din):
        k1, k2 = jax.random.split(k)
        bound = 1.0 / np.sqrt(din)
        W = jax.random.uniform(k1, (dout, din), jnp.float32, -bound, bound)
        b = jax.random.uniform(k2, (dout,), jnp.float32, -bound, bound)
        return W, b

    W1, b1 = lin_params(ks[3], DH1, DIN)
    W2, b2 = lin_params(ks[4], DH2, DH1)
    W3, b3 = lin_params(ks[5], DH3, DH2)
    W4, b4 = lin_params(ks[6], DH4, DH3)
    Wfc, bfc = lin_params(ks[7], DFC, DH4)
    Wr, br = lin_params(ks[8], DOUT, DFC)
    return {
        "x": x, "edge_index": edge_index, "batch": batch,
        "W1": W1, "b1": b1, "W2": W2, "b2": b2,
        "W3": W3, "b3": b3, "W4": W4, "b4": b4,
        "Wfc": Wfc, "bfc": bfc, "Wr": Wr, "br": br,
    }


def _mp_layer(x, W, b, src, dst, n_nodes):
    # lin -> propagate(mean aggr of source messages at dst) -> relu (update)
    h = x @ W.T + b
    msg = jnp.take(h, src, axis=0)
    agg = jax.ops.segment_sum(msg, dst, num_segments=n_nodes)
    cnt = jax.ops.segment_sum(jnp.ones((src.shape[0], 1), h.dtype), dst, num_segments=n_nodes)
    agg = agg / jnp.maximum(cnt, 1.0)
    return jax.nn.relu(agg)


def reference(x, edge_index, batch, W1, b1, W2, b2, W3, b3, W4, b4, Wfc, bfc, Wr, br):
    src = edge_index[0]
    dst = edge_index[1]
    n_nodes = x.shape[0]

    h = jnp.tanh(_mp_layer(x, W1, b1, src, dst, n_nodes))
    h = jnp.tanh(_mp_layer(h, W2, b2, src, dst, n_nodes))
    h = jnp.tanh(_mp_layer(h, W3, b3, src, dst, n_nodes))
    h = jnp.tanh(_mp_layer(h, W4, b4, src, dst, n_nodes))

    # global_mean_pool over graph ids in `batch`
    pooled = jax.ops.segment_sum(h, batch, num_segments=NUM_GRAPHS)
    counts = jax.ops.segment_sum(jnp.ones((n_nodes, 1), h.dtype), batch, num_segments=NUM_GRAPHS)
    pooled = pooled / jnp.maximum(counts, 1.0)

    # dropout is identity in eval mode
    hfc = jax.nn.relu(pooled @ Wfc.T + bfc)
    out = hfc @ Wr.T + br
    return out

if __name__ == "__main__":
    import jax
    _d = setup_inputs()
    print(jax.jit(kernel)(*tuple(_d.values())))

</pallas_src>

<mosaic_0001>
#map = affine_map<(d0, d1) -> (0, 0, 0)>
module attributes {stable_mosaic.version = 14 : i64} {
  func.func @_sc_deg_body(%arg0: i32, %arg1: i32, %arg2: memref<32x80x125xi32, #tpu.memory_space<hbm>>, %arg3: memref<2x10240x16xf32, #tpu.memory_space<hbm>>, %arg4: memref<80x125xi32, #tpu.memory_space<vmem>>, %arg5: memref<125x16xf32, #tpu.memory_space<vmem>>, %arg6: memref<640x16xf32, #tpu.memory_space<vmem>>, %arg7: memref<10240x16xf32, #tpu.memory_space<vmem_shared>>) attributes {dimension_semantics = [#tpu.dimension_semantics<core_parallel>, #tpu.dimension_semantics<subcore_parallel>], iteration_bounds = array<i64: 2, 16>, scalar_prefetch = 0 : i64, scratch_operands = 4 : i64, tpu.core_type = #tpu.core_type<sc_vector_subcore>, window_params = [{transform_indices = #map}, {transform_indices = #map}]} {
    %mul3A = arith.constant 2 : i32
    %mul3A_0 = arith.muli %arg1, %mul3A : i32
    %add3A = arith.addi %mul3A_0, %arg0 : i32
    %scan3A = arith.constant 0 : i32
    %scan3A_1 = arith.constant 0 : i32
    %scan3A_2 = arith.constant 640 : i32
    %scan3A_3 = arith.addi %scan3A_1, %scan3A_2 : i32
    %scan3A_4 = arith.constant 1 : i32
    %scan3A_5 = scf.for %scan3A_28 = %scan3A_1 to %scan3A_3 step %scan3A_4 iter_args(%scan3A_29 = %scan3A) -> (i32)  : i32 {
      %broadcast_in_dim3A = arith.constant 0.000000e+00 : f32
      %broadcast_in_dim3A_30 = vector.broadcast %broadcast_in_dim3A : f32 to vector<16xf32>
      %swap3A = arith.index_cast %scan3A_28 : i32 to index
      %swap3A_31 = arith.constant 0 : index
      %swap3A_32 = tpu.vector_load %arg6[%swap3A, %swap3A_31] {strides = array<i32>} : memref<640x16xf32, #tpu.memory_space<vmem>>, vector<1x16xf32>,
      %swap3A_33 = vector.shape_cast %swap3A_32 : vector<1x16xf32> to vector<16xf32>
      %swap3A_34 = vector.shape_cast %broadcast_in_dim3A_30 : vector<16xf32> to vector<1x16xf32>
      tpu.vector_store %arg6[%swap3A, %swap3A_31], %swap3A_34 {strides = array<i32>} : memref<640x16xf32, #tpu.memory_space<vmem>>, vector<1x16xf32>,
      %scan3A_35 = arith.constant 0 : i32
      scf.yield %scan3A_35 : i32
    }
    %scan3A_6 = arith.constant 640 : i32
    %mul3A_7 = arith.constant 640 : i32
    %mul3A_8 = arith.muli %arg1, %mul3A_7 : i32
    "tpu.region"() ({
      %run_scoped3A = tpu.sem_alloc : memref<!tpu.dma_semaphore, #tpu.memory_space<semaphore_mem>>
      %dma_start3A = arith.constant 0 : i32
      %dma_start3A_28 = tpu.memref_slice %arg7[%mul3A_8, %dma_start3A] : memref<10240x16xf32, #tpu.memory_space<vmem_shared>> -> memref<640x16xf32, #tpu.memory_space<vmem_shared>>
      %dma_start3A_29 = arith.constant 0 : i32
      %dma_start3A_30 = tpu.memref_slice %arg7[%mul3A_8, %dma_start3A_29] : memref<10240x16xf32, #tpu.memory_space<vmem_shared>> -> memref<640x16xf32, #tpu.memory_space<vmem_shared>>
      tpu.enqueue_dma source(%arg6 : memref<640x16xf32, #tpu.memory_space<vmem>>) target(%dma_start3A_30 : memref<640x16xf32, #tpu.memory_space<vmem_shared>>) target_semaphore(%run_scoped3A : memref<!tpu.dma_semaphore, #tpu.memory_space<semaphore_mem>>)
      %dma_wait3A = arith.constant 0 : i32
      %dma_wait3A_31 = tpu.memref_slice %arg7[%mul3A_8, %dma_wait3A] : memref<10240x16xf32, #tpu.memory_space<vmem_shared>> -> memref<640x16xf32, #tpu.memory_space<vmem_shared>>
      %dma_wait3A_32 = arith.constant 0 : i32
      %dma_wait3A_33 = tpu.memref_slice %arg7[%mul3A_8, %dma_wait3A_32] : memref<10240x16xf32, #tpu.memory_space<vmem_shared>> -> memref<640x16xf32, #tpu.memory_space<vmem_shared>>
      tpu.wait_dma2 semaphore(%run_scoped3A : memref<!tpu.dma_semaphore, #tpu.memory_space<semaphore_mem>>) src(%arg6 : memref<640x16xf32, #tpu.memory_space<vmem>>) dst(%dma_wait3A_33 : memref<640x16xf32, #tpu.memory_space<vmem_shared>>)
      tpu.yield
    }) : () -> ()
    %scan3A_9 = arith.constant 0 : i32
    %scan3A_10 = arith.constant 0 : i32
    %scan3A_11 = arith.constant 125 : i32
    %scan3A_12 = arith.addi %scan3A_10, %scan3A_11 : i32
    %scan3A_13 = arith.constant 1 : i32
    %scan3A_14 = scf.for %scan3A_28 = %scan3A_10 to %scan3A_12 step %scan3A_13 iter_args(%scan3A_29 = %scan3A_9) -> (i32)  : i32 {
      %broadcast_in_dim3A = arith.constant 1.000000e+00 : f32
      %broadcast_in_dim3A_30 = vector.broadcast %broadcast_in_dim3A : f32 to vector<16xf32>
      %swap3A = arith.index_cast %scan3A_28 : i32 to index
      %swap3A_31 = arith.constant 0 : index
      %swap3A_32 = tpu.vector_load %arg5[%swap3A, %swap3A_31] {strides = array<i32>} : memref<125x16xf32, #tpu.memory_space<vmem>>, vector<1x16xf32>,
      %swap3A_33 = vector.shape_cast %swap3A_32 : vector<1x16xf32> to vector<16xf32>
      %swap3A_34 = vector.shape_cast %broadcast_in_dim3A_30 : vector<16xf32> to vector<1x16xf32>
      tpu.vector_store %arg5[%swap3A, %swap3A_31], %swap3A_34 {strides = array<i32>} : memref<125x16xf32, #tpu.memory_space<vmem>>, vector<1x16xf32>,
      %scan3A_35 = arith.constant 0 : i32
      scf.yield %scan3A_35 : i32
    }
    %scan3A_15 = arith.constant 125 : i32
    "tpu.region"() ({
      %run_scoped3A = tpu.sem_alloc : memref<!tpu.dma_semaphore, #tpu.memory_space<semaphore_mem>>
      %dma_start3A = arith.constant 0 : i32
      %dma_start3A_28 = arith.constant 0 : i32
      %dma_start3A_29 = tpu.memref_slice %arg2[%add3A, %dma_start3A, %dma_start3A_28] : memref<32x80x125xi32, #tpu.memory_space<hbm>> -> memref<1x80x125xi32, #tpu.memory_space<hbm>>
      %dma_start3A_30 = tpu.memref_squeeze %dma_start3A_29 : memref<1x80x125xi32, #tpu.memory_space<hbm>> -> memref<80x125xi32, #tpu.memory_space<hbm>>
      %dma_start3A_31 = arith.constant 0 : i32
      %dma_start3A_32 = arith.constant 0 : i32
      %dma_start3A_33 = tpu.memref_slice %arg2[%add3A, %dma_start3A_31, %dma_start3A_32] : memref<32x80x125xi32, #tpu.memory_space<hbm>> -> memref<1x80x125xi32, #tpu.memory_space<hbm>>
      %dma_start3A_34 = tpu.memref_squeeze %dma_start3A_33 : memref<1x80x125xi32, #tpu.memory_space<hbm>> -> memref<80x125xi32, #tpu.memory_space<hbm>>
      tpu.enqueue_dma source(%dma_start3A_34 : memref<80x125xi32, #tpu.memory_space<hbm>>) target(%arg4 : memref<80x125xi32, #tpu.memory_space<vmem>>) target_semaphore(%run_scoped3A : memref<!tpu.dma_semaphore, #tpu.memory_space<semaphore_mem>>)
      %dma_wait3A = arith.constant 0 : i32
      %dma_wait3A_35 = arith.constant 0 : i32
      %dma_wait3A_36 = tpu.memref_slice %arg2[%add3A, %dma_wait3A, %dma_wait3A_35] : memref<32x80x125xi32, #tpu.memory_space<hbm>> -> memref<1x80x125xi32, #tpu.memory_space<hbm>>
      %dma_wait3A_37 = tpu.memref_squeeze %dma_wait3A_36 : memref<1x80x125xi32, #tpu.memory_space<hbm>> -> memref<80x125xi32, #tpu.memory_space<hbm>>
      %dma_wait3A_38 = arith.constant 0 : i32
      %dma_wait3A_39 = arith.constant 0 : i32
      %dma_wait3A_40 = tpu.memref_slice %arg2[%add3A, %dma_wait3A_38, %dma_wait3A_39] : memref<32x80x125xi32, #tpu.memory_space<hbm>> -> memref<1x80x125xi32, #tpu.memory_space<hbm>>
      %dma_wait3A_41 = tpu.memref_squeeze %dma_wait3A_40 : memref<1x80x125xi32, #tpu.memory_space<hbm>> -> memref<80x125xi32, #tpu.memory_space<hbm>>
      tpu.wait_dma2 semaphore(%run_scoped3A : memref<!tpu.dma_semaphore, #tpu.memory_space<semaphore_mem>>) src(%dma_wait3A_41 : memref<80x125xi32, #tpu.memory_space<hbm>>) dst(%arg4 : memref<80x125xi32, #tpu.memory_space<vmem>>)
      tpu.yield
    }) : () -> ()
    %barrier3A = arith.constant 0 : index
    tpu.barrier barrier_id(%barrier3A)
    %scan3A_16 = arith.constant 0 : i32
    %scan3A_17 = arith.constant 0 : i32
    %scan3A_18 = arith.constant 80 : i32
    %scan3A_19 = arith.addi %scan3A_17, %scan3A_18 : i32
    %scan3A_20 = arith.constant 1 : i32
    %scan3A_21 = scf.for %scan3A_28 = %scan3A_17 to %scan3A_19 step %scan3A_20 iter_args(%scan3A_29 = %scan3A_16) -> (i32)  : i32 {
      "tpu.region"() ({
        %run_scoped3A = tpu.sem_alloc : memref<!tpu.dma_semaphore, #tpu.memory_space<semaphore_mem>>
        %dma_start3A = arith.constant 0 : i32
        %dma_start3A_31 = tpu.memref_slice %arg4[%scan3A_28, %dma_start3A] : memref<80x125xi32, #tpu.memory_space<vmem>> -> memref<1x125xi32, #tpu.memory_space<vmem>>
        %dma_start3A_32 = tpu.memref_squeeze %dma_start3A_31 : memref<1x125xi32, #tpu.memory_space<vmem>> -> memref<125xi32, #tpu.memory_space<vmem>>
        %dma_start3A_33 = arith.constant 0 : i32
        %dma_start3A_34 = arith.constant 0 : i32
        %dma_start3A_35 = tpu.memref_slice %arg7[%dma_start3A_33, %dma_start3A_34] : memref<10240x16xf32, #tpu.memory_space<vmem_shared>> -> memref<10240x16xf32, #tpu.memory_space<vmem_shared>>
        tpu.enqueue_indirect_dma source(%arg5 : memref<125x16xf32, #tpu.memory_space<vmem>>) target(%dma_start3A_35 : memref<10240x16xf32, #tpu.memory_space<vmem_shared>>) offsets(%dma_start3A_32 : memref<125xi32, #tpu.memory_space<vmem>>) semaphore(%run_scoped3A : memref<!tpu.dma_semaphore, #tpu.memory_space<semaphore_mem>>) {add = true}
        %dma_wait3A = arith.constant 0 : i32
        %dma_wait3A_36 = tpu.memref_slice %arg4[%scan3A_28, %dma_wait3A] : memref<80x125xi32, #tpu.memory_space<vmem>> -> memref<1x125xi32, #tpu.memory_space<vmem>>
        %dma_wait3A_37 = tpu.memref_squeeze %dma_wait3A_36 : memref<1x125xi32, #tpu.memory_space<vmem>> -> memref<125xi32, #tpu.memory_space<vmem>>
        %dma_wait3A_38 = arith.constant 0 : i32
        %dma_wait3A_39 = arith.constant 0 : i32
        %dma_wait3A_40 = tpu.memref_slice %arg7[%dma_wait3A_38, %dma_wait3A_39] : memref<10240x16xf32, #tpu.memory_space<vmem_shared>> -> memref<10240x16xf32, #tpu.memory_space<vmem_shared>>
        tpu.wait_indirect_dma semaphore(%run_scoped3A : memref<!tpu.dma_semaphore, #tpu.memory_space<semaphore_mem>>) src(%arg5 : memref<125x16xf32, #tpu.memory_space<vmem>>) dst(%dma_wait3A_40 : memref<10240x16xf32, #tpu.memory_space<vmem_shared>>)
        tpu.yield
      }) : () -> ()
      %scan3A_30 = arith.constant 0 : i32
      scf.yield %scan3A_30 : i32
    }
    %scan3A_22 = arith.constant 80 : i32
    %barrier3A_23 = arith.constant 0 : index
    tpu.barrier barrier_id(%barrier3A_23)
    %mul3A_24 = arith.constant 640 : i32
    %mul3A_25 = arith.muli %arg1, %mul3A_24 : i32
    %mul3A_26 = arith.constant 640 : i32
    %mul3A_27 = arith.muli %arg1, %mul3A_26 : i32
    "tpu.region"() ({
      %run_scoped3A = tpu.sem_alloc : memref<!tpu.dma_semaphore, #tpu.memory_space<semaphore_mem>>
      %dma_start3A = arith.constant 0 : i32
      %dma_start3A_28 = arith.constant 0 : i32
      %dma_start3A_29 = tpu.memref_slice %arg3[%arg0, %dma_start3A, %dma_start3A_28] : memref<2x10240x16xf32, #tpu.memory_space<hbm>> -> memref<1x10240x16xf32, #tpu.memory_space<hbm>>
      %dma_start3A_30 = tpu.memref_squeeze %dma_start3A_29 : memref<1x10240x16xf32, #tpu.memory_space<hbm>> -> memref<10240x16xf32, #tpu.memory_space<hbm>>
      %dma_start3A_31 = arith.constant 0 : i32
      %dma_start3A_32 = tpu.memref_slice %dma_start3A_30[%mul3A_27, %dma_start3A_31] : memref<10240x16xf32, #tpu.memory_space<hbm>> -> memref<640x16xf32, #tpu.memory_space<hbm>>
      %dma_start3A_33 = arith.constant 0 : i32
      %dma_start3A_34 = tpu.memref_slice %arg7[%mul3A_25, %dma_start3A_33] : memref<10240x16xf32, #tpu.memory_space<vmem_shared>> -> memref<640x16xf32, #tpu.memory_space<vmem_shared>>
      tpu.enqueue_dma source(%dma_start3A_34 : memref<640x16xf32, #tpu.memory_space<vmem_shared>>) target(%dma_start3A_32 : memref<640x16xf32, #tpu.memory_space<hbm>>) target_semaphore(%run_scoped3A : memref<!tpu.dma_semaphore, #tpu.memory_space<semaphore_mem>>)
      %dma_wait3A = arith.constant 0 : i32
      %dma_wait3A_35 = arith.constant 0 : i32
      %dma_wait3A_36 = tpu.memref_slice %arg3[%arg0, %dma_wait3A, %dma_wait3A_35] : memref<2x10240x16xf32, #tpu.memory_space<hbm>> -> memref<1x10240x16xf32, #tpu.memory_space<hbm>>
      %dma_wait3A_37 = tpu.memref_squeeze %dma_wait3A_36 : memref<1x10240x16xf32, #tpu.memory_space<hbm>> -> memref<10240x16xf32, #tpu.memory_space<hbm>>
      %dma_wait3A_38 = arith.constant 0 : i32
      %dma_wait3A_39 = tpu.memref_slice %dma_wait3A_37[%mul3A_27, %dma_wait3A_38] : memref<10240x16xf32, #tpu.memory_space<hbm>> -> memref<640x16xf32, #tpu.memory_space<hbm>>
      %dma_wait3A_40 = arith.constant 0 : i32
      %dma_wait3A_41 = tpu.memref_slice %arg7[%mul3A_25, %dma_wait3A_40] : memref<10240x16xf32, #tpu.memory_space<vmem_shared>> -> memref<640x16xf32, #tpu.memory_space<vmem_shared>>
      tpu.wait_dma2 semaphore(%run_scoped3A : memref<!tpu.dma_semaphore, #tpu.memory_space<semaphore_mem>>) src(%dma_wait3A_41 : memref<640x16xf32, #tpu.memory_space<vmem_shared>>) dst(%dma_wait3A_39 : memref<640x16xf32, #tpu.memory_space<hbm>>)
      tpu.yield
    }) : () -> ()
    return
  }
}

#map = affine_map<(d0, d1) -> (0, 0, 0)>
module attributes {stable_mosaic.version = 14 : i64} {
  func.func @_sc_agg_body(%arg0: i32, %arg1: i32, %arg2: memref<2x10240x64xf32, #tpu.memory_space<hbm>>, %arg3: memref<16x160x125xi32, #tpu.memory_space<hbm>>, %arg4: memref<16x160x125xi32, #tpu.memory_space<hbm>>, %arg5: memref<2x10240x64xf32, #tpu.memory_space<hbm>>, %arg6: memref<160x125xi32, #tpu.memory_space<vmem>>, %arg7: memref<160x125xi32, #tpu.memory_space<vmem>>, %arg8: memref<125x64xf32, #tpu.memory_space<vmem>>, %arg9: memref<125x64xf32, #tpu.memory_space<vmem>>, %arg10: memref<125x64xf32, #tpu.memory_space<vmem>>, %arg11: memref<125x64xf32, #tpu.memory_space<vmem>>, %arg12: memref<125x64xf32, #tpu.memory_space<vmem>>, %arg13: memref<10240x64xf32, #tpu.memory_space<vmem_shared>>, %arg14: memref<!tpu.dma_semaphore, #tpu.memory_space<semaphore_mem>>, %arg15: memref<!tpu.dma_semaphore, #tpu.memory_space<semaphore_mem>>, %arg16: memref<!tpu.dma_semaphore, #tpu.memory_space<semaphore_mem>>, %arg17: memref<!tpu.dma_semaphore, #tpu.memory_space<semaphore_mem>>, %arg18: memref<!tpu.dma_semaphore, #tpu.memory_space<semaphore_mem>>, %arg19: memref<!tpu.dma_semaphore, #tpu.memory_space<semaphore_mem>>, %arg20: memref<!tpu.dma_semaphore, #tpu.memory_space<semaphore_mem>>, %arg21: memref<!tpu.dma_semaphore, #tpu.memory_space<semaphore_mem>>, %arg22: memref<!tpu.dma_semaphore, #tpu.memory_space<semaphore_mem>>, %arg23: memref<!tpu.dma_semaphore, #tpu.memory_space<semaphore_mem>>) attributes {dimension_semantics = [#tpu.dimension_semantics<core_parallel>, #tpu.dimension_semantics<subcore_parallel>], iteration_bounds = array<i64: 2, 16>, scalar_prefetch = 0 : i64, scratch_operands = 18 : i64, tpu.core_type = #tpu.core_type<sc_vector_subcore>, window_params = [{transform_indices = #map}, {transform_indices = #map}, {transform_indices = #map}, {transform_indices = #map}]} {
    %scan3A = arith.constant 0 : i32
    %scan3A_0 = arith.constant 0 : i32
    %scan3A_1 = arith.constant 128 : i32
    %scan3A_2 = arith.addi %scan3A_0, %scan3A_1 : i32
    %scan3A_3 = arith.constant 1 : i32
    %scan3A_4 = scf.for %scan3A_144 = %scan3A_0 to %scan3A_2 step %scan3A_3 iter_args(%scan3A_145 = %scan3A) -> (i32)  : i32 {
      %broadcast_in_dim3A = arith.constant 0.000000e+00 : f32
      %broadcast_in_dim3A_146 = vector.broadcast %broadcast_in_dim3A : f32 to vector<16xf32>
      %swap3A = arith.index_cast %scan3A_144 : i32 to index
      %swap3A_147 = arith.constant 0 : index
      %swap3A_148 = tpu.vector_load %arg8[%swap3A, %swap3A_147] {strides = array<i32>} : memref<125x64xf32, #tpu.memory_space<vmem>>, vector<1x16xf32>,
      %swap3A_149 = vector.shape_cast %swap3A_148 : vector<1x16xf32> to vector<16xf32>
      %swap3A_150 = vector.shape_cast %broadcast_in_dim3A_146 : vector<16xf32> to vector<1x16xf32>
      tpu.vector_store %arg8[%swap3A, %swap3A_147], %swap3A_150 {strides = array<i32>} : memref<125x64xf32, #tpu.memory_space<vmem>>, vector<1x16xf32>,
      %broadcast_in_dim3A_151 = arith.constant 0.000000e+00 : f32
      %broadcast_in_dim3A_152 = vector.broadcast %broadcast_in_dim3A_151 : f32 to vector<16xf32>
      %swap3A_153 = arith.index_cast %scan3A_144 : i32 to index
      %swap3A_154 = arith.constant 16 : index
      %swap3A_155 = tpu.vector_load %arg8[%swap3A_153, %swap3A_154] {strides = array<i32>} : memref<125x64xf32, #tpu.memory_space<vmem>>, vector<1x16xf32>,
      %swap3A_156 = vector.shape_cast %swap3A_155 : vector<1x16xf32> to vector<16xf32>
      %swap3A_157 = vector.shape_cast %broadcast_in_dim3A_152 : vector<16xf32> to vector<1x16xf32>
      tpu.vector_store %arg8[%swap3A_153, %swap3A_154], %swap3A_157 {strides = array<i32>} : memref<125x64xf32, #tpu.memory_space<vmem>>, vector<1x16xf32>,
      %broadcast_in_dim3A_158 = arith.constant 0.000000e+00 : f32
      %broadcast_in_dim3A_159 = vector.broadcast %broadcast_in_dim3A_158 : f32 to vector<16xf32>
      %swap3A_160 = arith.index_cast %scan3A_144 : i32 to index
      %swap3A_161 = arith.constant 32 : index
      %swap3A_162 = tpu.vector_load %arg8[%swap3A_160, %swap3A_161] {strides = array<i32>} : memref<125x64xf32, #tpu.memory_space<vmem>>, vector<1x16xf32>,
      %swap3A_163 = vector.shape_cast %swap3A_162 : vector<1x16xf32> to vector<16xf32>
      %swap3A_164 = vector.shape_cast %broadcast_in_dim3A_159 : vector<16xf32> to vector<1x16xf32>
      tpu.vector_store %arg8[%swap3A_160, %swap3A_161], %swap3A_164 {strides = array<i32>} : memref<125x64xf32, #tpu.memory_space<vmem>>, vector<1x16xf32>,
      %broadcast_in_dim3A_165 = arith.constant 0.000000e+00 : f32
      %broadcast_in_dim3A_166 = vector.broadcast %broadcast_in_dim3A_165 : f32 to vector<16xf32>
      %swap3A_167 = arith.index_cast %scan3A_144 : i32 to index
      %swap3A_168 = arith.constant 48 : index
      %swap3A_169 = tpu.vector_load %arg8[%swap3A_167, %swap3A_168] {strides = array<i32>} : memref<125x64xf32, #tpu.memory_space<vmem>>, vector<1x16xf32>,
      %swap3A_170 = vector.shape_cast %swap3A_169 : vector<1x16xf32> to vector<16xf32>
      %swap3A_171 = vector.shape_cast %broadcast_in_dim3A_166 : vector<16xf32> to vector<1x16xf32>
      tpu.vector_store %arg8[%swap3A_167, %swap3A_168], %swap3A_171 {strides = array<i32>} : memref<125x64xf32, #tpu.memory_space<vmem>>, vector<1x16xf32>,
      %scan3A_172 = arith.constant 0 : i32
      scf.yield %scan3A_172 : i32
    }
    %scan3A_5 = arith.constant 128 : i32
    %mul3A = arith.constant 640 : i32
    %mul3A_6 = arith.muli %arg1, %mul3A : i32
    %add3A = arith.constant 0 : i32
    %add3A_7 = arith.addi %mul3A_6, %add3A : i32
    "tpu.region"() ({
      %run_scoped3A = tpu.sem_alloc : memref<!tpu.dma_semaphore, #tpu.memory_space<semaphore_mem>>
      %dma_start3A_144 = arith.constant 0 : i32
      %dma_start3A_145 = arith.constant 0 : i32
      %dma_start3A_146 = tpu.memref_slice %arg8[%dma_start3A_144, %dma_start3A_145] : memref<125x64xf32, #tpu.memory_space<vmem>> -> memref<128x64xf32, #tpu.memory_space<vmem>>
      %dma_start3A_147 = arith.constant 0 : i32
      %dma_start3A_148 = tpu.memref_slice %arg13[%add3A_7, %dma_start3A_147] : memref<10240x64xf32, #tpu.memory_space<vmem_shared>> -> memref<128x64xf32, #tpu.memory_space<vmem_shared>>
      %dma_start3A_149 = arith.constant 0 : i32
      %dma_start3A_150 = tpu.memref_slice %arg13[%add3A_7, %dma_start3A_149] : memref<10240x64xf32, #tpu.memory_space<vmem_shared>> -> memref<128x64xf32, #tpu.memory_space<vmem_shared>>
      %dma_start3A_151 = arith.constant 0 : i32
      %dma_start3A_152 = arith.constant 0 : i32
      %dma_start3A_153 = tpu.memref_slice %arg8[%dma_start3A_151, %dma_start3A_152] : memref<125x64xf32, #tpu.memory_space<vmem>> -> memref<128x64xf32, #tpu.memory_space<vmem>>
      tpu.enqueue_dma source(%dma_start3A_153 : memref<128x64xf32, #tpu.memory_space<vmem>>) target(%dma_start3A_150 : memref<128x64xf32, #tpu.memory_space<vmem_shared>>) target_semaphore(%run_scoped3A : memref<!tpu.dma_semaphore, #tpu.memory_space<semaphore_mem>>)
      %dma_wait3A_154 = arith.constant 0 : i32
      %dma_wait3A_155 = arith.constant 0 : i32
      %dma_wait3A_156 = tpu.memref_slice %arg8[%dma_wait3A_154, %dma_wait3A_155] : memref<125x64xf32, #tpu.memory_space<vmem>> -> memref<128x64xf32, #tpu.memory_space<vmem>>
      %dma_wait3A_157 = arith.constant 0 : i32
      %dma_wait3A_158 = tpu.memref_slice %arg13[%add3A_7, %dma_wait3A_157] : memref<10240x64xf32, #tpu.memory_space<vmem_shared>> -> memref<128x64xf32, #tpu.memory_space<vmem_shared>>
      %dma_wait3A_159 = arith.constant 0 : i32
      %dma_wait3A_160 = tpu.memref_slice %arg13[%add3A_7, %dma_wait3A_159] : memref<10240x64xf32, #tpu.memory_space<vmem_shared>> -> memref<128x64xf32, #tpu.memory_space<vmem_shared>>
      %dma_wait3A_161 = arith.constant 0 : i32
      %dma_wait3A_162 = arith.constant 0 : i32
      %dma_wait3A_163 = tpu.memref_slice %arg8[%dma_wait3A_161, %dma_wait3A_162] : memref<125x64xf32, #tpu.memory_space<vmem>> -> memref<128x64xf32, #tpu.memory_space<vmem>>
      tpu.wait_dma2 semaphore(%run_scoped3A : memref<!tpu.dma_semaphore, #tpu.memory_space<semaphore_mem>>) src(%dma_wait3A_163 : memref<128x64xf32, #tpu.memory_space<vmem>>) dst(%dma_wait3A_160 : memref<128x64xf32, #tpu.memory_space<vmem_shared>>)
      tpu.yield
    }) : () -> ()
    %mul3A_8 = arith.constant 640 : i32
    %mul3A_9 = arith.muli %arg1, %mul3A_8 : i32
    %add3A_10 = arith.constant 128 : i32
    %add3A_11 = arith.addi %mul3A_9, %add3A_10 : i32
    "tpu.region"() ({
      %run_scoped3A = tpu.sem_alloc : memref<!tpu.dma_semaphore, #tpu.memory_space<semaphore_mem>>
      %dma_start3A_144 = arith.constant 0 : i32
      %dma_start3A_145 = arith.constant 0 : i32
      %dma_start3A_146 = tpu.memref_slice %arg8[%dma_start3A_144, %dma_start3A_145] : memref<125x64xf32, #tpu.memory_space<vmem>> -> memref<128x64xf32, #tpu.memory_space<vmem>>
      %dma_start3A_147 = arith.constant 0 : i32
      %dma_start3A_148 = tpu.memref_slice %arg13[%add3A_11, %dma_start3A_147] : memref<10240x64xf32, #tpu.memory_space<vmem_shared>> -> memref<128x64xf32, #tpu.memory_space<vmem_shared>>
      %dma_start3A_149 = arith.constant 0 : i32
      %dma_start3A_150 = tpu.memref_slice %arg13[%add3A_11, %dma_start3A_149] : memref<10240x64xf32, #tpu.memory_space<vmem_shared>> -> memref<128x64xf32, #tpu.memory_space<vmem_shared>>
      %dma_start3A_151 = arith.constant 0 : i32
      %dma_start3A_152 = arith.constant 0 : i32
      %dma_start3A_153 = tpu.memref_slice %arg8[%dma_start3A_151, %dma_start3A_152] : memref<125x64xf32, #tpu.memory_space<vmem>> -> memref<128x64xf32, #tpu.memory_space<vmem>>
      tpu.enqueue_dma source(%dma_start3A_153 : memref<128x64xf32, #tpu.memory_space<vmem>>) target(%dma_start3A_150 : memref<128x64xf32, #tpu.memory_space<vmem_shared>>) target_semaphore(%run_scoped3A : memref<!tpu.dma_semaphore, #tpu.memory_space<semaphore_mem>>)
      %dma_wait3A_154 = arith.constant 0 : i32
      %dma_wait3A_155 = arith.constant 0 : i32
      %dma_wait3A_156 = tpu.memref_slice %arg8[%dma_wait3A_154, %dma_wait3A_155] : memref<125x64xf32, #tpu.memory_space<vmem>> -> memref<128x64xf32, #tpu.memory_space<vmem>>
      %dma_wait3A_157 = arith.constant 0 : i32
      %dma_wait3A_158 = tpu.memref_slice %arg13[%add3A_11, %dma_wait3A_157] : memref<10240x64xf32, #tpu.memory_space<vmem_shared>> -> memref<128x64xf32, #tpu.memory_space<vmem_shared>>
      %dma_wait3A_159 = arith.constant 0 : i32
      %dma_wait3A_160 = tpu.memref_slice %arg13[%add3A_11, %dma_wait3A_159] : memref<10240x64xf32, #tpu.memory_space<vmem_shared>> -> memref<128x64xf32, #tpu.memory_space<vmem_shared>>
      %dma_wait3A_161 = arith.constant 0 : i32
      %dma_wait3A_162 = arith.constant 0 : i32
      %dma_wait3A_163 = tpu.memref_slice %arg8[%dma_wait3A_161, %dma_wait3A_162] : memref<125x64xf32, #tpu.memory_space<vmem>> -> memref<128x64xf32, #tpu.memory_space<vmem>>
      tpu.wait_dma2 semaphore(%run_scoped3A : memref<!tpu.dma_semaphore, #tpu.memory_space<semaphore_mem>>) src(%dma_wait3A_163 : memref<128x64xf32, #tpu.memory_space<vmem>>) dst(%dma_wait3A_160 : memref<128x64xf32, #tpu.memory_space<vmem_shared>>)
      tpu.yield
    }) : () -> ()
    %mul3A_12 = arith.constant 640 : i32
    %mul3A_13 = arith.muli %arg1, %mul3A_12 : i32
    %add3A_14 = arith.constant 256 : i32
    %add3A_15 = arith.addi %mul3A_13, %add3A_14 : i32
    "tpu.region"() ({
      %run_scoped3A = tpu.sem_alloc : memref<!tpu.dma_semaphore, #tpu.memory_space<semaphore_mem>>
      %dma_start3A_144 = arith.constant 0 : i32
      %dma_start3A_145 = arith.constant 0 : i32
      %dma_start3A_146 = tpu.memref_slice %arg8[%dma_start3A_144, %dma_start3A_145] : memref<125x64xf32, #tpu.memory_space<vmem>> -> memref<128x64xf32, #tpu.memory_space<vmem>>
      %dma_start3A_147 = arith.constant 0 : i32
      %dma_start3A_148 = tpu.memref_slice %arg13[%add3A_15, %dma_start3A_147] : memref<10240x64xf32, #tpu.memory_space<vmem_shared>> -> memref<128x64xf32, #tpu.memory_space<vmem_shared>>
      %dma_start3A_149 = arith.constant 0 : i32
      %dma_start3A_150 = tpu.memref_slice %arg13[%add3A_15, %dma_start3A_149] : memref<10240x64xf32, #tpu.memory_space<vmem_shared>> -> memref<128x64xf32, #tpu.memory_space<vmem_shared>>
      %dma_start3A_151 = arith.constant 0 : i32
      %dma_start3A_152 = arith.constant 0 : i32
      %dma_start3A_153 = tpu.memref_slice %arg8[%dma_start3A_151, %dma_start3A_152] : memref<125x64xf32, #tpu.memory_space<vmem>> -> memref<128x64xf32, #tpu.memory_space<vmem>>
      tpu.enqueue_dma source(%dma_start3A_153 : memref<128x64xf32, #tpu.memory_space<vmem>>) target(%dma_start3A_150 : memref<128x64xf32, #tpu.memory_space<vmem_shared>>) target_semaphore(%run_scoped3A : memref<!tpu.dma_semaphore, #tpu.memory_space<semaphore_mem>>)
      %dma_wait3A_154 = arith.constant 0 : i32
      %dma_wait3A_155 = arith.constant 0 : i32
      %dma_wait3A_156 = tpu.memref_slice %arg8[%dma_wait3A_154, %dma_wait3A_155] : memref<125x64xf32, #tpu.memory_space<vmem>> -> memref<128x64xf32, #tpu.memory_space<vmem>>
      %dma_wait3A_157 = arith.constant 0 : i32
      %dma_wait3A_158 = tpu.memref_slice %arg13[%add3A_15, %dma_wait3A_157] : memref<10240x64xf32, #tpu.memory_space<vmem_shared>> -> memref<128x64xf32, #tpu.memory_space<vmem_shared>>
      %dma_wait3A_159 = arith.constant 0 : i32
      %dma_wait3A_160 = tpu.memref_slice %arg13[%add3A_15, %dma_wait3A_159] : memref<10240x64xf32, #tpu.memory_space<vmem_shared>> -> memref<128x64xf32, #tpu.memory_space<vmem_shared>>
      %dma_wait3A_161 = arith.constant 0 : i32
      %dma_wait3A_162 = arith.constant 0 : i32
      %dma_wait3A_163 = tpu.memref_slice %arg8[%dma_wait3A_161, %dma_wait3A_162] : memref<125x64xf32, #tpu.memory_space<vmem>> -> memref<128x64xf32, #tpu.memory_space<vmem>>
      tpu.wait_dma2 semaphore(%run_scoped3A : memref<!tpu.dma_semaphore, #tpu.memory_space<semaphore_mem>>) src(%dma_wait3A_163 : memref<128x64xf32, #tpu.memory_space<vmem>>) dst(%dma_wait3A_160 : memref<128x64xf32, #tpu.memory_space<vmem_shared>>)
      tpu.yield
    }) : () -> ()
    %mul3A_16 = arith.constant 640 : i32
    %mul3A_17 = arith.muli %arg1, %mul3A_16 : i32
    %add3A_18 = arith.constant 384 : i32
    %add3A_19 = arith.addi %mul3A_17, %add3A_18 : i32
    "tpu.region"() ({
      %run_scoped3A = tpu.sem_alloc : memref<!tpu.dma_semaphore, #tpu.memory_space<semaphore_mem>>
      %dma_start3A_144 = arith.constant 0 : i32
      %dma_start3A_145 = arith.constant 0 : i32
      %dma_start3A_146 = tpu.memref_slice %arg8[%dma_start3A_144, %dma_start3A_145] : memref<125x64xf32, #tpu.memory_space<vmem>> -> memref<128x64xf32, #tpu.memory_space<vmem>>
      %dma_start3A_147 = arith.constant 0 : i32
      %dma_start3A_148 = tpu.memref_slice %arg13[%add3A_19, %dma_start3A_147] : memref<10240x64xf32, #tpu.memory_space<vmem_shared>> -> memref<128x64xf32, #tpu.memory_space<vmem_shared>>
      %dma_start3A_149 = arith.constant 0 : i32
      %dma_start3A_150 = tpu.memref_slice %arg13[%add3A_19, %dma_start3A_149] : memref<10240x64xf32, #tpu.memory_space<vmem_shared>> -> memref<128x64xf32, #tpu.memory_space<vmem_shared>>
      %dma_start3A_151 = arith.constant 0 : i32
      %dma_start3A_152 = arith.constant 0 : i32
      %dma_start3A_153 = tpu.memref_slice %arg8[%dma_start3A_151, %dma_start3A_152] : memref<125x64xf32, #tpu.memory_space<vmem>> -> memref<128x64xf32, #tpu.memory_space<vmem>>
      tpu.enqueue_dma source(%dma_start3A_153 : memref<128x64xf32, #tpu.memory_space<vmem>>) target(%dma_start3A_150 : memref<128x64xf32, #tpu.memory_space<vmem_shared>>) target_semaphore(%run_scoped3A : memref<!tpu.dma_semaphore, #tpu.memory_space<semaphore_mem>>)
      %dma_wait3A_154 = arith.constant 0 : i32
      %dma_wait3A_155 = arith.constant 0 : i32
      %dma_wait3A_156 = tpu.memref_slice %arg8[%dma_wait3A_154, %dma_wait3A_155] : memref<125x64xf32, #tpu.memory_space<vmem>> -> memref<128x64xf32, #tpu.memory_space<vmem>>
      %dma_wait3A_157 = arith.constant 0 : i32
      %dma_wait3A_158 = tpu.memref_slice %arg13[%add3A_19, %dma_wait3A_157] : memref<10240x64xf32, #tpu.memory_space<vmem_shared>> -> memref<128x64xf32, #tpu.memory_space<vmem_shared>>
      %dma_wait3A_159 = arith.constant 0 : i32
      %dma_wait3A_160 = tpu.memref_slice %arg13[%add3A_19, %dma_wait3A_159] : memref<10240x64xf32, #tpu.memory_space<vmem_shared>> -> memref<128x64xf32, #tpu.memory_space<vmem_shared>>
      %dma_wait3A_161 = arith.constant 0 : i32
      %dma_wait3A_162 = arith.constant 0 : i32
      %dma_wait3A_163 = tpu.memref_slice %arg8[%dma_wait3A_161, %dma_wait3A_162] : memref<125x64xf32, #tpu.memory_space<vmem>> -> memref<128x64xf32, #tpu.memory_space<vmem>>
      tpu.wait_dma2 semaphore(%run_scoped3A : memref<!tpu.dma_semaphore, #tpu.memory_space<semaphore_mem>>) src(%dma_wait3A_163 : memref<128x64xf32, #tpu.memory_space<vmem>>) dst(%dma_wait3A_160 : memref<128x64xf32, #tpu.memory_space<vmem_shared>>)
      tpu.yield
    }) : () -> ()
    %mul3A_20 = arith.constant 640 : i32
    %mul3A_21 = arith.muli %arg1, %mul3A_20 : i32
    %add3A_22 = arith.constant 512 : i32
    %add3A_23 = arith.addi %mul3A_21, %add3A_22 : i32
    "tpu.region"() ({
      %run_scoped3A = tpu.sem_alloc : memref<!tpu.dma_semaphore, #tpu.memory_space<semaphore_mem>>
      %dma_start3A_144 = arith.constant 0 : i32
      %dma_start3A_145 = arith.constant 0 : i32
      %dma_start3A_146 = tpu.memref_slice %arg8[%dma_start3A_144, %dma_start3A_145] : memref<125x64xf32, #tpu.memory_space<vmem>> -> memref<128x64xf32, #tpu.memory_space<vmem>>
      %dma_start3A_147 = arith.constant 0 : i32
      %dma_start3A_148 = tpu.memref_slice %arg13[%add3A_23, %dma_start3A_147] : memref<10240x64xf32, #tpu.memory_space<vmem_shared>> -> memref<128x64xf32, #tpu.memory_space<vmem_shared>>
      %dma_start3A_149 = arith.constant 0 : i32
      %dma_start3A_150 = tpu.memref_slice %arg13[%add3A_23, %dma_start3A_149] : memref<10240x64xf32, #tpu.memory_space<vmem_shared>> -> memref<128x64xf32, #tpu.memory_space<vmem_shared>>
      %dma_start3A_151 = arith.constant 0 : i32
      %dma_start3A_152 = arith.constant 0 : i32
      %dma_start3A_153 = tpu.memref_slice %arg8[%dma_start3A_151, %dma_start3A_152] : memref<125x64xf32, #tpu.memory_space<vmem>> -> memref<128x64xf32, #tpu.memory_space<vmem>>
      tpu.enqueue_dma source(%dma_start3A_153 : memref<128x64xf32, #tpu.memory_space<vmem>>) target(%dma_start3A_150 : memref<128x64xf32, #tpu.memory_space<vmem_shared>>) target_semaphore(%run_scoped3A : memref<!tpu.dma_semaphore, #tpu.memory_space<semaphore_mem>>)
      %dma_wait3A_154 = arith.constant 0 : i32
      %dma_wait3A_155 = arith.constant 0 : i32
      %dma_wait3A_156 = tpu.memref_slice %arg8[%dma_wait3A_154, %dma_wait3A_155] : memref<125x64xf32, #tpu.memory_space<vmem>> -> memref<128x64xf32, #tpu.memory_space<vmem>>
      %dma_wait3A_157 = arith.constant 0 : i32
      %dma_wait3A_158 = tpu.memref_slice %arg13[%add3A_23, %dma_wait3A_157] : memref<10240x64xf32, #tpu.memory_space<vmem_shared>> -> memref<128x64xf32, #tpu.memory_space<vmem_shared>>
      %dma_wait3A_159 = arith.constant 0 : i32
      %dma_wait3A_160 = tpu.memref_slice %arg13[%add3A_23, %dma_wait3A_159] : memref<10240x64xf32, #tpu.memory_space<vmem_shared>> -> memref<128x64xf32, #tpu.memory_space<vmem_shared>>
      %dma_wait3A_161 = arith.constant 0 : i32
      %dma_wait3A_162 = arith.constant 0 : i32
      %dma_wait3A_163 = tpu.memref_slice %arg8[%dma_wait3A_161, %dma_wait3A_162] : memref<125x64xf32, #tpu.memory_space<vmem>> -> memref<128x64xf32, #tpu.memory_space<vmem>>
      tpu.wait_dma2 semaphore(%run_scoped3A : memref<!tpu.dma_semaphore, #tpu.memory_space<semaphore_mem>>) src(%dma_wait3A_163 : memref<128x64xf32, #tpu.memory_space<vmem>>) dst(%dma_wait3A_160 : memref<128x64xf32, #tpu.memory_space<vmem_shared>>)
      tpu.yield
    }) : () -> ()
    %barrier3A = arith.constant 0 : index
    tpu.barrier barrier_id(%barrier3A)
    "tpu.region"() ({
      %run_scoped3A = tpu.sem_alloc : memref<!tpu.dma_semaphore, #tpu.memory_space<semaphore_mem>>
      %dma_start3A_144 = arith.constant 0 : i32
      %dma_start3A_145 = arith.constant 0 : i32
      %dma_start3A_146 = tpu.memref_slice %arg3[%arg1, %dma_start3A_144, %dma_start3A_145] : memref<16x160x125xi32, #tpu.memory_space<hbm>> -> memref<1x160x125xi32, #tpu.memory_space<hbm>>
      %dma_start3A_147 = tpu.memref_squeeze %dma_start3A_146 : memref<1x160x125xi32, #tpu.memory_space<hbm>> -> memref<160x125xi32, #tpu.memory_space<hbm>>
      %dma_start3A_148 = arith.constant 0 : i32
      %dma_start3A_149 = arith.constant 0 : i32
      %dma_start3A_150 = tpu.memref_slice %dma_start3A_147[%dma_start3A_148, %dma_start3A_149] : memref<160x125xi32, #tpu.memory_space<hbm>> -> memref<160x125xi32, #tpu.memory_space<hbm>>
      %dma_start3A_151 = arith.constant 0 : i32
      %dma_start3A_152 = arith.constant 0 : i32
      %dma_start3A_153 = tpu.memref_slice %arg3[%arg1, %dma_start3A_151, %dma_start3A_152] : memref<16x160x125xi32, #tpu.memory_space<hbm>> -> memref<1x160x125xi32, #tpu.memory_space<hbm>>
      %dma_start3A_154 = tpu.memref_squeeze %dma_start3A_153 : memref<1x160x125xi32, #tpu.memory_space<hbm>> -> memref<160x125xi32, #tpu.memory_space<hbm>>
      %dma_start3A_155 = arith.constant 0 : i32
      %dma_start3A_156 = arith.constant 0 : i32
      %dma_start3A_157 = tpu.memref_slice %dma_start3A_154[%dma_start3A_155, %dma_start3A_156] : memref<160x125xi32, #tpu.memory_space<hbm>> -> memref<160x125xi32, #tpu.memory_space<hbm>>
      tpu.enqueue_dma source(%dma_start3A_157 : memref<160x125xi32, #tpu.memory_space<hbm>>) target(%arg6 : memref<160x125xi32, #tpu.memory_space<vmem>>) target_semaphore(%run_scoped3A : memref<!tpu.dma_semaphore, #tpu.memory_space<semaphore_mem>>)
      %dma_wait3A_158 = arith.constant 0 : i32
      %dma_wait3A_159 = arith.constant 0 : i32
      %dma_wait3A_160 = tpu.memref_slice %arg3[%arg1, %dma_wait3A_158, %dma_wait3A_159] : memref<16x160x125xi32, #tpu.memory_space<hbm>> -> memref<1x160x125xi32, #tpu.memory_space<hbm>>
      %dma_wait3A_161 = tpu.memref_squeeze %dma_wait3A_160 : memref<1x160x125xi32, #tpu.memory_space<hbm>> -> memref<160x125xi32, #tpu.memory_space<hbm>>
      %dma_wait3A_162 = arith.constant 0 : i32
      %dma_wait3A_163 = arith.constant 0 : i32
      %dma_wait3A_164 = tpu.memref_slice %dma_wait3A_161[%dma_wait3A_162, %dma_wait3A_163] : memref<160x125xi32, #tpu.memory_space<hbm>> -> memref<160x125xi32, #tpu.memory_space<hbm>>
      %dma_wait3A_165 = arith.constant 0 : i32
      %dma_wait3A_166 = arith.constant 0 : i32
      %dma_wait3A_167 = tpu.memref_slice %arg3[%arg1, %dma_wait3A_165, %dma_wait3A_166] : memref<16x160x125xi32, #tpu.memory_space<hbm>> -> memref<1x160x125xi32, #tpu.memory_space<hbm>>
      %dma_wait3A_168 = tpu.memref_squeeze %dma_wait3A_167 : memref<1x160x125xi32, #tpu.memory_space<hbm>> -> memref<160x125xi32, #tpu.memory_space<hbm>>
      %dma_wait3A_169 = arith.constant 0 : i32
      %dma_wait3A_170 = arith.constant 0 : i32
      %dma_wait3A_171 = tpu.memref_slice %dma_wait3A_168[%dma_wait3A_169, %dma_wait3A_170] : memref<160x125xi32, #tpu.memory_space<hbm>> -> memref<160x125xi32, #tpu.memory_space<hbm>>
      tpu.wait_dma2 semaphore(%run_scoped3A : memref<!tpu.dma_semaphore, #tpu.memory_space<semaphore_mem>>) src(%dma_wait3A_171 : memref<160x125xi32, #tpu.memory_space<hbm>>) dst(%arg6 : memref<160x125xi32, #tpu.memory_space<vmem>>)
      tpu.yield
    }) : () -> ()
    "tpu.region"() ({
      %run_scoped3A = tpu.sem_alloc : memref<!tpu.dma_semaphore, #tpu.memory_space<semaphore_mem>>
      %dma_start3A_144 = arith.constant 0 : i32
      %dma_start3A_145 = arith.constant 0 : i32
      %dma_start3A_146 = tpu.memref_slice %arg4[%arg1, %dma_start3A_144, %dma_start3A_145] : memref<16x160x125xi32, #tpu.memory_space<hbm>> -> memref<1x160x125xi32, #tpu.memory_space<hbm>>
      %dma_start3A_147 = tpu.memref_squeeze %dma_start3A_146 : memref<1x160x125xi32, #tpu.memory_space<hbm>> -> memref<160x125xi32, #tpu.memory_space<hbm>>
      %dma_start3A_148 = arith.constant 0 : i32
      %dma_start3A_149 = arith.constant 0 : i32
      %dma_start3A_150 = tpu.memref_slice %dma_start3A_147[%dma_start3A_148, %dma_start3A_149] : memref<160x125xi32, #tpu.memory_space<hbm>> -> memref<160x125xi32, #tpu.memory_space<hbm>>
      %dma_start3A_151 = arith.constant 0 : i32
      %dma_start3A_152 = arith.constant 0 : i32
      %dma_start3A_153 = tpu.memref_slice %arg4[%arg1, %dma_start3A_151, %dma_start3A_152] : memref<16x160x125xi32, #tpu.memory_space<hbm>> -> memref<1x160x125xi32, #tpu.memory_space<hbm>>
      %dma_start3A_154 = tpu.memref_squeeze %dma_start3A_153 : memref<1x160x125xi32, #tpu.memory_space<hbm>> -> memref<160x125xi32, #tpu.memory_space<hbm>>
      %dma_start3A_155 = arith.constant 0 : i32
      %dma_start3A_156 = arith.constant 0 : i32
      %dma_start3A_157 = tpu.memref_slice %dma_start3A_154[%dma_start3A_155, %dma_start3A_156] : memref<160x125xi32, #tpu.memory_space<hbm>> -> memref<160x125xi32, #tpu.memory_space<hbm>>
      tpu.enqueue_dma source(%dma_start3A_157 : memref<160x125xi32, #tpu.memory_space<hbm>>) target(%arg7 : memref<160x125xi32, #tpu.memory_space<vmem>>) target_semaphore(%run_scoped3A : memref<!tpu.dma_semaphore, #tpu.memory_space<semaphore_mem>>)
      %dma_wait3A_158 = arith.constant 0 : i32
      %dma_wait3A_159 = arith.constant 0 : i32
      %dma_wait3A_160 = tpu.memref_slice %arg4[%arg1, %dma_wait3A_158, %dma_wait3A_159] : memref<16x160x125xi32, #tpu.memory_space<hbm>> -> memref<1x160x125xi32, #tpu.memory_space<hbm>>
      %dma_wait3A_161 = tpu.memref_squeeze %dma_wait3A_160 : memref<1x160x125xi32, #tpu.memory_space<hbm>> -> memref<160x125xi32, #tpu.memory_space<hbm>>
      %dma_wait3A_162 = arith.constant 0 : i32
      %dma_wait3A_163 = arith.constant 0 : i32
      %dma_wait3A_164 = tpu.memref_slice %dma_wait3A_161[%dma_wait3A_162, %dma_wait3A_163] : memref<160x125xi32, #tpu.memory_space<hbm>> -> memref<160x125xi32, #tpu.memory_space<hbm>>
      %dma_wait3A_165 = arith.constant 0 : i32
      %dma_wait3A_166 = arith.constant 0 : i32
      %dma_wait3A_167 = tpu.memref_slice %arg4[%arg1, %dma_wait3A_165, %dma_wait3A_166] : memref<16x160x125xi32, #tpu.memory_space<hbm>> -> memref<1x160x125xi32, #tpu.memory_space<hbm>>
      %dma_wait3A_168 = tpu.memref_squeeze %dma_wait3A_167 : memref<1x160x125xi32, #tpu.memory_space<hbm>> -> memref<160x125xi32, #tpu.memory_space<hbm>>
      %dma_wait3A_169 = arith.constant 0 : i32
      %dma_wait3A_170 = arith.constant 0 : i32
      %dma_wait3A_171 = tpu.memref_slice %dma_wait3A_168[%dma_wait3A_169, %dma_wait3A_170] : memref<160x125xi32, #tpu.memory_space<hbm>> -> memref<160x125xi32, #tpu.memory_space<hbm>>
      tpu.wait_dma2 semaphore(%run_scoped3A : memref<!tpu.dma_semaphore, #tpu.memory_space<semaphore_mem>>) src(%dma_wait3A_171 : memref<160x125xi32, #tpu.memory_space<hbm>>) dst(%arg7 : memref<160x125xi32, #tpu.memory_space<vmem>>)
      tpu.yield
    }) : () -> ()
    %dma_start3A = arith.constant 0 : i32
    %dma_start3A_24 = arith.constant 0 : i32
    %dma_start3A_25 = tpu.memref_slice %arg6[%dma_start3A, %dma_start3A_24] : memref<160x125xi32, #tpu.memory_space<vmem>> -> memref<1x125xi32, #tpu.memory_space<vmem>>
    %dma_start3A_26 = tpu.memref_squeeze %dma_start3A_25 : memref<1x125xi32, #tpu.memory_space<vmem>> -> memref<125xi32, #tpu.memory_space<vmem>>
    %dma_start3A_27 = arith.constant 0 : i32
    %dma_start3A_28 = arith.constant 0 : i32
    %dma_start3A_29 = tpu.memref_slice %arg2[%arg0, %dma_start3A_27, %dma_start3A_28] : memref<2x10240x64xf32, #tpu.memory_space<hbm>> -> memref<1x10240x64xf32, #tpu.memory_space<hbm>>
    %dma_start3A_30 = tpu.memref_squeeze %dma_start3A_29 : memref<1x10240x64xf32, #tpu.memory_space<hbm>> -> memref<10240x64xf32, #tpu.memory_space<hbm>>
    %dma_start3A_31 = arith.constant 0 : i32
    %dma_start3A_32 = arith.constant 0 : i32
    %dma_start3A_33 = tpu.memref_slice %dma_start3A_30[%dma_start3A_31, %dma_start3A_32] : memref<10240x64xf32, #tpu.memory_space<hbm>> -> memref<10240x64xf32, #tpu.memory_space<hbm>>
    tpu.enqueue_indirect_dma source(%dma_start3A_33 : memref<10240x64xf32, #tpu.memory_space<hbm>>) target(%arg8 : memref<125x64xf32, #tpu.memory_space<vmem>>) offsets(%dma_start3A_26 : memref<125xi32, #tpu.memory_space<vmem>>) semaphore(%arg14 : memref<!tpu.dma_semaphore, #tpu.memory_space<semaphore_mem>>)
    %dma_start3A_34 = arith.constant 1 : i32
    %dma_start3A_35 = arith.constant 0 : i32
    %dma_start3A_36 = tpu.memref_slice %arg6[%dma_start3A_34, %dma_start3A_35] : memref<160x125xi32, #tpu.memory_space<vmem>> -> memref<1x125xi32, #tpu.memory_space<vmem>>
    %dma_start3A_37 = tpu.memref_squeeze %dma_start3A_36 : memref<1x125xi32, #tpu.memory_space<vmem>> -> memref<125xi32, #tpu.memory_space<vmem>>
    %dma_start3A_38 = arith.constant 0 : i32
    %dma_start3A_39 = arith.constant 0 : i32
    %dma_start3A_40 = tpu.memref_slice %arg2[%arg0, %dma_start3A_38, %dma_start3A_39] : memref<2x10240x64xf32, #tpu.memory_space<hbm>> -> memref<1x10240x64xf32, #tpu.memory_space<hbm>>
    %dma_start3A_41 = tpu.memref_squeeze %dma_start3A_40 : memref<1x10240x64xf32, #tpu.memory_space<hbm>> -> memref<10240x64xf32, #tpu.memory_space<hbm>>
    %dma_start3A_42 = arith.constant 0 : i32
    %dma_start3A_43 = arith.constant 0 : i32
    %dma_start3A_44 = tpu.memref_slice %dma_start3A_41[%dma_start3A_42, %dma_start3A_43] : memref<10240x64xf32, #tpu.memory_space<hbm>> -> memref<10240x64xf32, #tpu.memory_space<hbm>>
    tpu.enqueue_indirect_dma source(%dma_start3A_44 : memref<10240x64xf32, #tpu.memory_space<hbm>>) target(%arg9 : memref<125x64xf32, #tpu.memory_space<vmem>>) offsets(%dma_start3A_37 : memref<125xi32, #tpu.memory_space<vmem>>) semaphore(%arg15 : memref<!tpu.dma_semaphore, #tpu.memory_space<semaphore_mem>>)
    %dma_start3A_45 = arith.constant 2 : i32
    %dma_start3A_46 = arith.constant 0 : i32
    %dma_start3A_47 = tpu.memref_slice %arg6[%dma_start3A_45, %dma_start3A_46] : memref<160x125xi32, #tpu.memory_space<vmem>> -> memref<1x125xi32, #tpu.memory_space<vmem>>
    %dma_start3A_48 = tpu.memref_squeeze %dma_start3A_47 : memref<1x125xi32, #tpu.memory_space<vmem>> -> memref<125xi32, #tpu.memory_space<vmem>>
    %dma_start3A_49 = arith.constant 0 : i32
    %dma_start3A_50 = arith.constant 0 : i32
    %dma_start3A_51 = tpu.memref_slice %arg2[%arg0, %dma_start3A_49, %dma_start3A_50] : memref<2x10240x64xf32, #tpu.memory_space<hbm>> -> memref<1x10240x64xf32, #tpu.memory_space<hbm>>
    %dma_start3A_52 = tpu.memref_squeeze %dma_start3A_51 : memref<1x10240x64xf32, #tpu.memory_space<hbm>> -> memref<10240x64xf32, #tpu.memory_space<hbm>>
    %dma_start3A_53 = arith.constant 0 : i32
    %dma_start3A_54 = arith.constant 0 : i32
    %dma_start3A_55 = tpu.memref_slice %dma_start3A_52[%dma_start3A_53, %dma_start3A_54] : memref<10240x64xf32, #tpu.memory_space<hbm>> -> memref<10240x64xf32, #tpu.memory_space<hbm>>
    tpu.enqueue_indirect_dma source(%dma_start3A_55 : memref<10240x64xf32, #tpu.memory_space<hbm>>) target(%arg10 : memref<125x64xf32, #tpu.memory_space<vmem>>) offsets(%dma_start3A_48 : memref<125xi32, #tpu.memory_space<vmem>>) semaphore(%arg16 : memref<!tpu.dma_semaphore, #tpu.memory_space<semaphore_mem>>)
    %dma_start3A_56 = arith.constant 3 : i32
    %dma_start3A_57 = arith.constant 0 : i32
    %dma_start3A_58 = tpu.memref_slice %arg6[%dma_start3A_56, %dma_start3A_57] : memref<160x125xi32, #tpu.memory_space<vmem>> -> memref<1x125xi32, #tpu.memory_space<vmem>>
    %dma_start3A_59 = tpu.memref_squeeze %dma_start3A_58 : memref<1x125xi32, #tpu.memory_space<vmem>> -> memref<125xi32, #tpu.memory_space<vmem>>
    %dma_start3A_60 = arith.constant 0 : i32
    %dma_start3A_61 = arith.constant 0 : i32
    %dma_start3A_62 = tpu.memref_slice %arg2[%arg0, %dma_start3A_60, %dma_start3A_61] : memref<2x10240x64xf32, #tpu.memory_space<hbm>> -> memref<1x10240x64xf32, #tpu.memory_space<hbm>>
    %dma_start3A_63 = tpu.memref_squeeze %dma_start3A_62 : memref<1x10240x64xf32, #tpu.memory_space<hbm>> -> memref<10240x64xf32, #tpu.memory_space<hbm>>
    %dma_start3A_64 = arith.constant 0 : i32
    %dma_start3A_65 = arith.constant 0 : i32
    %dma_start3A_66 = tpu.memref_slice %dma_start3A_63[%dma_start3A_64, %dma_start3A_65] : memref<10240x64xf32, #tpu.memory_space<hbm>> -> memref<10240x64xf32, #tpu.memory_space<hbm>>
    tpu.enqueue_indirect_dma source(%dma_start3A_66 : memref<10240x64xf32, #tpu.memory_space<hbm>>) target(%arg11 : memref<125x64xf32, #tpu.memory_space<vmem>>) offsets(%dma_start3A_59 : memref<125xi32, #tpu.memory_space<vmem>>) semaphore(%arg17 : memref<!tpu.dma_semaphore, #tpu.memory_space<semaphore_mem>>)
    %dma_start3A_67 = arith.constant 4 : i32
    %dma_start3A_68 = arith.constant 0 : i32
    %dma_start3A_69 = tpu.memref_slice %arg6[%dma_start3A_67, %dma_start3A_68] : memref<160x125xi32, #tpu.memory_space<vmem>> -> memref<1x125xi32, #tpu.memory_space<vmem>>
    %dma_start3A_70 = tpu.memref_squeeze %dma_start3A_69 : memref<1x125xi32, #tpu.memory_space<vmem>> -> memref<125xi32, #tpu.memory_space<vmem>>
    %dma_start3A_71 = arith.constant 0 : i32
    %dma_start3A_72 = arith.constant 0 : i32
    %dma_start3A_73 = tpu.memref_slice %arg2[%arg0, %dma_start3A_71, %dma_start3A_72] : memref<2x10240x64xf32, #tpu.memory_space<hbm>> -> memref<1x10240x64xf32, #tpu.memory_space<hbm>>
    %dma_start3A_74 = tpu.memref_squeeze %dma_start3A_73 : memref<1x10240x64xf32, #tpu.memory_space<hbm>> -> memref<10240x64xf32, #tpu.memory_space<hbm>>
    %dma_start3A_75 = arith.constant 0 : i32
    %dma_start3A_76 = arith.constant 0 : i32
    %dma_start3A_77 = tpu.memref_slice %dma_start3A_74[%dma_start3A_75, %dma_start3A_76] : memref<10240x64xf32, #tpu.memory_space<hbm>> -> memref<10240x64xf32, #tpu.memory_space<hbm>>
    tpu.enqueue_indirect_dma source(%dma_start3A_77 : memref<10240x64xf32, #tpu.memory_space<hbm>>) target(%arg12 : memref<125x64xf32, #tpu.memory_space<vmem>>) offsets(%dma_start3A_70 : memref<125xi32, #tpu.memory_space<vmem>>) semaphore(%arg18 : memref<!tpu.dma_semaphore, #tpu.memory_space<semaphore_mem>>)
    %scan3A_78 = arith.constant 0 : i32
    %scan3A_79 = arith.constant 0 : i32
    %scan3A_80 = arith.constant 32 : i32
    %scan3A_81 = arith.addi %scan3A_79, %scan3A_80 : i32
    %scan3A_82 = arith.constant 1 : i32
    %scan3A_83 = scf.for %scan3A_144 = %scan3A_79 to %scan3A_81 step %scan3A_82 iter_args(%scan3A_145 = %scan3A_78) -> (i32)  : i32 {
      %mul3A_146 = arith.constant 5 : i32
      %mul3A_147 = arith.muli %scan3A_144, %mul3A_146 : i32
      %add3A_148 = arith.constant 0 : i32
      %add3A_149 = arith.addi %mul3A_147, %add3A_148 : i32
      %dma_wait3A_150 = arith.constant 0 : i32
      %dma_wait3A_151 = tpu.memref_slice %arg6[%add3A_149, %dma_wait3A_150] : memref<160x125xi32, #tpu.memory_space<vmem>> -> memref<1x125xi32, #tpu.memory_space<vmem>>
      %dma_wait3A_152 = tpu.memref_squeeze %dma_wait3A_151 : memref<1x125xi32, #tpu.memory_space<vmem>> -> memref<125xi32, #tpu.memory_space<vmem>>
      %dma_wait3A_153 = arith.constant 0 : i32
      %dma_wait3A_154 = arith.constant 0 : i32
      %dma_wait3A_155 = tpu.memref_slice %arg2[%arg0, %dma_wait3A_153, %dma_wait3A_154] : memref<2x10240x64xf32, #tpu.memory_space<hbm>> -> memref<1x10240x64xf32, #tpu.memory_space<hbm>>
      %dma_wait3A_156 = tpu.memref_squeeze %dma_wait3A_155 : memref<1x10240x64xf32, #tpu.memory_space<hbm>> -> memref<10240x64xf32, #tpu.memory_space<hbm>>
      %dma_wait3A_157 = arith.constant 0 : i32
      %dma_wait3A_158 = arith.constant 0 : i32
      %dma_wait3A_159 = tpu.memref_slice %dma_wait3A_156[%dma_wait3A_157, %dma_wait3A_158] : memref<10240x64xf32, #tpu.memory_space<hbm>> -> memref<10240x64xf32, #tpu.memory_space<hbm>>
      tpu.wait_indirect_dma semaphore(%arg14 : memref<!tpu.dma_semaphore, #tpu.memory_space<semaphore_mem>>) src(%dma_wait3A_159 : memref<10240x64xf32, #tpu.memory_space<hbm>>) dst(%arg8 : memref<125x64xf32, #tpu.memory_space<vmem>>)
      %dma_start3A_160 = arith.constant 0 : i32
      %dma_start3A_161 = tpu.memref_slice %arg7[%add3A_149, %dma_start3A_160] : memref<160x125xi32, #tpu.memory_space<vmem>> -> memref<1x125xi32, #tpu.memory_space<vmem>>
      %dma_start3A_162 = tpu.memref_squeeze %dma_start3A_161 : memref<1x125xi32, #tpu.memory_space<vmem>> -> memref<125xi32, #tpu.memory_space<vmem>>
      %dma_start3A_163 = arith.constant 0 : i32
      %dma_start3A_164 = arith.constant 0 : i32
      %dma_start3A_165 = tpu.memref_slice %arg13[%dma_start3A_163, %dma_start3A_164] : memref<10240x64xf32, #tpu.memory_space<vmem_shared>> -> memref<10240x64xf32, #tpu.memory_space<vmem_shared>>
      tpu.enqueue_indirect_dma source(%arg8 : memref<125x64xf32, #tpu.memory_space<vmem>>) target(%dma_start3A_165 : memref<10240x64xf32, #tpu.memory_space<vmem_shared>>) offsets(%dma_start3A_162 : memref<125xi32, #tpu.memory_space<vmem>>) semaphore(%arg19 : memref<!tpu.dma_semaphore, #tpu.memory_space<semaphore_mem>>) {add = true}
      %add3A_166 = arith.constant 1 : i32
      %add3A_167 = arith.addi %mul3A_147, %add3A_166 : i32
      %dma_wait3A_168 = arith.constant 0 : i32
      %dma_wait3A_169 = tpu.memref_slice %arg6[%add3A_167, %dma_wait3A_168] : memref<160x125xi32, #tpu.memory_space<vmem>> -> memref<1x125xi32, #tpu.memory_space<vmem>>
      %dma_wait3A_170 = tpu.memref_squeeze %dma_wait3A_169 : memref<1x125xi32, #tpu.memory_space<vmem>> -> memref<125xi32, #tpu.memory_space<vmem>>
      %dma_wait3A_171 = arith.constant 0 : i32
      %dma_wait3A_172 = arith.constant 0 : i32
      %dma_wait3A_173 = tpu.memref_slice %arg2[%arg0, %dma_wait3A_171, %dma_wait3A_172] : memref<2x10240x64xf32, #tpu.memory_space<hbm>> -> memref<1x10240x64xf32, #tpu.memory_space<hbm>>
      %dma_wait3A_174 = tpu.memref_squeeze %dma_wait3A_173 : memref<1x10240x64xf32, #tpu.memory_space<hbm>> -> memref<10240x64xf32, #tpu.memory_space<hbm>>
      %dma_wait3A_175 = arith.constant 0 : i32
      %dma_wait3A_176 = arith.constant 0 : i32
      %dma_wait3A_177 = tpu.memref_slice %dma_wait3A_174[%dma_wait3A_175, %dma_wait3A_176] : memref<10240x64xf32, #tpu.memory_space<hbm>> -> memref<10240x64xf32, #tpu.memory_space<hbm>>
      tpu.wait_indirect_dma semaphore(%arg15 : memref<!tpu.dma_semaphore, #tpu.memory_space<semaphore_mem>>) src(%dma_wait3A_177 : memref<10240x64xf32, #tpu.memory_space<hbm>>) dst(%arg9 : memref<125x64xf32, #tpu.memory_space<vmem>>)
      %dma_start3A_178 = arith.constant 0 : i32
      %dma_start3A_179 = tpu.memref_slice %arg7[%add3A_167, %dma_start3A_178] : memref<160x125xi32, #tpu.memory_space<vmem>> -> memref<1x125xi32, #tpu.memory_space<vmem>>
      %dma_start3A_180 = tpu.memref_squeeze %dma_start3A_179 : memref<1x125xi32, #tpu.memory_space<vmem>> -> memref<125xi32, #tpu.memory_space<vmem>>
      %dma_start3A_181 = arith.constant 0 : i32
      %dma_start3A_182 = arith.constant 0 : i32
      %dma_start3A_183 = tpu.memref_slice %arg13[%dma_start3A_181, %dma_start3A_182] : memref<10240x64xf32, #tpu.memory_space<vmem_shared>> -> memref<10240x64xf32, #tpu.memory_space<vmem_shared>>
      tpu.enqueue_indirect_dma source(%arg9 : memref<125x64xf32, #tpu.memory_space<vmem>>) target(%dma_start3A_183 : memref<10240x64xf32, #tpu.memory_space<vmem_shared>>) offsets(%dma_start3A_180 : memref<125xi32, #tpu.memory_space<vmem>>) semaphore(%arg20 : memref<!tpu.dma_semaphore, #tpu.memory_space<semaphore_mem>>) {add = true}
      %add3A_184 = arith.constant 2 : i32
      %add3A_185 = arith.addi %mul3A_147, %add3A_184 : i32
      %dma_wait3A_186 = arith.constant 0 : i32
      %dma_wait3A_187 = tpu.memref_slice %arg6[%add3A_185, %dma_wait3A_186] : memref<160x125xi32, #tpu.memory_space<vmem>> -> memref<1x125xi32, #tpu.memory_space<vmem>>
      %dma_wait3A_188 = tpu.memref_squeeze %dma_wait3A_187 : memref<1x125xi32, #tpu.memory_space<vmem>> -> memref<125xi32, #tpu.memory_space<vmem>>
      %dma_wait3A_189 = arith.constant 0 : i32
      %dma_wait3A_190 = arith.constant 0 : i32
      %dma_wait3A_191 = tpu.memref_slice %arg2[%arg0, %dma_wait3A_189, %dma_wait3A_190] : memref<2x10240x64xf32, #tpu.memory_space<hbm>> -> memref<1x10240x64xf32, #tpu.memory_space<hbm>>
      %dma_wait3A_192 = tpu.memref_squeeze %dma_wait3A_191 : memref<1x10240x64xf32, #tpu.memory_space<hbm>> -> memref<10240x64xf32, #tpu.memory_space<hbm>>
      %dma_wait3A_193 = arith.constant 0 : i32
      %dma_wait3A_194 = arith.constant 0 : i32
      %dma_wait3A_195 = tpu.memref_slice %dma_wait3A_192[%dma_wait3A_193, %dma_wait3A_194] : memref<10240x64xf32, #tpu.memory_space<hbm>> -> memref<10240x64xf32, #tpu.memory_space<hbm>>
      tpu.wait_indirect_dma semaphore(%arg16 : memref<!tpu.dma_semaphore, #tpu.memory_space<semaphore_mem>>) src(%dma_wait3A_195 : memref<10240x64xf32, #tpu.memory_space<hbm>>) dst(%arg10 : memref<125x64xf32, #tpu.memory_space<vmem>>)
      %dma_start3A_196 = arith.constant 0 : i32
      %dma_start3A_197 = tpu.memref_slice %arg7[%add3A_185, %dma_start3A_196] : memref<160x125xi32, #tpu.memory_space<vmem>> -> memref<1x125xi32, #tpu.memory_space<vmem>>
      %dma_start3A_198 = tpu.memref_squeeze %dma_start3A_197 : memref<1x125xi32, #tpu.memory_space<vmem>> -> memref<125xi32, #tpu.memory_space<vmem>>
      %dma_start3A_199 = arith.constant 0 : i32
      %dma_start3A_200 = arith.constant 0 : i32
      %dma_start3A_201 = tpu.memref_slice %arg13[%dma_start3A_199, %dma_start3A_200] : memref<10240x64xf32, #tpu.memory_space<vmem_shared>> -> memref<10240x64xf32, #tpu.memory_space<vmem_shared>>
      tpu.enqueue_indirect_dma source(%arg10 : memref<125x64xf32, #tpu.memory_space<vmem>>) target(%dma_start3A_201 : memref<10240x64xf32, #tpu.memory_space<vmem_shared>>) offsets(%dma_start3A_198 : memref<125xi32, #tpu.memory_space<vmem>>) semaphore(%arg21 : memref<!tpu.dma_semaphore, #tpu.memory_space<semaphore_mem>>) {add = true}
      %add3A_202 = arith.constant 3 : i32
      %add3A_203 = arith.addi %mul3A_147, %add3A_202 : i32
      %dma_wait3A_204 = arith.constant 0 : i32
      %dma_wait3A_205 = tpu.memref_slice %arg6[%add3A_203, %dma_wait3A_204] : memref<160x125xi32, #tpu.memory_space<vmem>> -> memref<1x125xi32, #tpu.memory_space<vmem>>
      %dma_wait3A_206 = tpu.memref_squeeze %dma_wait3A_205 : memref<1x125xi32, #tpu.memory_space<vmem>> -> memref<125xi32, #tpu.memory_space<vmem>>
      %dma_wait3A_207 = arith.constant 0 : i32
      %dma_wait3A_208 = arith.constant 0 : i32
      %dma_wait3A_209 = tpu.memref_slice %arg2[%arg0, %dma_wait3A_207, %dma_wait3A_208] : memref<2x10240x64xf32, #tpu.memory_space<hbm>> -> memref<1x10240x64xf32, #tpu.memory_space<hbm>>
      %dma_wait3A_210 = tpu.memref_squeeze %dma_wait3A_209 : memref<1x10240x64xf32, #tpu.memory_space<hbm>> -> memref<10240x64xf32, #tpu.memory_space<hbm>>
      %dma_wait3A_211 = arith.constant 0 : i32
      %dma_wait3A_212 = arith.constant 0 : i32
      %dma_wait3A_213 = tpu.memref_slice %dma_wait3A_210[%dma_wait3A_211, %dma_wait3A_212] : memref<10240x64xf32, #tpu.memory_space<hbm>> -> memref<10240x64xf32, #tpu.memory_space<hbm>>
      tpu.wait_indirect_dma semaphore(%arg17 : memref<!tpu.dma_semaphore, #tpu.memory_space<semaphore_mem>>) src(%dma_wait3A_213 : memref<10240x64xf32, #tpu.memory_space<hbm>>) dst(%arg11 : memref<125x64xf32, #tpu.memory_space<vmem>>)
      %dma_start3A_214 = arith.constant 0 : i32
      %dma_start3A_215 = tpu.memref_slice %arg7[%add3A_203, %dma_start3A_214] : memref<160x125xi32, #tpu.memory_space<vmem>> -> memref<1x125xi32, #tpu.memory_space<vmem>>
      %dma_start3A_216 = tpu.memref_squeeze %dma_start3A_215 : memref<1x125xi32, #tpu.memory_space<vmem>> -> memref<125xi32, #tpu.memory_space<vmem>>
      %dma_start3A_217 = arith.constant 0 : i32
      %dma_start3A_218 = arith.constant 0 : i32
      %dma_start3A_219 = tpu.memref_slice %arg13[%dma_start3A_217, %dma_start3A_218] : memref<10240x64xf32, #tpu.memory_space<vmem_shared>> -> memref<10240x64xf32, #tpu.memory_space<vmem_shared>>
      tpu.enqueue_indirect_dma source(%arg11 : memref<125x64xf32, #tpu.memory_space<vmem>>) target(%dma_start3A_219 : memref<10240x64xf32, #tpu.memory_space<vmem_shared>>) offsets(%dma_start3A_216 : memref<125xi32, #tpu.memory_space<vmem>>) semaphore(%arg22 : memref<!tpu.dma_semaphore, #tpu.memory_space<semaphore_mem>>) {add = true}
      %add3A_220 = arith.constant 4 : i32
      %add3A_221 = arith.addi %mul3A_147, %add3A_220 : i32
      %dma_wait3A_222 = arith.constant 0 : i32
      %dma_wait3A_223 = tpu.memref_slice %arg6[%add3A_221, %dma_wait3A_222] : memref<160x125xi32, #tpu.memory_space<vmem>> -> memref<1x125xi32, #tpu.memory_space<vmem>>
      %dma_wait3A_224 = tpu.memref_squeeze %dma_wait3A_223 : memref<1x125xi32, #tpu.memory_space<vmem>> -> memref<125xi32, #tpu.memory_space<vmem>>
      %dma_wait3A_225 = arith.constant 0 : i32
      %dma_wait3A_226 = arith.constant 0 : i32
      %dma_wait3A_227 = tpu.memref_slice %arg2[%arg0, %dma_wait3A_225, %dma_wait3A_226] : memref<2x10240x64xf32, #tpu.memory_space<hbm>> -> memref<1x10240x64xf32, #tpu.memory_space<hbm>>
      %dma_wait3A_228 = tpu.memref_squeeze %dma_wait3A_227 : memref<1x10240x64xf32, #tpu.memory_space<hbm>> -> memref<10240x64xf32, #tpu.memory_space<hbm>>
      %dma_wait3A_229 = arith.constant 0 : i32
      %dma_wait3A_230 = arith.constant 0 : i32
      %dma_wait3A_231 = tpu.memref_slice %dma_wait3A_228[%dma_wait3A_229, %dma_wait3A_230] : memref<10240x64xf32, #tpu.memory_space<hbm>> -> memref<10240x64xf32, #tpu.memory_space<hbm>>
      tpu.wait_indirect_dma semaphore(%arg18 : memref<!tpu.dma_semaphore, #tpu.memory_space<semaphore_mem>>) src(%dma_wait3A_231 : memref<10240x64xf32, #tpu.memory_space<hbm>>) dst(%arg12 : memref<125x64xf32, #tpu.memory_space<vmem>>)
      %dma_start3A_232 = arith.constant 0 : i32
      %dma_start3A_233 = tpu.memref_slice %arg7[%add3A_221, %dma_start3A_232] : memref<160x125xi32, #tpu.memory_space<vmem>> -> memref<1x125xi32, #tpu.memory_space<vmem>>
      %dma_start3A_234 = tpu.memref_squeeze %dma_start3A_233 : memref<1x125xi32, #tpu.memory_space<vmem>> -> memref<125xi32, #tpu.memory_space<vmem>>
      %dma_start3A_235 = arith.constant 0 : i32
      %dma_start3A_236 = arith.constant 0 : i32
      %dma_start3A_237 = tpu.memref_slice %arg13[%dma_start3A_235, %dma_start3A_236] : memref<10240x64xf32, #tpu.memory_space<vmem_shared>> -> memref<10240x64xf32, #tpu.memory_space<vmem_shared>>
      tpu.enqueue_indirect_dma source(%arg12 : memref<125x64xf32, #tpu.memory_space<vmem>>) target(%dma_start3A_237 : memref<10240x64xf32, #tpu.memory_space<vmem_shared>>) offsets(%dma_start3A_234 : memref<125xi32, #tpu.memory_space<vmem>>) semaphore(%arg23 : memref<!tpu.dma_semaphore, #tpu.memory_space<semaphore_mem>>) {add = true}
      %add3A_238 = arith.constant 0 : i32
      %add3A_239 = arith.addi %mul3A_147, %add3A_238 : i32
      %add3A_240 = arith.constant 5 : i32
      %add3A_241 = arith.addi %add3A_239, %add3A_240 : i32
      %min3A = arith.constant 159 : i32
      %min3A_242 = arith.minsi %add3A_241, %min3A : i32
      %add3A_243 = arith.constant 0 : i32
      %add3A_244 = arith.addi %mul3A_147, %add3A_243 : i32
      %dma_wait3A_245 = arith.constant 0 : i32
      %dma_wait3A_246 = tpu.memref_slice %arg7[%add3A_244, %dma_wait3A_245] : memref<160x125xi32, #tpu.memory_space<vmem>> -> memref<1x125xi32, #tpu.memory_space<vmem>>
      %dma_wait3A_247 = tpu.memref_squeeze %dma_wait3A_246 : memref<1x125xi32, #tpu.memory_space<vmem>> -> memref<125xi32, #tpu.memory_space<vmem>>
      %dma_wait3A_248 = arith.constant 0 : i32
      %dma_wait3A_249 = arith.constant 0 : i32
      %dma_wait3A_250 = tpu.memref_slice %arg13[%dma_wait3A_248, %dma_wait3A_249] : memref<10240x64xf32, #tpu.memory_space<vmem_shared>> -> memref<10240x64xf32, #tpu.memory_space<vmem_shared>>
      tpu.wait_indirect_dma semaphore(%arg19 : memref<!tpu.dma_semaphore, #tpu.memory_space<semaphore_mem>>) src(%arg8 : memref<125x64xf32, #tpu.memory_space<vmem>>) dst(%dma_wait3A_250 : memref<10240x64xf32, #tpu.memory_space<vmem_shared>>)
      %dma_start3A_251 = arith.constant 0 : i32
      %dma_start3A_252 = tpu.memref_slice %arg6[%min3A_242, %dma_start3A_251] : memref<160x125xi32, #tpu.memory_space<vmem>> -> memref<1x125xi32, #tpu.memory_space<vmem>>
      %dma_start3A_253 = tpu.memref_squeeze %dma_start3A_252 : memref<1x125xi32, #tpu.memory_space<vmem>> -> memref<125xi32, #tpu.memory_space<vmem>>
      %dma_start3A_254 = arith.constant 0 : i32
      %dma_start3A_255 = arith.constant 0 : i32
      %dma_start3A_256 = tpu.memref_slice %arg2[%arg0, %dma_start3A_254, %dma_start3A_255] : memref<2x10240x64xf32, #tpu.memory_space<hbm>> -> memref<1x10240x64xf32, #tpu.memory_space<hbm>>
      %dma_start3A_257 = tpu.memref_squeeze %dma_start3A_256 : memref<1x10240x64xf32, #tpu.memory_space<hbm>> -> memref<10240x64xf32, #tpu.memory_space<hbm>>
      %dma_start3A_258 = arith.constant 0 : i32
      %dma_start3A_259 = arith.constant 0 : i32
      %dma_start3A_260 = tpu.memref_slice %dma_start3A_257[%dma_start3A_258, %dma_start3A_259] : memref<10240x64xf32, #tpu.memory_space<hbm>> -> memref<10240x64xf32, #tpu.memory_space<hbm>>
      tpu.enqueue_indirect_dma source(%dma_start3A_260 : memref<10240x64xf32, #tpu.memory_space<hbm>>) target(%arg8 : memref<125x64xf32, #tpu.memory_space<vmem>>) offsets(%dma_start3A_253 : memref<125xi32, #tpu.memory_space<vmem>>) semaphore(%arg14 : memref<!tpu.dma_semaphore, #tpu.memory_space<semaphore_mem>>)
      %add3A_261 = arith.constant 1 : i32
      %add3A_262 = arith.addi %mul3A_147, %add3A_261 : i32
      %add3A_263 = arith.constant 5 : i32
      %add3A_264 = arith.addi %add3A_262, %add3A_263 : i32
      %min3A_265 = arith.constant 159 : i32
      %min3A_266 = arith.minsi %add3A_264, %min3A_265 : i32
      %add3A_267 = arith.constant 1 : i32
      %add3A_268 = arith.addi %mul3A_147, %add3A_267 : i32
      %dma_wait3A_269 = arith.constant 0 : i32
      %dma_wait3A_270 = tpu.memref_slice %arg7[%add3A_268, %dma_wait3A_269] : memref<160x125xi32, #tpu.memory_space<vmem>> -> memref<1x125xi32, #tpu.memory_space<vmem>>
      %dma_wait3A_271 = tpu.memref_squeeze %dma_wait3A_270 : memref<1x125xi32, #tpu.memory_space<vmem>> -> memref<125xi32, #tpu.memory_space<vmem>>
      %dma_wait3A_272 = arith.constant 0 : i32
      %dma_wait3A_273 = arith.constant 0 : i32
      %dma_wait3A_274 = tpu.memref_slice %arg13[%dma_wait3A_272, %dma_wait3A_273] : memref<10240x64xf32, #tpu.memory_space<vmem_shared>> -> memref<10240x64xf32, #tpu.memory_space<vmem_shared>>
      tpu.wait_indirect_dma semaphore(%arg20 : memref<!tpu.dma_semaphore, #tpu.memory_space<semaphore_mem>>) src(%arg9 : memref<125x64xf32, #tpu.memory_space<vmem>>) dst(%dma_wait3A_274 : memref<10240x64xf32, #tpu.memory_space<vmem_shared>>)
      %dma_start3A_275 = arith.constant 0 : i32
      %dma_start3A_276 = tpu.memref_slice %arg6[%min3A_266, %dma_start3A_275] : memref<160x125xi32, #tpu.memory_space<vmem>> -> memref<1x125xi32, #tpu.memory_space<vmem>>
      %dma_start3A_277 = tpu.memref_squeeze %dma_start3A_276 : memref<1x125xi32, #tpu.memory_space<vmem>> -> memref<125xi32, #tpu.memory_space<vmem>>
      %dma_start3A_278 = arith.constant 0 : i32
      %dma_start3A_279 = arith.constant 0 : i32
      %dma_start3A_280 = tpu.memref_slice %arg2[%arg0, %dma_start3A_278, %dma_start3A_279] : memref<2x10240x64xf32, #tpu.memory_space<hbm>> -> memref<1x10240x64xf32, #tpu.memory_space<hbm>>
      %dma_start3A_281 = tpu.memref_squeeze %dma_start3A_280 : memref<1x10240x64xf32, #tpu.memory_space<hbm>> -> memref<10240x64xf32, #tpu.memory_space<hbm>>
      %dma_start3A_282 = arith.constant 0 : i32
      %dma_start3A_283 = arith.constant 0 : i32
      %dma_start3A_284 = tpu.memref_slice %dma_start3A_281[%dma_start3A_282, %dma_start3A_283] : memref<10240x64xf32, #tpu.memory_space<hbm>> -> memref<10240x64xf32, #tpu.memory_space<hbm>>
      tpu.enqueue_indirect_dma source(%dma_start3A_284 : memref<10240x64xf32, #tpu.memory_space<hbm>>) target(%arg9 : memref<125x64xf32, #tpu.memory_space<vmem>>) offsets(%dma_start3A_277 : memref<125xi32, #tpu.memory_space<vmem>>) semaphore(%arg15 : memref<!tpu.dma_semaphore, #tpu.memory_space<semaphore_mem>>)
      %add3A_285 = arith.constant 2 : i32
      %add3A_286 = arith.addi %mul3A_147, %add3A_285 : i32
      %add3A_287 = arith.constant 5 : i32
      %add3A_288 = arith.addi %add3A_286, %add3A_287 : i32
      %min3A_289 = arith.constant 159 : i32
      %min3A_290 = arith.minsi %add3A_288, %min3A_289 : i32
      %add3A_291 = arith.constant 2 : i32
      %add3A_292 = arith.addi %mul3A_147, %add3A_291 : i32
      %dma_wait3A_293 = arith.constant 0 : i32
      %dma_wait3A_294 = tpu.memref_slice %arg7[%add3A_292, %dma_wait3A_293] : memref<160x125xi32, #tpu.memory_space<vmem>> -> memref<1x125xi32, #tpu.memory_space<vmem>>
      %dma_wait3A_295 = tpu.memref_squeeze %dma_wait3A_294 : memref<1x125xi32, #tpu.memory_space<vmem>> -> memref<125xi32, #tpu.memory_space<vmem>>
      %dma_wait3A_296 = arith.constant 0 : i32
      %dma_wait3A_297 = arith.constant 0 : i32
      %dma_wait3A_298 = tpu.memref_slice %arg13[%dma_wait3A_296, %dma_wait3A_297] : memref<10240x64xf32, #tpu.memory_space<vmem_shared>> -> memref<10240x64xf32, #tpu.memory_space<vmem_shared>>
      tpu.wait_indirect_dma semaphore(%arg21 : memref<!tpu.dma_semaphore, #tpu.memory_space<semaphore_mem>>) src(%arg10 : memref<125x64xf32, #tpu.memory_space<vmem>>) dst(%dma_wait3A_298 : memref<10240x64xf32, #tpu.memory_space<vmem_shared>>)
      %dma_start3A_299 = arith.constant 0 : i32
      %dma_start3A_300 = tpu.memref_slice %arg6[%min3A_290, %dma_start3A_299] : memref<160x125xi32, #tpu.memory_space<vmem>> -> memref<1x125xi32, #tpu.memory_space<vmem>>
      %dma_start3A_301 = tpu.memref_squeeze %dma_start3A_300 : memref<1x125xi32, #tpu.memory_space<vmem>> -> memref<125xi32, #tpu.memory_space<vmem>>
      %dma_start3A_302 = arith.constant 0 : i32
      %dma_start3A_303 = arith.constant 0 : i32
      %dma_start3A_304 = tpu.memref_slice %arg2[%arg0, %dma_start3A_302, %dma_start3A_303] : memref<2x10240x64xf32, #tpu.memory_space<hbm>> -> memref<1x10240x64xf32, #tpu.memory_space<hbm>>
      %dma_start3A_305 = tpu.memref_squeeze %dma_start3A_304 : memref<1x10240x64xf32, #tpu.memory_space<hbm>> -> memref<10240x64xf32, #tpu.memory_space<hbm>>
      %dma_start3A_306 = arith.constant 0 : i32
      %dma_start3A_307 = arith.constant 0 : i32
      %dma_start3A_308 = tpu.memref_slice %dma_start3A_305[%dma_start3A_306, %dma_start3A_307] : memref<10240x64xf32, #tpu.memory_space<hbm>> -> memref<10240x64xf32, #tpu.memory_space<hbm>>
      tpu.enqueue_indirect_dma source(%dma_start3A_308 : memref<10240x64xf32, #tpu.memory_space<hbm>>) target(%arg10 : memref<125x64xf32, #tpu.memory_space<vmem>>) offsets(%dma_start3A_301 : memref<125xi32, #tpu.memory_space<vmem>>) semaphore(%arg16 : memref<!tpu.dma_semaphore, #tpu.memory_space<semaphore_mem>>)
      %add3A_309 = arith.constant 3 : i32
      %add3A_310 = arith.addi %mul3A_147, %add3A_309 : i32
      %add3A_311 = arith.constant 5 : i32
      %add3A_312 = arith.addi %add3A_310, %add3A_311 : i32
      %min3A_313 = arith.constant 159 : i32
      %min3A_314 = arith.minsi %add3A_312, %min3A_313 : i32
      %add3A_315 = arith.constant 3 : i32
      %add3A_316 = arith.addi %mul3A_147, %add3A_315 : i32
      %dma_wait3A_317 = arith.constant 0 : i32
      %dma_wait3A_318 = tpu.memref_slice %arg7[%add3A_316, %dma_wait3A_317] : memref<160x125xi32, #tpu.memory_space<vmem>> -> memref<1x125xi32, #tpu.memory_space<vmem>>
      %dma_wait3A_319 = tpu.memref_squeeze %dma_wait3A_318 : memref<1x125xi32, #tpu.memory_space<vmem>> -> memref<125xi32, #tpu.memory_space<vmem>>
      %dma_wait3A_320 = arith.constant 0 : i32
      %dma_wait3A_321 = arith.constant 0 : i32
      %dma_wait3A_322 = tpu.memref_slice %arg13[%dma_wait3A_320, %dma_wait3A_321] : memref<10240x64xf32, #tpu.memory_space<vmem_shared>> -> memref<10240x64xf32, #tpu.memory_space<vmem_shared>>
      tpu.wait_indirect_dma semaphore(%arg22 : memref<!tpu.dma_semaphore, #tpu.memory_space<semaphore_mem>>) src(%arg11 : memref<125x64xf32, #tpu.memory_space<vmem>>) dst(%dma_wait3A_322 : memref<10240x64xf32, #tpu.memory_space<vmem_shared>>)
      %dma_start3A_323 = arith.constant 0 : i32
      %dma_start3A_324 = tpu.memref_slice %arg6[%min3A_314, %dma_start3A_323] : memref<160x125xi32, #tpu.memory_space<vmem>> -> memref<1x125xi32, #tpu.memory_space<vmem>>
      %dma_start3A_325 = tpu.memref_squeeze %dma_start3A_324 : memref<1x125xi32, #tpu.memory_space<vmem>> -> memref<125xi32, #tpu.memory_space<vmem>>
      %dma_start3A_326 = arith.constant 0 : i32
      %dma_start3A_327 = arith.constant 0 : i32
      %dma_start3A_328 = tpu.memref_slice %arg2[%arg0, %dma_start3A_326, %dma_start3A_327] : memref<2x10240x64xf32, #tpu.memory_space<hbm>> -> memref<1x10240x64xf32, #tpu.memory_space<hbm>>
      %dma_start3A_329 = tpu.memref_squeeze %dma_start3A_328 : memref<1x10240x64xf32, #tpu.memory_space<hbm>> -> memref<10240x64xf32, #tpu.memory_space<hbm>>
      %dma_start3A_330 = arith.constant 0 : i32
      %dma_start3A_331 = arith.constant 0 : i32
      %dma_start3A_332 = tpu.memref_slice %dma_start3A_329[%dma_start3A_330, %dma_start3A_331] : memref<10240x64xf32, #tpu.memory_space<hbm>> -> memref<10240x64xf32, #tpu.memory_space<hbm>>
      tpu.enqueue_indirect_dma source(%dma_start3A_332 : memref<10240x64xf32, #tpu.memory_space<hbm>>) target(%arg11 : memref<125x64xf32, #tpu.memory_space<vmem>>) offsets(%dma_start3A_325 : memref<125xi32, #tpu.memory_space<vmem>>) semaphore(%arg17 : memref<!tpu.dma_semaphore, #tpu.memory_space<semaphore_mem>>)
      %add3A_333 = arith.constant 4 : i32
      %add3A_334 = arith.addi %mul3A_147, %add3A_333 : i32
      %add3A_335 = arith.constant 5 : i32
      %add3A_336 = arith.addi %add3A_334, %add3A_335 : i32
      %min3A_337 = arith.constant 159 : i32
      %min3A_338 = arith.minsi %add3A_336, %min3A_337 : i32
      %add3A_339 = arith.constant 4 : i32
      %add3A_340 = arith.addi %mul3A_147, %add3A_339 : i32
      %dma_wait3A_341 = arith.constant 0 : i32
      %dma_wait3A_342 = tpu.memref_slice %arg7[%add3A_340, %dma_wait3A_341] : memref<160x125xi32, #tpu.memory_space<vmem>> -> memref<1x125xi32, #tpu.memory_space<vmem>>
      %dma_wait3A_343 = tpu.memref_squeeze %dma_wait3A_342 : memref<1x125xi32, #tpu.memory_space<vmem>> -> memref<125xi32, #tpu.memory_space<vmem>>
      %dma_wait3A_344 = arith.constant 0 : i32
      %dma_wait3A_345 = arith.constant 0 : i32
      %dma_wait3A_346 = tpu.memref_slice %arg13[%dma_wait3A_344, %dma_wait3A_345] : memref<10240x64xf32, #tpu.memory_space<vmem_shared>> -> memref<10240x64xf32, #tpu.memory_space<vmem_shared>>
      tpu.wait_indirect_dma semaphore(%arg23 : memref<!tpu.dma_semaphore, #tpu.memory_space<semaphore_mem>>) src(%arg12 : memref<125x64xf32, #tpu.memory_space<vmem>>) dst(%dma_wait3A_346 : memref<10240x64xf32, #tpu.memory_space<vmem_shared>>)
      %dma_start3A_347 = arith.constant 0 : i32
      %dma_start3A_348 = tpu.memref_slice %arg6[%min3A_338, %dma_start3A_347] : memref<160x125xi32, #tpu.memory_space<vmem>> -> memref<1x125xi32, #tpu.memory_space<vmem>>
      %dma_start3A_349 = tpu.memref_squeeze %dma_start3A_348 : memref<1x125xi32, #tpu.memory_space<vmem>> -> memref<125xi32, #tpu.memory_space<vmem>>
      %dma_start3A_350 = arith.constant 0 : i32
      %dma_start3A_351 = arith.constant 0 : i32
      %dma_start3A_352 = tpu.memref_slice %arg2[%arg0, %dma_start3A_350, %dma_start3A_351] : memref<2x10240x64xf32, #tpu.memory_space<hbm>> -> memref<1x10240x64xf32, #tpu.memory_space<hbm>>
      %dma_start3A_353 = tpu.memref_squeeze %dma_start3A_352 : memref<1x10240x64xf32, #tpu.memory_space<hbm>> -> memref<10240x64xf32, #tpu.memory_space<hbm>>
      %dma_start3A_354 = arith.constant 0 : i32
      %dma_start3A_355 = arith.constant 0 : i32
      %dma_start3A_356 = tpu.memref_slice %dma_start3A_353[%dma_start3A_354, %dma_start3A_355] : memref<10240x64xf32, #tpu.memory_space<hbm>> -> memref<10240x64xf32, #tpu.memory_space<hbm>>
      tpu.enqueue_indirect_dma source(%dma_start3A_356 : memref<10240x64xf32, #tpu.memory_space<hbm>>) target(%arg12 : memref<125x64xf32, #tpu.memory_space<vmem>>) offsets(%dma_start3A_349 : memref<125xi32, #tpu.memory_space<vmem>>) semaphore(%arg18 : memref<!tpu.dma_semaphore, #tpu.memory_space<semaphore_mem>>)
      %scan3A_357 = arith.constant 0 : i32
      scf.yield %scan3A_357 : i32
    }
    %scan3A_84 = arith.constant 32 : i32
    %dma_wait3A = arith.constant 0 : i32
    %dma_wait3A_85 = arith.constant 0 : i32
    %dma_wait3A_86 = tpu.memref_slice %arg6[%dma_wait3A, %dma_wait3A_85] : memref<160x125xi32, #tpu.memory_space<vmem>> -> memref<1x125xi32, #tpu.memory_space<vmem>>
    %dma_wait3A_87 = tpu.memref_squeeze %dma_wait3A_86 : memref<1x125xi32, #tpu.memory_space<vmem>> -> memref<125xi32, #tpu.memory_space<vmem>>
    %dma_wait3A_88 = arith.constant 0 : i32
    %dma_wait3A_89 = arith.constant 0 : i32
    %dma_wait3A_90 = tpu.memref_slice %arg2[%arg0, %dma_wait3A_88, %dma_wait3A_89] : memref<2x10240x64xf32, #tpu.memory_space<hbm>> -> memref<1x10240x64xf32, #tpu.memory_space<hbm>>
    %dma_wait3A_91 = tpu.memref_squeeze %dma_wait3A_90 : memref<1x10240x64xf32, #tpu.memory_space<hbm>> -> memref<10240x64xf32, #tpu.memory_space<hbm>>
    %dma_wait3A_92 = arith.constant 0 : i32
    %dma_wait3A_93 = arith.constant 0 : i32
    %dma_wait3A_94 = tpu.memref_slice %dma_wait3A_91[%dma_wait3A_92, %dma_wait3A_93] : memref<10240x64xf32, #tpu.memory_space<hbm>> -> memref<10240x64xf32, #tpu.memory_space<hbm>>
    tpu.wait_indirect_dma semaphore(%arg14 : memref<!tpu.dma_semaphore, #tpu.memory_space<semaphore_mem>>) src(%dma_wait3A_94 : memref<10240x64xf32, #tpu.memory_space<hbm>>) dst(%arg8 : memref<125x64xf32, #tpu.memory_space<vmem>>)
    %dma_wait3A_95 = arith.constant 0 : i32
    %dma_wait3A_96 = arith.constant 0 : i32
    %dma_wait3A_97 = tpu.memref_slice %arg6[%dma_wait3A_95, %dma_wait3A_96] : memref<160x125xi32, #tpu.memory_space<vmem>> -> memref<1x125xi32, #tpu.memory_space<vmem>>
    %dma_wait3A_98 = tpu.memref_squeeze %dma_wait3A_97 : memref<1x125xi32, #tpu.memory_space<vmem>> -> memref<125xi32, #tpu.memory_space<vmem>>
    %dma_wait3A_99 = arith.constant 0 : i32
    %dma_wait3A_100 = arith.constant 0 : i32
    %dma_wait3A_101 = tpu.memref_slice %arg2[%arg0, %dma_wait3A_99, %dma_wait3A_100] : memref<2x10240x64xf32, #tpu.memory_space<hbm>> -> memref<1x10240x64xf32, #tpu.memory_space<hbm>>
    %dma_wait3A_102 = tpu.memref_squeeze %dma_wait3A_101 : memref<1x10240x64xf32, #tpu.memory_space<hbm>> -> memref<10240x64xf32, #tpu.memory_space<hbm>>
    %dma_wait3A_103 = arith.constant 0 : i32
    %dma_wait3A_104 = arith.constant 0 : i32
    %dma_wait3A_105 = tpu.memref_slice %dma_wait3A_102[%dma_wait3A_103, %dma_wait3A_104] : memref<10240x64xf32, #tpu.memory_space<hbm>> -> memref<10240x64xf32, #tpu.memory_space<hbm>>
    tpu.wait_indirect_dma semaphore(%arg15 : memref<!tpu.dma_semaphore, #tpu.memory_space<semaphore_mem>>) src(%dma_wait3A_105 : memref<10240x64xf32, #tpu.memory_space<hbm>>) dst(%arg9 : memref<125x64xf32, #tpu.memory_space<vmem>>)
    %dma_wait3A_106 = arith.constant 0 : i32
    %dma_wait3A_107 = arith.constant 0 : i32
    %dma_wait3A_108 = tpu.memref_slice %arg6[%dma_wait3A_106, %dma_wait3A_107] : memref<160x125xi32, #tpu.memory_space<vmem>> -> memref<1x125xi32, #tpu.memory_space<vmem>>
    %dma_wait3A_109 = tpu.memref_squeeze %dma_wait3A_108 : memref<1x125xi32, #tpu.memory_space<vmem>> -> memref<125xi32, #tpu.memory_space<vmem>>
    %dma_wait3A_110 = arith.constant 0 : i32
    %dma_wait3A_111 = arith.constant 0 : i32
    %dma_wait3A_112 = tpu.memref_slice %arg2[%arg0, %dma_wait3A_110, %dma_wait3A_111] : memref<2x10240x64xf32, #tpu.memory_space<hbm>> -> memref<1x10240x64xf32, #tpu.memory_space<hbm>>
    %dma_wait3A_113 = tpu.memref_squeeze %dma_wait3A_112 : memref<1x10240x64xf32, #tpu.memory_space<hbm>> -> memref<10240x64xf32, #tpu.memory_space<hbm>>
    %dma_wait3A_114 = arith.constant 0 : i32
    %dma_wait3A_115 = arith.constant 0 : i32
    %dma_wait3A_116 = tpu.memref_slice %dma_wait3A_113[%dma_wait3A_114, %dma_wait3A_115] : memref<10240x64xf32, #tpu.memory_space<hbm>> -> memref<10240x64xf32, #tpu.memory_space<hbm>>
    tpu.wait_indirect_dma semaphore(%arg16 : memref<!tpu.dma_semaphore, #tpu.memory_space<semaphore_mem>>) src(%dma_wait3A_116 : memref<10240x64xf32, #tpu.memory_space<hbm>>) dst(%arg10 : memref<125x64xf32, #tpu.memory_space<vmem>>)
    %dma_wait3A_117 = arith.constant 0 : i32
    %dma_wait3A_118 = arith.constant 0 : i32
    %dma_wait3A_119 = tpu.memref_slice %arg6[%dma_wait3A_117, %dma_wait3A_118] : memref<160x125xi32, #tpu.memory_space<vmem>> -> memref<1x125xi32, #tpu.memory_space<vmem>>
    %dma_wait3A_120 = tpu.memref_squeeze %dma_wait3A_119 : memref<1x125xi32, #tpu.memory_space<vmem>> -> memref<125xi32, #tpu.memory_space<vmem>>
    %dma_wait3A_121 = arith.constant 0 : i32
    %dma_wait3A_122 = arith.constant 0 : i32
    %dma_wait3A_123 = tpu.memref_slice %arg2[%arg0, %dma_wait3A_121, %dma_wait3A_122] : memref<2x10240x64xf32, #tpu.memory_space<hbm>> -> memref<1x10240x64xf32, #tpu.memory_space<hbm>>
    %dma_wait3A_124 = tpu.memref_squeeze %dma_wait3A_123 : memref<1x10240x64xf32, #tpu.memory_space<hbm>> -> memref<10240x64xf32, #tpu.memory_space<hbm>>
    %dma_wait3A_125 = arith.constant 0 : i32
    %dma_wait3A_126 = arith.constant 0 : i32
    %dma_wait3A_127 = tpu.memref_slice %dma_wait3A_124[%dma_wait3A_125, %dma_wait3A_126] : memref<10240x64xf32, #tpu.memory_space<hbm>> -> memref<10240x64xf32, #tpu.memory_space<hbm>>
    tpu.wait_indirect_dma semaphore(%arg17 : memref<!tpu.dma_semaphore, #tpu.memory_space<semaphore_mem>>) src(%dma_wait3A_127 : memref<10240x64xf32, #tpu.memory_space<hbm>>) dst(%arg11 : memref<125x64xf32, #tpu.memory_space<vmem>>)
    %dma_wait3A_128 = arith.constant 0 : i32
    %dma_wait3A_129 = arith.constant 0 : i32
    %dma_wait3A_130 = tpu.memref_slice %arg6[%dma_wait3A_128, %dma_wait3A_129] : memref<160x125xi32, #tpu.memory_space<vmem>> -> memref<1x125xi32, #tpu.memory_space<vmem>>
    %dma_wait3A_131 = tpu.memref_squeeze %dma_wait3A_130 : memref<1x125xi32, #tpu.memory_space<vmem>> -> memref<125xi32, #tpu.memory_space<vmem>>
    %dma_wait3A_132 = arith.constant 0 : i32
    %dma_wait3A_133 = arith.constant 0 : i32
    %dma_wait3A_134 = tpu.memref_slice %arg2[%arg0, %dma_wait3A_132, %dma_wait3A_133] : memref<2x10240x64xf32, #tpu.memory_space<hbm>> -> memref<1x10240x64xf32, #tpu.memory_space<hbm>>
    %dma_wait3A_135 = tpu.memref_squeeze %dma_wait3A_134 : memref<1x10240x64xf32, #tpu.memory_space<hbm>> -> memref<10240x64xf32, #tpu.memory_space<hbm>>
    %dma_wait3A_136 = arith.constant 0 : i32
    %dma_wait3A_137 = arith.constant 0 : i32
    %dma_wait3A_138 = tpu.memref_slice %dma_wait3A_135[%dma_wait3A_136, %dma_wait3A_137] : memref<10240x64xf32, #tpu.memory_space<hbm>> -> memref<10240x64xf32, #tpu.memory_space<hbm>>
    tpu.wait_indirect_dma semaphore(%arg18 : memref<!tpu.dma_semaphore, #tpu.memory_space<semaphore_mem>>) src(%dma_wait3A_138 : memref<10240x64xf32, #tpu.memory_space<hbm>>) dst(%arg12 : memref<125x64xf32, #tpu.memory_space<vmem>>)
    %barrier3A_139 = arith.constant 0 : index
    tpu.barrier barrier_id(%barrier3A_139)
    %mul3A_140 = arith.constant 640 : i32
    %mul3A_141 = arith.muli %arg1, %mul3A_140 : i32
    %mul3A_142 = arith.constant 640 : i32
    %mul3A_143 = arith.muli %arg1, %mul3A_142 : i32
    "tpu.region"() ({
      %run_scoped3A = tpu.sem_alloc : memref<!tpu.dma_semaphore, #tpu.memory_space<semaphore_mem>>
      %dma_start3A_144 = arith.constant 0 : i32
      %dma_start3A_145 = arith.constant 0 : i32
      %dma_start3A_146 = tpu.memref_slice %arg5[%arg0, %dma_start3A_144, %dma_start3A_145] : memref<2x10240x64xf32, #tpu.memory_space<hbm>> -> memref<1x10240x64xf32, #tpu.memory_space<hbm>>
      %dma_start3A_147 = tpu.memref_squeeze %dma_start3A_146 : memref<1x10240x64xf32, #tpu.memory_space<hbm>> -> memref<10240x64xf32, #tpu.memory_space<hbm>>
      %dma_start3A_148 = arith.constant 0 : i32
      %dma_start3A_149 = tpu.memref_slice %dma_start3A_147[%mul3A_143, %dma_start3A_148] : memref<10240x64xf32, #tpu.memory_space<hbm>> -> memref<640x64xf32, #tpu.memory_space<hbm>>
      %dma_start3A_150 = arith.constant 0 : i32
      %dma_start3A_151 = tpu.memref_slice %arg13[%mul3A_141, %dma_start3A_150] : memref<10240x64xf32, #tpu.memory_space<vmem_shared>> -> memref<640x64xf32, #tpu.memory_space<vmem_shared>>
      tpu.enqueue_dma source(%dma_start3A_151 : memref<640x64xf32, #tpu.memory_space<vmem_shared>>) target(%dma_start3A_149 : memref<640x64xf32, #tpu.memory_space<hbm>>) target_semaphore(%run_scoped3A : memref<!tpu.dma_semaphore, #tpu.memory_space<semaphore_mem>>)
      %dma_wait3A_152 = arith.constant 0 : i32
      %dma_wait3A_153 = arith.constant 0 : i32
      %dma_wait3A_154 = tpu.memref_slice %arg5[%arg0, %dma_wait3A_152, %dma_wait3A_153] : memref<2x10240x64xf32, #tpu.memory_space<hbm>> -> memref<1x10240x64xf32, #tpu.memory_space<hbm>>
      %dma_wait3A_155 = tpu.memref_squeeze %dma_wait3A_154 : memref<1x10240x64xf32, #tpu.memory_space<hbm>> -> memref<10240x64xf32, #tpu.memory_space<hbm>>
      %dma_wait3A_156 = arith.constant 0 : i32
      %dma_wait3A_157 = tpu.memref_slice %dma_wait3A_155[%mul3A_143, %dma_wait3A_156] : memref<10240x64xf32, #tpu.memory_space<hbm>> -> memref<640x64xf32, #tpu.memory_space<hbm>>
      %dma_wait3A_158 = arith.constant 0 : i32
      %dma_wait3A_159 = tpu.memref_slice %arg13[%mul3A_141, %dma_wait3A_158] : memref<10240x64xf32, #tpu.memory_space<vmem_shared>> -> memref<640x64xf32, #tpu.memory_space<vmem_shared>>
      tpu.wait_dma2 semaphore(%run_scoped3A : memref<!tpu.dma_semaphore, #tpu.memory_space<semaphore_mem>>) src(%dma_wait3A_159 : memref<640x64xf32, #tpu.memory_space<vmem_shared>>) dst(%dma_wait3A_157 : memref<640x64xf32, #tpu.memory_space<hbm>>)
      tpu.yield
    }) : () -> ()
    return
  }
}

#map = affine_map<(d0, d1) -> (0, 0, 0)>
module attributes {stable_mosaic.version = 14 : i64} {
  func.func @_sc_agg_body(%arg0: i32, %arg1: i32, %arg2: memref<2x10240x64xf32, #tpu.memory_space<hbm>>, %arg3: memref<16x160x125xi32, #tpu.memory_space<hbm>>, %arg4: memref<16x160x125xi32, #tpu.memory_space<hbm>>, %arg5: memref<2x10240x64xf32, #tpu.memory_space<hbm>>, %arg6: memref<160x125xi32, #tpu.memory_space<vmem>>, %arg7: memref<160x125xi32, #tpu.memory_space<vmem>>, %arg8: memref<125x64xf32, #tpu.memory_space<vmem>>, %arg9: memref<125x64xf32, #tpu.memory_space<vmem>>, %arg10: memref<125x64xf32, #tpu.memory_space<vmem>>, %arg11: memref<125x64xf32, #tpu.memory_space<vmem>>, %arg12: memref<125x64xf32, #tpu.memory_space<vmem>>, %arg13: memref<10240x64xf32, #tpu.memory_space<vmem_shared>>, %arg14: memref<!tpu.dma_semaphore, #tpu.memory_space<semaphore_mem>>, %arg15: memref<!tpu.dma_semaphore, #tpu.memory_space<semaphore_mem>>, %arg16: memref<!tpu.dma_semaphore, #tpu.memory_space<semaphore_mem>>, %arg17: memref<!tpu.dma_semaphore, #tpu.memory_space<semaphore_mem>>, %arg18: memref<!tpu.dma_semaphore, #tpu.memory_space<semaphore_mem>>, %arg19: memref<!tpu.dma_semaphore, #tpu.memory_space<semaphore_mem>>, %arg20: memref<!tpu.dma_semaphore, #tpu.memory_space<semaphore_mem>>, %arg21: memref<!tpu.dma_semaphore, #tpu.memory_space<semaphore_mem>>, %arg22: memref<!tpu.dma_semaphore, #tpu.memory_space<semaphore_mem>>, %arg23: memref<!tpu.dma_semaphore, #tpu.memory_space<semaphore_mem>>) attributes {dimension_semantics = [#tpu.dimension_semantics<core_parallel>, #tpu.dimension_semantics<subcore_parallel>], iteration_bounds = array<i64: 2, 16>, scalar_prefetch = 0 : i64, scratch_operands = 18 : i64, tpu.core_type = #tpu.core_type<sc_vector_subcore>, window_params = [{transform_indices = #map}, {transform_indices = #map}, {transform_indices = #map}, {transform_indices = #map}]} {
    %scan3A = arith.constant 0 : i32
    %scan3A_0 = arith.constant 0 : i32
    %scan3A_1 = arith.constant 128 : i32
    %scan3A_2 = arith.addi %scan3A_0, %scan3A_1 : i32
    %scan3A_3 = arith.constant 1 : i32
    %scan3A_4 = scf.for %scan3A_144 = %scan3A_0 to %scan3A_2 step %scan3A_3 iter_args(%scan3A_145 = %scan3A) -> (i32)  : i32 {
      %broadcast_in_dim3A = arith.constant 0.000000e+00 : f32
      %broadcast_in_dim3A_146 = vector.broadcast %broadcast_in_dim3A : f32 to vector<16xf32>
      %swap3A = arith.index_cast %scan3A_144 : i32 to index
      %swap3A_147 = arith.constant 0 : index
      %swap3A_148 = tpu.vector_load %arg8[%swap3A, %swap3A_147] {strides = array<i32>} : memref<125x64xf32, #tpu.memory_space<vmem>>, vector<1x16xf32>,
      %swap3A_149 = vector.shape_cast %swap3A_148 : vector<1x16xf32> to vector<16xf32>
      %swap3A_150 = vector.shape_cast %broadcast_in_dim3A_146 : vector<16xf32> to vector<1x16xf32>
      tpu.vector_store %arg8[%swap3A, %swap3A_147], %swap3A_150 {strides = array<i32>} : memref<125x64xf32, #tpu.memory_space<vmem>>, vector<1x16xf32>,
      %broadcast_in_dim3A_151 = arith.constant 0.000000e+00 : f32
      %broadcast_in_dim3A_152 = vector.broadcast %broadcast_in_dim3A_151 : f32 to vector<16xf32>
      %swap3A_153 = arith.index_cast %scan3A_144 : i32 to index
      %swap3A_154 = arith.constant 16 : index
      %swap3A_155 = tpu.vector_load %arg8[%swap3A_153, %swap3A_154] {strides = array<i32>} : memref<125x64xf32, #tpu.memory_space<vmem>>, vector<1x16xf32>,
      %swap3A_156 = vector.shape_cast %swap3A_155 : vector<1x16xf32> to vector<16xf32>
      %swap3A_157 = vector.shape_cast %broadcast_in_dim3A_152 : vector<16xf32> to vector<1x16xf32>
      tpu.vector_store %arg8[%swap3A_153, %swap3A_154], %swap3A_157 {strides = array<i32>} : memref<125x64xf32, #tpu.memory_space<vmem>>, vector<1x16xf32>,
      %broadcast_in_dim3A_158 = arith.constant 0.000000e+00 : f32
      %broadcast_in_dim3A_159 = vector.broadcast %broadcast_in_dim3A_158 : f32 to vector<16xf32>
      %swap3A_160 = arith.index_cast %scan3A_144 : i32 to index
      %swap3A_161 = arith.constant 32 : index
      %swap3A_162 = tpu.vector_load %arg8[%swap3A_160, %swap3A_161] {strides = array<i32>} : memref<125x64xf32, #tpu.memory_space<vmem>>, vector<1x16xf32>,
      %swap3A_163 = vector.shape_cast %swap3A_162 : vector<1x16xf32> to vector<16xf32>
      %swap3A_164 = vector.shape_cast %broadcast_in_dim3A_159 : vector<16xf32> to vector<1x16xf32>
      tpu.vector_store %arg8[%swap3A_160, %swap3A_161], %swap3A_164 {strides = array<i32>} : memref<125x64xf32, #tpu.memory_space<vmem>>, vector<1x16xf32>,
      %broadcast_in_dim3A_165 = arith.constant 0.000000e+00 : f32
      %broadcast_in_dim3A_166 = vector.broadcast %broadcast_in_dim3A_165 : f32 to vector<16xf32>
      %swap3A_167 = arith.index_cast %scan3A_144 : i32 to index
      %swap3A_168 = arith.constant 48 : index
      %swap3A_169 = tpu.vector_load %arg8[%swap3A_167, %swap3A_168] {strides = array<i32>} : memref<125x64xf32, #tpu.memory_space<vmem>>, vector<1x16xf32>,
      %swap3A_170 = vector.shape_cast %swap3A_169 : vector<1x16xf32> to vector<16xf32>
      %swap3A_171 = vector.shape_cast %broadcast_in_dim3A_166 : vector<16xf32> to vector<1x16xf32>
      tpu.vector_store %arg8[%swap3A_167, %swap3A_168], %swap3A_171 {strides = array<i32>} : memref<125x64xf32, #tpu.memory_space<vmem>>, vector<1x16xf32>,
      %scan3A_172 = arith.constant 0 : i32
      scf.yield %scan3A_172 : i32
    }
    %scan3A_5 = arith.constant 128 : i32
    %mul3A = arith.constant 640 : i32
    %mul3A_6 = arith.muli %arg1, %mul3A : i32
    %add3A = arith.constant 0 : i32
    %add3A_7 = arith.addi %mul3A_6, %add3A : i32
    "tpu.region"() ({
      %run_scoped3A = tpu.sem_alloc : memref<!tpu.dma_semaphore, #tpu.memory_space<semaphore_mem>>
      %dma_start3A_144 = arith.constant 0 : i32
      %dma_start3A_145 = arith.constant 0 : i32
      %dma_start3A_146 = tpu.memref_slice %arg8[%dma_start3A_144, %dma_start3A_145] : memref<125x64xf32, #tpu.memory_space<vmem>> -> memref<128x64xf32, #tpu.memory_space<vmem>>
      %dma_start3A_147 = arith.constant 0 : i32
      %dma_start3A_148 = tpu.memref_slice %arg13[%add3A_7, %dma_start3A_147] : memref<10240x64xf32, #tpu.memory_space<vmem_shared>> -> memref<128x64xf32, #tpu.memory_space<vmem_shared>>
      %dma_start3A_149 = arith.constant 0 : i32
      %dma_start3A_150 = tpu.memref_slice %arg13[%add3A_7, %dma_start3A_149] : memref<10240x64xf32, #tpu.memory_space<vmem_shared>> -> memref<128x64xf32, #tpu.memory_space<vmem_shared>>
      %dma_start3A_151 = arith.constant 0 : i32
      %dma_start3A_152 = arith.constant 0 : i32
      %dma_start3A_153 = tpu.memref_slice %arg8[%dma_start3A_151, %dma_start3A_152] : memref<125x64xf32, #tpu.memory_space<vmem>> -> memref<128x64xf32, #tpu.memory_space<vmem>>
      tpu.enqueue_dma source(%dma_start3A_153 : memref<128x64xf32, #tpu.memory_space<vmem>>) target(%dma_start3A_150 : memref<128x64xf32, #tpu.memory_space<vmem_shared>>) target_semaphore(%run_scoped3A : memref<!tpu.dma_semaphore, #tpu.memory_space<semaphore_mem>>)
      %dma_wait3A_154 = arith.constant 0 : i32
      %dma_wait3A_155 = arith.constant 0 : i32
      %dma_wait3A_156 = tpu.memref_slice %arg8[%dma_wait3A_154, %dma_wait3A_155] : memref<125x64xf32, #tpu.memory_space<vmem>> -> memref<128x64xf32, #tpu.memory_space<vmem>>
      %dma_wait3A_157 = arith.constant 0 : i32
      %dma_wait3A_158 = tpu.memref_slice %arg13[%add3A_7, %dma_wait3A_157] : memref<10240x64xf32, #tpu.memory_space<vmem_shared>> -> memref<128x64xf32, #tpu.memory_space<vmem_shared>>
      %dma_wait3A_159 = arith.constant 0 : i32
      %dma_wait3A_160 = tpu.memref_slice %arg13[%add3A_7, %dma_wait3A_159] : memref<10240x64xf32, #tpu.memory_space<vmem_shared>> -> memref<128x64xf32, #tpu.memory_space<vmem_shared>>
      %dma_wait3A_161 = arith.constant 0 : i32
      %dma_wait3A_162 = arith.constant 0 : i32
      %dma_wait3A_163 = tpu.memref_slice %arg8[%dma_wait3A_161, %dma_wait3A_162] : memref<125x64xf32, #tpu.memory_space<vmem>> -> memref<128x64xf32, #tpu.memory_space<vmem>>
      tpu.wait_dma2 semaphore(%run_scoped3A : memref<!tpu.dma_semaphore, #tpu.memory_space<semaphore_mem>>) src(%dma_wait3A_163 : memref<128x64xf32, #tpu.memory_space<vmem>>) dst(%dma_wait3A_160 : memref<128x64xf32, #tpu.memory_space<vmem_shared>>)
      tpu.yield
    }) : () -> ()
    %mul3A_8 = arith.constant 640 : i32
    %mul3A_9 = arith.muli %arg1, %mul3A_8 : i32
    %add3A_10 = arith.constant 128 : i32
    %add3A_11 = arith.addi %mul3A_9, %add3A_10 : i32
    "tpu.region"() ({
      %run_scoped3A = tpu.sem_alloc : memref<!tpu.dma_semaphore, #tpu.memory_space<semaphore_mem>>
      %dma_start3A_144 = arith.constant 0 : i32
      %dma_start3A_145 = arith.constant 0 : i32
      %dma_start3A_146 = tpu.memref_slice %arg8[%dma_start3A_144, %dma_start3A_145] : memref<125x64xf32, #tpu.memory_space<vmem>> -> memref<128x64xf32, #tpu.memory_space<vmem>>
      %dma_start3A_147 = arith.constant 0 : i32
      %dma_start3A_148 = tpu.memref_slice %arg13[%add3A_11, %dma_start3A_147] : memref<10240x64xf32, #tpu.memory_space<vmem_shared>> -> memref<128x64xf32, #tpu.memory_space<vmem_shared>>
      %dma_start3A_149 = arith.constant 0 : i32
      %dma_start3A_150 = tpu.memref_slice %arg13[%add3A_11, %dma_start3A_149] : memref<10240x64xf32, #tpu.memory_space<vmem_shared>> -> memref<128x64xf32, #tpu.memory_space<vmem_shared>>
      %dma_start3A_151 = arith.constant 0 : i32
      %dma_start3A_152 = arith.constant 0 : i32
      %dma_start3A_153 = tpu.memref_slice %arg8[%dma_start3A_151, %dma_start3A_152] : memref<125x64xf32, #tpu.memory_space<vmem>> -> memref<128x64xf32, #tpu.memory_space<vmem>>
      tpu.enqueue_dma source(%dma_start3A_153 : memref<128x64xf32, #tpu.memory_space<vmem>>) target(%dma_start3A_150 : memref<128x64xf32, #tpu.memory_space<vmem_shared>>) target_semaphore(%run_scoped3A : memref<!tpu.dma_semaphore, #tpu.memory_space<semaphore_mem>>)
      %dma_wait3A_154 = arith.constant 0 : i32
      %dma_wait3A_155 = arith.constant 0 : i32
      %dma_wait3A_156 = tpu.memref_slice %arg8[%dma_wait3A_154, %dma_wait3A_155] : memref<125x64xf32, #tpu.memory_space<vmem>> -> memref<128x64xf32, #tpu.memory_space<vmem>>
      %dma_wait3A_157 = arith.constant 0 : i32
      %dma_wait3A_158 = tpu.memref_slice %arg13[%add3A_11, %dma_wait3A_157] : memref<10240x64xf32, #tpu.memory_space<vmem_shared>> -> memref<128x64xf32, #tpu.memory_space<vmem_shared>>
      %dma_wait3A_159 = arith.constant 0 : i32
      %dma_wait3A_160 = tpu.memref_slice %arg13[%add3A_11, %dma_wait3A_159] : memref<10240x64xf32, #tpu.memory_space<vmem_shared>> -> memref<128x64xf32, #tpu.memory_space<vmem_shared>>
      %dma_wait3A_161 = arith.constant 0 : i32
      %dma_wait3A_162 = arith.constant 0 : i32
      %dma_wait3A_163 = tpu.memref_slice %arg8[%dma_wait3A_161, %dma_wait3A_162] : memref<125x64xf32, #tpu.memory_space<vmem>> -> memref<128x64xf32, #tpu.memory_space<vmem>>
      tpu.wait_dma2 semaphore(%run_scoped3A : memref<!tpu.dma_semaphore, #tpu.memory_space<semaphore_mem>>) src(%dma_wait3A_163 : memref<128x64xf32, #tpu.memory_space<vmem>>) dst(%dma_wait3A_160 : memref<128x64xf32, #tpu.memory_space<vmem_shared>>)
      tpu.yield
    }) : () -> ()
    %mul3A_12 = arith.constant 640 : i32
    %mul3A_13 = arith.muli %arg1, %mul3A_12 : i32
    %add3A_14 = arith.constant 256 : i32
    %add3A_15 = arith.addi %mul3A_13, %add3A_14 : i32
    "tpu.region"() ({
      %run_scoped3A = tpu.sem_alloc : memref<!tpu.dma_semaphore, #tpu.memory_space<semaphore_mem>>
      %dma_start3A_144 = arith.constant 0 : i32
      %dma_start3A_145 = arith.constant 0 : i32
      %dma_start3A_146 = tpu.memref_slice %arg8[%dma_start3A_144, %dma_start3A_145] : memref<125x64xf32, #tpu.memory_space<vmem>> -> memref<128x64xf32, #tpu.memory_space<vmem>>
      %dma_start3A_147 = arith.constant 0 : i32
      %dma_start3A_148 = tpu.memref_slice %arg13[%add3A_15, %dma_start3A_147] : memref<10240x64xf32, #tpu.memory_space<vmem_shared>> -> memref<128x64xf32, #tpu.memory_space<vmem_shared>>
      %dma_start3A_149 = arith.constant 0 : i32
      %dma_start3A_150 = tpu.memref_slice %arg13[%add3A_15, %dma_start3A_149] : memref<10240x64xf32, #tpu.memory_space<vmem_shared>> -> memref<128x64xf32, #tpu.memory_space<vmem_shared>>
      %dma_start3A_151 = arith.constant 0 : i32
      %dma_start3A_152 = arith.constant 0 : i32
      %dma_start3A_153 = tpu.memref_slice %arg8[%dma_start3A_151, %dma_start3A_152] : memref<125x64xf32, #tpu.memory_space<vmem>> -> memref<128x64xf32, #tpu.memory_space<vmem>>
      tpu.enqueue_dma source(%dma_start3A_153 : memref<128x64xf32, #tpu.memory_space<vmem>>) target(%dma_start3A_150 : memref<128x64xf32, #tpu.memory_space<vmem_shared>>) target_semaphore(%run_scoped3A : memref<!tpu.dma_semaphore, #tpu.memory_space<semaphore_mem>>)
      %dma_wait3A_154 = arith.constant 0 : i32
      %dma_wait3A_155 = arith.constant 0 : i32
      %dma_wait3A_156 = tpu.memref_slice %arg8[%dma_wait3A_154, %dma_wait3A_155] : memref<125x64xf32, #tpu.memory_space<vmem>> -> memref<128x64xf32, #tpu.memory_space<vmem>>
      %dma_wait3A_157 = arith.constant 0 : i32
      %dma_wait3A_158 = tpu.memref_slice %arg13[%add3A_15, %dma_wait3A_157] : memref<10240x64xf32, #tpu.memory_space<vmem_shared>> -> memref<128x64xf32, #tpu.memory_space<vmem_shared>>
      %dma_wait3A_159 = arith.constant 0 : i32
      %dma_wait3A_160 = tpu.memref_slice %arg13[%add3A_15, %dma_wait3A_159] : memref<10240x64xf32, #tpu.memory_space<vmem_shared>> -> memref<128x64xf32, #tpu.memory_space<vmem_shared>>
      %dma_wait3A_161 = arith.constant 0 : i32
      %dma_wait3A_162 = arith.constant 0 : i32
      %dma_wait3A_163 = tpu.memref_slice %arg8[%dma_wait3A_161, %dma_wait3A_162] : memref<125x64xf32, #tpu.memory_space<vmem>> -> memref<128x64xf32, #tpu.memory_space<vmem>>
      tpu.wait_dma2 semaphore(%run_scoped3A : memref<!tpu.dma_semaphore, #tpu.memory_space<semaphore_mem>>) src(%dma_wait3A_163 : memref<128x64xf32, #tpu.memory_space<vmem>>) dst(%dma_wait3A_160 : memref<128x64xf32, #tpu.memory_space<vmem_shared>>)
      tpu.yield
    }) : () -> ()
    %mul3A_16 = arith.constant 640 : i32
    %mul3A_17 = arith.muli %arg1, %mul3A_16 : i32
    %add3A_18 = arith.constant 384 : i32
    %add3A_19 = arith.addi %mul3A_17, %add3A_18 : i32
    "tpu.region"() ({
      %run_scoped3A = tpu.sem_alloc : memref<!tpu.dma_semaphore, #tpu.memory_space<semaphore_mem>>
      %dma_start3A_144 = arith.constant 0 : i32
      %dma_start3A_145 = arith.constant 0 : i32
      %dma_start3A_146 = tpu.memref_slice %arg8[%dma_start3A_144, %dma_start3A_145] : memref<125x64xf32, #tpu.memory_space<vmem>> -> memref<128x64xf32, #tpu.memory_space<vmem>>
      %dma_start3A_147 = arith.constant 0 : i32
      %dma_start3A_148 = tpu.memref_slice %arg13[%add3A_19, %dma_start3A_147] : memref<10240x64xf32, #tpu.memory_space<vmem_shared>> -> memref<128x64xf32, #tpu.memory_space<vmem_shared>>
      %dma_start3A_149 = arith.constant 0 : i32
      %dma_start3A_150 = tpu.memref_slice %arg13[%add3A_19, %dma_start3A_149] : memref<10240x64xf32, #tpu.memory_space<vmem_shared>> -> memref<128x64xf32, #tpu.memory_space<vmem_shared>>
      %dma_start3A_151 = arith.constant 0 : i32
      %dma_start3A_152 = arith.constant 0 : i32
      %dma_start3A_153 = tpu.memref_slice %arg8[%dma_start3A_151, %dma_start3A_152] : memref<125x64xf32, #tpu.memory_space<vmem>> -> memref<128x64xf32, #tpu.memory_space<vmem>>
      tpu.enqueue_dma source(%dma_start3A_153 : memref<128x64xf32, #tpu.memory_space<vmem>>) target(%dma_start3A_150 : memref<128x64xf32, #tpu.memory_space<vmem_shared>>) target_semaphore(%run_scoped3A : memref<!tpu.dma_semaphore, #tpu.memory_space<semaphore_mem>>)
      %dma_wait3A_154 = arith.constant 0 : i32
      %dma_wait3A_155 = arith.constant 0 : i32
      %dma_wait3A_156 = tpu.memref_slice %arg8[%dma_wait3A_154, %dma_wait3A_155] : memref<125x64xf32, #tpu.memory_space<vmem>> -> memref<128x64xf32, #tpu.memory_space<vmem>>
      %dma_wait3A_157 = arith.constant 0 : i32
      %dma_wait3A_158 = tpu.memref_slice %arg13[%add3A_19, %dma_wait3A_157] : memref<10240x64xf32, #tpu.memory_space<vmem_shared>> -> memref<128x64xf32, #tpu.memory_space<vmem_shared>>
      %dma_wait3A_159 = arith.constant 0 : i32
      %dma_wait3A_160 = tpu.memref_slice %arg13[%add3A_19, %dma_wait3A_159] : memref<10240x64xf32, #tpu.memory_space<vmem_shared>> -> memref<128x64xf32, #tpu.memory_space<vmem_shared>>
      %dma_wait3A_161 = arith.constant 0 : i32
      %dma_wait3A_162 = arith.constant 0 : i32
      %dma_wait3A_163 = tpu.memref_slice %arg8[%dma_wait3A_161, %dma_wait3A_162] : memref<125x64xf32, #tpu.memory_space<vmem>> -> memref<128x64xf32, #tpu.memory_space<vmem>>
      tpu.wait_dma2 semaphore(%run_scoped3A : memref<!tpu.dma_semaphore, #tpu.memory_space<semaphore_mem>>) src(%dma_wait3A_163 : memref<128x64xf32, #tpu.memory_space<vmem>>) dst(%dma_wait3A_160 : memref<128x64xf32, #tpu.memory_space<vmem_shared>>)
      tpu.yield
    }) : () -> ()
    %mul3A_20 = arith.constant 640 : i32
    %mul3A_21 = arith.muli %arg1, %mul3A_20 : i32
    %add3A_22 = arith.constant 512 : i32
    %add3A_23 = arith.addi %mul3A_21, %add3A_22 : i32
    "tpu.region"() ({
      %run_scoped3A = tpu.sem_alloc : memref<!tpu.dma_semaphore, #tpu.memory_space<semaphore_mem>>
      %dma_start3A_144 = arith.constant 0 : i32
      %dma_start3A_145 = arith.constant 0 : i32
      %dma_start3A_146 = tpu.memref_slice %arg8[%dma_start3A_144, %dma_start3A_145] : memref<125x64xf32, #tpu.memory_space<vmem>> -> memref<128x64xf32, #tpu.memory_space<vmem>>
      %dma_start3A_147 = arith.constant 0 : i32
      %dma_start3A_148 = tpu.memref_slice %arg13[%add3A_23, %dma_start3A_147] : memref<10240x64xf32, #tpu.memory_space<vmem_shared>> -> memref<128x64xf32, #tpu.memory_space<vmem_shared>>
      %dma_start3A_149 = arith.constant 0 : i32
      %dma_start3A_150 = tpu.memref_slice %arg13[%add3A_23, %dma_start3A_149] : memref<10240x64xf32, #tpu.memory_space<vmem_shared>> -> memref<128x64xf32, #tpu.memory_space<vmem_shared>>
      %dma_start3A_151 = arith.constant 0 : i32
      %dma_start3A_152 = arith.constant 0 : i32
      %dma_start3A_153 = tpu.memref_slice %arg8[%dma_start3A_151, %dma_start3A_152] : memref<125x64xf32, #tpu.memory_space<vmem>> -> memref<128x64xf32, #tpu.memory_space<vmem>>
      tpu.enqueue_dma source(%dma_start3A_153 : memref<128x64xf32, #tpu.memory_space<vmem>>) target(%dma_start3A_150 : memref<128x64xf32, #tpu.memory_space<vmem_shared>>) target_semaphore(%run_scoped3A : memref<!tpu.dma_semaphore, #tpu.memory_space<semaphore_mem>>)
      %dma_wait3A_154 = arith.constant 0 : i32
      %dma_wait3A_155 = arith.constant 0 : i32
      %dma_wait3A_156 = tpu.memref_slice %arg8[%dma_wait3A_154, %dma_wait3A_155] : memref<125x64xf32, #tpu.memory_space<vmem>> -> memref<128x64xf32, #tpu.memory_space<vmem>>
      %dma_wait3A_157 = arith.constant 0 : i32
      %dma_wait3A_158 = tpu.memref_slice %arg13[%add3A_23, %dma_wait3A_157] : memref<10240x64xf32, #tpu.memory_space<vmem_shared>> -> memref<128x64xf32, #tpu.memory_space<vmem_shared>>
      %dma_wait3A_159 = arith.constant 0 : i32
      %dma_wait3A_160 = tpu.memref_slice %arg13[%add3A_23, %dma_wait3A_159] : memref<10240x64xf32, #tpu.memory_space<vmem_shared>> -> memref<128x64xf32, #tpu.memory_space<vmem_shared>>
      %dma_wait3A_161 = arith.constant 0 : i32
      %dma_wait3A_162 = arith.constant 0 : i32
      %dma_wait3A_163 = tpu.memref_slice %arg8[%dma_wait3A_161, %dma_wait3A_162] : memref<125x64xf32, #tpu.memory_space<vmem>> -> memref<128x64xf32, #tpu.memory_space<vmem>>
      tpu.wait_dma2 semaphore(%run_scoped3A : memref<!tpu.dma_semaphore, #tpu.memory_space<semaphore_mem>>) src(%dma_wait3A_163 : memref<128x64xf32, #tpu.memory_space<vmem>>) dst(%dma_wait3A_160 : memref<128x64xf32, #tpu.memory_space<vmem_shared>>)
      tpu.yield
    }) : () -> ()
    %barrier3A = arith.constant 0 : index
    tpu.barrier barrier_id(%barrier3A)
    "tpu.region"() ({
      %run_scoped3A = tpu.sem_alloc : memref<!tpu.dma_semaphore, #tpu.memory_space<semaphore_mem>>
      %dma_start3A_144 = arith.constant 0 : i32
      %dma_start3A_145 = arith.constant 0 : i32
      %dma_start3A_146 = tpu.memref_slice %arg3[%arg1, %dma_start3A_144, %dma_start3A_145] : memref<16x160x125xi32, #tpu.memory_space<hbm>> -> memref<1x160x125xi32, #tpu.memory_space<hbm>>
      %dma_start3A_147 = tpu.memref_squeeze %dma_start3A_146 : memref<1x160x125xi32, #tpu.memory_space<hbm>> -> memref<160x125xi32, #tpu.memory_space<hbm>>
      %dma_start3A_148 = arith.constant 0 : i32
      %dma_start3A_149 = arith.constant 0 : i32
      %dma_start3A_150 = tpu.memref_slice %dma_start3A_147[%dma_start3A_148, %dma_start3A_149] : memref<160x125xi32, #tpu.memory_space<hbm>> -> memref<160x125xi32, #tpu.memory_space<hbm>>
      %dma_start3A_151 = arith.constant 0 : i32
      %dma_start3A_152 = arith.constant 0 : i32
      %dma_start3A_153 = tpu.memref_slice %arg3[%arg1, %dma_start3A_151, %dma_start3A_152] : memref<16x160x125xi32, #tpu.memory_space<hbm>> -> memref<1x160x125xi32, #tpu.memory_space<hbm>>
      %dma_start3A_154 = tpu.memref_squeeze %dma_start3A_153 : memref<1x160x125xi32, #tpu.memory_space<hbm>> -> memref<160x125xi32, #tpu.memory_space<hbm>>
      %dma_start3A_155 = arith.constant 0 : i32
      %dma_start3A_156 = arith.constant 0 : i32
      %dma_start3A_157 = tpu.memref_slice %dma_start3A_154[%dma_start3A_155, %dma_start3A_156] : memref<160x125xi32, #tpu.memory_space<hbm>> -> memref<160x125xi32, #tpu.memory_space<hbm>>
      tpu.enqueue_dma source(%dma_start3A_157 : memref<160x125xi32, #tpu.memory_space<hbm>>) target(%arg6 : memref<160x125xi32, #tpu.memory_space<vmem>>) target_semaphore(%run_scoped3A : memref<!tpu.dma_semaphore, #tpu.memory_space<semaphore_mem>>)
      %dma_wait3A_158 = arith.constant 0 : i32
      %dma_wait3A_159 = arith.constant 0 : i32
      %dma_wait3A_160 = tpu.memref_slice %arg3[%arg1, %dma_wait3A_158, %dma_wait3A_159] : memref<16x160x125xi32, #tpu.memory_space<hbm>> -> memref<1x160x125xi32, #tpu.memory_space<hbm>>
      %dma_wait3A_161 = tpu.memref_squeeze %dma_wait3A_160 : memref<1x160x125xi32, #tpu.memory_space<hbm>> -> memref<160x125xi32, #tpu.memory_space<hbm>>
      %dma_wait3A_162 = arith.constant 0 : i32
      %dma_wait3A_163 = arith.constant 0 : i32
      %dma_wait3A_164 = tpu.memref_slice %dma_wait3A_161[%dma_wait3A_162, %dma_wait3A_163] : memref<160x125xi32, #tpu.memory_space<hbm>> -> memref<160x125xi32, #tpu.memory_space<hbm>>
      %dma_wait3A_165 = arith.constant 0 : i32
      %dma_wait3A_166 = arith.constant 0 : i32
      %dma_wait3A_167 = tpu.memref_slice %arg3[%arg1, %dma_wait3A_165, %dma_wait3A_166] : memref<16x160x125xi32, #tpu.memory_space<hbm>> -> memref<1x160x125xi32, #tpu.memory_space<hbm>>
      %dma_wait3A_168 = tpu.memref_squeeze %dma_wait3A_167 : memref<1x160x125xi32, #tpu.memory_space<hbm>> -> memref<160x125xi32, #tpu.memory_space<hbm>>
      %dma_wait3A_169 = arith.constant 0 : i32
      %dma_wait3A_170 = arith.constant 0 : i32
      %dma_wait3A_171 = tpu.memref_slice %dma_wait3A_168[%dma_wait3A_169, %dma_wait3A_170] : memref<160x125xi32, #tpu.memory_space<hbm>> -> memref<160x125xi32, #tpu.memory_space<hbm>>
      tpu.wait_dma2 semaphore(%run_scoped3A : memref<!tpu.dma_semaphore, #tpu.memory_space<semaphore_mem>>) src(%dma_wait3A_171 : memref<160x125xi32, #tpu.memory_space<hbm>>) dst(%arg6 : memref<160x125xi32, #tpu.memory_space<vmem>>)
      tpu.yield
    }) : () -> ()
    "tpu.region"() ({
      %run_scoped3A = tpu.sem_alloc : memref<!tpu.dma_semaphore, #tpu.memory_space<semaphore_mem>>
      %dma_start3A_144 = arith.constant 0 : i32
      %dma_start3A_145 = arith.constant 0 : i32
      %dma_start3A_146 = tpu.memref_slice %arg4[%arg1, %dma_start3A_144, %dma_start3A_145] : memref<16x160x125xi32, #tpu.memory_space<hbm>> -> memref<1x160x125xi32, #tpu.memory_space<hbm>>
      %dma_start3A_147 = tpu.memref_squeeze %dma_start3A_146 : memref<1x160x125xi32, #tpu.memory_space<hbm>> -> memref<160x125xi32, #tpu.memory_space<hbm>>
      %dma_start3A_148 = arith.constant 0 : i32
      %dma_start3A_149 = arith.constant 0 : i32
      %dma_start3A_150 = tpu.memref_slice %dma_start3A_147[%dma_start3A_148, %dma_start3A_149] : memref<160x125xi32, #tpu.memory_space<hbm>> -> memref<160x125xi32, #tpu.memory_space<hbm>>
      %dma_start3A_151 = arith.constant 0 : i32
      %dma_start3A_152 = arith.constant 0 : i32
      %dma_start3A_153 = tpu.memref_slice %arg4[%arg1, %dma_start3A_151, %dma_start3A_152] : memref<16x160x125xi32, #tpu.memory_space<hbm>> -> memref<1x160x125xi32, #tpu.memory_space<hbm>>
      %dma_start3A_154 = tpu.memref_squeeze %dma_start3A_153 : memref<1x160x125xi32, #tpu.memory_space<hbm>> -> memref<160x125xi32, #tpu.memory_space<hbm>>
      %dma_start3A_155 = arith.constant 0 : i32
      %dma_start3A_156 = arith.constant 0 : i32
      %dma_start3A_157 = tpu.memref_slice %dma_start3A_154[%dma_start3A_155, %dma_start3A_156] : memref<160x125xi32, #tpu.memory_space<hbm>> -> memref<160x125xi32, #tpu.memory_space<hbm>>
      tpu.enqueue_dma source(%dma_start3A_157 : memref<160x125xi32, #tpu.memory_space<hbm>>) target(%arg7 : memref<160x125xi32, #tpu.memory_space<vmem>>) target_semaphore(%run_scoped3A : memref<!tpu.dma_semaphore, #tpu.memory_space<semaphore_mem>>)
      %dma_wait3A_158 = arith.constant 0 : i32
      %dma_wait3A_159 = arith.constant 0 : i32
      %dma_wait3A_160 = tpu.memref_slice %arg4[%arg1, %dma_wait3A_158, %dma_wait3A_159] : memref<16x160x125xi32, #tpu.memory_space<hbm>> -> memref<1x160x125xi32, #tpu.memory_space<hbm>>
      %dma_wait3A_161 = tpu.memref_squeeze %dma_wait3A_160 : memref<1x160x125xi32, #tpu.memory_space<hbm>> -> memref<160x125xi32, #tpu.memory_space<hbm>>
      %dma_wait3A_162 = arith.constant 0 : i32
      %dma_wait3A_163 = arith.constant 0 : i32
      %dma_wait3A_164 = tpu.memref_slice %dma_wait3A_161[%dma_wait3A_162, %dma_wait3A_163] : memref<160x125xi32, #tpu.memory_space<hbm>> -> memref<160x125xi32, #tpu.memory_space<hbm>>
      %dma_wait3A_165 = arith.constant 0 : i32
      %dma_wait3A_166 = arith.constant 0 : i32
      %dma_wait3A_167 = tpu.memref_slice %arg4[%arg1, %dma_wait3A_165, %dma_wait3A_166] : memref<16x160x125xi32, #tpu.memory_space<hbm>> -> memref<1x160x125xi32, #tpu.memory_space<hbm>>
      %dma_wait3A_168 = tpu.memref_squeeze %dma_wait3A_167 : memref<1x160x125xi32, #tpu.memory_space<hbm>> -> memref<160x125xi32, #tpu.memory_space<hbm>>
      %dma_wait3A_169 = arith.constant 0 : i32
      %dma_wait3A_170 = arith.constant 0 : i32
      %dma_wait3A_171 = tpu.memref_slice %dma_wait3A_168[%dma_wait3A_169, %dma_wait3A_170] : memref<160x125xi32, #tpu.memory_space<hbm>> -> memref<160x125xi32, #tpu.memory_space<hbm>>
      tpu.wait_dma2 semaphore(%run_scoped3A : memref<!tpu.dma_semaphore, #tpu.memory_space<semaphore_mem>>) src(%dma_wait3A_171 : memref<160x125xi32, #tpu.memory_space<hbm>>) dst(%arg7 : memref<160x125xi32, #tpu.memory_space<vmem>>)
      tpu.yield
    }) : () -> ()
    %dma_start3A = arith.constant 0 : i32
    %dma_start3A_24 = arith.constant 0 : i32
    %dma_start3A_25 = tpu.memref_slice %arg6[%dma_start3A, %dma_start3A_24] : memref<160x125xi32, #tpu.memory_space<vmem>> -> memref<1x125xi32, #tpu.memory_space<vmem>>
    %dma_start3A_26 = tpu.memref_squeeze %dma_start3A_25 : memref<1x125xi32, #tpu.memory_space<vmem>> -> memref<125xi32, #tpu.memory_space<vmem>>
    %dma_start3A_27 = arith.constant 0 : i32
    %dma_start3A_28 = arith.constant 0 : i32
    %dma_start3A_29 = tpu.memref_slice %arg2[%arg0, %dma_start3A_27, %dma_start3A_28] : memref<2x10240x64xf32, #tpu.memory_space<hbm>> -> memref<1x10240x64xf32, #tpu.memory_space<hbm>>
    %dma_start3A_30 = tpu.memref_squeeze %dma_start3A_29 : memref<1x10240x64xf32, #tpu.memory_space<hbm>> -> memref<10240x64xf32, #tpu.memory_space<hbm>>
    %dma_start3A_31 = arith.constant 0 : i32
    %dma_start3A_32 = arith.constant 0 : i32
    %dma_start3A_33 = tpu.memref_slice %dma_start3A_30[%dma_start3A_31, %dma_start3A_32] : memref<10240x64xf32, #tpu.memory_space<hbm>> -> memref<10240x64xf32, #tpu.memory_space<hbm>>
    tpu.enqueue_indirect_dma source(%dma_start3A_33 : memref<10240x64xf32, #tpu.memory_space<hbm>>) target(%arg8 : memref<125x64xf32, #tpu.memory_space<vmem>>) offsets(%dma_start3A_26 : memref<125xi32, #tpu.memory_space<vmem>>) semaphore(%arg14 : memref<!tpu.dma_semaphore, #tpu.memory_space<semaphore_mem>>)
    %dma_start3A_34 = arith.constant 1 : i32
    %dma_start3A_35 = arith.constant 0 : i32
    %dma_start3A_36 = tpu.memref_slice %arg6[%dma_start3A_34, %dma_start3A_35] : memref<160x125xi32, #tpu.memory_space<vmem>> -> memref<1x125xi32, #tpu.memory_space<vmem>>
    %dma_start3A_37 = tpu.memref_squeeze %dma_start3A_36 : memref<1x125xi32, #tpu.memory_space<vmem>> -> memref<125xi32, #tpu.memory_space<vmem>>
    %dma_start3A_38 = arith.constant 0 : i32
    %dma_start3A_39 = arith.constant 0 : i32
    %dma_start3A_40 = tpu.memref_slice %arg2[%arg0, %dma_start3A_38, %dma_start3A_39] : memref<2x10240x64xf32, #tpu.memory_space<hbm>> -> memref<1x10240x64xf32, #tpu.memory_space<hbm>>
    %dma_start3A_41 = tpu.memref_squeeze %dma_start3A_40 : memref<1x10240x64xf32, #tpu.memory_space<hbm>> -> memref<10240x64xf32, #tpu.memory_space<hbm>>
    %dma_start3A_42 = arith.constant 0 : i32
    %dma_start3A_43 = arith.constant 0 : i32
    %dma_start3A_44 = tpu.memref_slice %dma_start3A_41[%dma_start3A_42, %dma_start3A_43] : memref<10240x64xf32, #tpu.memory_space<hbm>> -> memref<10240x64xf32, #tpu.memory_space<hbm>>
    tpu.enqueue_indirect_dma source(%dma_start3A_44 : memref<10240x64xf32, #tpu.memory_space<hbm>>) target(%arg9 : memref<125x64xf32, #tpu.memory_space<vmem>>) offsets(%dma_start3A_37 : memref<125xi32, #tpu.memory_space<vmem>>) semaphore(%arg15 : memref<!tpu.dma_semaphore, #tpu.memory_space<semaphore_mem>>)
    %dma_start3A_45 = arith.constant 2 : i32
    %dma_start3A_46 = arith.constant 0 : i32
    %dma_start3A_47 = tpu.memref_slice %arg6[%dma_start3A_45, %dma_start3A_46] : memref<160x125xi32, #tpu.memory_space<vmem>> -> memref<1x125xi32, #tpu.memory_space<vmem>>
    %dma_start3A_48 = tpu.memref_squeeze %dma_start3A_47 : memref<1x125xi32, #tpu.memory_space<vmem>> -> memref<125xi32, #tpu.memory_space<vmem>>
    %dma_start3A_49 = arith.constant 0 : i32
    %dma_start3A_50 = arith.constant 0 : i32
    %dma_start3A_51 = tpu.memref_slice %arg2[%arg0, %dma_start3A_49, %dma_start3A_50] : memref<2x10240x64xf32, #tpu.memory_space<hbm>> -> memref<1x10240x64xf32, #tpu.memory_space<hbm>>
    %dma_start3A_52 = tpu.memref_squeeze %dma_start3A_51 : memref<1x10240x64xf32, #tpu.memory_space<hbm>> -> memref<10240x64xf32, #tpu.memory_space<hbm>>
    %dma_start3A_53 = arith.constant 0 : i32
    %dma_start3A_54 = arith.constant 0 : i32
    %dma_start3A_55 = tpu.memref_slice %dma_start3A_52[%dma_start3A_53, %dma_start3A_54] : memref<10240x64xf32, #tpu.memory_space<hbm>> -> memref<10240x64xf32, #tpu.memory_space<hbm>>
    tpu.enqueue_indirect_dma source(%dma_start3A_55 : memref<10240x64xf32, #tpu.memory_space<hbm>>) target(%arg10 : memref<125x64xf32, #tpu.memory_space<vmem>>) offsets(%dma_start3A_48 : memref<125xi32, #tpu.memory_space<vmem>>) semaphore(%arg16 : memref<!tpu.dma_semaphore, #tpu.memory_space<semaphore_mem>>)
    %dma_start3A_56 = arith.constant 3 : i32
    %dma_start3A_57 = arith.constant 0 : i32
    %dma_start3A_58 = tpu.memref_slice %arg6[%dma_start3A_56, %dma_start3A_57] : memref<160x125xi32, #tpu.memory_space<vmem>> -> memref<1x125xi32, #tpu.memory_space<vmem>>
    %dma_start3A_59 = tpu.memref_squeeze %dma_start3A_58 : memref<1x125xi32, #tpu.memory_space<vmem>> -> memref<125xi32, #tpu.memory_space<vmem>>
    %dma_start3A_60 = arith.constant 0 : i32
    %dma_start3A_61 = arith.constant 0 : i32
    %dma_start3A_62 = tpu.memref_slice %arg2[%arg0, %dma_start3A_60, %dma_start3A_61] : memref<2x10240x64xf32, #tpu.memory_space<hbm>> -> memref<1x10240x64xf32, #tpu.memory_space<hbm>>
    %dma_start3A_63 = tpu.memref_squeeze %dma_start3A_62 : memref<1x10240x64xf32, #tpu.memory_space<hbm>> -> memref<10240x64xf32, #tpu.memory_space<hbm>>
    %dma_start3A_64 = arith.constant 0 : i32
    %dma_start3A_65 = arith.constant 0 : i32
    %dma_start3A_66 = tpu.memref_slice %dma_start3A_63[%dma_start3A_64, %dma_start3A_65] : memref<10240x64xf32, #tpu.memory_space<hbm>> -> memref<10240x64xf32, #tpu.memory_space<hbm>>
    tpu.enqueue_indirect_dma source(%dma_start3A_66 : memref<10240x64xf32, #tpu.memory_space<hbm>>) target(%arg11 : memref<125x64xf32, #tpu.memory_space<vmem>>) offsets(%dma_start3A_59 : memref<125xi32, #tpu.memory_space<vmem>>) semaphore(%arg17 : memref<!tpu.dma_semaphore, #tpu.memory_space<semaphore_mem>>)
    %dma_start3A_67 = arith.constant 4 : i32
    %dma_start3A_68 = arith.constant 0 : i32
    %dma_start3A_69 = tpu.memref_slice %arg6[%dma_start3A_67, %dma_start3A_68] : memref<160x125xi32, #tpu.memory_space<vmem>> -> memref<1x125xi32, #tpu.memory_space<vmem>>
    %dma_start3A_70 = tpu.memref_squeeze %dma_start3A_69 : memref<1x125xi32, #tpu.memory_space<vmem>> -> memref<125xi32, #tpu.memory_space<vmem>>
    %dma_start3A_71 = arith.constant 0 : i32
    %dma_start3A_72 = arith.constant 0 : i32
    %dma_start3A_73 = tpu.memref_slice %arg2[%arg0, %dma_start3A_71, %dma_start3A_72] : memref<2x10240x64xf32, #tpu.memory_space<hbm>> -> memref<1x10240x64xf32, #tpu.memory_space<hbm>>
    %dma_start3A_74 = tpu.memref_squeeze %dma_start3A_73 : memref<1x10240x64xf32, #tpu.memory_space<hbm>> -> memref<10240x64xf32, #tpu.memory_space<hbm>>
    %dma_start3A_75 = arith.constant 0 : i32
    %dma_start3A_76 = arith.constant 0 : i32
    %dma_start3A_77 = tpu.memref_slice %dma_start3A_74[%dma_start3A_75, %dma_start3A_76] : memref<10240x64xf32, #tpu.memory_space<hbm>> -> memref<10240x64xf32, #tpu.memory_space<hbm>>
    tpu.enqueue_indirect_dma source(%dma_start3A_77 : memref<10240x64xf32, #tpu.memory_space<hbm>>) target(%arg12 : memref<125x64xf32, #tpu.memory_space<vmem>>) offsets(%dma_start3A_70 : memref<125xi32, #tpu.memory_space<vmem>>) semaphore(%arg18 : memref<!tpu.dma_semaphore, #tpu.memory_space<semaphore_mem>>)
    %scan3A_78 = arith.constant 0 : i32
    %scan3A_79 = arith.constant 0 : i32
    %scan3A_80 = arith.constant 32 : i32
    %scan3A_81 = arith.addi %scan3A_79, %scan3A_80 : i32
    %scan3A_82 = arith.constant 1 : i32
    %scan3A_83 = scf.for %scan3A_144 = %scan3A_79 to %scan3A_81 step %scan3A_82 iter_args(%scan3A_145 = %scan3A_78) -> (i32)  : i32 {
      %mul3A_146 = arith.constant 5 : i32
      %mul3A_147 = arith.muli %scan3A_144, %mul3A_146 : i32
      %add3A_148 = arith.constant 0 : i32
      %add3A_149 = arith.addi %mul3A_147, %add3A_148 : i32
      %dma_wait3A_150 = arith.constant 0 : i32
      %dma_wait3A_151 = tpu.memref_slice %arg6[%add3A_149, %dma_wait3A_150] : memref<160x125xi32, #tpu.memory_space<vmem>> -> memref<1x125xi32, #tpu.memory_space<vmem>>
      %dma_wait3A_152 = tpu.memref_squeeze %dma_wait3A_151 : memref<1x125xi32, #tpu.memory_space<vmem>> -> memref<125xi32, #tpu.memory_space<vmem>>
      %dma_wait3A_153 = arith.constant 0 : i32
      %dma_wait3A_154 = arith.constant 0 : i32
      %dma_wait3A_155 = tpu.memref_slice %arg2[%arg0, %dma_wait3A_153, %dma_wait3A_154] : memref<2x10240x64xf32, #tpu.memory_space<hbm>> -> memref<1x10240x64xf32, #tpu.memory_space<hbm>>
      %dma_wait3A_156 = tpu.memref_squeeze %dma_wait3A_155 : memref<1x10240x64xf32, #tpu.memory_space<hbm>> -> memref<10240x64xf32, #tpu.memory_space<hbm>>
      %dma_wait3A_157 = arith.constant 0 : i32
      %dma_wait3A_158 = arith.constant 0 : i32
      %dma_wait3A_159 = tpu.memref_slice %dma_wait3A_156[%dma_wait3A_157, %dma_wait3A_158] : memref<10240x64xf32, #tpu.memory_space<hbm>> -> memref<10240x64xf32, #tpu.memory_space<hbm>>
      tpu.wait_indirect_dma semaphore(%arg14 : memref<!tpu.dma_semaphore, #tpu.memory_space<semaphore_mem>>) src(%dma_wait3A_159 : memref<10240x64xf32, #tpu.memory_space<hbm>>) dst(%arg8 : memref<125x64xf32, #tpu.memory_space<vmem>>)
      %dma_start3A_160 = arith.constant 0 : i32
      %dma_start3A_161 = tpu.memref_slice %arg7[%add3A_149, %dma_start3A_160] : memref<160x125xi32, #tpu.memory_space<vmem>> -> memref<1x125xi32, #tpu.memory_space<vmem>>
      %dma_start3A_162 = tpu.memref_squeeze %dma_start3A_161 : memref<1x125xi32, #tpu.memory_space<vmem>> -> memref<125xi32, #tpu.memory_space<vmem>>
      %dma_start3A_163 = arith.constant 0 : i32
      %dma_start3A_164 = arith.constant 0 : i32
      %dma_start3A_165 = tpu.memref_slice %arg13[%dma_start3A_163, %dma_start3A_164] : memref<10240x64xf32, #tpu.memory_space<vmem_shared>> -> memref<10240x64xf32, #tpu.memory_space<vmem_shared>>
      tpu.enqueue_indirect_dma source(%arg8 : memref<125x64xf32, #tpu.memory_space<vmem>>) target(%dma_start3A_165 : memref<10240x64xf32, #tpu.memory_space<vmem_shared>>) offsets(%dma_start3A_162 : memref<125xi32, #tpu.memory_space<vmem>>) semaphore(%arg19 : memref<!tpu.dma_semaphore, #tpu.memory_space<semaphore_mem>>) {add = true}
      %add3A_166 = arith.constant 1 : i32
      %add3A_167 = arith.addi %mul3A_147, %add3A_166 : i32
      %dma_wait3A_168 = arith.constant 0 : i32
      %dma_wait3A_169 = tpu.memref_slice %arg6[%add3A_167, %dma_wait3A_168] : memref<160x125xi32, #tpu.memory_space<vmem>> -> memref<1x125xi32, #tpu.memory_space<vmem>>
      %dma_wait3A_170 = tpu.memref_squeeze %dma_wait3A_169 : memref<1x125xi32, #tpu.memory_space<vmem>> -> memref<125xi32, #tpu.memory_space<vmem>>
      %dma_wait3A_171 = arith.constant 0 : i32
      %dma_wait3A_172 = arith.constant 0 : i32
      %dma_wait3A_173 = tpu.memref_slice %arg2[%arg0, %dma_wait3A_171, %dma_wait3A_172] : memref<2x10240x64xf32, #tpu.memory_space<hbm>> -> memref<1x10240x64xf32, #tpu.memory_space<hbm>>
      %dma_wait3A_174 = tpu.memref_squeeze %dma_wait3A_173 : memref<1x10240x64xf32, #tpu.memory_space<hbm>> -> memref<10240x64xf32, #tpu.memory_space<hbm>>
      %dma_wait3A_175 = arith.constant 0 : i32
      %dma_wait3A_176 = arith.constant 0 : i32
      %dma_wait3A_177 = tpu.memref_slice %dma_wait3A_174[%dma_wait3A_175, %dma_wait3A_176] : memref<10240x64xf32, #tpu.memory_space<hbm>> -> memref<10240x64xf32, #tpu.memory_space<hbm>>
      tpu.wait_indirect_dma semaphore(%arg15 : memref<!tpu.dma_semaphore, #tpu.memory_space<semaphore_mem>>) src(%dma_wait3A_177 : memref<10240x64xf32, #tpu.memory_space<hbm>>) dst(%arg9 : memref<125x64xf32, #tpu.memory_space<vmem>>)
      %dma_start3A_178 = arith.constant 0 : i32
      %dma_start3A_179 = tpu.memref_slice %arg7[%add3A_167, %dma_start3A_178] : memref<160x125xi32, #tpu.memory_space<vmem>> -> memref<1x125xi32, #tpu.memory_space<vmem>>
      %dma_start3A_180 = tpu.memref_squeeze %dma_start3A_179 : memref<1x125xi32, #tpu.memory_space<vmem>> -> memref<125xi32, #tpu.memory_space<vmem>>
      %dma_start3A_181 = arith.constant 0 : i32
      %dma_start3A_182 = arith.constant 0 : i32
      %dma_start3A_183 = tpu.memref_slice %arg13[%dma_start3A_181, %dma_start3A_182] : memref<10240x64xf32, #tpu.memory_space<vmem_shared>> -> memref<10240x64xf32, #tpu.memory_space<vmem_shared>>
      tpu.enqueue_indirect_dma source(%arg9 : memref<125x64xf32, #tpu.memory_space<vmem>>) target(%dma_start3A_183 : memref<10240x64xf32, #tpu.memory_space<vmem_shared>>) offsets(%dma_start3A_180 : memref<125xi32, #tpu.memory_space<vmem>>) semaphore(%arg20 : memref<!tpu.dma_semaphore, #tpu.memory_space<semaphore_mem>>) {add = true}
      %add3A_184 = arith.constant 2 : i32
      %add3A_185 = arith.addi %mul3A_147, %add3A_184 : i32
      %dma_wait3A_186 = arith.constant 0 : i32
      %dma_wait3A_187 = tpu.memref_slice %arg6[%add3A_185, %dma_wait3A_186] : memref<160x125xi32, #tpu.memory_space<vmem>> -> memref<1x125xi32, #tpu.memory_space<vmem>>
      %dma_wait3A_188 = tpu.memref_squeeze %dma_wait3A_187 : memref<1x125xi32, #tpu.memory_space<vmem>> -> memref<125xi32, #tpu.memory_space<vmem>>
      %dma_wait3A_189 = arith.constant 0 : i32
      %dma_wait3A_190 = arith.constant 0 : i32
      %dma_wait3A_191 = tpu.memref_slice %arg2[%arg0, %dma_wait3A_189, %dma_wait3A_190] : memref<2x10240x64xf32, #tpu.memory_space<hbm>> -> memref<1x10240x64xf32, #tpu.memory_space<hbm>>
      %dma_wait3A_192 = tpu.memref_squeeze %dma_wait3A_191 : memref<1x10240x64xf32, #tpu.memory_space<hbm>> -> memref<10240x64xf32, #tpu.memory_space<hbm>>
      %dma_wait3A_193 = arith.constant 0 : i32
      %dma_wait3A_194 = arith.constant 0 : i32
      %dma_wait3A_195 = tpu.memref_slice %dma_wait3A_192[%dma_wait3A_193, %dma_wait3A_194] : memref<10240x64xf32, #tpu.memory_space<hbm>> -> memref<10240x64xf32, #tpu.memory_space<hbm>>
      tpu.wait_indirect_dma semaphore(%arg16 : memref<!tpu.dma_semaphore, #tpu.memory_space<semaphore_mem>>) src(%dma_wait3A_195 : memref<10240x64xf32, #tpu.memory_space<hbm>>) dst(%arg10 : memref<125x64xf32, #tpu.memory_space<vmem>>)
      %dma_start3A_196 = arith.constant 0 : i32
      %dma_start3A_197 = tpu.memref_slice %arg7[%add3A_185, %dma_start3A_196] : memref<160x125xi32, #tpu.memory_space<vmem>> -> memref<1x125xi32, #tpu.memory_space<vmem>>
      %dma_start3A_198 = tpu.memref_squeeze %dma_start3A_197 : memref<1x125xi32, #tpu.memory_space<vmem>> -> memref<125xi32, #tpu.memory_space<vmem>>
      %dma_start3A_199 = arith.constant 0 : i32
      %dma_start3A_200 = arith.constant 0 : i32
      %dma_start3A_201 = tpu.memref_slice %arg13[%dma_start3A_199, %dma_start3A_200] : memref<10240x64xf32, #tpu.memory_space<vmem_shared>> -> memref<10240x64xf32, #tpu.memory_space<vmem_shared>>
      tpu.enqueue_indirect_dma source(%arg10 : memref<125x64xf32, #tpu.memory_space<vmem>>) target(%dma_start3A_201 : memref<10240x64xf32, #tpu.memory_space<vmem_shared>>) offsets(%dma_start3A_198 : memref<125xi32, #tpu.memory_space<vmem>>) semaphore(%arg21 : memref<!tpu.dma_semaphore, #tpu.memory_space<semaphore_mem>>) {add = true}
      %add3A_202 = arith.constant 3 : i32
      %add3A_203 = arith.addi %mul3A_147, %add3A_202 : i32
      %dma_wait3A_204 = arith.constant 0 : i32
      %dma_wait3A_205 = tpu.memref_slice %arg6[%add3A_203, %dma_wait3A_204] : memref<160x125xi32, #tpu.memory_space<vmem>> -> memref<1x125xi32, #tpu.memory_space<vmem>>
      %dma_wait3A_206 = tpu.memref_squeeze %dma_wait3A_205 : memref<1x125xi32, #tpu.memory_space<vmem>> -> memref<125xi32, #tpu.memory_space<vmem>>
      %dma_wait3A_207 = arith.constant 0 : i32
      %dma_wait3A_208 = arith.constant 0 : i32
      %dma_wait3A_209 = tpu.memref_slice %arg2[%arg0, %dma_wait3A_207, %dma_wait3A_208] : memref<2x10240x64xf32, #tpu.memory_space<hbm>> -> memref<1x10240x64xf32, #tpu.memory_space<hbm>>
      %dma_wait3A_210 = tpu.memref_squeeze %dma_wait3A_209 : memref<1x10240x64xf32, #tpu.memory_space<hbm>> -> memref<10240x64xf32, #tpu.memory_space<hbm>>
      %dma_wait3A_211 = arith.constant 0 : i32
      %dma_wait3A_212 = arith.constant 0 : i32
      %dma_wait3A_213 = tpu.memref_slice %dma_wait3A_210[%dma_wait3A_211, %dma_wait3A_212] : memref<10240x64xf32, #tpu.memory_space<hbm>> -> memref<10240x64xf32, #tpu.memory_space<hbm>>
      tpu.wait_indirect_dma semaphore(%arg17 : memref<!tpu.dma_semaphore, #tpu.memory_space<semaphore_mem>>) src(%dma_wait3A_213 : memref<10240x64xf32, #tpu.memory_space<hbm>>) dst(%arg11 : memref<125x64xf32, #tpu.memory_space<vmem>>)
      %dma_start3A_214 = arith.constant 0 : i32
      %dma_start3A_215 = tpu.memref_slice %arg7[%add3A_203, %dma_start3A_214] : memref<160x125xi32, #tpu.memory_space<vmem>> -> memref<1x125xi32, #tpu.memory_space<vmem>>
      %dma_start3A_216 = tpu.memref_squeeze %dma_start3A_215 : memref<1x125xi32, #tpu.memory_space<vmem>> -> memref<125xi32, #tpu.memory_space<vmem>>
      %dma_start3A_217 = arith.constant 0 : i32
      %dma_start3A_218 = arith.constant 0 : i32
      %dma_start3A_219 = tpu.memref_slice %arg13[%dma_start3A_217, %dma_start3A_218] : memref<10240x64xf32, #tpu.memory_space<vmem_shared>> -> memref<10240x64xf32, #tpu.memory_space<vmem_shared>>
      tpu.enqueue_indirect_dma source(%arg11 : memref<125x64xf32, #tpu.memory_space<vmem>>) target(%dma_start3A_219 : memref<10240x64xf32, #tpu.memory_space<vmem_shared>>) offsets(%dma_start3A_216 : memref<125xi32, #tpu.memory_space<vmem>>) semaphore(%arg22 : memref<!tpu.dma_semaphore, #tpu.memory_space<semaphore_mem>>) {add = true}
      %add3A_220 = arith.constant 4 : i32
      %add3A_221 = arith.addi %mul3A_147, %add3A_220 : i32
      %dma_wait3A_222 = arith.constant 0 : i32
      %dma_wait3A_223 = tpu.memref_slice %arg6[%add3A_221, %dma_wait3A_222] : memref<160x125xi32, #tpu.memory_space<vmem>> -> memref<1x125xi32, #tpu.memory_space<vmem>>
      %dma_wait3A_224 = tpu.memref_squeeze %dma_wait3A_223 : memref<1x125xi32, #tpu.memory_space<vmem>> -> memref<125xi32, #tpu.memory_space<vmem>>
      %dma_wait3A_225 = arith.constant 0 : i32
      %dma_wait3A_226 = arith.constant 0 : i32
      %dma_wait3A_227 = tpu.memref_slice %arg2[%arg0, %dma_wait3A_225, %dma_wait3A_226] : memref<2x10240x64xf32, #tpu.memory_space<hbm>> -> memref<1x10240x64xf32, #tpu.memory_space<hbm>>
      %dma_wait3A_228 = tpu.memref_squeeze %dma_wait3A_227 : memref<1x10240x64xf32, #tpu.memory_space<hbm>> -> memref<10240x64xf32, #tpu.memory_space<hbm>>
      %dma_wait3A_229 = arith.constant 0 : i32
      %dma_wait3A_230 = arith.constant 0 : i32
      %dma_wait3A_231 = tpu.memref_slice %dma_wait3A_228[%dma_wait3A_229, %dma_wait3A_230] : memref<10240x64xf32, #tpu.memory_space<hbm>> -> memref<10240x64xf32, #tpu.memory_space<hbm>>
      tpu.wait_indirect_dma semaphore(%arg18 : memref<!tpu.dma_semaphore, #tpu.memory_space<semaphore_mem>>) src(%dma_wait3A_231 : memref<10240x64xf32, #tpu.memory_space<hbm>>) dst(%arg12 : memref<125x64xf32, #tpu.memory_space<vmem>>)
      %dma_start3A_232 = arith.constant 0 : i32
      %dma_start3A_233 = tpu.memref_slice %arg7[%add3A_221, %dma_start3A_232] : memref<160x125xi32, #tpu.memory_space<vmem>> -> memref<1x125xi32, #tpu.memory_space<vmem>>
      %dma_start3A_234 = tpu.memref_squeeze %dma_start3A_233 : memref<1x125xi32, #tpu.memory_space<vmem>> -> memref<125xi32, #tpu.memory_space<vmem>>
      %dma_start3A_235 = arith.constant 0 : i32
      %dma_start3A_236 = arith.constant 0 : i32
      %dma_start3A_237 = tpu.memref_slice %arg13[%dma_start3A_235, %dma_start3A_236] : memref<10240x64xf32, #tpu.memory_space<vmem_shared>> -> memref<10240x64xf32, #tpu.memory_space<vmem_shared>>
      tpu.enqueue_indirect_dma source(%arg12 : memref<125x64xf32, #tpu.memory_space<vmem>>) target(%dma_start3A_237 : memref<10240x64xf32, #tpu.memory_space<vmem_shared>>) offsets(%dma_start3A_234 : memref<125xi32, #tpu.memory_space<vmem>>) semaphore(%arg23 : memref<!tpu.dma_semaphore, #tpu.memory_space<semaphore_mem>>) {add = true}
      %add3A_238 = arith.constant 0 : i32
      %add3A_239 = arith.addi %mul3A_147, %add3A_238 : i32
      %add3A_240 = arith.constant 5 : i32
      %add3A_241 = arith.addi %add3A_239, %add3A_240 : i32
      %min3A = arith.constant 159 : i32
      %min3A_242 = arith.minsi %add3A_241, %min3A : i32
      %add3A_243 = arith.constant 0 : i32
      %add3A_244 = arith.addi %mul3A_147, %add3A_243 : i32
      %dma_wait3A_245 = arith.constant 0 : i32
      %dma_wait3A_246 = tpu.memref_slice %arg7[%add3A_244, %dma_wait3A_245] : memref<160x125xi32, #tpu.memory_space<vmem>> -> memref<1x125xi32, #tpu.memory_space<vmem>>
      %dma_wait3A_247 = tpu.memref_squeeze %dma_wait3A_246 : memref<1x125xi32, #tpu.memory_space<vmem>> -> memref<125xi32, #tpu.memory_space<vmem>>
      %dma_wait3A_248 = arith.constant 0 : i32
      %dma_wait3A_249 = arith.constant 0 : i32
      %dma_wait3A_250 = tpu.memref_slice %arg13[%dma_wait3A_248, %dma_wait3A_249] : memref<10240x64xf32, #tpu.memory_space<vmem_shared>> -> memref<10240x64xf32, #tpu.memory_space<vmem_shared>>
      tpu.wait_indirect_dma semaphore(%arg19 : memref<!tpu.dma_semaphore, #tpu.memory_space<semaphore_mem>>) src(%arg8 : memref<125x64xf32, #tpu.memory_space<vmem>>) dst(%dma_wait3A_250 : memref<10240x64xf32, #tpu.memory_space<vmem_shared>>)
      %dma_start3A_251 = arith.constant 0 : i32
      %dma_start3A_252 = tpu.memref_slice %arg6[%min3A_242, %dma_start3A_251] : memref<160x125xi32, #tpu.memory_space<vmem>> -> memref<1x125xi32, #tpu.memory_space<vmem>>
      %dma_start3A_253 = tpu.memref_squeeze %dma_start3A_252 : memref<1x125xi32, #tpu.memory_space<vmem>> -> memref<125xi32, #tpu.memory_space<vmem>>
      %dma_start3A_254 = arith.constant 0 : i32
      %dma_start3A_255 = arith.constant 0 : i32
      %dma_start3A_256 = tpu.memref_slice %arg2[%arg0, %dma_start3A_254, %dma_start3A_255] : memref<2x10240x64xf32, #tpu.memory_space<hbm>> -> memref<1x10240x64xf32, #tpu.memory_space<hbm>>
      %dma_start3A_257 = tpu.memref_squeeze %dma_start3A_256 : memref<1x10240x64xf32, #tpu.memory_space<hbm>> -> memref<10240x64xf32, #tpu.memory_space<hbm>>
      %dma_start3A_258 = arith.constant 0 : i32
      %dma_start3A_259 = arith.constant 0 : i32
      %dma_start3A_260 = tpu.memref_slice %dma_start3A_257[%dma_start3A_258, %dma_start3A_259] : memref<10240x64xf32, #tpu.memory_space<hbm>> -> memref<10240x64xf32, #tpu.memory_space<hbm>>
      tpu.enqueue_indirect_dma source(%dma_start3A_260 : memref<10240x64xf32, #tpu.memory_space<hbm>>) target(%arg8 : memref<125x64xf32, #tpu.memory_space<vmem>>) offsets(%dma_start3A_253 : memref<125xi32, #tpu.memory_space<vmem>>) semaphore(%arg14 : memref<!tpu.dma_semaphore, #tpu.memory_space<semaphore_mem>>)
      %add3A_261 = arith.constant 1 : i32
      %add3A_262 = arith.addi %mul3A_147, %add3A_261 : i32
      %add3A_263 = arith.constant 5 : i32
      %add3A_264 = arith.addi %add3A_262, %add3A_263 : i32
      %min3A_265 = arith.constant 159 : i32
      %min3A_266 = arith.minsi %add3A_264, %min3A_265 : i32
      %add3A_267 = arith.constant 1 : i32
      %add3A_268 = arith.addi %mul3A_147, %add3A_267 : i32
      %dma_wait3A_269 = arith.constant 0 : i32
      %dma_wait3A_270 = tpu.memref_slice %arg7[%add3A_268, %dma_wait3A_269] : memref<160x125xi32, #tpu.memory_space<vmem>> -> memref<1x125xi32, #tpu.memory_space<vmem>>
      %dma_wait3A_271 = tpu.memref_squeeze %dma_wait3A_270 : memref<1x125xi32, #tpu.memory_space<vmem>> -> memref<125xi32, #tpu.memory_space<vmem>>
      %dma_wait3A_272 = arith.constant 0 : i32
      %dma_wait3A_273 = arith.constant 0 : i32
      %dma_wait3A_274 = tpu.memref_slice %arg13[%dma_wait3A_272, %dma_wait3A_273] : memref<10240x64xf32, #tpu.memory_space<vmem_shared>> -> memref<10240x64xf32, #tpu.memory_space<vmem_shared>>
      tpu.wait_indirect_dma semaphore(%arg20 : memref<!tpu.dma_semaphore, #tpu.memory_space<semaphore_mem>>) src(%arg9 : memref<125x64xf32, #tpu.memory_space<vmem>>) dst(%dma_wait3A_274 : memref<10240x64xf32, #tpu.memory_space<vmem_shared>>)
      %dma_start3A_275 = arith.constant 0 : i32
      %dma_start3A_276 = tpu.memref_slice %arg6[%min3A_266, %dma_start3A_275] : memref<160x125xi32, #tpu.memory_space<vmem>> -> memref<1x125xi32, #tpu.memory_space<vmem>>
      %dma_start3A_277 = tpu.memref_squeeze %dma_start3A_276 : memref<1x125xi32, #tpu.memory_space<vmem>> -> memref<125xi32, #tpu.memory_space<vmem>>
      %dma_start3A_278 = arith.constant 0 : i32
      %dma_start3A_279 = arith.constant 0 : i32
      %dma_start3A_280 = tpu.memref_slice %arg2[%arg0, %dma_start3A_278, %dma_start3A_279] : memref<2x10240x64xf32, #tpu.memory_space<hbm>> -> memref<1x10240x64xf32, #tpu.memory_space<hbm>>
      %dma_start3A_281 = tpu.memref_squeeze %dma_start3A_280 : memref<1x10240x64xf32, #tpu.memory_space<hbm>> -> memref<10240x64xf32, #tpu.memory_space<hbm>>
      %dma_start3A_282 = arith.constant 0 : i32
      %dma_start3A_283 = arith.constant 0 : i32
      %dma_start3A_284 = tpu.memref_slice %dma_start3A_281[%dma_start3A_282, %dma_start3A_283] : memref<10240x64xf32, #tpu.memory_space<hbm>> -> memref<10240x64xf32, #tpu.memory_space<hbm>>
      tpu.enqueue_indirect_dma source(%dma_start3A_284 : memref<10240x64xf32, #tpu.memory_space<hbm>>) target(%arg9 : memref<125x64xf32, #tpu.memory_space<vmem>>) offsets(%dma_start3A_277 : memref<125xi32, #tpu.memory_space<vmem>>) semaphore(%arg15 : memref<!tpu.dma_semaphore, #tpu.memory_space<semaphore_mem>>)
      %add3A_285 = arith.constant 2 : i32
      %add3A_286 = arith.addi %mul3A_147, %add3A_285 : i32
      %add3A_287 = arith.constant 5 : i32
      %add3A_288 = arith.addi %add3A_286, %add3A_287 : i32
      %min3A_289 = arith.constant 159 : i32
      %min3A_290 = arith.minsi %add3A_288, %min3A_289 : i32
      %add3A_291 = arith.constant 2 : i32
      %add3A_292 = arith.addi %mul3A_147, %add3A_291 : i32
      %dma_wait3A_293 = arith.constant 0 : i32
      %dma_wait3A_294 = tpu.memref_slice %arg7[%add3A_292, %dma_wait3A_293] : memref<160x125xi32, #tpu.memory_space<vmem>> -> memref<1x125xi32, #tpu.memory_space<vmem>>
      %dma_wait3A_295 = tpu.memref_squeeze %dma_wait3A_294 : memref<1x125xi32, #tpu.memory_space<vmem>> -> memref<125xi32, #tpu.memory_space<vmem>>
      %dma_wait3A_296 = arith.constant 0 : i32
      %dma_wait3A_297 = arith.constant 0 : i32
      %dma_wait3A_298 = tpu.memref_slice %arg13[%dma_wait3A_296, %dma_wait3A_297] : memref<10240x64xf32, #tpu.memory_space<vmem_shared>> -> memref<10240x64xf32, #tpu.memory_space<vmem_shared>>
      tpu.wait_indirect_dma semaphore(%arg21 : memref<!tpu.dma_semaphore, #tpu.memory_space<semaphore_mem>>) src(%arg10 : memref<125x64xf32, #tpu.memory_space<vmem>>) dst(%dma_wait3A_298 : memref<10240x64xf32, #tpu.memory_space<vmem_shared>>)
      %dma_start3A_299 = arith.constant 0 : i32
      %dma_start3A_300 = tpu.memref_slice %arg6[%min3A_290, %dma_start3A_299] : memref<160x125xi32, #tpu.memory_space<vmem>> -> memref<1x125xi32, #tpu.memory_space<vmem>>
      %dma_start3A_301 = tpu.memref_squeeze %dma_start3A_300 : memref<1x125xi32, #tpu.memory_space<vmem>> -> memref<125xi32, #tpu.memory_space<vmem>>
      %dma_start3A_302 = arith.constant 0 : i32
      %dma_start3A_303 = arith.constant 0 : i32
      %dma_start3A_304 = tpu.memref_slice %arg2[%arg0, %dma_start3A_302, %dma_start3A_303] : memref<2x10240x64xf32, #tpu.memory_space<hbm>> -> memref<1x10240x64xf32, #tpu.memory_space<hbm>>
      %dma_start3A_305 = tpu.memref_squeeze %dma_start3A_304 : memref<1x10240x64xf32, #tpu.memory_space<hbm>> -> memref<10240x64xf32, #tpu.memory_space<hbm>>
      %dma_start3A_306 = arith.constant 0 : i32
      %dma_start3A_307 = arith.constant 0 : i32
      %dma_start3A_308 = tpu.memref_slice %dma_start3A_305[%dma_start3A_306, %dma_start3A_307] : memref<10240x64xf32, #tpu.memory_space<hbm>> -> memref<10240x64xf32, #tpu.memory_space<hbm>>
      tpu.enqueue_indirect_dma source(%dma_start3A_308 : memref<10240x64xf32, #tpu.memory_space<hbm>>) target(%arg10 : memref<125x64xf32, #tpu.memory_space<vmem>>) offsets(%dma_start3A_301 : memref<125xi32, #tpu.memory_space<vmem>>) semaphore(%arg16 : memref<!tpu.dma_semaphore, #tpu.memory_space<semaphore_mem>>)
      %add3A_309 = arith.constant 3 : i32
      %add3A_310 = arith.addi %mul3A_147, %add3A_309 : i32
      %add3A_311 = arith.constant 5 : i32
      %add3A_312 = arith.addi %add3A_310, %add3A_311 : i32
      %min3A_313 = arith.constant 159 : i32
      %min3A_314 = arith.minsi %add3A_312, %min3A_313 : i32
      %add3A_315 = arith.constant 3 : i32
      %add3A_316 = arith.addi %mul3A_147, %add3A_315 : i32
      %dma_wait3A_317 = arith.constant 0 : i32
      %dma_wait3A_318 = tpu.memref_slice %arg7[%add3A_316, %dma_wait3A_317] : memref<160x125xi32, #tpu.memory_space<vmem>> -> memref<1x125xi32, #tpu.memory_space<vmem>>
      %dma_wait3A_319 = tpu.memref_squeeze %dma_wait3A_318 : memref<1x125xi32, #tpu.memory_space<vmem>> -> memref<125xi32, #tpu.memory_space<vmem>>
      %dma_wait3A_320 = arith.constant 0 : i32
      %dma_wait3A_321 = arith.constant 0 : i32
      %dma_wait3A_322 = tpu.memref_slice %arg13[%dma_wait3A_320, %dma_wait3A_321] : memref<10240x64xf32, #tpu.memory_space<vmem_shared>> -> memref<10240x64xf32, #tpu.memory_space<vmem_shared>>
      tpu.wait_indirect_dma semaphore(%arg22 : memref<!tpu.dma_semaphore, #tpu.memory_space<semaphore_mem>>) src(%arg11 : memref<125x64xf32, #tpu.memory_space<vmem>>) dst(%dma_wait3A_322 : memref<10240x64xf32, #tpu.memory_space<vmem_shared>>)
      %dma_start3A_323 = arith.constant 0 : i32
      %dma_start3A_324 = tpu.memref_slice %arg6[%min3A_314, %dma_start3A_323] : memref<160x125xi32, #tpu.memory_space<vmem>> -> memref<1x125xi32, #tpu.memory_space<vmem>>
      %dma_start3A_325 = tpu.memref_squeeze %dma_start3A_324 : memref<1x125xi32, #tpu.memory_space<vmem>> -> memref<125xi32, #tpu.memory_space<vmem>>
      %dma_start3A_326 = arith.constant 0 : i32
      %dma_start3A_327 = arith.constant 0 : i32
      %dma_start3A_328 = tpu.memref_slice %arg2[%arg0, %dma_start3A_326, %dma_start3A_327] : memref<2x10240x64xf32, #tpu.memory_space<hbm>> -> memref<1x10240x64xf32, #tpu.memory_space<hbm>>
      %dma_start3A_329 = tpu.memref_squeeze %dma_start3A_328 : memref<1x10240x64xf32, #tpu.memory_space<hbm>> -> memref<10240x64xf32, #tpu.memory_space<hbm>>
      %dma_start3A_330 = arith.constant 0 : i32
      %dma_start3A_331 = arith.constant 0 : i32
      %dma_start3A_332 = tpu.memref_slice %dma_start3A_329[%dma_start3A_330, %dma_start3A_331] : memref<10240x64xf32, #tpu.memory_space<hbm>> -> memref<10240x64xf32, #tpu.memory_space<hbm>>
      tpu.enqueue_indirect_dma source(%dma_start3A_332 : memref<10240x64xf32, #tpu.memory_space<hbm>>) target(%arg11 : memref<125x64xf32, #tpu.memory_space<vmem>>) offsets(%dma_start3A_325 : memref<125xi32, #tpu.memory_space<vmem>>) semaphore(%arg17 : memref<!tpu.dma_semaphore, #tpu.memory_space<semaphore_mem>>)
      %add3A_333 = arith.constant 4 : i32
      %add3A_334 = arith.addi %mul3A_147, %add3A_333 : i32
      %add3A_335 = arith.constant 5 : i32
      %add3A_336 = arith.addi %add3A_334, %add3A_335 : i32
      %min3A_337 = arith.constant 159 : i32
      %min3A_338 = arith.minsi %add3A_336, %min3A_337 : i32
      %add3A_339 = arith.constant 4 : i32
      %add3A_340 = arith.addi %mul3A_147, %add3A_339 : i32
      %dma_wait3A_341 = arith.constant 0 : i32
      %dma_wait3A_342 = tpu.memref_slice %arg7[%add3A_340, %dma_wait3A_341] : memref<160x125xi32, #tpu.memory_space<vmem>> -> memref<1x125xi32, #tpu.memory_space<vmem>>
      %dma_wait3A_343 = tpu.memref_squeeze %dma_wait3A_342 : memref<1x125xi32, #tpu.memory_space<vmem>> -> memref<125xi32, #tpu.memory_space<vmem>>
      %dma_wait3A_344 = arith.constant 0 : i32
      %dma_wait3A_345 = arith.constant 0 : i32
      %dma_wait3A_346 = tpu.memref_slice %arg13[%dma_wait3A_344, %dma_wait3A_345] : memref<10240x64xf32, #tpu.memory_space<vmem_shared>> -> memref<10240x64xf32, #tpu.memory_space<vmem_shared>>
      tpu.wait_indirect_dma semaphore(%arg23 : memref<!tpu.dma_semaphore, #tpu.memory_space<semaphore_mem>>) src(%arg12 : memref<125x64xf32, #tpu.memory_space<vmem>>) dst(%dma_wait3A_346 : memref<10240x64xf32, #tpu.memory_space<vmem_shared>>)
      %dma_start3A_347 = arith.constant 0 : i32
      %dma_start3A_348 = tpu.memref_slice %arg6[%min3A_338, %dma_start3A_347] : memref<160x125xi32, #tpu.memory_space<vmem>> -> memref<1x125xi32, #tpu.memory_space<vmem>>
      %dma_start3A_349 = tpu.memref_squeeze %dma_start3A_348 : memref<1x125xi32, #tpu.memory_space<vmem>> -> memref<125xi32, #tpu.memory_space<vmem>>
      %dma_start3A_350 = arith.constant 0 : i32
      %dma_start3A_351 = arith.constant 0 : i32
      %dma_start3A_352 = tpu.memref_slice %arg2[%arg0, %dma_start3A_350, %dma_start3A_351] : memref<2x10240x64xf32, #tpu.memory_space<hbm>> -> memref<1x10240x64xf32, #tpu.memory_space<hbm>>
      %dma_start3A_353 = tpu.memref_squeeze %dma_start3A_352 : memref<1x10240x64xf32, #tpu.memory_space<hbm>> -> memref<10240x64xf32, #tpu.memory_space<hbm>>
      %dma_start3A_354 = arith.constant 0 : i32
      %dma_start3A_355 = arith.constant 0 : i32
      %dma_start3A_356 = tpu.memref_slice %dma_start3A_353[%dma_start3A_354, %dma_start3A_355] : memref<10240x64xf32, #tpu.memory_space<hbm>> -> memref<10240x64xf32, #tpu.memory_space<hbm>>
      tpu.enqueue_indirect_dma source(%dma_start3A_356 : memref<10240x64xf32, #tpu.memory_space<hbm>>) target(%arg12 : memref<125x64xf32, #tpu.memory_space<vmem>>) offsets(%dma_start3A_349 : memref<125xi32, #tpu.memory_space<vmem>>) semaphore(%arg18 : memref<!tpu.dma_semaphore, #tpu.memory_space<semaphore_mem>>)
      %scan3A_357 = arith.constant 0 : i32
      scf.yield %scan3A_357 : i32
    }
    %scan3A_84 = arith.constant 32 : i32
    %dma_wait3A = arith.constant 0 : i32
    %dma_wait3A_85 = arith.constant 0 : i32
    %dma_wait3A_86 = tpu.memref_slice %arg6[%dma_wait3A, %dma_wait3A_85] : memref<160x125xi32, #tpu.memory_space<vmem>> -> memref<1x125xi32, #tpu.memory_space<vmem>>
    %dma_wait3A_87 = tpu.memref_squeeze %dma_wait3A_86 : memref<1x125xi32, #tpu.memory_space<vmem>> -> memref<125xi32, #tpu.memory_space<vmem>>
    %dma_wait3A_88 = arith.constant 0 : i32
    %dma_wait3A_89 = arith.constant 0 : i32
    %dma_wait3A_90 = tpu.memref_slice %arg2[%arg0, %dma_wait3A_88, %dma_wait3A_89] : memref<2x10240x64xf32, #tpu.memory_space<hbm>> -> memref<1x10240x64xf32, #tpu.memory_space<hbm>>
    %dma_wait3A_91 = tpu.memref_squeeze %dma_wait3A_90 : memref<1x10240x64xf32, #tpu.memory_space<hbm>> -> memref<10240x64xf32, #tpu.memory_space<hbm>>
    %dma_wait3A_92 = arith.constant 0 : i32
    %dma_wait3A_93 = arith.constant 0 : i32
    %dma_wait3A_94 = tpu.memref_slice %dma_wait3A_91[%dma_wait3A_92, %dma_wait3A_93] : memref<10240x64xf32, #tpu.memory_space<hbm>> -> memref<10240x64xf32, #tpu.memory_space<hbm>>
    tpu.wait_indirect_dma semaphore(%arg14 : memref<!tpu.dma_semaphore, #tpu.memory_space<semaphore_mem>>) src(%dma_wait3A_94 : memref<10240x64xf32, #tpu.memory_space<hbm>>) dst(%arg8 : memref<125x64xf32, #tpu.memory_space<vmem>>)
    %dma_wait3A_95 = arith.constant 0 : i32
    %dma_wait3A_96 = arith.constant 0 : i32
    %dma_wait3A_97 = tpu.memref_slice %arg6[%dma_wait3A_95, %dma_wait3A_96] : memref<160x125xi32, #tpu.memory_space<vmem>> -> memref<1x125xi32, #tpu.memory_space<vmem>>
    %dma_wait3A_98 = tpu.memref_squeeze %dma_wait3A_97 : memref<1x125xi32, #tpu.memory_space<vmem>> -> memref<125xi32, #tpu.memory_space<vmem>>
    %dma_wait3A_99 = arith.constant 0 : i32
    %dma_wait3A_100 = arith.constant 0 : i32
    %dma_wait3A_101 = tpu.memref_slice %arg2[%arg0, %dma_wait3A_99, %dma_wait3A_100] : memref<2x10240x64xf32, #tpu.memory_space<hbm>> -> memref<1x10240x64xf32, #tpu.memory_space<hbm>>
    %dma_wait3A_102 = tpu.memref_squeeze %dma_wait3A_101 : memref<1x10240x64xf32, #tpu.memory_space<hbm>> -> memref<10240x64xf32, #tpu.memory_space<hbm>>
    %dma_wait3A_103 = arith.constant 0 : i32
    %dma_wait3A_104 = arith.constant 0 : i32
    %dma_wait3A_105 = tpu.memref_slice %dma_wait3A_102[%dma_wait3A_103, %dma_wait3A_104] : memref<10240x64xf32, #tpu.memory_space<hbm>> -> memref<10240x64xf32, #tpu.memory_space<hbm>>
    tpu.wait_indirect_dma semaphore(%arg15 : memref<!tpu.dma_semaphore, #tpu.memory_space<semaphore_mem>>) src(%dma_wait3A_105 : memref<10240x64xf32, #tpu.memory_space<hbm>>) dst(%arg9 : memref<125x64xf32, #tpu.memory_space<vmem>>)
    %dma_wait3A_106 = arith.constant 0 : i32
    %dma_wait3A_107 = arith.constant 0 : i32
    %dma_wait3A_108 = tpu.memref_slice %arg6[%dma_wait3A_106, %dma_wait3A_107] : memref<160x125xi32, #tpu.memory_space<vmem>> -> memref<1x125xi32, #tpu.memory_space<vmem>>
    %dma_wait3A_109 = tpu.memref_squeeze %dma_wait3A_108 : memref<1x125xi32, #tpu.memory_space<vmem>> -> memref<125xi32, #tpu.memory_space<vmem>>
    %dma_wait3A_110 = arith.constant 0 : i32
    %dma_wait3A_111 = arith.constant 0 : i32
    %dma_wait3A_112 = tpu.memref_slice %arg2[%arg0, %dma_wait3A_110, %dma_wait3A_111] : memref<2x10240x64xf32, #tpu.memory_space<hbm>> -> memref<1x10240x64xf32, #tpu.memory_space<hbm>>
    %dma_wait3A_113 = tpu.memref_squeeze %dma_wait3A_112 : memref<1x10240x64xf32, #tpu.memory_space<hbm>> -> memref<10240x64xf32, #tpu.memory_space<hbm>>
    %dma_wait3A_114 = arith.constant 0 : i32
    %dma_wait3A_115 = arith.constant 0 : i32
    %dma_wait3A_116 = tpu.memref_slice %dma_wait3A_113[%dma_wait3A_114, %dma_wait3A_115] : memref<10240x64xf32, #tpu.memory_space<hbm>> -> memref<10240x64xf32, #tpu.memory_space<hbm>>
    tpu.wait_indirect_dma semaphore(%arg16 : memref<!tpu.dma_semaphore, #tpu.memory_space<semaphore_mem>>) src(%dma_wait3A_116 : memref<10240x64xf32, #tpu.memory_space<hbm>>) dst(%arg10 : memref<125x64xf32, #tpu.memory_space<vmem>>)
    %dma_wait3A_117 = arith.constant 0 : i32
    %dma_wait3A_118 = arith.constant 0 : i32
    %dma_wait3A_119 = tpu.memref_slice %arg6[%dma_wait3A_117, %dma_wait3A_118] : memref<160x125xi32, #tpu.memory_space<vmem>> -> memref<1x125xi32, #tpu.memory_space<vmem>>
    %dma_wait3A_120 = tpu.memref_squeeze %dma_wait3A_119 : memref<1x125xi32, #tpu.memory_space<vmem>> -> memref<125xi32, #tpu.memory_space<vmem>>
    %dma_wait3A_121 = arith.constant 0 : i32
    %dma_wait3A_122 = arith.constant 0 : i32
    %dma_wait3A_123 = tpu.memref_slice %arg2[%arg0, %dma_wait3A_121, %dma_wait3A_122] : memref<2x10240x64xf32, #tpu.memory_space<hbm>> -> memref<1x10240x64xf32, #tpu.memory_space<hbm>>
    %dma_wait3A_124 = tpu.memref_squeeze %dma_wait3A_123 : memref<1x10240x64xf32, #tpu.memory_space<hbm>> -> memref<10240x64xf32, #tpu.memory_space<hbm>>
    %dma_wait3A_125 = arith.constant 0 : i32
    %dma_wait3A_126 = arith.constant 0 : i32
    %dma_wait3A_127 = tpu.memref_slice %dma_wait3A_124[%dma_wait3A_125, %dma_wait3A_126] : memref<10240x64xf32, #tpu.memory_space<hbm>> -> memref<10240x64xf32, #tpu.memory_space<hbm>>
    tpu.wait_indirect_dma semaphore(%arg17 : memref<!tpu.dma_semaphore, #tpu.memory_space<semaphore_mem>>) src(%dma_wait3A_127 : memref<10240x64xf32, #tpu.memory_space<hbm>>) dst(%arg11 : memref<125x64xf32, #tpu.memory_space<vmem>>)
    %dma_wait3A_128 = arith.constant 0 : i32
    %dma_wait3A_129 = arith.constant 0 : i32
    %dma_wait3A_130 = tpu.memref_slice %arg6[%dma_wait3A_128, %dma_wait3A_129] : memref<160x125xi32, #tpu.memory_space<vmem>> -> memref<1x125xi32, #tpu.memory_space<vmem>>
    %dma_wait3A_131 = tpu.memref_squeeze %dma_wait3A_130 : memref<1x125xi32, #tpu.memory_space<vmem>> -> memref<125xi32, #tpu.memory_space<vmem>>
    %dma_wait3A_132 = arith.constant 0 : i32
    %dma_wait3A_133 = arith.constant 0 : i32
    %dma_wait3A_134 = tpu.memref_slice %arg2[%arg0, %dma_wait3A_132, %dma_wait3A_133] : memref<2x10240x64xf32, #tpu.memory_space<hbm>> -> memref<1x10240x64xf32, #tpu.memory_space<hbm>>
    %dma_wait3A_135 = tpu.memref_squeeze %dma_wait3A_134 : memref<1x10240x64xf32, #tpu.memory_space<hbm>> -> memref<10240x64xf32, #tpu.memory_space<hbm>>
    %dma_wait3A_136 = arith.constant 0 : i32
    %dma_wait3A_137 = arith.constant 0 : i32
    %dma_wait3A_138 = tpu.memref_slice %dma_wait3A_135[%dma_wait3A_136, %dma_wait3A_137] : memref<10240x64xf32, #tpu.memory_space<hbm>> -> memref<10240x64xf32, #tpu.memory_space<hbm>>
    tpu.wait_indirect_dma semaphore(%arg18 : memref<!tpu.dma_semaphore, #tpu.memory_space<semaphore_mem>>) src(%dma_wait3A_138 : memref<10240x64xf32, #tpu.memory_space<hbm>>) dst(%arg12 : memref<125x64xf32, #tpu.memory_space<vmem>>)
    %barrier3A_139 = arith.constant 0 : index
    tpu.barrier barrier_id(%barrier3A_139)
    %mul3A_140 = arith.constant 640 : i32
    %mul3A_141 = arith.muli %arg1, %mul3A_140 : i32
    %mul3A_142 = arith.constant 640 : i32
    %mul3A_143 = arith.muli %arg1, %mul3A_142 : i32
    "tpu.region"() ({
      %run_scoped3A = tpu.sem_alloc : memref<!tpu.dma_semaphore, #tpu.memory_space<semaphore_mem>>
      %dma_start3A_144 = arith.constant 0 : i32
      %dma_start3A_145 = arith.constant 0 : i32
      %dma_start3A_146 = tpu.memref_slice %arg5[%arg0, %dma_start3A_144, %dma_start3A_145] : memref<2x10240x64xf32, #tpu.memory_space<hbm>> -> memref<1x10240x64xf32, #tpu.memory_space<hbm>>
      %dma_start3A_147 = tpu.memref_squeeze %dma_start3A_146 : memref<1x10240x64xf32, #tpu.memory_space<hbm>> -> memref<10240x64xf32, #tpu.memory_space<hbm>>
      %dma_start3A_148 = arith.constant 0 : i32
      %dma_start3A_149 = tpu.memref_slice %dma_start3A_147[%mul3A_143, %dma_start3A_148] : memref<10240x64xf32, #tpu.memory_space<hbm>> -> memref<640x64xf32, #tpu.memory_space<hbm>>
      %dma_start3A_150 = arith.constant 0 : i32
      %dma_start3A_151 = tpu.memref_slice %arg13[%mul3A_141, %dma_start3A_150] : memref<10240x64xf32, #tpu.memory_space<vmem_shared>> -> memref<640x64xf32, #tpu.memory_space<vmem_shared>>
      tpu.enqueue_dma source(%dma_start3A_151 : memref<640x64xf32, #tpu.memory_space<vmem_shared>>) target(%dma_start3A_149 : memref<640x64xf32, #tpu.memory_space<hbm>>) target_semaphore(%run_scoped3A : memref<!tpu.dma_semaphore, #tpu.memory_space<semaphore_mem>>)
      %dma_wait3A_152 = arith.constant 0 : i32
      %dma_wait3A_153 = arith.constant 0 : i32
      %dma_wait3A_154 = tpu.memref_slice %arg5[%arg0, %dma_wait3A_152, %dma_wait3A_153] : memref<2x10240x64xf32, #tpu.memory_space<hbm>> -> memref<1x10240x64xf32, #tpu.memory_space<hbm>>
      %dma_wait3A_155 = tpu.memref_squeeze %dma_wait3A_154 : memref<1x10240x64xf32, #tpu.memory_space<hbm>> -> memref<10240x64xf32, #tpu.memory_space<hbm>>
      %dma_wait3A_156 = arith.constant 0 : i32
      %dma_wait3A_157 = tpu.memref_slice %dma_wait3A_155[%mul3A_143, %dma_wait3A_156] : memref<10240x64xf32, #tpu.memory_space<hbm>> -> memref<640x64xf32, #tpu.memory_space<hbm>>
      %dma_wait3A_158 = arith.constant 0 : i32
      %dma_wait3A_159 = tpu.memref_slice %arg13[%mul3A_141, %dma_wait3A_158] : memref<10240x64xf32, #tpu.memory_space<vmem_shared>> -> memref<640x64xf32, #tpu.memory_space<vmem_shared>>
      tpu.wait_dma2 semaphore(%run_scoped3A : memref<!tpu.dma_semaphore, #tpu.memory_space<semaphore_mem>>) src(%dma_wait3A_159 : memref<640x64xf32, #tpu.memory_space<vmem_shared>>) dst(%dma_wait3A_157 : memref<640x64xf32, #tpu.memory_space<hbm>>)
      tpu.yield
    }) : () -> ()
    return
  }
}

#map = affine_map<(d0, d1) -> (0, 0, 0)>
module attributes {stable_mosaic.version = 14 : i64} {
  func.func @_sc_agg_body(%arg0: i32, %arg1: i32, %arg2: memref<2x10240x64xf32, #tpu.memory_space<hbm>>, %arg3: memref<16x160x125xi32, #tpu.memory_space<hbm>>, %arg4: memref<16x160x125xi32, #tpu.memory_space<hbm>>, %arg5: memref<2x10240x64xf32, #tpu.memory_space<hbm>>, %arg6: memref<160x125xi32, #tpu.memory_space<vmem>>, %arg7: memref<160x125xi32, #tpu.memory_space<vmem>>, %arg8: memref<125x64xf32, #tpu.memory_space<vmem>>, %arg9: memref<125x64xf32, #tpu.memory_space<vmem>>, %arg10: memref<125x64xf32, #tpu.memory_space<vmem>>, %arg11: memref<125x64xf32, #tpu.memory_space<vmem>>, %arg12: memref<125x64xf32, #tpu.memory_space<vmem>>, %arg13: memref<10240x64xf32, #tpu.memory_space<vmem_shared>>, %arg14: memref<!tpu.dma_semaphore, #tpu.memory_space<semaphore_mem>>, %arg15: memref<!tpu.dma_semaphore, #tpu.memory_space<semaphore_mem>>, %arg16: memref<!tpu.dma_semaphore, #tpu.memory_space<semaphore_mem>>, %arg17: memref<!tpu.dma_semaphore, #tpu.memory_space<semaphore_mem>>, %arg18: memref<!tpu.dma_semaphore, #tpu.memory_space<semaphore_mem>>, %arg19: memref<!tpu.dma_semaphore, #tpu.memory_space<semaphore_mem>>, %arg20: memref<!tpu.dma_semaphore, #tpu.memory_space<semaphore_mem>>, %arg21: memref<!tpu.dma_semaphore, #tpu.memory_space<semaphore_mem>>, %arg22: memref<!tpu.dma_semaphore, #tpu.memory_space<semaphore_mem>>, %arg23: memref<!tpu.dma_semaphore, #tpu.memory_space<semaphore_mem>>) attributes {dimension_semantics = [#tpu.dimension_semantics<core_parallel>, #tpu.dimension_semantics<subcore_parallel>], iteration_bounds = array<i64: 2, 16>, scalar_prefetch = 0 : i64, scratch_operands = 18 : i64, tpu.core_type = #tpu.core_type<sc_vector_subcore>, window_params = [{transform_indices = #map}, {transform_indices = #map}, {transform_indices = #map}, {transform_indices = #map}]} {
    %scan3A = arith.constant 0 : i32
    %scan3A_0 = arith.constant 0 : i32
    %scan3A_1 = arith.constant 128 : i32
    %scan3A_2 = arith.addi %scan3A_0, %scan3A_1 : i32
    %scan3A_3 = arith.constant 1 : i32
    %scan3A_4 = scf.for %scan3A_144 = %scan3A_0 to %scan3A_2 step %scan3A_3 iter_args(%scan3A_145 = %scan3A) -> (i32)  : i32 {
      %broadcast_in_dim3A = arith.constant 0.000000e+00 : f32
      %broadcast_in_dim3A_146 = vector.broadcast %broadcast_in_dim3A : f32 to vector<16xf32>
      %swap3A = arith.index_cast %scan3A_144 : i32 to index
      %swap3A_147 = arith.constant 0 : index
      %swap3A_148 = tpu.vector_load %arg8[%swap3A, %swap3A_147] {strides = array<i32>} : memref<125x64xf32, #tpu.memory_space<vmem>>, vector<1x16xf32>,
      %swap3A_149 = vector.shape_cast %swap3A_148 : vector<1x16xf32> to vector<16xf32>
      %swap3A_150 = vector.shape_cast %broadcast_in_dim3A_146 : vector<16xf32> to vector<1x16xf32>
      tpu.vector_store %arg8[%swap3A, %swap3A_147], %swap3A_150 {strides = array<i32>} : memref<125x64xf32, #tpu.memory_space<vmem>>, vector<1x16xf32>,
      %broadcast_in_dim3A_151 = arith.constant 0.000000e+00 : f32
      %broadcast_in_dim3A_152 = vector.broadcast %broadcast_in_dim3A_151 : f32 to vector<16xf32>
      %swap3A_153 = arith.index_cast %scan3A_144 : i32 to index
      %swap3A_154 = arith.constant 16 : index
      %swap3A_155 = tpu.vector_load %arg8[%swap3A_153, %swap3A_154] {strides = array<i32>} : memref<125x64xf32, #tpu.memory_space<vmem>>, vector<1x16xf32>,
      %swap3A_156 = vector.shape_cast %swap3A_155 : vector<1x16xf32> to vector<16xf32>
      %swap3A_157 = vector.shape_cast %broadcast_in_dim3A_152 : vector<16xf32> to vector<1x16xf32>
      tpu.vector_store %arg8[%swap3A_153, %swap3A_154], %swap3A_157 {strides = array<i32>} : memref<125x64xf32, #tpu.memory_space<vmem>>, vector<1x16xf32>,
      %broadcast_in_dim3A_158 = arith.constant 0.000000e+00 : f32
      %broadcast_in_dim3A_159 = vector.broadcast %broadcast_in_dim3A_158 : f32 to vector<16xf32>
      %swap3A_160 = arith.index_cast %scan3A_144 : i32 to index
      %swap3A_161 = arith.constant 32 : index
      %swap3A_162 = tpu.vector_load %arg8[%swap3A_160, %swap3A_161] {strides = array<i32>} : memref<125x64xf32, #tpu.memory_space<vmem>>, vector<1x16xf32>,
      %swap3A_163 = vector.shape_cast %swap3A_162 : vector<1x16xf32> to vector<16xf32>
      %swap3A_164 = vector.shape_cast %broadcast_in_dim3A_159 : vector<16xf32> to vector<1x16xf32>
      tpu.vector_store %arg8[%swap3A_160, %swap3A_161], %swap3A_164 {strides = array<i32>} : memref<125x64xf32, #tpu.memory_space<vmem>>, vector<1x16xf32>,
      %broadcast_in_dim3A_165 = arith.constant 0.000000e+00 : f32
      %broadcast_in_dim3A_166 = vector.broadcast %broadcast_in_dim3A_165 : f32 to vector<16xf32>
      %swap3A_167 = arith.index_cast %scan3A_144 : i32 to index
      %swap3A_168 = arith.constant 48 : index
      %swap3A_169 = tpu.vector_load %arg8[%swap3A_167, %swap3A_168] {strides = array<i32>} : memref<125x64xf32, #tpu.memory_space<vmem>>, vector<1x16xf32>,
      %swap3A_170 = vector.shape_cast %swap3A_169 : vector<1x16xf32> to vector<16xf32>
      %swap3A_171 = vector.shape_cast %broadcast_in_dim3A_166 : vector<16xf32> to vector<1x16xf32>
      tpu.vector_store %arg8[%swap3A_167, %swap3A_168], %swap3A_171 {strides = array<i32>} : memref<125x64xf32, #tpu.memory_space<vmem>>, vector<1x16xf32>,
      %scan3A_172 = arith.constant 0 : i32
      scf.yield %scan3A_172 : i32
    }
    %scan3A_5 = arith.constant 128 : i32
    %mul3A = arith.constant 640 : i32
    %mul3A_6 = arith.muli %arg1, %mul3A : i32
    %add3A = arith.constant 0 : i32
    %add3A_7 = arith.addi %mul3A_6, %add3A : i32
    "tpu.region"() ({
      %run_scoped3A = tpu.sem_alloc : memref<!tpu.dma_semaphore, #tpu.memory_space<semaphore_mem>>
      %dma_start3A_144 = arith.constant 0 : i32
      %dma_start3A_145 = arith.constant 0 : i32
      %dma_start3A_146 = tpu.memref_slice %arg8[%dma_start3A_144, %dma_start3A_145] : memref<125x64xf32, #tpu.memory_space<vmem>> -> memref<128x64xf32, #tpu.memory_space<vmem>>
      %dma_start3A_147 = arith.constant 0 : i32
      %dma_start3A_148 = tpu.memref_slice %arg13[%add3A_7, %dma_start3A_147] : memref<10240x64xf32, #tpu.memory_space<vmem_shared>> -> memref<128x64xf32, #tpu.memory_space<vmem_shared>>
      %dma_start3A_149 = arith.constant 0 : i32
      %dma_start3A_150 = tpu.memref_slice %arg13[%add3A_7, %dma_start3A_149] : memref<10240x64xf32, #tpu.memory_space<vmem_shared>> -> memref<128x64xf32, #tpu.memory_space<vmem_shared>>
      %dma_start3A_151 = arith.constant 0 : i32
      %dma_start3A_152 = arith.constant 0 : i32
      %dma_start3A_153 = tpu.memref_slice %arg8[%dma_start3A_151, %dma_start3A_152] : memref<125x64xf32, #tpu.memory_space<vmem>> -> memref<128x64xf32, #tpu.memory_space<vmem>>
      tpu.enqueue_dma source(%dma_start3A_153 : memref<128x64xf32, #tpu.memory_space<vmem>>) target(%dma_start3A_150 : memref<128x64xf32, #tpu.memory_space<vmem_shared>>) target_semaphore(%run_scoped3A : memref<!tpu.dma_semaphore, #tpu.memory_space<semaphore_mem>>)
      %dma_wait3A_154 = arith.constant 0 : i32
      %dma_wait3A_155 = arith.constant 0 : i32
      %dma_wait3A_156 = tpu.memref_slice %arg8[%dma_wait3A_154, %dma_wait3A_155] : memref<125x64xf32, #tpu.memory_space<vmem>> -> memref<128x64xf32, #tpu.memory_space<vmem>>
      %dma_wait3A_157 = arith.constant 0 : i32
      %dma_wait3A_158 = tpu.memref_slice %arg13[%add3A_7, %dma_wait3A_157] : memref<10240x64xf32, #tpu.memory_space<vmem_shared>> -> memref<128x64xf32, #tpu.memory_space<vmem_shared>>
      %dma_wait3A_159 = arith.constant 0 : i32
      %dma_wait3A_160 = tpu.memref_slice %arg13[%add3A_7, %dma_wait3A_159] : memref<10240x64xf32, #tpu.memory_space<vmem_shared>> -> memref<128x64xf32, #tpu.memory_space<vmem_shared>>
      %dma_wait3A_161 = arith.constant 0 : i32
      %dma_wait3A_162 = arith.constant 0 : i32
      %dma_wait3A_163 = tpu.memref_slice %arg8[%dma_wait3A_161, %dma_wait3A_162] : memref<125x64xf32, #tpu.memory_space<vmem>> -> memref<128x64xf32, #tpu.memory_space<vmem>>
      tpu.wait_dma2 semaphore(%run_scoped3A : memref<!tpu.dma_semaphore, #tpu.memory_space<semaphore_mem>>) src(%dma_wait3A_163 : memref<128x64xf32, #tpu.memory_space<vmem>>) dst(%dma_wait3A_160 : memref<128x64xf32, #tpu.memory_space<vmem_shared>>)
      tpu.yield
    }) : () -> ()
    %mul3A_8 = arith.constant 640 : i32
    %mul3A_9 = arith.muli %arg1, %mul3A_8 : i32
    %add3A_10 = arith.constant 128 : i32
    %add3A_11 = arith.addi %mul3A_9, %add3A_10 : i32
    "tpu.region"() ({
      %run_scoped3A = tpu.sem_alloc : memref<!tpu.dma_semaphore, #tpu.memory_space<semaphore_mem>>
      %dma_start3A_144 = arith.constant 0 : i32
      %dma_start3A_145 = arith.constant 0 : i32
      %dma_start3A_146 = tpu.memref_slice %arg8[%dma_start3A_144, %dma_start3A_145] : memref<125x64xf32, #tpu.memory_space<vmem>> -> memref<128x64xf32, #tpu.memory_space<vmem>>
      %dma_start3A_147 = arith.constant 0 : i32
      %dma_start3A_148 = tpu.memref_slice %arg13[%add3A_11, %dma_start3A_147] : memref<10240x64xf32, #tpu.memory_space<vmem_shared>> -> memref<128x64xf32, #tpu.memory_space<vmem_shared>>
      %dma_start3A_149 = arith.constant 0 : i32
      %dma_start3A_150 = tpu.memref_slice %arg13[%add3A_11, %dma_start3A_149] : memref<10240x64xf32, #tpu.memory_space<vmem_shared>> -> memref<128x64xf32, #tpu.memory_space<vmem_shared>>
      %dma_start3A_151 = arith.constant 0 : i32
      %dma_start3A_152 = arith.constant 0 : i32
      %dma_start3A_153 = tpu.memref_slice %arg8[%dma_start3A_151, %dma_start3A_152] : memref<125x64xf32, #tpu.memory_space<vmem>> -> memref<128x64xf32, #tpu.memory_space<vmem>>
      tpu.enqueue_dma source(%dma_start3A_153 : memref<128x64xf32, #tpu.memory_space<vmem>>) target(%dma_start3A_150 : memref<128x64xf32, #tpu.memory_space<vmem_shared>>) target_semaphore(%run_scoped3A : memref<!tpu.dma_semaphore, #tpu.memory_space<semaphore_mem>>)
      %dma_wait3A_154 = arith.constant 0 : i32
      %dma_wait3A_155 = arith.constant 0 : i32
      %dma_wait3A_156 = tpu.memref_slice %arg8[%dma_wait3A_154, %dma_wait3A_155] : memref<125x64xf32, #tpu.memory_space<vmem>> -> memref<128x64xf32, #tpu.memory_space<vmem>>
      %dma_wait3A_157 = arith.constant 0 : i32
      %dma_wait3A_158 = tpu.memref_slice %arg13[%add3A_11, %dma_wait3A_157] : memref<10240x64xf32, #tpu.memory_space<vmem_shared>> -> memref<128x64xf32, #tpu.memory_space<vmem_shared>>
      %dma_wait3A_159 = arith.constant 0 : i32
      %dma_wait3A_160 = tpu.memref_slice %arg13[%add3A_11, %dma_wait3A_159] : memref<10240x64xf32, #tpu.memory_space<vmem_shared>> -> memref<128x64xf32, #tpu.memory_space<vmem_shared>>
      %dma_wait3A_161 = arith.constant 0 : i32
      %dma_wait3A_162 = arith.constant 0 : i32
      %dma_wait3A_163 = tpu.memref_slice %arg8[%dma_wait3A_161, %dma_wait3A_162] : memref<125x64xf32, #tpu.memory_space<vmem>> -> memref<128x64xf32, #tpu.memory_space<vmem>>
      tpu.wait_dma2 semaphore(%run_scoped3A : memref<!tpu.dma_semaphore, #tpu.memory_space<semaphore_mem>>) src(%dma_wait3A_163 : memref<128x64xf32, #tpu.memory_space<vmem>>) dst(%dma_wait3A_160 : memref<128x64xf32, #tpu.memory_space<vmem_shared>>)
      tpu.yield
    }) : () -> ()
    %mul3A_12 = arith.constant 640 : i32
    %mul3A_13 = arith.muli %arg1, %mul3A_12 : i32
    %add3A_14 = arith.constant 256 : i32
    %add3A_15 = arith.addi %mul3A_13, %add3A_14 : i32
    "tpu.region"() ({
      %run_scoped3A = tpu.sem_alloc : memref<!tpu.dma_semaphore, #tpu.memory_space<semaphore_mem>>
      %dma_start3A_144 = arith.constant 0 : i32
      %dma_start3A_145 = arith.constant 0 : i32
      %dma_start3A_146 = tpu.memref_slice %arg8[%dma_start3A_144, %dma_start3A_145] : memref<125x64xf32, #tpu.memory_space<vmem>> -> memref<128x64xf32, #tpu.memory_space<vmem>>
      %dma_start3A_147 = arith.constant 0 : i32
      %dma_start3A_148 = tpu.memref_slice %arg13[%add3A_15, %dma_start3A_147] : memref<10240x64xf32, #tpu.memory_space<vmem_shared>> -> memref<128x64xf32, #tpu.memory_space<vmem_shared>>
      %dma_start3A_149 = arith.constant 0 : i32
      %dma_start3A_150 = tpu.memref_slice %arg13[%add3A_15, %dma_start3A_149] : memref<10240x64xf32, #tpu.memory_space<vmem_shared>> -> memref<128x64xf32, #tpu.memory_space<vmem_shared>>
      %dma_start3A_151 = arith.constant 0 : i32
      %dma_start3A_152 = arith.constant 0 : i32
      %dma_start3A_153 = tpu.memref_slice %arg8[%dma_start3A_151, %dma_start3A_152] : memref<125x64xf32, #tpu.memory_space<vmem>> -> memref<128x64xf32, #tpu.memory_space<vmem>>
      tpu.enqueue_dma source(%dma_start3A_153 : memref<128x64xf32, #tpu.memory_space<vmem>>) target(%dma_start3A_150 : memref<128x64xf32, #tpu.memory_space<vmem_shared>>) target_semaphore(%run_scoped3A : memref<!tpu.dma_semaphore, #tpu.memory_space<semaphore_mem>>)
      %dma_wait3A_154 = arith.constant 0 : i32
      %dma_wait3A_155 = arith.constant 0 : i32
      %dma_wait3A_156 = tpu.memref_slice %arg8[%dma_wait3A_154, %dma_wait3A_155] : memref<125x64xf32, #tpu.memory_space<vmem>> -> memref<128x64xf32, #tpu.memory_space<vmem>>
      %dma_wait3A_157 = arith.constant 0 : i32
      %dma_wait3A_158 = tpu.memref_slice %arg13[%add3A_15, %dma_wait3A_157] : memref<10240x64xf32, #tpu.memory_space<vmem_shared>> -> memref<128x64xf32, #tpu.memory_space<vmem_shared>>
      %dma_wait3A_159 = arith.constant 0 : i32
      %dma_wait3A_160 = tpu.memref_slice %arg13[%add3A_15, %dma_wait3A_159] : memref<10240x64xf32, #tpu.memory_space<vmem_shared>> -> memref<128x64xf32, #tpu.memory_space<vmem_shared>>
      %dma_wait3A_161 = arith.constant 0 : i32
      %dma_wait3A_162 = arith.constant 0 : i32
      %dma_wait3A_163 = tpu.memref_slice %arg8[%dma_wait3A_161, %dma_wait3A_162] : memref<125x64xf32, #tpu.memory_space<vmem>> -> memref<128x64xf32, #tpu.memory_space<vmem>>
      tpu.wait_dma2 semaphore(%run_scoped3A : memref<!tpu.dma_semaphore, #tpu.memory_space<semaphore_mem>>) src(%dma_wait3A_163 : memref<128x64xf32, #tpu.memory_space<vmem>>) dst(%dma_wait3A_160 : memref<128x64xf32, #tpu.memory_space<vmem_shared>>)
      tpu.yield
    }) : () -> ()
    %mul3A_16 = arith.constant 640 : i32
    %mul3A_17 = arith.muli %arg1, %mul3A_16 : i32
    %add3A_18 = arith.constant 384 : i32
    %add3A_19 = arith.addi %mul3A_17, %add3A_18 : i32
    "tpu.region"() ({
      %run_scoped3A = tpu.sem_alloc : memref<!tpu.dma_semaphore, #tpu.memory_space<semaphore_mem>>
      %dma_start3A_144 = arith.constant 0 : i32
      %dma_start3A_145 = arith.constant 0 : i32
      %dma_start3A_146 = tpu.memref_slice %arg8[%dma_start3A_144, %dma_start3A_145] : memref<125x64xf32, #tpu.memory_space<vmem>> -> memref<128x64xf32, #tpu.memory_space<vmem>>
      %dma_start3A_147 = arith.constant 0 : i32
      %dma_start3A_148 = tpu.memref_slice %arg13[%add3A_19, %dma_start3A_147] : memref<10240x64xf32, #tpu.memory_space<vmem_shared>> -> memref<128x64xf32, #tpu.memory_space<vmem_shared>>
      %dma_start3A_149 = arith.constant 0 : i32
      %dma_start3A_150 = tpu.memref_slice %arg13[%add3A_19, %dma_start3A_149] : memref<10240x64xf32, #tpu.memory_space<vmem_shared>> -> memref<128x64xf32, #tpu.memory_space<vmem_shared>>
      %dma_start3A_151 = arith.constant 0 : i32
      %dma_start3A_152 = arith.constant 0 : i32
      %dma_start3A_153 = tpu.memref_slice %arg8[%dma_start3A_151, %dma_start3A_152] : memref<125x64xf32, #tpu.memory_space<vmem>> -> memref<128x64xf32, #tpu.memory_space<vmem>>
      tpu.enqueue_dma source(%dma_start3A_153 : memref<128x64xf32, #tpu.memory_space<vmem>>) target(%dma_start3A_150 : memref<128x64xf32, #tpu.memory_space<vmem_shared>>) target_semaphore(%run_scoped3A : memref<!tpu.dma_semaphore, #tpu.memory_space<semaphore_mem>>)
      %dma_wait3A_154 = arith.constant 0 : i32
      %dma_wait3A_155 = arith.constant 0 : i32
      %dma_wait3A_156 = tpu.memref_slice %arg8[%dma_wait3A_154, %dma_wait3A_155] : memref<125x64xf32, #tpu.memory_space<vmem>> -> memref<128x64xf32, #tpu.memory_space<vmem>>
      %dma_wait3A_157 = arith.constant 0 : i32
      %dma_wait3A_158 = tpu.memref_slice %arg13[%add3A_19, %dma_wait3A_157] : memref<10240x64xf32, #tpu.memory_space<vmem_shared>> -> memref<128x64xf32, #tpu.memory_space<vmem_shared>>
      %dma_wait3A_159 = arith.constant 0 : i32
      %dma_wait3A_160 = tpu.memref_slice %arg13[%add3A_19, %dma_wait3A_159] : memref<10240x64xf32, #tpu.memory_space<vmem_shared>> -> memref<128x64xf32, #tpu.memory_space<vmem_shared>>
      %dma_wait3A_161 = arith.constant 0 : i32
      %dma_wait3A_162 = arith.constant 0 : i32
      %dma_wait3A_163 = tpu.memref_slice %arg8[%dma_wait3A_161, %dma_wait3A_162] : memref<125x64xf32, #tpu.memory_space<vmem>> -> memref<128x64xf32, #tpu.memory_space<vmem>>
      tpu.wait_dma2 semaphore(%run_scoped3A : memref<!tpu.dma_semaphore, #tpu.memory_space<semaphore_mem>>) src(%dma_wait3A_163 : memref<128x64xf32, #tpu.memory_space<vmem>>) dst(%dma_wait3A_160 : memref<128x64xf32, #tpu.memory_space<vmem_shared>>)
      tpu.yield
    }) : () -> ()
    %mul3A_20 = arith.constant 640 : i32
    %mul3A_21 = arith.muli %arg1, %mul3A_20 : i32
    %add3A_22 = arith.constant 512 : i32
    %add3A_23 = arith.addi %mul3A_21, %add3A_22 : i32
    "tpu.region"() ({
      %run_scoped3A = tpu.sem_alloc : memref<!tpu.dma_semaphore, #tpu.memory_space<semaphore_mem>>
      %dma_start3A_144 = arith.constant 0 : i32
      %dma_start3A_145 = arith.constant 0 : i32
      %dma_start3A_146 = tpu.memref_slice %arg8[%dma_start3A_144, %dma_start3A_145] : memref<125x64xf32, #tpu.memory_space<vmem>> -> memref<128x64xf32, #tpu.memory_space<vmem>>
      %dma_start3A_147 = arith.constant 0 : i32
      %dma_start3A_148 = tpu.memref_slice %arg13[%add3A_23, %dma_start3A_147] : memref<10240x64xf32, #tpu.memory_space<vmem_shared>> -> memref<128x64xf32, #tpu.memory_space<vmem_shared>>
      %dma_start3A_149 = arith.constant 0 : i32
      %dma_start3A_150 = tpu.memref_slice %arg13[%add3A_23, %dma_start3A_149] : memref<10240x64xf32, #tpu.memory_space<vmem_shared>> -> memref<128x64xf32, #tpu.memory_space<vmem_shared>>
      %dma_start3A_151 = arith.constant 0 : i32
      %dma_start3A_152 = arith.constant 0 : i32
      %dma_start3A_153 = tpu.memref_slice %arg8[%dma_start3A_151, %dma_start3A_152] : memref<125x64xf32, #tpu.memory_space<vmem>> -> memref<128x64xf32, #tpu.memory_space<vmem>>
      tpu.enqueue_dma source(%dma_start3A_153 : memref<128x64xf32, #tpu.memory_space<vmem>>) target(%dma_start3A_150 : memref<128x64xf32, #tpu.memory_space<vmem_shared>>) target_semaphore(%run_scoped3A : memref<!tpu.dma_semaphore, #tpu.memory_space<semaphore_mem>>)
      %dma_wait3A_154 = arith.constant 0 : i32
      %dma_wait3A_155 = arith.constant 0 : i32
      %dma_wait3A_156 = tpu.memref_slice %arg8[%dma_wait3A_154, %dma_wait3A_155] : memref<125x64xf32, #tpu.memory_space<vmem>> -> memref<128x64xf32, #tpu.memory_space<vmem>>
      %dma_wait3A_157 = arith.constant 0 : i32
      %dma_wait3A_158 = tpu.memref_slice %arg13[%add3A_23, %dma_wait3A_157] : memref<10240x64xf32, #tpu.memory_space<vmem_shared>> -> memref<128x64xf32, #tpu.memory_space<vmem_shared>>
      %dma_wait3A_159 = arith.constant 0 : i32
      %dma_wait3A_160 = tpu.memref_slice %arg13[%add3A_23, %dma_wait3A_159] : memref<10240x64xf32, #tpu.memory_space<vmem_shared>> -> memref<128x64xf32, #tpu.memory_space<vmem_shared>>
      %dma_wait3A_161 = arith.constant 0 : i32
      %dma_wait3A_162 = arith.constant 0 : i32
      %dma_wait3A_163 = tpu.memref_slice %arg8[%dma_wait3A_161, %dma_wait3A_162] : memref<125x64xf32, #tpu.memory_space<vmem>> -> memref<128x64xf32, #tpu.memory_space<vmem>>
      tpu.wait_dma2 semaphore(%run_scoped3A : memref<!tpu.dma_semaphore, #tpu.memory_space<semaphore_mem>>) src(%dma_wait3A_163 : memref<128x64xf32, #tpu.memory_space<vmem>>) dst(%dma_wait3A_160 : memref<128x64xf32, #tpu.memory_space<vmem_shared>>)
      tpu.yield
    }) : () -> ()
    %barrier3A = arith.constant 0 : index
    tpu.barrier barrier_id(%barrier3A)
    "tpu.region"() ({
      %run_scoped3A = tpu.sem_alloc : memref<!tpu.dma_semaphore, #tpu.memory_space<semaphore_mem>>
      %dma_start3A_144 = arith.constant 0 : i32
      %dma_start3A_145 = arith.constant 0 : i32
      %dma_start3A_146 = tpu.memref_slice %arg3[%arg1, %dma_start3A_144, %dma_start3A_145] : memref<16x160x125xi32, #tpu.memory_space<hbm>> -> memref<1x160x125xi32, #tpu.memory_space<hbm>>
      %dma_start3A_147 = tpu.memref_squeeze %dma_start3A_146 : memref<1x160x125xi32, #tpu.memory_space<hbm>> -> memref<160x125xi32, #tpu.memory_space<hbm>>
      %dma_start3A_148 = arith.constant 0 : i32
      %dma_start3A_149 = arith.constant 0 : i32
      %dma_start3A_150 = tpu.memref_slice %dma_start3A_147[%dma_start3A_148, %dma_start3A_149] : memref<160x125xi32, #tpu.memory_space<hbm>> -> memref<160x125xi32, #tpu.memory_space<hbm>>
      %dma_start3A_151 = arith.constant 0 : i32
      %dma_start3A_152 = arith.constant 0 : i32
      %dma_start3A_153 = tpu.memref_slice %arg3[%arg1, %dma_start3A_151, %dma_start3A_152] : memref<16x160x125xi32, #tpu.memory_space<hbm>> -> memref<1x160x125xi32, #tpu.memory_space<hbm>>
      %dma_start3A_154 = tpu.memref_squeeze %dma_start3A_153 : memref<1x160x125xi32, #tpu.memory_space<hbm>> -> memref<160x125xi32, #tpu.memory_space<hbm>>
      %dma_start3A_155 = arith.constant 0 : i32
      %dma_start3A_156 = arith.constant 0 : i32
      %dma_start3A_157 = tpu.memref_slice %dma_start3A_154[%dma_start3A_155, %dma_start3A_156] : memref<160x125xi32, #tpu.memory_space<hbm>> -> memref<160x125xi32, #tpu.memory_space<hbm>>
      tpu.enqueue_dma source(%dma_start3A_157 : memref<160x125xi32, #tpu.memory_space<hbm>>) target(%arg6 : memref<160x125xi32, #tpu.memory_space<vmem>>) target_semaphore(%run_scoped3A : memref<!tpu.dma_semaphore, #tpu.memory_space<semaphore_mem>>)
      %dma_wait3A_158 = arith.constant 0 : i32
      %dma_wait3A_159 = arith.constant 0 : i32
      %dma_wait3A_160 = tpu.memref_slice %arg3[%arg1, %dma_wait3A_158, %dma_wait3A_159] : memref<16x160x125xi32, #tpu.memory_space<hbm>> -> memref<1x160x125xi32, #tpu.memory_space<hbm>>
      %dma_wait3A_161 = tpu.memref_squeeze %dma_wait3A_160 : memref<1x160x125xi32, #tpu.memory_space<hbm>> -> memref<160x125xi32, #tpu.memory_space<hbm>>
      %dma_wait3A_162 = arith.constant 0 : i32
      %dma_wait3A_163 = arith.constant 0 : i32
      %dma_wait3A_164 = tpu.memref_slice %dma_wait3A_161[%dma_wait3A_162, %dma_wait3A_163] : memref<160x125xi32, #tpu.memory_space<hbm>> -> memref<160x125xi32, #tpu.memory_space<hbm>>
      %dma_wait3A_165 = arith.constant 0 : i32
      %dma_wait3A_166 = arith.constant 0 : i32
      %dma_wait3A_167 = tpu.memref_slice %arg3[%arg1, %dma_wait3A_165, %dma_wait3A_166] : memref<16x160x125xi32, #tpu.memory_space<hbm>> -> memref<1x160x125xi32, #tpu.memory_space<hbm>>
      %dma_wait3A_168 = tpu.memref_squeeze %dma_wait3A_167 : memref<1x160x125xi32, #tpu.memory_space<hbm>> -> memref<160x125xi32, #tpu.memory_space<hbm>>
      %dma_wait3A_169 = arith.constant 0 : i32
      %dma_wait3A_170 = arith.constant 0 : i32
      %dma_wait3A_171 = tpu.memref_slice %dma_wait3A_168[%dma_wait3A_169, %dma_wait3A_170] : memref<160x125xi32, #tpu.memory_space<hbm>> -> memref<160x125xi32, #tpu.memory_space<hbm>>
      tpu.wait_dma2 semaphore(%run_scoped3A : memref<!tpu.dma_semaphore, #tpu.memory_space<semaphore_mem>>) src(%dma_wait3A_171 : memref<160x125xi32, #tpu.memory_space<hbm>>) dst(%arg6 : memref<160x125xi32, #tpu.memory_space<vmem>>)
      tpu.yield
    }) : () -> ()
    "tpu.region"() ({
      %run_scoped3A = tpu.sem_alloc : memref<!tpu.dma_semaphore, #tpu.memory_space<semaphore_mem>>
      %dma_start3A_144 = arith.constant 0 : i32
      %dma_start3A_145 = arith.constant 0 : i32
      %dma_start3A_146 = tpu.memref_slice %arg4[%arg1, %dma_start3A_144, %dma_start3A_145] : memref<16x160x125xi32, #tpu.memory_space<hbm>> -> memref<1x160x125xi32, #tpu.memory_space<hbm>>
      %dma_start3A_147 = tpu.memref_squeeze %dma_start3A_146 : memref<1x160x125xi32, #tpu.memory_space<hbm>> -> memref<160x125xi32, #tpu.memory_space<hbm>>
      %dma_start3A_148 = arith.constant 0 : i32
      %dma_start3A_149 = arith.constant 0 : i32
      %dma_start3A_150 = tpu.memref_slice %dma_start3A_147[%dma_start3A_148, %dma_start3A_149] : memref<160x125xi32, #tpu.memory_space<hbm>> -> memref<160x125xi32, #tpu.memory_space<hbm>>
      %dma_start3A_151 = arith.constant 0 : i32
      %dma_start3A_152 = arith.constant 0 : i32
      %dma_start3A_153 = tpu.memref_slice %arg4[%arg1, %dma_start3A_151, %dma_start3A_152] : memref<16x160x125xi32, #tpu.memory_space<hbm>> -> memref<1x160x125xi32, #tpu.memory_space<hbm>>
      %dma_start3A_154 = tpu.memref_squeeze %dma_start3A_153 : memref<1x160x125xi32, #tpu.memory_space<hbm>> -> memref<160x125xi32, #tpu.memory_space<hbm>>
      %dma_start3A_155 = arith.constant 0 : i32
      %dma_start3A_156 = arith.constant 0 : i32
      %dma_start3A_157 = tpu.memref_slice %dma_start3A_154[%dma_start3A_155, %dma_start3A_156] : memref<160x125xi32, #tpu.memory_space<hbm>> -> memref<160x125xi32, #tpu.memory_space<hbm>>
      tpu.enqueue_dma source(%dma_start3A_157 : memref<160x125xi32, #tpu.memory_space<hbm>>) target(%arg7 : memref<160x125xi32, #tpu.memory_space<vmem>>) target_semaphore(%run_scoped3A : memref<!tpu.dma_semaphore, #tpu.memory_space<semaphore_mem>>)
      %dma_wait3A_158 = arith.constant 0 : i32
      %dma_wait3A_159 = arith.constant 0 : i32
      %dma_wait3A_160 = tpu.memref_slice %arg4[%arg1, %dma_wait3A_158, %dma_wait3A_159] : memref<16x160x125xi32, #tpu.memory_space<hbm>> -> memref<1x160x125xi32, #tpu.memory_space<hbm>>
      %dma_wait3A_161 = tpu.memref_squeeze %dma_wait3A_160 : memref<1x160x125xi32, #tpu.memory_space<hbm>> -> memref<160x125xi32, #tpu.memory_space<hbm>>
      %dma_wait3A_162 = arith.constant 0 : i32
      %dma_wait3A_163 = arith.constant 0 : i32
      %dma_wait3A_164 = tpu.memref_slice %dma_wait3A_161[%dma_wait3A_162, %dma_wait3A_163] : memref<160x125xi32, #tpu.memory_space<hbm>> -> memref<160x125xi32, #tpu.memory_space<hbm>>
      %dma_wait3A_165 = arith.constant 0 : i32
      %dma_wait3A_166 = arith.constant 0 : i32
      %dma_wait3A_167 = tpu.memref_slice %arg4[%arg1, %dma_wait3A_165, %dma_wait3A_166] : memref<16x160x125xi32, #tpu.memory_space<hbm>> -> memref<1x160x125xi32, #tpu.memory_space<hbm>>
      %dma_wait3A_168 = tpu.memref_squeeze %dma_wait3A_167 : memref<1x160x125xi32, #tpu.memory_space<hbm>> -> memref<160x125xi32, #tpu.memory_space<hbm>>
      %dma_wait3A_169 = arith.constant 0 : i32
      %dma_wait3A_170 = arith.constant 0 : i32
      %dma_wait3A_171 = tpu.memref_slice %dma_wait3A_168[%dma_wait3A_169, %dma_wait3A_170] : memref<160x125xi32, #tpu.memory_space<hbm>> -> memref<160x125xi32, #tpu.memory_space<hbm>>
      tpu.wait_dma2 semaphore(%run_scoped3A : memref<!tpu.dma_semaphore, #tpu.memory_space<semaphore_mem>>) src(%dma_wait3A_171 : memref<160x125xi32, #tpu.memory_space<hbm>>) dst(%arg7 : memref<160x125xi32, #tpu.memory_space<vmem>>)
      tpu.yield
    }) : () -> ()
    %dma_start3A = arith.constant 0 : i32
    %dma_start3A_24 = arith.constant 0 : i32
    %dma_start3A_25 = tpu.memref_slice %arg6[%dma_start3A, %dma_start3A_24] : memref<160x125xi32, #tpu.memory_space<vmem>> -> memref<1x125xi32, #tpu.memory_space<vmem>>
    %dma_start3A_26 = tpu.memref_squeeze %dma_start3A_25 : memref<1x125xi32, #tpu.memory_space<vmem>> -> memref<125xi32, #tpu.memory_space<vmem>>
    %dma_start3A_27 = arith.constant 0 : i32
    %dma_start3A_28 = arith.constant 0 : i32
    %dma_start3A_29 = tpu.memref_slice %arg2[%arg0, %dma_start3A_27, %dma_start3A_28] : memref<2x10240x64xf32, #tpu.memory_space<hbm>> -> memref<1x10240x64xf32, #tpu.memory_space<hbm>>
    %dma_start3A_30 = tpu.memref_squeeze %dma_start3A_29 : memref<1x10240x64xf32, #tpu.memory_space<hbm>> -> memref<10240x64xf32, #tpu.memory_space<hbm>>
    %dma_start3A_31 = arith.constant 0 : i32
    %dma_start3A_32 = arith.constant 0 : i32
    %dma_start3A_33 = tpu.memref_slice %dma_start3A_30[%dma_start3A_31, %dma_start3A_32] : memref<10240x64xf32, #tpu.memory_space<hbm>> -> memref<10240x64xf32, #tpu.memory_space<hbm>>
    tpu.enqueue_indirect_dma source(%dma_start3A_33 : memref<10240x64xf32, #tpu.memory_space<hbm>>) target(%arg8 : memref<125x64xf32, #tpu.memory_space<vmem>>) offsets(%dma_start3A_26 : memref<125xi32, #tpu.memory_space<vmem>>) semaphore(%arg14 : memref<!tpu.dma_semaphore, #tpu.memory_space<semaphore_mem>>)
    %dma_start3A_34 = arith.constant 1 : i32
    %dma_start3A_35 = arith.constant 0 : i32
    %dma_start3A_36 = tpu.memref_slice %arg6[%dma_start3A_34, %dma_start3A_35] : memref<160x125xi32, #tpu.memory_space<vmem>> -> memref<1x125xi32, #tpu.memory_space<vmem>>
    %dma_start3A_37 = tpu.memref_squeeze %dma_start3A_36 : memref<1x125xi32, #tpu.memory_space<vmem>> -> memref<125xi32, #tpu.memory_space<vmem>>
    %dma_start3A_38 = arith.constant 0 : i32
    %dma_start3A_39 = arith.constant 0 : i32
    %dma_start3A_40 = tpu.memref_slice %arg2[%arg0, %dma_start3A_38, %dma_start3A_39] : memref<2x10240x64xf32, #tpu.memory_space<hbm>> -> memref<1x10240x64xf32, #tpu.memory_space<hbm>>
    %dma_start3A_41 = tpu.memref_squeeze %dma_start3A_40 : memref<1x10240x64xf32, #tpu.memory_space<hbm>> -> memref<10240x64xf32, #tpu.memory_space<hbm>>
    %dma_start3A_42 = arith.constant 0 : i32
    %dma_start3A_43 = arith.constant 0 : i32
    %dma_start3A_44 = tpu.memref_slice %dma_start3A_41[%dma_start3A_42, %dma_start3A_43] : memref<10240x64xf32, #tpu.memory_space<hbm>> -> memref<10240x64xf32, #tpu.memory_space<hbm>>
    tpu.enqueue_indirect_dma source(%dma_start3A_44 : memref<10240x64xf32, #tpu.memory_space<hbm>>) target(%arg9 : memref<125x64xf32, #tpu.memory_space<vmem>>) offsets(%dma_start3A_37 : memref<125xi32, #tpu.memory_space<vmem>>) semaphore(%arg15 : memref<!tpu.dma_semaphore, #tpu.memory_space<semaphore_mem>>)
    %dma_start3A_45 = arith.constant 2 : i32
    %dma_start3A_46 = arith.constant 0 : i32
    %dma_start3A_47 = tpu.memref_slice %arg6[%dma_start3A_45, %dma_start3A_46] : memref<160x125xi32, #tpu.memory_space<vmem>> -> memref<1x125xi32, #tpu.memory_space<vmem>>
    %dma_start3A_48 = tpu.memref_squeeze %dma_start3A_47 : memref<1x125xi32, #tpu.memory_space<vmem>> -> memref<125xi32, #tpu.memory_space<vmem>>
    %dma_start3A_49 = arith.constant 0 : i32
    %dma_start3A_50 = arith.constant 0 : i32
    %dma_start3A_51 = tpu.memref_slice %arg2[%arg0, %dma_start3A_49, %dma_start3A_50] : memref<2x10240x64xf32, #tpu.memory_space<hbm>> -> memref<1x10240x64xf32, #tpu.memory_space<hbm>>
    %dma_start3A_52 = tpu.memref_squeeze %dma_start3A_51 : memref<1x10240x64xf32, #tpu.memory_space<hbm>> -> memref<10240x64xf32, #tpu.memory_space<hbm>>
    %dma_start3A_53 = arith.constant 0 : i32
    %dma_start3A_54 = arith.constant 0 : i32
    %dma_start3A_55 = tpu.memref_slice %dma_start3A_52[%dma_start3A_53, %dma_start3A_54] : memref<10240x64xf32, #tpu.memory_space<hbm>> -> memref<10240x64xf32, #tpu.memory_space<hbm>>
    tpu.enqueue_indirect_dma source(%dma_start3A_55 : memref<10240x64xf32, #tpu.memory_space<hbm>>) target(%arg10 : memref<125x64xf32, #tpu.memory_space<vmem>>) offsets(%dma_start3A_48 : memref<125xi32, #tpu.memory_space<vmem>>) semaphore(%arg16 : memref<!tpu.dma_semaphore, #tpu.memory_space<semaphore_mem>>)
    %dma_start3A_56 = arith.constant 3 : i32
    %dma_start3A_57 = arith.constant 0 : i32
    %dma_start3A_58 = tpu.memref_slice %arg6[%dma_start3A_56, %dma_start3A_57] : memref<160x125xi32, #tpu.memory_space<vmem>> -> memref<1x125xi32, #tpu.memory_space<vmem>>
    %dma_start3A_59 = tpu.memref_squeeze %dma_start3A_58 : memref<1x125xi32, #tpu.memory_space<vmem>> -> memref<125xi32, #tpu.memory_space<vmem>>
    %dma_start3A_60 = arith.constant 0 : i32
    %dma_start3A_61 = arith.constant 0 : i32
    %dma_start3A_62 = tpu.memref_slice %arg2[%arg0, %dma_start3A_60, %dma_start3A_61] : memref<2x10240x64xf32, #tpu.memory_space<hbm>> -> memref<1x10240x64xf32, #tpu.memory_space<hbm>>
    %dma_start3A_63 = tpu.memref_squeeze %dma_start3A_62 : memref<1x10240x64xf32, #tpu.memory_space<hbm>> -> memref<10240x64xf32, #tpu.memory_space<hbm>>
    %dma_start3A_64 = arith.constant 0 : i32
    %dma_start3A_65 = arith.constant 0 : i32
    %dma_start3A_66 = tpu.memref_slice %dma_start3A_63[%dma_start3A_64, %dma_start3A_65] : memref<10240x64xf32, #tpu.memory_space<hbm>> -> memref<10240x64xf32, #tpu.memory_space<hbm>>
    tpu.enqueue_indirect_dma source(%dma_start3A_66 : memref<10240x64xf32, #tpu.memory_space<hbm>>) target(%arg11 : memref<125x64xf32, #tpu.memory_space<vmem>>) offsets(%dma_start3A_59 : memref<125xi32, #tpu.memory_space<vmem>>) semaphore(%arg17 : memref<!tpu.dma_semaphore, #tpu.memory_space<semaphore_mem>>)
    %dma_start3A_67 = arith.constant 4 : i32
    %dma_start3A_68 = arith.constant 0 : i32
    %dma_start3A_69 = tpu.memref_slice %arg6[%dma_start3A_67, %dma_start3A_68] : memref<160x125xi32, #tpu.memory_space<vmem>> -> memref<1x125xi32, #tpu.memory_space<vmem>>
    %dma_start3A_70 = tpu.memref_squeeze %dma_start3A_69 : memref<1x125xi32, #tpu.memory_space<vmem>> -> memref<125xi32, #tpu.memory_space<vmem>>
    %dma_start3A_71 = arith.constant 0 : i32
    %dma_start3A_72 = arith.constant 0 : i32
    %dma_start3A_73 = tpu.memref_slice %arg2[%arg0, %dma_start3A_71, %dma_start3A_72] : memref<2x10240x64xf32, #tpu.memory_space<hbm>> -> memref<1x10240x64xf32, #tpu.memory_space<hbm>>
    %dma_start3A_74 = tpu.memref_squeeze %dma_start3A_73 : memref<1x10240x64xf32, #tpu.memory_space<hbm>> -> memref<10240x64xf32, #tpu.memory_space<hbm>>
    %dma_start3A_75 = arith.constant 0 : i32
    %dma_start3A_76 = arith.constant 0 : i32
    %dma_start3A_77 = tpu.memref_slice %dma_start3A_74[%dma_start3A_75, %dma_start3A_76] : memref<10240x64xf32, #tpu.memory_space<hbm>> -> memref<10240x64xf32, #tpu.memory_space<hbm>>
    tpu.enqueue_indirect_dma source(%dma_start3A_77 : memref<10240x64xf32, #tpu.memory_space<hbm>>) target(%arg12 : memref<125x64xf32, #tpu.memory_space<vmem>>) offsets(%dma_start3A_70 : memref<125xi32, #tpu.memory_space<vmem>>) semaphore(%arg18 : memref<!tpu.dma_semaphore, #tpu.memory_space<semaphore_mem>>)
    %scan3A_78 = arith.constant 0 : i32
    %scan3A_79 = arith.constant 0 : i32
    %scan3A_80 = arith.constant 32 : i32
    %scan3A_81 = arith.addi %scan3A_79, %scan3A_80 : i32
    %scan3A_82 = arith.constant 1 : i32
    %scan3A_83 = scf.for %scan3A_144 = %scan3A_79 to %scan3A_81 step %scan3A_82 iter_args(%scan3A_145 = %scan3A_78) -> (i32)  : i32 {
      %mul3A_146 = arith.constant 5 : i32
      %mul3A_147 = arith.muli %scan3A_144, %mul3A_146 : i32
      %add3A_148 = arith.constant 0 : i32
      %add3A_149 = arith.addi %mul3A_147, %add3A_148 : i32
      %dma_wait3A_150 = arith.constant 0 : i32
      %dma_wait3A_151 = tpu.memref_slice %arg6[%add3A_149, %dma_wait3A_150] : memref<160x125xi32, #tpu.memory_space<vmem>> -> memref<1x125xi32, #tpu.memory_space<vmem>>
      %dma_wait3A_152 = tpu.memref_squeeze %dma_wait3A_151 : memref<1x125xi32, #tpu.memory_space<vmem>> -> memref<125xi32, #tpu.memory_space<vmem>>
      %dma_wait3A_153 = arith.constant 0 : i32
      %dma_wait3A_154 = arith.constant 0 : i32
      %dma_wait3A_155 = tpu.memref_slice %arg2[%arg0, %dma_wait3A_153, %dma_wait3A_154] : memref<2x10240x64xf32, #tpu.memory_space<hbm>> -> memref<1x10240x64xf32, #tpu.memory_space<hbm>>
      %dma_wait3A_156 = tpu.memref_squeeze %dma_wait3A_155 : memref<1x10240x64xf32, #tpu.memory_space<hbm>> -> memref<10240x64xf32, #tpu.memory_space<hbm>>
      %dma_wait3A_157 = arith.constant 0 : i32
      %dma_wait3A_158 = arith.constant 0 : i32
      %dma_wait3A_159 = tpu.memref_slice %dma_wait3A_156[%dma_wait3A_157, %dma_wait3A_158] : memref<10240x64xf32, #tpu.memory_space<hbm>> -> memref<10240x64xf32, #tpu.memory_space<hbm>>
      tpu.wait_indirect_dma semaphore(%arg14 : memref<!tpu.dma_semaphore, #tpu.memory_space<semaphore_mem>>) src(%dma_wait3A_159 : memref<10240x64xf32, #tpu.memory_space<hbm>>) dst(%arg8 : memref<125x64xf32, #tpu.memory_space<vmem>>)
      %dma_start3A_160 = arith.constant 0 : i32
      %dma_start3A_161 = tpu.memref_slice %arg7[%add3A_149, %dma_start3A_160] : memref<160x125xi32, #tpu.memory_space<vmem>> -> memref<1x125xi32, #tpu.memory_space<vmem>>
      %dma_start3A_162 = tpu.memref_squeeze %dma_start3A_161 : memref<1x125xi32, #tpu.memory_space<vmem>> -> memref<125xi32, #tpu.memory_space<vmem>>
      %dma_start3A_163 = arith.constant 0 : i32
      %dma_start3A_164 = arith.constant 0 : i32
      %dma_start3A_165 = tpu.memref_slice %arg13[%dma_start3A_163, %dma_start3A_164] : memref<10240x64xf32, #tpu.memory_space<vmem_shared>> -> memref<10240x64xf32, #tpu.memory_space<vmem_shared>>
      tpu.enqueue_indirect_dma source(%arg8 : memref<125x64xf32, #tpu.memory_space<vmem>>) target(%dma_start3A_165 : memref<10240x64xf32, #tpu.memory_space<vmem_shared>>) offsets(%dma_start3A_162 : memref<125xi32, #tpu.memory_space<vmem>>) semaphore(%arg19 : memref<!tpu.dma_semaphore, #tpu.memory_space<semaphore_mem>>) {add = true}
      %add3A_166 = arith.constant 1 : i32
      %add3A_167 = arith.addi %mul3A_147, %add3A_166 : i32
      %dma_wait3A_168 = arith.constant 0 : i32
      %dma_wait3A_169 = tpu.memref_slice %arg6[%add3A_167, %dma_wait3A_168] : memref<160x125xi32, #tpu.memory_space<vmem>> -> memref<1x125xi32, #tpu.memory_space<vmem>>
      %dma_wait3A_170 = tpu.memref_squeeze %dma_wait3A_169 : memref<1x125xi32, #tpu.memory_space<vmem>> -> memref<125xi32, #tpu.memory_space<vmem>>
      %dma_wait3A_171 = arith.constant 0 : i32
      %dma_wait3A_172 = arith.constant 0 : i32
      %dma_wait3A_173 = tpu.memref_slice %arg2[%arg0, %dma_wait3A_171, %dma_wait3A_172] : memref<2x10240x64xf32, #tpu.memory_space<hbm>> -> memref<1x10240x64xf32, #tpu.memory_space<hbm>>
      %dma_wait3A_174 = tpu.memref_squeeze %dma_wait3A_173 : memref<1x10240x64xf32, #tpu.memory_space<hbm>> -> memref<10240x64xf32, #tpu.memory_space<hbm>>
      %dma_wait3A_175 = arith.constant 0 : i32
      %dma_wait3A_176 = arith.constant 0 : i32
      %dma_wait3A_177 = tpu.memref_slice %dma_wait3A_174[%dma_wait3A_175, %dma_wait3A_176] : memref<10240x64xf32, #tpu.memory_space<hbm>> -> memref<10240x64xf32, #tpu.memory_space<hbm>>
      tpu.wait_indirect_dma semaphore(%arg15 : memref<!tpu.dma_semaphore, #tpu.memory_space<semaphore_mem>>) src(%dma_wait3A_177 : memref<10240x64xf32, #tpu.memory_space<hbm>>) dst(%arg9 : memref<125x64xf32, #tpu.memory_space<vmem>>)
      %dma_start3A_178 = arith.constant 0 : i32
      %dma_start3A_179 = tpu.memref_slice %arg7[%add3A_167, %dma_start3A_178] : memref<160x125xi32, #tpu.memory_space<vmem>> -> memref<1x125xi32, #tpu.memory_space<vmem>>
      %dma_start3A_180 = tpu.memref_squeeze %dma_start3A_179 : memref<1x125xi32, #tpu.memory_space<vmem>> -> memref<125xi32, #tpu.memory_space<vmem>>
      %dma_start3A_181 = arith.constant 0 : i32
      %dma_start3A_182 = arith.constant 0 : i32
      %dma_start3A_183 = tpu.memref_slice %arg13[%dma_start3A_181, %dma_start3A_182] : memref<10240x64xf32, #tpu.memory_space<vmem_shared>> -> memref<10240x64xf32, #tpu.memory_space<vmem_shared>>
      tpu.enqueue_indirect_dma source(%arg9 : memref<125x64xf32, #tpu.memory_space<vmem>>) target(%dma_start3A_183 : memref<10240x64xf32, #tpu.memory_space<vmem_shared>>) offsets(%dma_start3A_180 : memref<125xi32, #tpu.memory_space<vmem>>) semaphore(%arg20 : memref<!tpu.dma_semaphore, #tpu.memory_space<semaphore_mem>>) {add = true}
      %add3A_184 = arith.constant 2 : i32
      %add3A_185 = arith.addi %mul3A_147, %add3A_184 : i32
      %dma_wait3A_186 = arith.constant 0 : i32
      %dma_wait3A_187 = tpu.memref_slice %arg6[%add3A_185, %dma_wait3A_186] : memref<160x125xi32, #tpu.memory_space<vmem>> -> memref<1x125xi32, #tpu.memory_space<vmem>>
      %dma_wait3A_188 = tpu.memref_squeeze %dma_wait3A_187 : memref<1x125xi32, #tpu.memory_space<vmem>> -> memref<125xi32, #tpu.memory_space<vmem>>
      %dma_wait3A_189 = arith.constant 0 : i32
      %dma_wait3A_190 = arith.constant 0 : i32
      %dma_wait3A_191 = tpu.memref_slice %arg2[%arg0, %dma_wait3A_189, %dma_wait3A_190] : memref<2x10240x64xf32, #tpu.memory_space<hbm>> -> memref<1x10240x64xf32, #tpu.memory_space<hbm>>
      %dma_wait3A_192 = tpu.memref_squeeze %dma_wait3A_191 : memref<1x10240x64xf32, #tpu.memory_space<hbm>> -> memref<10240x64xf32, #tpu.memory_space<hbm>>
      %dma_wait3A_193 = arith.constant 0 : i32
      %dma_wait3A_194 = arith.constant 0 : i32
      %dma_wait3A_195 = tpu.memref_slice %dma_wait3A_192[%dma_wait3A_193, %dma_wait3A_194] : memref<10240x64xf32, #tpu.memory_space<hbm>> -> memref<10240x64xf32, #tpu.memory_space<hbm>>
      tpu.wait_indirect_dma semaphore(%arg16 : memref<!tpu.dma_semaphore, #tpu.memory_space<semaphore_mem>>) src(%dma_wait3A_195 : memref<10240x64xf32, #tpu.memory_space<hbm>>) dst(%arg10 : memref<125x64xf32, #tpu.memory_space<vmem>>)
      %dma_start3A_196 = arith.constant 0 : i32
      %dma_start3A_197 = tpu.memref_slice %arg7[%add3A_185, %dma_start3A_196] : memref<160x125xi32, #tpu.memory_space<vmem>> -> memref<1x125xi32, #tpu.memory_space<vmem>>
      %dma_start3A_198 = tpu.memref_squeeze %dma_start3A_197 : memref<1x125xi32, #tpu.memory_space<vmem>> -> memref<125xi32, #tpu.memory_space<vmem>>
      %dma_start3A_199 = arith.constant 0 : i32
      %dma_start3A_200 = arith.constant 0 : i32
      %dma_start3A_201 = tpu.memref_slice %arg13[%dma_start3A_199, %dma_start3A_200] : memref<10240x64xf32, #tpu.memory_space<vmem_shared>> -> memref<10240x64xf32, #tpu.memory_space<vmem_shared>>
      tpu.enqueue_indirect_dma source(%arg10 : memref<125x64xf32, #tpu.memory_space<vmem>>) target(%dma_start3A_201 : memref<10240x64xf32, #tpu.memory_space<vmem_shared>>) offsets(%dma_start3A_198 : memref<125xi32, #tpu.memory_space<vmem>>) semaphore(%arg21 : memref<!tpu.dma_semaphore, #tpu.memory_space<semaphore_mem>>) {add = true}
      %add3A_202 = arith.constant 3 : i32
      %add3A_203 = arith.addi %mul3A_147, %add3A_202 : i32
      %dma_wait3A_204 = arith.constant 0 : i32
      %dma_wait3A_205 = tpu.memref_slice %arg6[%add3A_203, %dma_wait3A_204] : memref<160x125xi32, #tpu.memory_space<vmem>> -> memref<1x125xi32, #tpu.memory_space<vmem>>
      %dma_wait3A_206 = tpu.memref_squeeze %dma_wait3A_205 : memref<1x125xi32, #tpu.memory_space<vmem>> -> memref<125xi32, #tpu.memory_space<vmem>>
      %dma_wait3A_207 = arith.constant 0 : i32
      %dma_wait3A_208 = arith.constant 0 : i32
      %dma_wait3A_209 = tpu.memref_slice %arg2[%arg0, %dma_wait3A_207, %dma_wait3A_208] : memref<2x10240x64xf32, #tpu.memory_space<hbm>> -> memref<1x10240x64xf32, #tpu.memory_space<hbm>>
      %dma_wait3A_210 = tpu.memref_squeeze %dma_wait3A_209 : memref<1x10240x64xf32, #tpu.memory_space<hbm>> -> memref<10240x64xf32, #tpu.memory_space<hbm>>
      %dma_wait3A_211 = arith.constant 0 : i32
      %dma_wait3A_212 = arith.constant 0 : i32
      %dma_wait3A_213 = tpu.memref_slice %dma_wait3A_210[%dma_wait3A_211, %dma_wait3A_212] : memref<10240x64xf32, #tpu.memory_space<hbm>> -> memref<10240x64xf32, #tpu.memory_space<hbm>>
      tpu.wait_indirect_dma semaphore(%arg17 : memref<!tpu.dma_semaphore, #tpu.memory_space<semaphore_mem>>) src(%dma_wait3A_213 : memref<10240x64xf32, #tpu.memory_space<hbm>>) dst(%arg11 : memref<125x64xf32, #tpu.memory_space<vmem>>)
      %dma_start3A_214 = arith.constant 0 : i32
      %dma_start3A_215 = tpu.memref_slice %arg7[%add3A_203, %dma_start3A_214] : memref<160x125xi32, #tpu.memory_space<vmem>> -> memref<1x125xi32, #tpu.memory_space<vmem>>
      %dma_start3A_216 = tpu.memref_squeeze %dma_start3A_215 : memref<1x125xi32, #tpu.memory_space<vmem>> -> memref<125xi32, #tpu.memory_space<vmem>>
      %dma_start3A_217 = arith.constant 0 : i32
      %dma_start3A_218 = arith.constant 0 : i32
      %dma_start3A_219 = tpu.memref_slice %arg13[%dma_start3A_217, %dma_start3A_218] : memref<10240x64xf32, #tpu.memory_space<vmem_shared>> -> memref<10240x64xf32, #tpu.memory_space<vmem_shared>>
      tpu.enqueue_indirect_dma source(%arg11 : memref<125x64xf32, #tpu.memory_space<vmem>>) target(%dma_start3A_219 : memref<10240x64xf32, #tpu.memory_space<vmem_shared>>) offsets(%dma_start3A_216 : memref<125xi32, #tpu.memory_space<vmem>>) semaphore(%arg22 : memref<!tpu.dma_semaphore, #tpu.memory_space<semaphore_mem>>) {add = true}
      %add3A_220 = arith.constant 4 : i32
      %add3A_221 = arith.addi %mul3A_147, %add3A_220 : i32
      %dma_wait3A_222 = arith.constant 0 : i32
      %dma_wait3A_223 = tpu.memref_slice %arg6[%add3A_221, %dma_wait3A_222] : memref<160x125xi32, #tpu.memory_space<vmem>> -> memref<1x125xi32, #tpu.memory_space<vmem>>
      %dma_wait3A_224 = tpu.memref_squeeze %dma_wait3A_223 : memref<1x125xi32, #tpu.memory_space<vmem>> -> memref<125xi32, #tpu.memory_space<vmem>>
      %dma_wait3A_225 = arith.constant 0 : i32
      %dma_wait3A_226 = arith.constant 0 : i32
      %dma_wait3A_227 = tpu.memref_slice %arg2[%arg0, %dma_wait3A_225, %dma_wait3A_226] : memref<2x10240x64xf32, #tpu.memory_space<hbm>> -> memref<1x10240x64xf32, #tpu.memory_space<hbm>>
      %dma_wait3A_228 = tpu.memref_squeeze %dma_wait3A_227 : memref<1x10240x64xf32, #tpu.memory_space<hbm>> -> memref<10240x64xf32, #tpu.memory_space<hbm>>
      %dma_wait3A_229 = arith.constant 0 : i32
      %dma_wait3A_230 = arith.constant 0 : i32
      %dma_wait3A_231 = tpu.memref_slice %dma_wait3A_228[%dma_wait3A_229, %dma_wait3A_230] : memref<10240x64xf32, #tpu.memory_space<hbm>> -> memref<10240x64xf32, #tpu.memory_space<hbm>>
      tpu.wait_indirect_dma semaphore(%arg18 : memref<!tpu.dma_semaphore, #tpu.memory_space<semaphore_mem>>) src(%dma_wait3A_231 : memref<10240x64xf32, #tpu.memory_space<hbm>>) dst(%arg12 : memref<125x64xf32, #tpu.memory_space<vmem>>)
      %dma_start3A_232 = arith.constant 0 : i32
      %dma_start3A_233 = tpu.memref_slice %arg7[%add3A_221, %dma_start3A_232] : memref<160x125xi32, #tpu.memory_space<vmem>> -> memref<1x125xi32, #tpu.memory_space<vmem>>
      %dma_start3A_234 = tpu.memref_squeeze %dma_start3A_233 : memref<1x125xi32, #tpu.memory_space<vmem>> -> memref<125xi32, #tpu.memory_space<vmem>>
      %dma_start3A_235 = arith.constant 0 : i32
      %dma_start3A_236 = arith.constant 0 : i32
      %dma_start3A_237 = tpu.memref_slice %arg13[%dma_start3A_235, %dma_start3A_236] : memref<10240x64xf32, #tpu.memory_space<vmem_shared>> -> memref<10240x64xf32, #tpu.memory_space<vmem_shared>>
      tpu.enqueue_indirect_dma source(%arg12 : memref<125x64xf32, #tpu.memory_space<vmem>>) target(%dma_start3A_237 : memref<10240x64xf32, #tpu.memory_space<vmem_shared>>) offsets(%dma_start3A_234 : memref<125xi32, #tpu.memory_space<vmem>>) semaphore(%arg23 : memref<!tpu.dma_semaphore, #tpu.memory_space<semaphore_mem>>) {add = true}
      %add3A_238 = arith.constant 0 : i32
      %add3A_239 = arith.addi %mul3A_147, %add3A_238 : i32
      %add3A_240 = arith.constant 5 : i32
      %add3A_241 = arith.addi %add3A_239, %add3A_240 : i32
      %min3A = arith.constant 159 : i32
      %min3A_242 = arith.minsi %add3A_241, %min3A : i32
      %add3A_243 = arith.constant 0 : i32
      %add3A_244 = arith.addi %mul3A_147, %add3A_243 : i32
      %dma_wait3A_245 = arith.constant 0 : i32
      %dma_wait3A_246 = tpu.memref_slice %arg7[%add3A_244, %dma_wait3A_245] : memref<160x125xi32, #tpu.memory_space<vmem>> -> memref<1x125xi32, #tpu.memory_space<vmem>>
      %dma_wait3A_247 = tpu.memref_squeeze %dma_wait3A_246 : memref<1x125xi32, #tpu.memory_space<vmem>> -> memref<125xi32, #tpu.memory_space<vmem>>
      %dma_wait3A_248 = arith.constant 0 : i32
      %dma_wait3A_249 = arith.constant 0 : i32
      %dma_wait3A_250 = tpu.memref_slice %arg13[%dma_wait3A_248, %dma_wait3A_249] : memref<10240x64xf32, #tpu.memory_space<vmem_shared>> -> memref<10240x64xf32, #tpu.memory_space<vmem_shared>>
      tpu.wait_indirect_dma semaphore(%arg19 : memref<!tpu.dma_semaphore, #tpu.memory_space<semaphore_mem>>) src(%arg8 : memref<125x64xf32, #tpu.memory_space<vmem>>) dst(%dma_wait3A_250 : memref<10240x64xf32, #tpu.memory_space<vmem_shared>>)
      %dma_start3A_251 = arith.constant 0 : i32
      %dma_start3A_252 = tpu.memref_slice %arg6[%min3A_242, %dma_start3A_251] : memref<160x125xi32, #tpu.memory_space<vmem>> -> memref<1x125xi32, #tpu.memory_space<vmem>>
      %dma_start3A_253 = tpu.memref_squeeze %dma_start3A_252 : memref<1x125xi32, #tpu.memory_space<vmem>> -> memref<125xi32, #tpu.memory_space<vmem>>
      %dma_start3A_254 = arith.constant 0 : i32
      %dma_start3A_255 = arith.constant 0 : i32
      %dma_start3A_256 = tpu.memref_slice %arg2[%arg0, %dma_start3A_254, %dma_start3A_255] : memref<2x10240x64xf32, #tpu.memory_space<hbm>> -> memref<1x10240x64xf32, #tpu.memory_space<hbm>>
      %dma_start3A_257 = tpu.memref_squeeze %dma_start3A_256 : memref<1x10240x64xf32, #tpu.memory_space<hbm>> -> memref<10240x64xf32, #tpu.memory_space<hbm>>
      %dma_start3A_258 = arith.constant 0 : i32
      %dma_start3A_259 = arith.constant 0 : i32
      %dma_start3A_260 = tpu.memref_slice %dma_start3A_257[%dma_start3A_258, %dma_start3A_259] : memref<10240x64xf32, #tpu.memory_space<hbm>> -> memref<10240x64xf32, #tpu.memory_space<hbm>>
      tpu.enqueue_indirect_dma source(%dma_start3A_260 : memref<10240x64xf32, #tpu.memory_space<hbm>>) target(%arg8 : memref<125x64xf32, #tpu.memory_space<vmem>>) offsets(%dma_start3A_253 : memref<125xi32, #tpu.memory_space<vmem>>) semaphore(%arg14 : memref<!tpu.dma_semaphore, #tpu.memory_space<semaphore_mem>>)
      %add3A_261 = arith.constant 1 : i32
      %add3A_262 = arith.addi %mul3A_147, %add3A_261 : i32
      %add3A_263 = arith.constant 5 : i32
      %add3A_264 = arith.addi %add3A_262, %add3A_263 : i32
      %min3A_265 = arith.constant 159 : i32
      %min3A_266 = arith.minsi %add3A_264, %min3A_265 : i32
      %add3A_267 = arith.constant 1 : i32
      %add3A_268 = arith.addi %mul3A_147, %add3A_267 : i32
      %dma_wait3A_269 = arith.constant 0 : i32
      %dma_wait3A_270 = tpu.memref_slice %arg7[%add3A_268, %dma_wait3A_269] : memref<160x125xi32, #tpu.memory_space<vmem>> -> memref<1x125xi32, #tpu.memory_space<vmem>>
      %dma_wait3A_271 = tpu.memref_squeeze %dma_wait3A_270 : memref<1x125xi32, #tpu.memory_space<vmem>> -> memref<125xi32, #tpu.memory_space<vmem>>
      %dma_wait3A_272 = arith.constant 0 : i32
      %dma_wait3A_273 = arith.constant 0 : i32
      %dma_wait3A_274 = tpu.memref_slice %arg13[%dma_wait3A_272, %dma_wait3A_273] : memref<10240x64xf32, #tpu.memory_space<vmem_shared>> -> memref<10240x64xf32, #tpu.memory_space<vmem_shared>>
      tpu.wait_indirect_dma semaphore(%arg20 : memref<!tpu.dma_semaphore, #tpu.memory_space<semaphore_mem>>) src(%arg9 : memref<125x64xf32, #tpu.memory_space<vmem>>) dst(%dma_wait3A_274 : memref<10240x64xf32, #tpu.memory_space<vmem_shared>>)
      %dma_start3A_275 = arith.constant 0 : i32
      %dma_start3A_276 = tpu.memref_slice %arg6[%min3A_266, %dma_start3A_275] : memref<160x125xi32, #tpu.memory_space<vmem>> -> memref<1x125xi32, #tpu.memory_space<vmem>>
      %dma_start3A_277 = tpu.memref_squeeze %dma_start3A_276 : memref<1x125xi32, #tpu.memory_space<vmem>> -> memref<125xi32, #tpu.memory_space<vmem>>
      %dma_start3A_278 = arith.constant 0 : i32
      %dma_start3A_279 = arith.constant 0 : i32
      %dma_start3A_280 = tpu.memref_slice %arg2[%arg0, %dma_start3A_278, %dma_start3A_279] : memref<2x10240x64xf32, #tpu.memory_space<hbm>> -> memref<1x10240x64xf32, #tpu.memory_space<hbm>>
      %dma_start3A_281 = tpu.memref_squeeze %dma_start3A_280 : memref<1x10240x64xf32, #tpu.memory_space<hbm>> -> memref<10240x64xf32, #tpu.memory_space<hbm>>
      %dma_start3A_282 = arith.constant 0 : i32
      %dma_start3A_283 = arith.constant 0 : i32
      %dma_start3A_284 = tpu.memref_slice %dma_start3A_281[%dma_start3A_282, %dma_start3A_283] : memref<10240x64xf32, #tpu.memory_space<hbm>> -> memref<10240x64xf32, #tpu.memory_space<hbm>>
      tpu.enqueue_indirect_dma source(%dma_start3A_284 : memref<10240x64xf32, #tpu.memory_space<hbm>>) target(%arg9 : memref<125x64xf32, #tpu.memory_space<vmem>>) offsets(%dma_start3A_277 : memref<125xi32, #tpu.memory_space<vmem>>) semaphore(%arg15 : memref<!tpu.dma_semaphore, #tpu.memory_space<semaphore_mem>>)
      %add3A_285 = arith.constant 2 : i32
      %add3A_286 = arith.addi %mul3A_147, %add3A_285 : i32
      %add3A_287 = arith.constant 5 : i32
      %add3A_288 = arith.addi %add3A_286, %add3A_287 : i32
      %min3A_289 = arith.constant 159 : i32
      %min3A_290 = arith.minsi %add3A_288, %min3A_289 : i32
      %add3A_291 = arith.constant 2 : i32
      %add3A_292 = arith.addi %mul3A_147, %add3A_291 : i32
      %dma_wait3A_293 = arith.constant 0 : i32
      %dma_wait3A_294 = tpu.memref_slice %arg7[%add3A_292, %dma_wait3A_293] : memref<160x125xi32, #tpu.memory_space<vmem>> -> memref<1x125xi32, #tpu.memory_space<vmem>>
      %dma_wait3A_295 = tpu.memref_squeeze %dma_wait3A_294 : memref<1x125xi32, #tpu.memory_space<vmem>> -> memref<125xi32, #tpu.memory_space<vmem>>
      %dma_wait3A_296 = arith.constant 0 : i32
      %dma_wait3A_297 = arith.constant 0 : i32
      %dma_wait3A_298 = tpu.memref_slice %arg13[%dma_wait3A_296, %dma_wait3A_297] : memref<10240x64xf32, #tpu.memory_space<vmem_shared>> -> memref<10240x64xf32, #tpu.memory_space<vmem_shared>>
      tpu.wait_indirect_dma semaphore(%arg21 : memref<!tpu.dma_semaphore, #tpu.memory_space<semaphore_mem>>) src(%arg10 : memref<125x64xf32, #tpu.memory_space<vmem>>) dst(%dma_wait3A_298 : memref<10240x64xf32, #tpu.memory_space<vmem_shared>>)
      %dma_start3A_299 = arith.constant 0 : i32
      %dma_start3A_300 = tpu.memref_slice %arg6[%min3A_290, %dma_start3A_299] : memref<160x125xi32, #tpu.memory_space<vmem>> -> memref<1x125xi32, #tpu.memory_space<vmem>>
      %dma_start3A_301 = tpu.memref_squeeze %dma_start3A_300 : memref<1x125xi32, #tpu.memory_space<vmem>> -> memref<125xi32, #tpu.memory_space<vmem>>
      %dma_start3A_302 = arith.constant 0 : i32
      %dma_start3A_303 = arith.constant 0 : i32
      %dma_start3A_304 = tpu.memref_slice %arg2[%arg0, %dma_start3A_302, %dma_start3A_303] : memref<2x10240x64xf32, #tpu.memory_space<hbm>> -> memref<1x10240x64xf32, #tpu.memory_space<hbm>>
      %dma_start3A_305 = tpu.memref_squeeze %dma_start3A_304 : memref<1x10240x64xf32, #tpu.memory_space<hbm>> -> memref<10240x64xf32, #tpu.memory_space<hbm>>
      %dma_start3A_306 = arith.constant 0 : i32
      %dma_start3A_307 = arith.constant 0 : i32
      %dma_start3A_308 = tpu.memref_slice %dma_start3A_305[%dma_start3A_306, %dma_start3A_307] : memref<10240x64xf32, #tpu.memory_space<hbm>> -> memref<10240x64xf32, #tpu.memory_space<hbm>>
      tpu.enqueue_indirect_dma source(%dma_start3A_308 : memref<10240x64xf32, #tpu.memory_space<hbm>>) target(%arg10 : memref<125x64xf32, #tpu.memory_space<vmem>>) offsets(%dma_start3A_301 : memref<125xi32, #tpu.memory_space<vmem>>) semaphore(%arg16 : memref<!tpu.dma_semaphore, #tpu.memory_space<semaphore_mem>>)
      %add3A_309 = arith.constant 3 : i32
      %add3A_310 = arith.addi %mul3A_147, %add3A_309 : i32
      %add3A_311 = arith.constant 5 : i32
      %add3A_312 = arith.addi %add3A_310, %add3A_311 : i32
      %min3A_313 = arith.constant 159 : i32
      %min3A_314 = arith.minsi %add3A_312, %min3A_313 : i32
      %add3A_315 = arith.constant 3 : i32
      %add3A_316 = arith.addi %mul3A_147, %add3A_315 : i32
      %dma_wait3A_317 = arith.constant 0 : i32
      %dma_wait3A_318 = tpu.memref_slice %arg7[%add3A_316, %dma_wait3A_317] : memref<160x125xi32, #tpu.memory_space<vmem>> -> memref<1x125xi32, #tpu.memory_space<vmem>>
      %dma_wait3A_319 = tpu.memref_squeeze %dma_wait3A_318 : memref<1x125xi32, #tpu.memory_space<vmem>> -> memref<125xi32, #tpu.memory_space<vmem>>
      %dma_wait3A_320 = arith.constant 0 : i32
      %dma_wait3A_321 = arith.constant 0 : i32
      %dma_wait3A_322 = tpu.memref_slice %arg13[%dma_wait3A_320, %dma_wait3A_321] : memref<10240x64xf32, #tpu.memory_space<vmem_shared>> -> memref<10240x64xf32, #tpu.memory_space<vmem_shared>>
      tpu.wait_indirect_dma semaphore(%arg22 : memref<!tpu.dma_semaphore, #tpu.memory_space<semaphore_mem>>) src(%arg11 : memref<125x64xf32, #tpu.memory_space<vmem>>) dst(%dma_wait3A_322 : memref<10240x64xf32, #tpu.memory_space<vmem_shared>>)
      %dma_start3A_323 = arith.constant 0 : i32
      %dma_start3A_324 = tpu.memref_slice %arg6[%min3A_314, %dma_start3A_323] : memref<160x125xi32, #tpu.memory_space<vmem>> -> memref<1x125xi32, #tpu.memory_space<vmem>>
      %dma_start3A_325 = tpu.memref_squeeze %dma_start3A_324 : memref<1x125xi32, #tpu.memory_space<vmem>> -> memref<125xi32, #tpu.memory_space<vmem>>
      %dma_start3A_326 = arith.constant 0 : i32
      %dma_start3A_327 = arith.constant 0 : i32
      %dma_start3A_328 = tpu.memref_slice %arg2[%arg0, %dma_start3A_326, %dma_start3A_327] : memref<2x10240x64xf32, #tpu.memory_space<hbm>> -> memref<1x10240x64xf32, #tpu.memory_space<hbm>>
      %dma_start3A_329 = tpu.memref_squeeze %dma_start3A_328 : memref<1x10240x64xf32, #tpu.memory_space<hbm>> -> memref<10240x64xf32, #tpu.memory_space<hbm>>
      %dma_start3A_330 = arith.constant 0 : i32
      %dma_start3A_331 = arith.constant 0 : i32
      %dma_start3A_332 = tpu.memref_slice %dma_start3A_329[%dma_start3A_330, %dma_start3A_331] : memref<10240x64xf32, #tpu.memory_space<hbm>> -> memref<10240x64xf32, #tpu.memory_space<hbm>>
      tpu.enqueue_indirect_dma source(%dma_start3A_332 : memref<10240x64xf32, #tpu.memory_space<hbm>>) target(%arg11 : memref<125x64xf32, #tpu.memory_space<vmem>>) offsets(%dma_start3A_325 : memref<125xi32, #tpu.memory_space<vmem>>) semaphore(%arg17 : memref<!tpu.dma_semaphore, #tpu.memory_space<semaphore_mem>>)
      %add3A_333 = arith.constant 4 : i32
      %add3A_334 = arith.addi %mul3A_147, %add3A_333 : i32
      %add3A_335 = arith.constant 5 : i32
      %add3A_336 = arith.addi %add3A_334, %add3A_335 : i32
      %min3A_337 = arith.constant 159 : i32
      %min3A_338 = arith.minsi %add3A_336, %min3A_337 : i32
      %add3A_339 = arith.constant 4 : i32
      %add3A_340 = arith.addi %mul3A_147, %add3A_339 : i32
      %dma_wait3A_341 = arith.constant 0 : i32
      %dma_wait3A_342 = tpu.memref_slice %arg7[%add3A_340, %dma_wait3A_341] : memref<160x125xi32, #tpu.memory_space<vmem>> -> memref<1x125xi32, #tpu.memory_space<vmem>>
      %dma_wait3A_343 = tpu.memref_squeeze %dma_wait3A_342 : memref<1x125xi32, #tpu.memory_space<vmem>> -> memref<125xi32, #tpu.memory_space<vmem>>
      %dma_wait3A_344 = arith.constant 0 : i32
      %dma_wait3A_345 = arith.constant 0 : i32
      %dma_wait3A_346 = tpu.memref_slice %arg13[%dma_wait3A_344, %dma_wait3A_345] : memref<10240x64xf32, #tpu.memory_space<vmem_shared>> -> memref<10240x64xf32, #tpu.memory_space<vmem_shared>>
      tpu.wait_indirect_dma semaphore(%arg23 : memref<!tpu.dma_semaphore, #tpu.memory_space<semaphore_mem>>) src(%arg12 : memref<125x64xf32, #tpu.memory_space<vmem>>) dst(%dma_wait3A_346 : memref<10240x64xf32, #tpu.memory_space<vmem_shared>>)
      %dma_start3A_347 = arith.constant 0 : i32
      %dma_start3A_348 = tpu.memref_slice %arg6[%min3A_338, %dma_start3A_347] : memref<160x125xi32, #tpu.memory_space<vmem>> -> memref<1x125xi32, #tpu.memory_space<vmem>>
      %dma_start3A_349 = tpu.memref_squeeze %dma_start3A_348 : memref<1x125xi32, #tpu.memory_space<vmem>> -> memref<125xi32, #tpu.memory_space<vmem>>
      %dma_start3A_350 = arith.constant 0 : i32
      %dma_start3A_351 = arith.constant 0 : i32
      %dma_start3A_352 = tpu.memref_slice %arg2[%arg0, %dma_start3A_350, %dma_start3A_351] : memref<2x10240x64xf32, #tpu.memory_space<hbm>> -> memref<1x10240x64xf32, #tpu.memory_space<hbm>>
      %dma_start3A_353 = tpu.memref_squeeze %dma_start3A_352 : memref<1x10240x64xf32, #tpu.memory_space<hbm>> -> memref<10240x64xf32, #tpu.memory_space<hbm>>
      %dma_start3A_354 = arith.constant 0 : i32
      %dma_start3A_355 = arith.constant 0 : i32
      %dma_start3A_356 = tpu.memref_slice %dma_start3A_353[%dma_start3A_354, %dma_start3A_355] : memref<10240x64xf32, #tpu.memory_space<hbm>> -> memref<10240x64xf32, #tpu.memory_space<hbm>>
      tpu.enqueue_indirect_dma source(%dma_start3A_356 : memref<10240x64xf32, #tpu.memory_space<hbm>>) target(%arg12 : memref<125x64xf32, #tpu.memory_space<vmem>>) offsets(%dma_start3A_349 : memref<125xi32, #tpu.memory_space<vmem>>) semaphore(%arg18 : memref<!tpu.dma_semaphore, #tpu.memory_space<semaphore_mem>>)
      %scan3A_357 = arith.constant 0 : i32
      scf.yield %scan3A_357 : i32
    }
    %scan3A_84 = arith.constant 32 : i32
    %dma_wait3A = arith.constant 0 : i32
    %dma_wait3A_85 = arith.constant 0 : i32
    %dma_wait3A_86 = tpu.memref_slice %arg6[%dma_wait3A, %dma_wait3A_85] : memref<160x125xi32, #tpu.memory_space<vmem>> -> memref<1x125xi32, #tpu.memory_space<vmem>>
    %dma_wait3A_87 = tpu.memref_squeeze %dma_wait3A_86 : memref<1x125xi32, #tpu.memory_space<vmem>> -> memref<125xi32, #tpu.memory_space<vmem>>
    %dma_wait3A_88 = arith.constant 0 : i32
    %dma_wait3A_89 = arith.constant 0 : i32
    %dma_wait3A_90 = tpu.memref_slice %arg2[%arg0, %dma_wait3A_88, %dma_wait3A_89] : memref<2x10240x64xf32, #tpu.memory_space<hbm>> -> memref<1x10240x64xf32, #tpu.memory_space<hbm>>
    %dma_wait3A_91 = tpu.memref_squeeze %dma_wait3A_90 : memref<1x10240x64xf32, #tpu.memory_space<hbm>> -> memref<10240x64xf32, #tpu.memory_space<hbm>>
    %dma_wait3A_92 = arith.constant 0 : i32
    %dma_wait3A_93 = arith.constant 0 : i32
    %dma_wait3A_94 = tpu.memref_slice %dma_wait3A_91[%dma_wait3A_92, %dma_wait3A_93] : memref<10240x64xf32, #tpu.memory_space<hbm>> -> memref<10240x64xf32, #tpu.memory_space<hbm>>
    tpu.wait_indirect_dma semaphore(%arg14 : memref<!tpu.dma_semaphore, #tpu.memory_space<semaphore_mem>>) src(%dma_wait3A_94 : memref<10240x64xf32, #tpu.memory_space<hbm>>) dst(%arg8 : memref<125x64xf32, #tpu.memory_space<vmem>>)
    %dma_wait3A_95 = arith.constant 0 : i32
    %dma_wait3A_96 = arith.constant 0 : i32
    %dma_wait3A_97 = tpu.memref_slice %arg6[%dma_wait3A_95, %dma_wait3A_96] : memref<160x125xi32, #tpu.memory_space<vmem>> -> memref<1x125xi32, #tpu.memory_space<vmem>>
    %dma_wait3A_98 = tpu.memref_squeeze %dma_wait3A_97 : memref<1x125xi32, #tpu.memory_space<vmem>> -> memref<125xi32, #tpu.memory_space<vmem>>
    %dma_wait3A_99 = arith.constant 0 : i32
    %dma_wait3A_100 = arith.constant 0 : i32
    %dma_wait3A_101 = tpu.memref_slice %arg2[%arg0, %dma_wait3A_99, %dma_wait3A_100] : memref<2x10240x64xf32, #tpu.memory_space<hbm>> -> memref<1x10240x64xf32, #tpu.memory_space<hbm>>
    %dma_wait3A_102 = tpu.memref_squeeze %dma_wait3A_101 : memref<1x10240x64xf32, #tpu.memory_space<hbm>> -> memref<10240x64xf32, #tpu.memory_space<hbm>>
    %dma_wait3A_103 = arith.constant 0 : i32
    %dma_wait3A_104 = arith.constant 0 : i32
    %dma_wait3A_105 = tpu.memref_slice %dma_wait3A_102[%dma_wait3A_103, %dma_wait3A_104] : memref<10240x64xf32, #tpu.memory_space<hbm>> -> memref<10240x64xf32, #tpu.memory_space<hbm>>
    tpu.wait_indirect_dma semaphore(%arg15 : memref<!tpu.dma_semaphore, #tpu.memory_space<semaphore_mem>>) src(%dma_wait3A_105 : memref<10240x64xf32, #tpu.memory_space<hbm>>) dst(%arg9 : memref<125x64xf32, #tpu.memory_space<vmem>>)
    %dma_wait3A_106 = arith.constant 0 : i32
    %dma_wait3A_107 = arith.constant 0 : i32
    %dma_wait3A_108 = tpu.memref_slice %arg6[%dma_wait3A_106, %dma_wait3A_107] : memref<160x125xi32, #tpu.memory_space<vmem>> -> memref<1x125xi32, #tpu.memory_space<vmem>>
    %dma_wait3A_109 = tpu.memref_squeeze %dma_wait3A_108 : memref<1x125xi32, #tpu.memory_space<vmem>> -> memref<125xi32, #tpu.memory_space<vmem>>
    %dma_wait3A_110 = arith.constant 0 : i32
    %dma_wait3A_111 = arith.constant 0 : i32
    %dma_wait3A_112 = tpu.memref_slice %arg2[%arg0, %dma_wait3A_110, %dma_wait3A_111] : memref<2x10240x64xf32, #tpu.memory_space<hbm>> -> memref<1x10240x64xf32, #tpu.memory_space<hbm>>
    %dma_wait3A_113 = tpu.memref_squeeze %dma_wait3A_112 : memref<1x10240x64xf32, #tpu.memory_space<hbm>> -> memref<10240x64xf32, #tpu.memory_space<hbm>>
    %dma_wait3A_114 = arith.constant 0 : i32
    %dma_wait3A_115 = arith.constant 0 : i32
    %dma_wait3A_116 = tpu.memref_slice %dma_wait3A_113[%dma_wait3A_114, %dma_wait3A_115] : memref<10240x64xf32, #tpu.memory_space<hbm>> -> memref<10240x64xf32, #tpu.memory_space<hbm>>
    tpu.wait_indirect_dma semaphore(%arg16 : memref<!tpu.dma_semaphore, #tpu.memory_space<semaphore_mem>>) src(%dma_wait3A_116 : memref<10240x64xf32, #tpu.memory_space<hbm>>) dst(%arg10 : memref<125x64xf32, #tpu.memory_space<vmem>>)
    %dma_wait3A_117 = arith.constant 0 : i32
    %dma_wait3A_118 = arith.constant 0 : i32
    %dma_wait3A_119 = tpu.memref_slice %arg6[%dma_wait3A_117, %dma_wait3A_118] : memref<160x125xi32, #tpu.memory_space<vmem>> -> memref<1x125xi32, #tpu.memory_space<vmem>>
    %dma_wait3A_120 = tpu.memref_squeeze %dma_wait3A_119 : memref<1x125xi32, #tpu.memory_space<vmem>> -> memref<125xi32, #tpu.memory_space<vmem>>
    %dma_wait3A_121 = arith.constant 0 : i32
    %dma_wait3A_122 = arith.constant 0 : i32
    %dma_wait3A_123 = tpu.memref_slice %arg2[%arg0, %dma_wait3A_121, %dma_wait3A_122] : memref<2x10240x64xf32, #tpu.memory_space<hbm>> -> memref<1x10240x64xf32, #tpu.memory_space<hbm>>
    %dma_wait3A_124 = tpu.memref_squeeze %dma_wait3A_123 : memref<1x10240x64xf32, #tpu.memory_space<hbm>> -> memref<10240x64xf32, #tpu.memory_space<hbm>>
    %dma_wait3A_125 = arith.constant 0 : i32
    %dma_wait3A_126 = arith.constant 0 : i32
    %dma_wait3A_127 = tpu.memref_slice %dma_wait3A_124[%dma_wait3A_125, %dma_wait3A_126] : memref<10240x64xf32, #tpu.memory_space<hbm>> -> memref<10240x64xf32, #tpu.memory_space<hbm>>
    tpu.wait_indirect_dma semaphore(%arg17 : memref<!tpu.dma_semaphore, #tpu.memory_space<semaphore_mem>>) src(%dma_wait3A_127 : memref<10240x64xf32, #tpu.memory_space<hbm>>) dst(%arg11 : memref<125x64xf32, #tpu.memory_space<vmem>>)
    %dma_wait3A_128 = arith.constant 0 : i32
    %dma_wait3A_129 = arith.constant 0 : i32
    %dma_wait3A_130 = tpu.memref_slice %arg6[%dma_wait3A_128, %dma_wait3A_129] : memref<160x125xi32, #tpu.memory_space<vmem>> -> memref<1x125xi32, #tpu.memory_space<vmem>>
    %dma_wait3A_131 = tpu.memref_squeeze %dma_wait3A_130 : memref<1x125xi32, #tpu.memory_space<vmem>> -> memref<125xi32, #tpu.memory_space<vmem>>
    %dma_wait3A_132 = arith.constant 0 : i32
    %dma_wait3A_133 = arith.constant 0 : i32
    %dma_wait3A_134 = tpu.memref_slice %arg2[%arg0, %dma_wait3A_132, %dma_wait3A_133] : memref<2x10240x64xf32, #tpu.memory_space<hbm>> -> memref<1x10240x64xf32, #tpu.memory_space<hbm>>
    %dma_wait3A_135 = tpu.memref_squeeze %dma_wait3A_134 : memref<1x10240x64xf32, #tpu.memory_space<hbm>> -> memref<10240x64xf32, #tpu.memory_space<hbm>>
    %dma_wait3A_136 = arith.constant 0 : i32
    %dma_wait3A_137 = arith.constant 0 : i32
    %dma_wait3A_138 = tpu.memref_slice %dma_wait3A_135[%dma_wait3A_136, %dma_wait3A_137] : memref<10240x64xf32, #tpu.memory_space<hbm>> -> memref<10240x64xf32, #tpu.memory_space<hbm>>
    tpu.wait_indirect_dma semaphore(%arg18 : memref<!tpu.dma_semaphore, #tpu.memory_space<semaphore_mem>>) src(%dma_wait3A_138 : memref<10240x64xf32, #tpu.memory_space<hbm>>) dst(%arg12 : memref<125x64xf32, #tpu.memory_space<vmem>>)
    %barrier3A_139 = arith.constant 0 : index
    tpu.barrier barrier_id(%barrier3A_139)
    %mul3A_140 = arith.constant 640 : i32
    %mul3A_141 = arith.muli %arg1, %mul3A_140 : i32
    %mul3A_142 = arith.constant 640 : i32
    %mul3A_143 = arith.muli %arg1, %mul3A_142 : i32
    "tpu.region"() ({
      %run_scoped3A = tpu.sem_alloc : memref<!tpu.dma_semaphore, #tpu.memory_space<semaphore_mem>>
      %dma_start3A_144 = arith.constant 0 : i32
      %dma_start3A_145 = arith.constant 0 : i32
      %dma_start3A_146 = tpu.memref_slice %arg5[%arg0, %dma_start3A_144, %dma_start3A_145] : memref<2x10240x64xf32, #tpu.memory_space<hbm>> -> memref<1x10240x64xf32, #tpu.memory_space<hbm>>
      %dma_start3A_147 = tpu.memref_squeeze %dma_start3A_146 : memref<1x10240x64xf32, #tpu.memory_space<hbm>> -> memref<10240x64xf32, #tpu.memory_space<hbm>>
      %dma_start3A_148 = arith.constant 0 : i32
      %dma_start3A_149 = tpu.memref_slice %dma_start3A_147[%mul3A_143, %dma_start3A_148] : memref<10240x64xf32, #tpu.memory_space<hbm>> -> memref<640x64xf32, #tpu.memory_space<hbm>>
      %dma_start3A_150 = arith.constant 0 : i32
      %dma_start3A_151 = tpu.memref_slice %arg13[%mul3A_141, %dma_start3A_150] : memref<10240x64xf32, #tpu.memory_space<vmem_shared>> -> memref<640x64xf32, #tpu.memory_space<vmem_shared>>
      tpu.enqueue_dma source(%dma_start3A_151 : memref<640x64xf32, #tpu.memory_space<vmem_shared>>) target(%dma_start3A_149 : memref<640x64xf32, #tpu.memory_space<hbm>>) target_semaphore(%run_scoped3A : memref<!tpu.dma_semaphore, #tpu.memory_space<semaphore_mem>>)
      %dma_wait3A_152 = arith.constant 0 : i32
      %dma_wait3A_153 = arith.constant 0 : i32
      %dma_wait3A_154 = tpu.memref_slice %arg5[%arg0, %dma_wait3A_152, %dma_wait3A_153] : memref<2x10240x64xf32, #tpu.memory_space<hbm>> -> memref<1x10240x64xf32, #tpu.memory_space<hbm>>
      %dma_wait3A_155 = tpu.memref_squeeze %dma_wait3A_154 : memref<1x10240x64xf32, #tpu.memory_space<hbm>> -> memref<10240x64xf32, #tpu.memory_space<hbm>>
      %dma_wait3A_156 = arith.constant 0 : i32
      %dma_wait3A_157 = tpu.memref_slice %dma_wait3A_155[%mul3A_143, %dma_wait3A_156] : memref<10240x64xf32, #tpu.memory_space<hbm>> -> memref<640x64xf32, #tpu.memory_space<hbm>>
      %dma_wait3A_158 = arith.constant 0 : i32
      %dma_wait3A_159 = tpu.memref_slice %arg13[%mul3A_141, %dma_wait3A_158] : memref<10240x64xf32, #tpu.memory_space<vmem_shared>> -> memref<640x64xf32, #tpu.memory_space<vmem_shared>>
      tpu.wait_dma2 semaphore(%run_scoped3A : memref<!tpu.dma_semaphore, #tpu.memory_space<semaphore_mem>>) src(%dma_wait3A_159 : memref<640x64xf32, #tpu.memory_space<vmem_shared>>) dst(%dma_wait3A_157 : memref<640x64xf32, #tpu.memory_space<hbm>>)
      tpu.yield
    }) : () -> ()
    return
  }
}

#map = affine_map<(d0, d1) -> (0, 0, 0)>
module attributes {stable_mosaic.version = 14 : i64} {
  func.func @_sc_agg_body(%arg0: i32, %arg1: i32, %arg2: memref<2x10240x64xf32, #tpu.memory_space<hbm>>, %arg3: memref<16x160x125xi32, #tpu.memory_space<hbm>>, %arg4: memref<16x160x125xi32, #tpu.memory_space<hbm>>, %arg5: memref<2x10240x64xf32, #tpu.memory_space<hbm>>, %arg6: memref<160x125xi32, #tpu.memory_space<vmem>>, %arg7: memref<160x125xi32, #tpu.memory_space<vmem>>, %arg8: memref<125x64xf32, #tpu.memory_space<vmem>>, %arg9: memref<125x64xf32, #tpu.memory_space<vmem>>, %arg10: memref<125x64xf32, #tpu.memory_space<vmem>>, %arg11: memref<125x64xf32, #tpu.memory_space<vmem>>, %arg12: memref<125x64xf32, #tpu.memory_space<vmem>>, %arg13: memref<10240x64xf32, #tpu.memory_space<vmem_shared>>, %arg14: memref<!tpu.dma_semaphore, #tpu.memory_space<semaphore_mem>>, %arg15: memref<!tpu.dma_semaphore, #tpu.memory_space<semaphore_mem>>, %arg16: memref<!tpu.dma_semaphore, #tpu.memory_space<semaphore_mem>>, %arg17: memref<!tpu.dma_semaphore, #tpu.memory_space<semaphore_mem>>, %arg18: memref<!tpu.dma_semaphore, #tpu.memory_space<semaphore_mem>>, %arg19: memref<!tpu.dma_semaphore, #tpu.memory_space<semaphore_mem>>, %arg20: memref<!tpu.dma_semaphore, #tpu.memory_space<semaphore_mem>>, %arg21: memref<!tpu.dma_semaphore, #tpu.memory_space<semaphore_mem>>, %arg22: memref<!tpu.dma_semaphore, #tpu.memory_space<semaphore_mem>>, %arg23: memref<!tpu.dma_semaphore, #tpu.memory_space<semaphore_mem>>) attributes {dimension_semantics = [#tpu.dimension_semantics<core_parallel>, #tpu.dimension_semantics<subcore_parallel>], iteration_bounds = array<i64: 2, 16>, scalar_prefetch = 0 : i64, scratch_operands = 18 : i64, tpu.core_type = #tpu.core_type<sc_vector_subcore>, window_params = [{transform_indices = #map}, {transform_indices = #map}, {transform_indices = #map}, {transform_indices = #map}]} {
    %scan3A = arith.constant 0 : i32
    %scan3A_0 = arith.constant 0 : i32
    %scan3A_1 = arith.constant 128 : i32
    %scan3A_2 = arith.addi %scan3A_0, %scan3A_1 : i32
    %scan3A_3 = arith.constant 1 : i32
    %scan3A_4 = scf.for %scan3A_144 = %scan3A_0 to %scan3A_2 step %scan3A_3 iter_args(%scan3A_145 = %scan3A) -> (i32)  : i32 {
      %broadcast_in_dim3A = arith.constant 0.000000e+00 : f32
      %broadcast_in_dim3A_146 = vector.broadcast %broadcast_in_dim3A : f32 to vector<16xf32>
      %swap3A = arith.index_cast %scan3A_144 : i32 to index
      %swap3A_147 = arith.constant 0 : index
      %swap3A_148 = tpu.vector_load %arg8[%swap3A, %swap3A_147] {strides = array<i32>} : memref<125x64xf32, #tpu.memory_space<vmem>>, vector<1x16xf32>,
      %swap3A_149 = vector.shape_cast %swap3A_148 : vector<1x16xf32> to vector<16xf32>
      %swap3A_150 = vector.shape_cast %broadcast_in_dim3A_146 : vector<16xf32> to vector<1x16xf32>
      tpu.vector_store %arg8[%swap3A, %swap3A_147], %swap3A_150 {strides = array<i32>} : memref<125x64xf32, #tpu.memory_space<vmem>>, vector<1x16xf32>,
      %broadcast_in_dim3A_151 = arith.constant 0.000000e+00 : f32
      %broadcast_in_dim3A_152 = vector.broadcast %broadcast_in_dim3A_151 : f32 to vector<16xf32>
      %swap3A_153 = arith.index_cast %scan3A_144 : i32 to index
      %swap3A_154 = arith.constant 16 : index
      %swap3A_155 = tpu.vector_load %arg8[%swap3A_153, %swap3A_154] {strides = array<i32>} : memref<125x64xf32, #tpu.memory_space<vmem>>, vector<1x16xf32>,
      %swap3A_156 = vector.shape_cast %swap3A_155 : vector<1x16xf32> to vector<16xf32>
      %swap3A_157 = vector.shape_cast %broadcast_in_dim3A_152 : vector<16xf32> to vector<1x16xf32>
      tpu.vector_store %arg8[%swap3A_153, %swap3A_154], %swap3A_157 {strides = array<i32>} : memref<125x64xf32, #tpu.memory_space<vmem>>, vector<1x16xf32>,
      %broadcast_in_dim3A_158 = arith.constant 0.000000e+00 : f32
      %broadcast_in_dim3A_159 = vector.broadcast %broadcast_in_dim3A_158 : f32 to vector<16xf32>
      %swap3A_160 = arith.index_cast %scan3A_144 : i32 to index
      %swap3A_161 = arith.constant 32 : index
      %swap3A_162 = tpu.vector_load %arg8[%swap3A_160, %swap3A_161] {strides = array<i32>} : memref<125x64xf32, #tpu.memory_space<vmem>>, vector<1x16xf32>,
      %swap3A_163 = vector.shape_cast %swap3A_162 : vector<1x16xf32> to vector<16xf32>
      %swap3A_164 = vector.shape_cast %broadcast_in_dim3A_159 : vector<16xf32> to vector<1x16xf32>
      tpu.vector_store %arg8[%swap3A_160, %swap3A_161], %swap3A_164 {strides = array<i32>} : memref<125x64xf32, #tpu.memory_space<vmem>>, vector<1x16xf32>,
      %broadcast_in_dim3A_165 = arith.constant 0.000000e+00 : f32
      %broadcast_in_dim3A_166 = vector.broadcast %broadcast_in_dim3A_165 : f32 to vector<16xf32>
      %swap3A_167 = arith.index_cast %scan3A_144 : i32 to index
      %swap3A_168 = arith.constant 48 : index
      %swap3A_169 = tpu.vector_load %arg8[%swap3A_167, %swap3A_168] {strides = array<i32>} : memref<125x64xf32, #tpu.memory_space<vmem>>, vector<1x16xf32>,
      %swap3A_170 = vector.shape_cast %swap3A_169 : vector<1x16xf32> to vector<16xf32>
      %swap3A_171 = vector.shape_cast %broadcast_in_dim3A_166 : vector<16xf32> to vector<1x16xf32>
      tpu.vector_store %arg8[%swap3A_167, %swap3A_168], %swap3A_171 {strides = array<i32>} : memref<125x64xf32, #tpu.memory_space<vmem>>, vector<1x16xf32>,
      %scan3A_172 = arith.constant 0 : i32
      scf.yield %scan3A_172 : i32
    }
    %scan3A_5 = arith.constant 128 : i32
    %mul3A = arith.constant 640 : i32
    %mul3A_6 = arith.muli %arg1, %mul3A : i32
    %add3A = arith.constant 0 : i32
    %add3A_7 = arith.addi %mul3A_6, %add3A : i32
    "tpu.region"() ({
      %run_scoped3A = tpu.sem_alloc : memref<!tpu.dma_semaphore, #tpu.memory_space<semaphore_mem>>
      %dma_start3A_144 = arith.constant 0 : i32
      %dma_start3A_145 = arith.constant 0 : i32
      %dma_start3A_146 = tpu.memref_slice %arg8[%dma_start3A_144, %dma_start3A_145] : memref<125x64xf32, #tpu.memory_space<vmem>> -> memref<128x64xf32, #tpu.memory_space<vmem>>
      %dma_start3A_147 = arith.constant 0 : i32
      %dma_start3A_148 = tpu.memref_slice %arg13[%add3A_7, %dma_start3A_147] : memref<10240x64xf32, #tpu.memory_space<vmem_shared>> -> memref<128x64xf32, #tpu.memory_space<vmem_shared>>
      %dma_start3A_149 = arith.constant 0 : i32
      %dma_start3A_150 = tpu.memref_slice %arg13[%add3A_7, %dma_start3A_149] : memref<10240x64xf32, #tpu.memory_space<vmem_shared>> -> memref<128x64xf32, #tpu.memory_space<vmem_shared>>
      %dma_start3A_151 = arith.constant 0 : i32
      %dma_start3A_152 = arith.constant 0 : i32
      %dma_start3A_153 = tpu.memref_slice %arg8[%dma_start3A_151, %dma_start3A_152] : memref<125x64xf32, #tpu.memory_space<vmem>> -> memref<128x64xf32, #tpu.memory_space<vmem>>
      tpu.enqueue_dma source(%dma_start3A_153 : memref<128x64xf32, #tpu.memory_space<vmem>>) target(%dma_start3A_150 : memref<128x64xf32, #tpu.memory_space<vmem_shared>>) target_semaphore(%run_scoped3A : memref<!tpu.dma_semaphore, #tpu.memory_space<semaphore_mem>>)
      %dma_wait3A_154 = arith.constant 0 : i32
      %dma_wait3A_155 = arith.constant 0 : i32
      %dma_wait3A_156 = tpu.memref_slice %arg8[%dma_wait3A_154, %dma_wait3A_155] : memref<125x64xf32, #tpu.memory_space<vmem>> -> memref<128x64xf32, #tpu.memory_space<vmem>>
      %dma_wait3A_157 = arith.constant 0 : i32
      %dma_wait3A_158 = tpu.memref_slice %arg13[%add3A_7, %dma_wait3A_157] : memref<10240x64xf32, #tpu.memory_space<vmem_shared>> -> memref<128x64xf32, #tpu.memory_space<vmem_shared>>
      %dma_wait3A_159 = arith.constant 0 : i32
      %dma_wait3A_160 = tpu.memref_slice %arg13[%add3A_7, %dma_wait3A_159] : memref<10240x64xf32, #tpu.memory_space<vmem_shared>> -> memref<128x64xf32, #tpu.memory_space<vmem_shared>>
      %dma_wait3A_161 = arith.constant 0 : i32
      %dma_wait3A_162 = arith.constant 0 : i32
      %dma_wait3A_163 = tpu.memref_slice %arg8[%dma_wait3A_161, %dma_wait3A_162] : memref<125x64xf32, #tpu.memory_space<vmem>> -> memref<128x64xf32, #tpu.memory_space<vmem>>
      tpu.wait_dma2 semaphore(%run_scoped3A : memref<!tpu.dma_semaphore, #tpu.memory_space<semaphore_mem>>) src(%dma_wait3A_163 : memref<128x64xf32, #tpu.memory_space<vmem>>) dst(%dma_wait3A_160 : memref<128x64xf32, #tpu.memory_space<vmem_shared>>)
      tpu.yield
    }) : () -> ()
    %mul3A_8 = arith.constant 640 : i32
    %mul3A_9 = arith.muli %arg1, %mul3A_8 : i32
    %add3A_10 = arith.constant 128 : i32
    %add3A_11 = arith.addi %mul3A_9, %add3A_10 : i32
    "tpu.region"() ({
      %run_scoped3A = tpu.sem_alloc : memref<!tpu.dma_semaphore, #tpu.memory_space<semaphore_mem>>
      %dma_start3A_144 = arith.constant 0 : i32
      %dma_start3A_145 = arith.constant 0 : i32
      %dma_start3A_146 = tpu.memref_slice %arg8[%dma_start3A_144, %dma_start3A_145] : memref<125x64xf32, #tpu.memory_space<vmem>> -> memref<128x64xf32, #tpu.memory_space<vmem>>
      %dma_start3A_147 = arith.constant 0 : i32
      %dma_start3A_148 = tpu.memref_slice %arg13[%add3A_11, %dma_start3A_147] : memref<10240x64xf32, #tpu.memory_space<vmem_shared>> -> memref<128x64xf32, #tpu.memory_space<vmem_shared>>
      %dma_start3A_149 = arith.constant 0 : i32
      %dma_start3A_150 = tpu.memref_slice %arg13[%add3A_11, %dma_start3A_149] : memref<10240x64xf32, #tpu.memory_space<vmem_shared>> -> memref<128x64xf32, #tpu.memory_space<vmem_shared>>
      %dma_start3A_151 = arith.constant 0 : i32
      %dma_start3A_152 = arith.constant 0 : i32
      %dma_start3A_153 = tpu.memref_slice %arg8[%dma_start3A_151, %dma_start3A_152] : memref<125x64xf32, #tpu.memory_space<vmem>> -> memref<128x64xf32, #tpu.memory_space<vmem>>
      tpu.enqueue_dma source(%dma_start3A_153 : memref<128x64xf32, #tpu.memory_space<vmem>>) target(%dma_start3A_150 : memref<128x64xf32, #tpu.memory_space<vmem_shared>>) target_semaphore(%run_scoped3A : memref<!tpu.dma_semaphore, #tpu.memory_space<semaphore_mem>>)
      %dma_wait3A_154 = arith.constant 0 : i32
      %dma_wait3A_155 = arith.constant 0 : i32
      %dma_wait3A_156 = tpu.memref_slice %arg8[%dma_wait3A_154, %dma_wait3A_155] : memref<125x64xf32, #tpu.memory_space<vmem>> -> memref<128x64xf32, #tpu.memory_space<vmem>>
      %dma_wait3A_157 = arith.constant 0 : i32
      %dma_wait3A_158 = tpu.memref_slice %arg13[%add3A_11, %dma_wait3A_157] : memref<10240x64xf32, #tpu.memory_space<vmem_shared>> -> memref<128x64xf32, #tpu.memory_space<vmem_shared>>
      %dma_wait3A_159 = arith.constant 0 : i32
      %dma_wait3A_160 = tpu.memref_slice %arg13[%add3A_11, %dma_wait3A_159] : memref<10240x64xf32, #tpu.memory_space<vmem_shared>> -> memref<128x64xf32, #tpu.memory_space<vmem_shared>>
      %dma_wait3A_161 = arith.constant 0 : i32
      %dma_wait3A_162 = arith.constant 0 : i32
      %dma_wait3A_163 = tpu.memref_slice %arg8[%dma_wait3A_161, %dma_wait3A_162] : memref<125x64xf32, #tpu.memory_space<vmem>> -> memref<128x64xf32, #tpu.memory_space<vmem>>
      tpu.wait_dma2 semaphore(%run_scoped3A : memref<!tpu.dma_semaphore, #tpu.memory_space<semaphore_mem>>) src(%dma_wait3A_163 : memref<128x64xf32, #tpu.memory_space<vmem>>) dst(%dma_wait3A_160 : memref<128x64xf32, #tpu.memory_space<vmem_shared>>)
      tpu.yield
    }) : () -> ()
    %mul3A_12 = arith.constant 640 : i32
    %mul3A_13 = arith.muli %arg1, %mul3A_12 : i32
    %add3A_14 = arith.constant 256 : i32
    %add3A_15 = arith.addi %mul3A_13, %add3A_14 : i32
    "tpu.region"() ({
      %run_scoped3A = tpu.sem_alloc : memref<!tpu.dma_semaphore, #tpu.memory_space<semaphore_mem>>
      %dma_start3A_144 = arith.constant 0 : i32
      %dma_start3A_145 = arith.constant 0 : i32
      %dma_start3A_146 = tpu.memref_slice %arg8[%dma_start3A_144, %dma_start3A_145] : memref<125x64xf32, #tpu.memory_space<vmem>> -> memref<128x64xf32, #tpu.memory_space<vmem>>
      %dma_start3A_147 = arith.constant 0 : i32
      %dma_start3A_148 = tpu.memref_slice %arg13[%add3A_15, %dma_start3A_147] : memref<10240x64xf32, #tpu.memory_space<vmem_shared>> -> memref<128x64xf32, #tpu.memory_space<vmem_shared>>
      %dma_start3A_149 = arith.constant 0 : i32
      %dma_start3A_150 = tpu.memref_slice %arg13[%add3A_15, %dma_start3A_149] : memref<10240x64xf32, #tpu.memory_space<vmem_shared>> -> memref<128x64xf32, #tpu.memory_space<vmem_shared>>
      %dma_start3A_151 = arith.constant 0 : i32
      %dma_start3A_152 = arith.constant 0 : i32
      %dma_start3A_153 = tpu.memref_slice %arg8[%dma_start3A_151, %dma_start3A_152] : memref<125x64xf32, #tpu.memory_space<vmem>> -> memref<128x64xf32, #tpu.memory_space<vmem>>
      tpu.enqueue_dma source(%dma_start3A_153 : memref<128x64xf32, #tpu.memory_space<vmem>>) target(%dma_start3A_150 : memref<128x64xf32, #tpu.memory_space<vmem_shared>>) target_semaphore(%run_scoped3A : memref<!tpu.dma_semaphore, #tpu.memory_space<semaphore_mem>>)
      %dma_wait3A_154 = arith.constant 0 : i32
      %dma_wait3A_155 = arith.constant 0 : i32
      %dma_wait3A_156 = tpu.memref_slice %arg8[%dma_wait3A_154, %dma_wait3A_155] : memref<125x64xf32, #tpu.memory_space<vmem>> -> memref<128x64xf32, #tpu.memory_space<vmem>>
      %dma_wait3A_157 = arith.constant 0 : i32
      %dma_wait3A_158 = tpu.memref_slice %arg13[%add3A_15, %dma_wait3A_157] : memref<10240x64xf32, #tpu.memory_space<vmem_shared>> -> memref<128x64xf32, #tpu.memory_space<vmem_shared>>
      %dma_wait3A_159 = arith.constant 0 : i32
      %dma_wait3A_160 = tpu.memref_slice %arg13[%add3A_15, %dma_wait3A_159] : memref<10240x64xf32, #tpu.memory_space<vmem_shared>> -> memref<128x64xf32, #tpu.memory_space<vmem_shared>>
      %dma_wait3A_161 = arith.constant 0 : i32
      %dma_wait3A_162 = arith.constant 0 : i32
      %dma_wait3A_163 = tpu.memref_slice %arg8[%dma_wait3A_161, %dma_wait3A_162] : memref<125x64xf32, #tpu.memory_space<vmem>> -> memref<128x64xf32, #tpu.memory_space<vmem>>
      tpu.wait_dma2 semaphore(%run_scoped3A : memref<!tpu.dma_semaphore, #tpu.memory_space<semaphore_mem>>) src(%dma_wait3A_163 : memref<128x64xf32, #tpu.memory_space<vmem>>) dst(%dma_wait3A_160 : memref<128x64xf32, #tpu.memory_space<vmem_shared>>)
      tpu.yield
    }) : () -> ()
    %mul3A_16 = arith.constant 640 : i32
    %mul3A_17 = arith.muli %arg1, %mul3A_16 : i32
    %add3A_18 = arith.constant 384 : i32
    %add3A_19 = arith.addi %mul3A_17, %add3A_18 : i32
    "tpu.region"() ({
      %run_scoped3A = tpu.sem_alloc : memref<!tpu.dma_semaphore, #tpu.memory_space<semaphore_mem>>
      %dma_start3A_144 = arith.constant 0 : i32
      %dma_start3A_145 = arith.constant 0 : i32
      %dma_start3A_146 = tpu.memref_slice %arg8[%dma_start3A_144, %dma_start3A_145] : memref<125x64xf32, #tpu.memory_space<vmem>> -> memref<128x64xf32, #tpu.memory_space<vmem>>
      %dma_start3A_147 = arith.constant 0 : i32
      %dma_start3A_148 = tpu.memref_slice %arg13[%add3A_19, %dma_start3A_147] : memref<10240x64xf32, #tpu.memory_space<vmem_shared>> -> memref<128x64xf32, #tpu.memory_space<vmem_shared>>
      %dma_start3A_149 = arith.constant 0 : i32
      %dma_start3A_150 = tpu.memref_slice %arg13[%add3A_19, %dma_start3A_149] : memref<10240x64xf32, #tpu.memory_space<vmem_shared>> -> memref<128x64xf32, #tpu.memory_space<vmem_shared>>
      %dma_start3A_151 = arith.constant 0 : i32
      %dma_start3A_152 = arith.constant 0 : i32
      %dma_start3A_153 = tpu.memref_slice %arg8[%dma_start3A_151, %dma_start3A_152] : memref<125x64xf32, #tpu.memory_space<vmem>> -> memref<128x64xf32, #tpu.memory_space<vmem>>
      tpu.enqueue_dma source(%dma_start3A_153 : memref<128x64xf32, #tpu.memory_space<vmem>>) target(%dma_start3A_150 : memref<128x64xf32, #tpu.memory_space<vmem_shared>>) target_semaphore(%run_scoped3A : memref<!tpu.dma_semaphore, #tpu.memory_space<semaphore_mem>>)
      %dma_wait3A_154 = arith.constant 0 : i32
      %dma_wait3A_155 = arith.constant 0 : i32
      %dma_wait3A_156 = tpu.memref_slice %arg8[%dma_wait3A_154, %dma_wait3A_155] : memref<125x64xf32, #tpu.memory_space<vmem>> -> memref<128x64xf32, #tpu.memory_space<vmem>>
      %dma_wait3A_157 = arith.constant 0 : i32
      %dma_wait3A_158 = tpu.memref_slice %arg13[%add3A_19, %dma_wait3A_157] : memref<10240x64xf32, #tpu.memory_space<vmem_shared>> -> memref<128x64xf32, #tpu.memory_space<vmem_shared>>
      %dma_wait3A_159 = arith.constant 0 : i32
      %dma_wait3A_160 = tpu.memref_slice %arg13[%add3A_19, %dma_wait3A_159] : memref<10240x64xf32, #tpu.memory_space<vmem_shared>> -> memref<128x64xf32, #tpu.memory_space<vmem_shared>>
      %dma_wait3A_161 = arith.constant 0 : i32
      %dma_wait3A_162 = arith.constant 0 : i32
      %dma_wait3A_163 = tpu.memref_slice %arg8[%dma_wait3A_161, %dma_wait3A_162] : memref<125x64xf32, #tpu.memory_space<vmem>> -> memref<128x64xf32, #tpu.memory_space<vmem>>
      tpu.wait_dma2 semaphore(%run_scoped3A : memref<!tpu.dma_semaphore, #tpu.memory_space<semaphore_mem>>) src(%dma_wait3A_163 : memref<128x64xf32, #tpu.memory_space<vmem>>) dst(%dma_wait3A_160 : memref<128x64xf32, #tpu.memory_space<vmem_shared>>)
      tpu.yield
    }) : () -> ()
    %mul3A_20 = arith.constant 640 : i32
    %mul3A_21 = arith.muli %arg1, %mul3A_20 : i32
    %add3A_22 = arith.constant 512 : i32
    %add3A_23 = arith.addi %mul3A_21, %add3A_22 : i32
    "tpu.region"() ({
      %run_scoped3A = tpu.sem_alloc : memref<!tpu.dma_semaphore, #tpu.memory_space<semaphore_mem>>
      %dma_start3A_144 = arith.constant 0 : i32
      %dma_start3A_145 = arith.constant 0 : i32
      %dma_start3A_146 = tpu.memref_slice %arg8[%dma_start3A_144, %dma_start3A_145] : memref<125x64xf32, #tpu.memory_space<vmem>> -> memref<128x64xf32, #tpu.memory_space<vmem>>
      %dma_start3A_147 = arith.constant 0 : i32
      %dma_start3A_148 = tpu.memref_slice %arg13[%add3A_23, %dma_start3A_147] : memref<10240x64xf32, #tpu.memory_space<vmem_shared>> -> memref<128x64xf32, #tpu.memory_space<vmem_shared>>
      %dma_start3A_149 = arith.constant 0 : i32
      %dma_start3A_150 = tpu.memref_slice %arg13[%add3A_23, %dma_start3A_149] : memref<10240x64xf32, #tpu.memory_space<vmem_shared>> -> memref<128x64xf32, #tpu.memory_space<vmem_shared>>
      %dma_start3A_151 = arith.constant 0 : i32
      %dma_start3A_152 = arith.constant 0 : i32
      %dma_start3A_153 = tpu.memref_slice %arg8[%dma_start3A_151, %dma_start3A_152] : memref<125x64xf32, #tpu.memory_space<vmem>> -> memref<128x64xf32, #tpu.memory_space<vmem>>
      tpu.enqueue_dma source(%dma_start3A_153 : memref<128x64xf32, #tpu.memory_space<vmem>>) target(%dma_start3A_150 : memref<128x64xf32, #tpu.memory_space<vmem_shared>>) target_semaphore(%run_scoped3A : memref<!tpu.dma_semaphore, #tpu.memory_space<semaphore_mem>>)
      %dma_wait3A_154 = arith.constant 0 : i32
      %dma_wait3A_155 = arith.constant 0 : i32
      %dma_wait3A_156 = tpu.memref_slice %arg8[%dma_wait3A_154, %dma_wait3A_155] : memref<125x64xf32, #tpu.memory_space<vmem>> -> memref<128x64xf32, #tpu.memory_space<vmem>>
      %dma_wait3A_157 = arith.constant 0 : i32
      %dma_wait3A_158 = tpu.memref_slice %arg13[%add3A_23, %dma_wait3A_157] : memref<10240x64xf32, #tpu.memory_space<vmem_shared>> -> memref<128x64xf32, #tpu.memory_space<vmem_shared>>
      %dma_wait3A_159 = arith.constant 0 : i32
      %dma_wait3A_160 = tpu.memref_slice %arg13[%add3A_23, %dma_wait3A_159] : memref<10240x64xf32, #tpu.memory_space<vmem_shared>> -> memref<128x64xf32, #tpu.memory_space<vmem_shared>>
      %dma_wait3A_161 = arith.constant 0 : i32
      %dma_wait3A_162 = arith.constant 0 : i32
      %dma_wait3A_163 = tpu.memref_slice %arg8[%dma_wait3A_161, %dma_wait3A_162] : memref<125x64xf32, #tpu.memory_space<vmem>> -> memref<128x64xf32, #tpu.memory_space<vmem>>
      tpu.wait_dma2 semaphore(%run_scoped3A : memref<!tpu.dma_semaphore, #tpu.memory_space<semaphore_mem>>) src(%dma_wait3A_163 : memref<128x64xf32, #tpu.memory_space<vmem>>) dst(%dma_wait3A_160 : memref<128x64xf32, #tpu.memory_space<vmem_shared>>)
      tpu.yield
    }) : () -> ()
    %barrier3A = arith.constant 0 : index
    tpu.barrier barrier_id(%barrier3A)
    "tpu.region"() ({
      %run_scoped3A = tpu.sem_alloc : memref<!tpu.dma_semaphore, #tpu.memory_space<semaphore_mem>>
      %dma_start3A_144 = arith.constant 0 : i32
      %dma_start3A_145 = arith.constant 0 : i32
      %dma_start3A_146 = tpu.memref_slice %arg3[%arg1, %dma_start3A_144, %dma_start3A_145] : memref<16x160x125xi32, #tpu.memory_space<hbm>> -> memref<1x160x125xi32, #tpu.memory_space<hbm>>
      %dma_start3A_147 = tpu.memref_squeeze %dma_start3A_146 : memref<1x160x125xi32, #tpu.memory_space<hbm>> -> memref<160x125xi32, #tpu.memory_space<hbm>>
      %dma_start3A_148 = arith.constant 0 : i32
      %dma_start3A_149 = arith.constant 0 : i32
      %dma_start3A_150 = tpu.memref_slice %dma_start3A_147[%dma_start3A_148, %dma_start3A_149] : memref<160x125xi32, #tpu.memory_space<hbm>> -> memref<160x125xi32, #tpu.memory_space<hbm>>
      %dma_start3A_151 = arith.constant 0 : i32
      %dma_start3A_152 = arith.constant 0 : i32
      %dma_start3A_153 = tpu.memref_slice %arg3[%arg1, %dma_start3A_151, %dma_start3A_152] : memref<16x160x125xi32, #tpu.memory_space<hbm>> -> memref<1x160x125xi32, #tpu.memory_space<hbm>>
      %dma_start3A_154 = tpu.memref_squeeze %dma_start3A_153 : memref<1x160x125xi32, #tpu.memory_space<hbm>> -> memref<160x125xi32, #tpu.memory_space<hbm>>
      %dma_start3A_155 = arith.constant 0 : i32
      %dma_start3A_156 = arith.constant 0 : i32
      %dma_start3A_157 = tpu.memref_slice %dma_start3A_154[%dma_start3A_155, %dma_start3A_156] : memref<160x125xi32, #tpu.memory_space<hbm>> -> memref<160x125xi32, #tpu.memory_space<hbm>>
      tpu.enqueue_dma source(%dma_start3A_157 : memref<160x125xi32, #tpu.memory_space<hbm>>) target(%arg6 : memref<160x125xi32, #tpu.memory_space<vmem>>) target_semaphore(%run_scoped3A : memref<!tpu.dma_semaphore, #tpu.memory_space<semaphore_mem>>)
      %dma_wait3A_158 = arith.constant 0 : i32
      %dma_wait3A_159 = arith.constant 0 : i32
      %dma_wait3A_160 = tpu.memref_slice %arg3[%arg1, %dma_wait3A_158, %dma_wait3A_159] : memref<16x160x125xi32, #tpu.memory_space<hbm>> -> memref<1x160x125xi32, #tpu.memory_space<hbm>>
      %dma_wait3A_161 = tpu.memref_squeeze %dma_wait3A_160 : memref<1x160x125xi32, #tpu.memory_space<hbm>> -> memref<160x125xi32, #tpu.memory_space<hbm>>
      %dma_wait3A_162 = arith.constant 0 : i32
      %dma_wait3A_163 = arith.constant 0 : i32
      %dma_wait3A_164 = tpu.memref_slice %dma_wait3A_161[%dma_wait3A_162, %dma_wait3A_163] : memref<160x125xi32, #tpu.memory_space<hbm>> -> memref<160x125xi32, #tpu.memory_space<hbm>>
      %dma_wait3A_165 = arith.constant 0 : i32
      %dma_wait3A_166 = arith.constant 0 : i32
      %dma_wait3A_167 = tpu.memref_slice %arg3[%arg1, %dma_wait3A_165, %dma_wait3A_166] : memref<16x160x125xi32, #tpu.memory_space<hbm>> -> memref<1x160x125xi32, #tpu.memory_space<hbm>>
      %dma_wait3A_168 = tpu.memref_squeeze %dma_wait3A_167 : memref<1x160x125xi32, #tpu.memory_space<hbm>> -> memref<160x125xi32, #tpu.memory_space<hbm>>
      %dma_wait3A_169 = arith.constant 0 : i32
      %dma_wait3A_170 = arith.constant 0 : i32
      %dma_wait3A_171 = tpu.memref_slice %dma_wait3A_168[%dma_wait3A_169, %dma_wait3A_170] : memref<160x125xi32, #tpu.memory_space<hbm>> -> memref<160x125xi32, #tpu.memory_space<hbm>>
      tpu.wait_dma2 semaphore(%run_scoped3A : memref<!tpu.dma_semaphore, #tpu.memory_space<semaphore_mem>>) src(%dma_wait3A_171 : memref<160x125xi32, #tpu.memory_space<hbm>>) dst(%arg6 : memref<160x125xi32, #tpu.memory_space<vmem>>)
      tpu.yield
    }) : () -> ()
    "tpu.region"() ({
      %run_scoped3A = tpu.sem_alloc : memref<!tpu.dma_semaphore, #tpu.memory_space<semaphore_mem>>
      %dma_start3A_144 = arith.constant 0 : i32
      %dma_start3A_145 = arith.constant 0 : i32
      %dma_start3A_146 = tpu.memref_slice %arg4[%arg1, %dma_start3A_144, %dma_start3A_145] : memref<16x160x125xi32, #tpu.memory_space<hbm>> -> memref<1x160x125xi32, #tpu.memory_space<hbm>>
      %dma_start3A_147 = tpu.memref_squeeze %dma_start3A_146 : memref<1x160x125xi32, #tpu.memory_space<hbm>> -> memref<160x125xi32, #tpu.memory_space<hbm>>
      %dma_start3A_148 = arith.constant 0 : i32
      %dma_start3A_149 = arith.constant 0 : i32
      %dma_start3A_150 = tpu.memref_slice %dma_start3A_147[%dma_start3A_148, %dma_start3A_149] : memref<160x125xi32, #tpu.memory_space<hbm>> -> memref<160x125xi32, #tpu.memory_space<hbm>>
      %dma_start3A_151 = arith.constant 0 : i32
      %dma_start3A_152 = arith.constant 0 : i32
      %dma_start3A_153 = tpu.memref_slice %arg4[%arg1, %dma_start3A_151, %dma_start3A_152] : memref<16x160x125xi32, #tpu.memory_space<hbm>> -> memref<1x160x125xi32, #tpu.memory_space<hbm>>
      %dma_start3A_154 = tpu.memref_squeeze %dma_start3A_153 : memref<1x160x125xi32, #tpu.memory_space<hbm>> -> memref<160x125xi32, #tpu.memory_space<hbm>>
      %dma_start3A_155 = arith.constant 0 : i32
      %dma_start3A_156 = arith.constant 0 : i32
      %dma_start3A_157 = tpu.memref_slice %dma_start3A_154[%dma_start3A_155, %dma_start3A_156] : memref<160x125xi32, #tpu.memory_space<hbm>> -> memref<160x125xi32, #tpu.memory_space<hbm>>
      tpu.enqueue_dma source(%dma_start3A_157 : memref<160x125xi32, #tpu.memory_space<hbm>>) target(%arg7 : memref<160x125xi32, #tpu.memory_space<vmem>>) target_semaphore(%run_scoped3A : memref<!tpu.dma_semaphore, #tpu.memory_space<semaphore_mem>>)
      %dma_wait3A_158 = arith.constant 0 : i32
      %dma_wait3A_159 = arith.constant 0 : i32
      %dma_wait3A_160 = tpu.memref_slice %arg4[%arg1, %dma_wait3A_158, %dma_wait3A_159] : memref<16x160x125xi32, #tpu.memory_space<hbm>> -> memref<1x160x125xi32, #tpu.memory_space<hbm>>
      %dma_wait3A_161 = tpu.memref_squeeze %dma_wait3A_160 : memref<1x160x125xi32, #tpu.memory_space<hbm>> -> memref<160x125xi32, #tpu.memory_space<hbm>>
      %dma_wait3A_162 = arith.constant 0 : i32
      %dma_wait3A_163 = arith.constant 0 : i32
      %dma_wait3A_164 = tpu.memref_slice %dma_wait3A_161[%dma_wait3A_162, %dma_wait3A_163] : memref<160x125xi32, #tpu.memory_space<hbm>> -> memref<160x125xi32, #tpu.memory_space<hbm>>
      %dma_wait3A_165 = arith.constant 0 : i32
      %dma_wait3A_166 = arith.constant 0 : i32
      %dma_wait3A_167 = tpu.memref_slice %arg4[%arg1, %dma_wait3A_165, %dma_wait3A_166] : memref<16x160x125xi32, #tpu.memory_space<hbm>> -> memref<1x160x125xi32, #tpu.memory_space<hbm>>
      %dma_wait3A_168 = tpu.memref_squeeze %dma_wait3A_167 : memref<1x160x125xi32, #tpu.memory_space<hbm>> -> memref<160x125xi32, #tpu.memory_space<hbm>>
      %dma_wait3A_169 = arith.constant 0 : i32
      %dma_wait3A_170 = arith.constant 0 : i32
      %dma_wait3A_171 = tpu.memref_slice %dma_wait3A_168[%dma_wait3A_169, %dma_wait3A_170] : memref<160x125xi32, #tpu.memory_space<hbm>> -> memref<160x125xi32, #tpu.memory_space<hbm>>
      tpu.wait_dma2 semaphore(%run_scoped3A : memref<!tpu.dma_semaphore, #tpu.memory_space<semaphore_mem>>) src(%dma_wait3A_171 : memref<160x125xi32, #tpu.memory_space<hbm>>) dst(%arg7 : memref<160x125xi32, #tpu.memory_space<vmem>>)
      tpu.yield
    }) : () -> ()
    %dma_start3A = arith.constant 0 : i32
    %dma_start3A_24 = arith.constant 0 : i32
    %dma_start3A_25 = tpu.memref_slice %arg6[%dma_start3A, %dma_start3A_24] : memref<160x125xi32, #tpu.memory_space<vmem>> -> memref<1x125xi32, #tpu.memory_space<vmem>>
    %dma_start3A_26 = tpu.memref_squeeze %dma_start3A_25 : memref<1x125xi32, #tpu.memory_space<vmem>> -> memref<125xi32, #tpu.memory_space<vmem>>
    %dma_start3A_27 = arith.constant 0 : i32
    %dma_start3A_28 = arith.constant 0 : i32
    %dma_start3A_29 = tpu.memref_slice %arg2[%arg0, %dma_start3A_27, %dma_start3A_28] : memref<2x10240x64xf32, #tpu.memory_space<hbm>> -> memref<1x10240x64xf32, #tpu.memory_space<hbm>>
    %dma_start3A_30 = tpu.memref_squeeze %dma_start3A_29 : memref<1x10240x64xf32, #tpu.memory_space<hbm>> -> memref<10240x64xf32, #tpu.memory_space<hbm>>
    %dma_start3A_31 = arith.constant 0 : i32
    %dma_start3A_32 = arith.constant 0 : i32
    %dma_start3A_33 = tpu.memref_slice %dma_start3A_30[%dma_start3A_31, %dma_start3A_32] : memref<10240x64xf32, #tpu.memory_space<hbm>> -> memref<10240x64xf32, #tpu.memory_space<hbm>>
    tpu.enqueue_indirect_dma source(%dma_start3A_33 : memref<10240x64xf32, #tpu.memory_space<hbm>>) target(%arg8 : memref<125x64xf32, #tpu.memory_space<vmem>>) offsets(%dma_start3A_26 : memref<125xi32, #tpu.memory_space<vmem>>) semaphore(%arg14 : memref<!tpu.dma_semaphore, #tpu.memory_space<semaphore_mem>>)
    %dma_start3A_34 = arith.constant 1 : i32
    %dma_start3A_35 = arith.constant 0 : i32
    %dma_start3A_36 = tpu.memref_slice %arg6[%dma_start3A_34, %dma_start3A_35] : memref<160x125xi32, #tpu.memory_space<vmem>> -> memref<1x125xi32, #tpu.memory_space<vmem>>
    %dma_start3A_37 = tpu.memref_squeeze %dma_start3A_36 : memref<1x125xi32, #tpu.memory_space<vmem>> -> memref<125xi32, #tpu.memory_space<vmem>>
    %dma_start3A_38 = arith.constant 0 : i32
    %dma_start3A_39 = arith.constant 0 : i32
    %dma_start3A_40 = tpu.memref_slice %arg2[%arg0, %dma_start3A_38, %dma_start3A_39] : memref<2x10240x64xf32, #tpu.memory_space<hbm>> -> memref<1x10240x64xf32, #tpu.memory_space<hbm>>
    %dma_start3A_41 = tpu.memref_squeeze %dma_start3A_40 : memref<1x10240x64xf32, #tpu.memory_space<hbm>> -> memref<10240x64xf32, #tpu.memory_space<hbm>>
    %dma_start3A_42 = arith.constant 0 : i32
    %dma_start3A_43 = arith.constant 0 : i32
    %dma_start3A_44 = tpu.memref_slice %dma_start3A_41[%dma_start3A_42, %dma_start3A_43] : memref<10240x64xf32, #tpu.memory_space<hbm>> -> memref<10240x64xf32, #tpu.memory_space<hbm>>
    tpu.enqueue_indirect_dma source(%dma_start3A_44 : memref<10240x64xf32, #tpu.memory_space<hbm>>) target(%arg9 : memref<125x64xf32, #tpu.memory_space<vmem>>) offsets(%dma_start3A_37 : memref<125xi32, #tpu.memory_space<vmem>>) semaphore(%arg15 : memref<!tpu.dma_semaphore, #tpu.memory_space<semaphore_mem>>)
    %dma_start3A_45 = arith.constant 2 : i32
    %dma_start3A_46 = arith.constant 0 : i32
    %dma_start3A_47 = tpu.memref_slice %arg6[%dma_start3A_45, %dma_start3A_46] : memref<160x125xi32, #tpu.memory_space<vmem>> -> memref<1x125xi32, #tpu.memory_space<vmem>>
    %dma_start3A_48 = tpu.memref_squeeze %dma_start3A_47 : memref<1x125xi32, #tpu.memory_space<vmem>> -> memref<125xi32, #tpu.memory_space<vmem>>
    %dma_start3A_49 = arith.constant 0 : i32
    %dma_start3A_50 = arith.constant 0 : i32
    %dma_start3A_51 = tpu.memref_slice %arg2[%arg0, %dma_start3A_49, %dma_start3A_50] : memref<2x10240x64xf32, #tpu.memory_space<hbm>> -> memref<1x10240x64xf32, #tpu.memory_space<hbm>>
    %dma_start3A_52 = tpu.memref_squeeze %dma_start3A_51 : memref<1x10240x64xf32, #tpu.memory_space<hbm>> -> memref<10240x64xf32, #tpu.memory_space<hbm>>
    %dma_start3A_53 = arith.constant 0 : i32
    %dma_start3A_54 = arith.constant 0 : i32
    %dma_start3A_55 = tpu.memref_slice %dma_start3A_52[%dma_start3A_53, %dma_start3A_54] : memref<10240x64xf32, #tpu.memory_space<hbm>> -> memref<10240x64xf32, #tpu.memory_space<hbm>>
    tpu.enqueue_indirect_dma source(%dma_start3A_55 : memref<10240x64xf32, #tpu.memory_space<hbm>>) target(%arg10 : memref<125x64xf32, #tpu.memory_space<vmem>>) offsets(%dma_start3A_48 : memref<125xi32, #tpu.memory_space<vmem>>) semaphore(%arg16 : memref<!tpu.dma_semaphore, #tpu.memory_space<semaphore_mem>>)
    %dma_start3A_56 = arith.constant 3 : i32
    %dma_start3A_57 = arith.constant 0 : i32
    %dma_start3A_58 = tpu.memref_slice %arg6[%dma_start3A_56, %dma_start3A_57] : memref<160x125xi32, #tpu.memory_space<vmem>> -> memref<1x125xi32, #tpu.memory_space<vmem>>
    %dma_start3A_59 = tpu.memref_squeeze %dma_start3A_58 : memref<1x125xi32, #tpu.memory_space<vmem>> -> memref<125xi32, #tpu.memory_space<vmem>>
    %dma_start3A_60 = arith.constant 0 : i32
    %dma_start3A_61 = arith.constant 0 : i32
    %dma_start3A_62 = tpu.memref_slice %arg2[%arg0, %dma_start3A_60, %dma_start3A_61] : memref<2x10240x64xf32, #tpu.memory_space<hbm>> -> memref<1x10240x64xf32, #tpu.memory_space<hbm>>
    %dma_start3A_63 = tpu.memref_squeeze %dma_start3A_62 : memref<1x10240x64xf32, #tpu.memory_space<hbm>> -> memref<10240x64xf32, #tpu.memory_space<hbm>>
    %dma_start3A_64 = arith.constant 0 : i32
    %dma_start3A_65 = arith.constant 0 : i32
    %dma_start3A_66 = tpu.memref_slice %dma_start3A_63[%dma_start3A_64, %dma_start3A_65] : memref<10240x64xf32, #tpu.memory_space<hbm>> -> memref<10240x64xf32, #tpu.memory_space<hbm>>
    tpu.enqueue_indirect_dma source(%dma_start3A_66 : memref<10240x64xf32, #tpu.memory_space<hbm>>) target(%arg11 : memref<125x64xf32, #tpu.memory_space<vmem>>) offsets(%dma_start3A_59 : memref<125xi32, #tpu.memory_space<vmem>>) semaphore(%arg17 : memref<!tpu.dma_semaphore, #tpu.memory_space<semaphore_mem>>)
    %dma_start3A_67 = arith.constant 4 : i32
    %dma_start3A_68 = arith.constant 0 : i32
    %dma_start3A_69 = tpu.memref_slice %arg6[%dma_start3A_67, %dma_start3A_68] : memref<160x125xi32, #tpu.memory_space<vmem>> -> memref<1x125xi32, #tpu.memory_space<vmem>>
    %dma_start3A_70 = tpu.memref_squeeze %dma_start3A_69 : memref<1x125xi32, #tpu.memory_space<vmem>> -> memref<125xi32, #tpu.memory_space<vmem>>
    %dma_start3A_71 = arith.constant 0 : i32
    %dma_start3A_72 = arith.constant 0 : i32
    %dma_start3A_73 = tpu.memref_slice %arg2[%arg0, %dma_start3A_71, %dma_start3A_72] : memref<2x10240x64xf32, #tpu.memory_space<hbm>> -> memref<1x10240x64xf32, #tpu.memory_space<hbm>>
    %dma_start3A_74 = tpu.memref_squeeze %dma_start3A_73 : memref<1x10240x64xf32, #tpu.memory_space<hbm>> -> memref<10240x64xf32, #tpu.memory_space<hbm>>
    %dma_start3A_75 = arith.constant 0 : i32
    %dma_start3A_76 = arith.constant 0 : i32
    %dma_start3A_77 = tpu.memref_slice %dma_start3A_74[%dma_start3A_75, %dma_start3A_76] : memref<10240x64xf32, #tpu.memory_space<hbm>> -> memref<10240x64xf32, #tpu.memory_space<hbm>>
    tpu.enqueue_indirect_dma source(%dma_start3A_77 : memref<10240x64xf32, #tpu.memory_space<hbm>>) target(%arg12 : memref<125x64xf32, #tpu.memory_space<vmem>>) offsets(%dma_start3A_70 : memref<125xi32, #tpu.memory_space<vmem>>) semaphore(%arg18 : memref<!tpu.dma_semaphore, #tpu.memory_space<semaphore_mem>>)
    %scan3A_78 = arith.constant 0 : i32
    %scan3A_79 = arith.constant 0 : i32
    %scan3A_80 = arith.constant 32 : i32
    %scan3A_81 = arith.addi %scan3A_79, %scan3A_80 : i32
    %scan3A_82 = arith.constant 1 : i32
    %scan3A_83 = scf.for %scan3A_144 = %scan3A_79 to %scan3A_81 step %scan3A_82 iter_args(%scan3A_145 = %scan3A_78) -> (i32)  : i32 {
      %mul3A_146 = arith.constant 5 : i32
      %mul3A_147 = arith.muli %scan3A_144, %mul3A_146 : i32
      %add3A_148 = arith.constant 0 : i32
      %add3A_149 = arith.addi %mul3A_147, %add3A_148 : i32
      %dma_wait3A_150 = arith.constant 0 : i32
      %dma_wait3A_151 = tpu.memref_slice %arg6[%add3A_149, %dma_wait3A_150] : memref<160x125xi32, #tpu.memory_space<vmem>> -> memref<1x125xi32, #tpu.memory_space<vmem>>
      %dma_wait3A_152 = tpu.memref_squeeze %dma_wait3A_151 : memref<1x125xi32, #tpu.memory_space<vmem>> -> memref<125xi32, #tpu.memory_space<vmem>>
      %dma_wait3A_153 = arith.constant 0 : i32
      %dma_wait3A_154 = arith.constant 0 : i32
      %dma_wait3A_155 = tpu.memref_slice %arg2[%arg0, %dma_wait3A_153, %dma_wait3A_154] : memref<2x10240x64xf32, #tpu.memory_space<hbm>> -> memref<1x10240x64xf32, #tpu.memory_space<hbm>>
      %dma_wait3A_156 = tpu.memref_squeeze %dma_wait3A_155 : memref<1x10240x64xf32, #tpu.memory_space<hbm>> -> memref<10240x64xf32, #tpu.memory_space<hbm>>
      %dma_wait3A_157 = arith.constant 0 : i32
      %dma_wait3A_158 = arith.constant 0 : i32
      %dma_wait3A_159 = tpu.memref_slice %dma_wait3A_156[%dma_wait3A_157, %dma_wait3A_158] : memref<10240x64xf32, #tpu.memory_space<hbm>> -> memref<10240x64xf32, #tpu.memory_space<hbm>>
      tpu.wait_indirect_dma semaphore(%arg14 : memref<!tpu.dma_semaphore, #tpu.memory_space<semaphore_mem>>) src(%dma_wait3A_159 : memref<10240x64xf32, #tpu.memory_space<hbm>>) dst(%arg8 : memref<125x64xf32, #tpu.memory_space<vmem>>)
      %dma_start3A_160 = arith.constant 0 : i32
      %dma_start3A_161 = tpu.memref_slice %arg7[%add3A_149, %dma_start3A_160] : memref<160x125xi32, #tpu.memory_space<vmem>> -> memref<1x125xi32, #tpu.memory_space<vmem>>
      %dma_start3A_162 = tpu.memref_squeeze %dma_start3A_161 : memref<1x125xi32, #tpu.memory_space<vmem>> -> memref<125xi32, #tpu.memory_space<vmem>>
      %dma_start3A_163 = arith.constant 0 : i32
      %dma_start3A_164 = arith.constant 0 : i32
      %dma_start3A_165 = tpu.memref_slice %arg13[%dma_start3A_163, %dma_start3A_164] : memref<10240x64xf32, #tpu.memory_space<vmem_shared>> -> memref<10240x64xf32, #tpu.memory_space<vmem_shared>>
      tpu.enqueue_indirect_dma source(%arg8 : memref<125x64xf32, #tpu.memory_space<vmem>>) target(%dma_start3A_165 : memref<10240x64xf32, #tpu.memory_space<vmem_shared>>) offsets(%dma_start3A_162 : memref<125xi32, #tpu.memory_space<vmem>>) semaphore(%arg19 : memref<!tpu.dma_semaphore, #tpu.memory_space<semaphore_mem>>) {add = true}
      %add3A_166 = arith.constant 1 : i32
      %add3A_167 = arith.addi %mul3A_147, %add3A_166 : i32
      %dma_wait3A_168 = arith.constant 0 : i32
      %dma_wait3A_169 = tpu.memref_slice %arg6[%add3A_167, %dma_wait3A_168] : memref<160x125xi32, #tpu.memory_space<vmem>> -> memref<1x125xi32, #tpu.memory_space<vmem>>
      %dma_wait3A_170 = tpu.memref_squeeze %dma_wait3A_169 : memref<1x125xi32, #tpu.memory_space<vmem>> -> memref<125xi32, #tpu.memory_space<vmem>>
      %dma_wait3A_171 = arith.constant 0 : i32
      %dma_wait3A_172 = arith.constant 0 : i32
      %dma_wait3A_173 = tpu.memref_slice %arg2[%arg0, %dma_wait3A_171, %dma_wait3A_172] : memref<2x10240x64xf32, #tpu.memory_space<hbm>> -> memref<1x10240x64xf32, #tpu.memory_space<hbm>>
      %dma_wait3A_174 = tpu.memref_squeeze %dma_wait3A_173 : memref<1x10240x64xf32, #tpu.memory_space<hbm>> -> memref<10240x64xf32, #tpu.memory_space<hbm>>
      %dma_wait3A_175 = arith.constant 0 : i32
      %dma_wait3A_176 = arith.constant 0 : i32
      %dma_wait3A_177 = tpu.memref_slice %dma_wait3A_174[%dma_wait3A_175, %dma_wait3A_176] : memref<10240x64xf32, #tpu.memory_space<hbm>> -> memref<10240x64xf32, #tpu.memory_space<hbm>>
      tpu.wait_indirect_dma semaphore(%arg15 : memref<!tpu.dma_semaphore, #tpu.memory_space<semaphore_mem>>) src(%dma_wait3A_177 : memref<10240x64xf32, #tpu.memory_space<hbm>>) dst(%arg9 : memref<125x64xf32, #tpu.memory_space<vmem>>)
      %dma_start3A_178 = arith.constant 0 : i32
      %dma_start3A_179 = tpu.memref_slice %arg7[%add3A_167, %dma_start3A_178] : memref<160x125xi32, #tpu.memory_space<vmem>> -> memref<1x125xi32, #tpu.memory_space<vmem>>
      %dma_start3A_180 = tpu.memref_squeeze %dma_start3A_179 : memref<1x125xi32, #tpu.memory_space<vmem>> -> memref<125xi32, #tpu.memory_space<vmem>>
      %dma_start3A_181 = arith.constant 0 : i32
      %dma_start3A_182 = arith.constant 0 : i32
      %dma_start3A_183 = tpu.memref_slice %arg13[%dma_start3A_181, %dma_start3A_182] : memref<10240x64xf32, #tpu.memory_space<vmem_shared>> -> memref<10240x64xf32, #tpu.memory_space<vmem_shared>>
      tpu.enqueue_indirect_dma source(%arg9 : memref<125x64xf32, #tpu.memory_space<vmem>>) target(%dma_start3A_183 : memref<10240x64xf32, #tpu.memory_space<vmem_shared>>) offsets(%dma_start3A_180 : memref<125xi32, #tpu.memory_space<vmem>>) semaphore(%arg20 : memref<!tpu.dma_semaphore, #tpu.memory_space<semaphore_mem>>) {add = true}
      %add3A_184 = arith.constant 2 : i32
      %add3A_185 = arith.addi %mul3A_147, %add3A_184 : i32
      %dma_wait3A_186 = arith.constant 0 : i32
      %dma_wait3A_187 = tpu.memref_slice %arg6[%add3A_185, %dma_wait3A_186] : memref<160x125xi32, #tpu.memory_space<vmem>> -> memref<1x125xi32, #tpu.memory_space<vmem>>
      %dma_wait3A_188 = tpu.memref_squeeze %dma_wait3A_187 : memref<1x125xi32, #tpu.memory_space<vmem>> -> memref<125xi32, #tpu.memory_space<vmem>>
      %dma_wait3A_189 = arith.constant 0 : i32
      %dma_wait3A_190 = arith.constant 0 : i32
      %dma_wait3A_191 = tpu.memref_slice %arg2[%arg0, %dma_wait3A_189, %dma_wait3A_190] : memref<2x10240x64xf32, #tpu.memory_space<hbm>> -> memref<1x10240x64xf32, #tpu.memory_space<hbm>>
      %dma_wait3A_192 = tpu.memref_squeeze %dma_wait3A_191 : memref<1x10240x64xf32, #tpu.memory_space<hbm>> -> memref<10240x64xf32, #tpu.memory_space<hbm>>
      %dma_wait3A_193 = arith.constant 0 : i32
      %dma_wait3A_194 = arith.constant 0 : i32
      %dma_wait3A_195 = tpu.memref_slice %dma_wait3A_192[%dma_wait3A_193, %dma_wait3A_194] : memref<10240x64xf32, #tpu.memory_space<hbm>> -> memref<10240x64xf32, #tpu.memory_space<hbm>>
      tpu.wait_indirect_dma semaphore(%arg16 : memref<!tpu.dma_semaphore, #tpu.memory_space<semaphore_mem>>) src(%dma_wait3A_195 : memref<10240x64xf32, #tpu.memory_space<hbm>>) dst(%arg10 : memref<125x64xf32, #tpu.memory_space<vmem>>)
      %dma_start3A_196 = arith.constant 0 : i32
      %dma_start3A_197 = tpu.memref_slice %arg7[%add3A_185, %dma_start3A_196] : memref<160x125xi32, #tpu.memory_space<vmem>> -> memref<1x125xi32, #tpu.memory_space<vmem>>
      %dma_start3A_198 = tpu.memref_squeeze %dma_start3A_197 : memref<1x125xi32, #tpu.memory_space<vmem>> -> memref<125xi32, #tpu.memory_space<vmem>>
      %dma_start3A_199 = arith.constant 0 : i32
      %dma_start3A_200 = arith.constant 0 : i32
      %dma_start3A_201 = tpu.memref_slice %arg13[%dma_start3A_199, %dma_start3A_200] : memref<10240x64xf32, #tpu.memory_space<vmem_shared>> -> memref<10240x64xf32, #tpu.memory_space<vmem_shared>>
      tpu.enqueue_indirect_dma source(%arg10 : memref<125x64xf32, #tpu.memory_space<vmem>>) target(%dma_start3A_201 : memref<10240x64xf32, #tpu.memory_space<vmem_shared>>) offsets(%dma_start3A_198 : memref<125xi32, #tpu.memory_space<vmem>>) semaphore(%arg21 : memref<!tpu.dma_semaphore, #tpu.memory_space<semaphore_mem>>) {add = true}
      %add3A_202 = arith.constant 3 : i32
      %add3A_203 = arith.addi %mul3A_147, %add3A_202 : i32
      %dma_wait3A_204 = arith.constant 0 : i32
      %dma_wait3A_205 = tpu.memref_slice %arg6[%add3A_203, %dma_wait3A_204] : memref<160x125xi32, #tpu.memory_space<vmem>> -> memref<1x125xi32, #tpu.memory_space<vmem>>
      %dma_wait3A_206 = tpu.memref_squeeze %dma_wait3A_205 : memref<1x125xi32, #tpu.memory_space<vmem>> -> memref<125xi32, #tpu.memory_space<vmem>>
      %dma_wait3A_207 = arith.constant 0 : i32
      %dma_wait3A_208 = arith.constant 0 : i32
      %dma_wait3A_209 = tpu.memref_slice %arg2[%arg0, %dma_wait3A_207, %dma_wait3A_208] : memref<2x10240x64xf32, #tpu.memory_space<hbm>> -> memref<1x10240x64xf32, #tpu.memory_space<hbm>>
      %dma_wait3A_210 = tpu.memref_squeeze %dma_wait3A_209 : memref<1x10240x64xf32, #tpu.memory_space<hbm>> -> memref<10240x64xf32, #tpu.memory_space<hbm>>
      %dma_wait3A_211 = arith.constant 0 : i32
      %dma_wait3A_212 = arith.constant 0 : i32
      %dma_wait3A_213 = tpu.memref_slice %dma_wait3A_210[%dma_wait3A_211, %dma_wait3A_212] : memref<10240x64xf32, #tpu.memory_space<hbm>> -> memref<10240x64xf32, #tpu.memory_space<hbm>>
      tpu.wait_indirect_dma semaphore(%arg17 : memref<!tpu.dma_semaphore, #tpu.memory_space<semaphore_mem>>) src(%dma_wait3A_213 : memref<10240x64xf32, #tpu.memory_space<hbm>>) dst(%arg11 : memref<125x64xf32, #tpu.memory_space<vmem>>)
      %dma_start3A_214 = arith.constant 0 : i32
      %dma_start3A_215 = tpu.memref_slice %arg7[%add3A_203, %dma_start3A_214] : memref<160x125xi32, #tpu.memory_space<vmem>> -> memref<1x125xi32, #tpu.memory_space<vmem>>
      %dma_start3A_216 = tpu.memref_squeeze %dma_start3A_215 : memref<1x125xi32, #tpu.memory_space<vmem>> -> memref<125xi32, #tpu.memory_space<vmem>>
      %dma_start3A_217 = arith.constant 0 : i32
      %dma_start3A_218 = arith.constant 0 : i32
      %dma_start3A_219 = tpu.memref_slice %arg13[%dma_start3A_217, %dma_start3A_218] : memref<10240x64xf32, #tpu.memory_space<vmem_shared>> -> memref<10240x64xf32, #tpu.memory_space<vmem_shared>>
      tpu.enqueue_indirect_dma source(%arg11 : memref<125x64xf32, #tpu.memory_space<vmem>>) target(%dma_start3A_219 : memref<10240x64xf32, #tpu.memory_space<vmem_shared>>) offsets(%dma_start3A_216 : memref<125xi32, #tpu.memory_space<vmem>>) semaphore(%arg22 : memref<!tpu.dma_semaphore, #tpu.memory_space<semaphore_mem>>) {add = true}
      %add3A_220 = arith.constant 4 : i32
      %add3A_221 = arith.addi %mul3A_147, %add3A_220 : i32
      %dma_wait3A_222 = arith.constant 0 : i32
      %dma_wait3A_223 = tpu.memref_slice %arg6[%add3A_221, %dma_wait3A_222] : memref<160x125xi32, #tpu.memory_space<vmem>> -> memref<1x125xi32, #tpu.memory_space<vmem>>
      %dma_wait3A_224 = tpu.memref_squeeze %dma_wait3A_223 : memref<1x125xi32, #tpu.memory_space<vmem>> -> memref<125xi32, #tpu.memory_space<vmem>>
      %dma_wait3A_225 = arith.constant 0 : i32
      %dma_wait3A_226 = arith.constant 0 : i32
      %dma_wait3A_227 = tpu.memref_slice %arg2[%arg0, %dma_wait3A_225, %dma_wait3A_226] : memref<2x10240x64xf32, #tpu.memory_space<hbm>> -> memref<1x10240x64xf32, #tpu.memory_space<hbm>>
      %dma_wait3A_228 = tpu.memref_squeeze %dma_wait3A_227 : memref<1x10240x64xf32, #tpu.memory_space<hbm>> -> memref<10240x64xf32, #tpu.memory_space<hbm>>
      %dma_wait3A_229 = arith.constant 0 : i32
      %dma_wait3A_230 = arith.constant 0 : i32
      %dma_wait3A_231 = tpu.memref_slice %dma_wait3A_228[%dma_wait3A_229, %dma_wait3A_230] : memref<10240x64xf32, #tpu.memory_space<hbm>> -> memref<10240x64xf32, #tpu.memory_space<hbm>>
      tpu.wait_indirect_dma semaphore(%arg18 : memref<!tpu.dma_semaphore, #tpu.memory_space<semaphore_mem>>) src(%dma_wait3A_231 : memref<10240x64xf32, #tpu.memory_space<hbm>>) dst(%arg12 : memref<125x64xf32, #tpu.memory_space<vmem>>)
      %dma_start3A_232 = arith.constant 0 : i32
      %dma_start3A_233 = tpu.memref_slice %arg7[%add3A_221, %dma_start3A_232] : memref<160x125xi32, #tpu.memory_space<vmem>> -> memref<1x125xi32, #tpu.memory_space<vmem>>
      %dma_start3A_234 = tpu.memref_squeeze %dma_start3A_233 : memref<1x125xi32, #tpu.memory_space<vmem>> -> memref<125xi32, #tpu.memory_space<vmem>>
      %dma_start3A_235 = arith.constant 0 : i32
      %dma_start3A_236 = arith.constant 0 : i32
      %dma_start3A_237 = tpu.memref_slice %arg13[%dma_start3A_235, %dma_start3A_236] : memref<10240x64xf32, #tpu.memory_space<vmem_shared>> -> memref<10240x64xf32, #tpu.memory_space<vmem_shared>>
      tpu.enqueue_indirect_dma source(%arg12 : memref<125x64xf32, #tpu.memory_space<vmem>>) target(%dma_start3A_237 : memref<10240x64xf32, #tpu.memory_space<vmem_shared>>) offsets(%dma_start3A_234 : memref<125xi32, #tpu.memory_space<vmem>>) semaphore(%arg23 : memref<!tpu.dma_semaphore, #tpu.memory_space<semaphore_mem>>) {add = true}
      %add3A_238 = arith.constant 0 : i32
      %add3A_239 = arith.addi %mul3A_147, %add3A_238 : i32
      %add3A_240 = arith.constant 5 : i32
      %add3A_241 = arith.addi %add3A_239, %add3A_240 : i32
      %min3A = arith.constant 159 : i32
      %min3A_242 = arith.minsi %add3A_241, %min3A : i32
      %add3A_243 = arith.constant 0 : i32
      %add3A_244 = arith.addi %mul3A_147, %add3A_243 : i32
      %dma_wait3A_245 = arith.constant 0 : i32
      %dma_wait3A_246 = tpu.memref_slice %arg7[%add3A_244, %dma_wait3A_245] : memref<160x125xi32, #tpu.memory_space<vmem>> -> memref<1x125xi32, #tpu.memory_space<vmem>>
      %dma_wait3A_247 = tpu.memref_squeeze %dma_wait3A_246 : memref<1x125xi32, #tpu.memory_space<vmem>> -> memref<125xi32, #tpu.memory_space<vmem>>
      %dma_wait3A_248 = arith.constant 0 : i32
      %dma_wait3A_249 = arith.constant 0 : i32
      %dma_wait3A_250 = tpu.memref_slice %arg13[%dma_wait3A_248, %dma_wait3A_249] : memref<10240x64xf32, #tpu.memory_space<vmem_shared>> -> memref<10240x64xf32, #tpu.memory_space<vmem_shared>>
      tpu.wait_indirect_dma semaphore(%arg19 : memref<!tpu.dma_semaphore, #tpu.memory_space<semaphore_mem>>) src(%arg8 : memref<125x64xf32, #tpu.memory_space<vmem>>) dst(%dma_wait3A_250 : memref<10240x64xf32, #tpu.memory_space<vmem_shared>>)
      %dma_start3A_251 = arith.constant 0 : i32
      %dma_start3A_252 = tpu.memref_slice %arg6[%min3A_242, %dma_start3A_251] : memref<160x125xi32, #tpu.memory_space<vmem>> -> memref<1x125xi32, #tpu.memory_space<vmem>>
      %dma_start3A_253 = tpu.memref_squeeze %dma_start3A_252 : memref<1x125xi32, #tpu.memory_space<vmem>> -> memref<125xi32, #tpu.memory_space<vmem>>
      %dma_start3A_254 = arith.constant 0 : i32
      %dma_start3A_255 = arith.constant 0 : i32
      %dma_start3A_256 = tpu.memref_slice %arg2[%arg0, %dma_start3A_254, %dma_start3A_255] : memref<2x10240x64xf32, #tpu.memory_space<hbm>> -> memref<1x10240x64xf32, #tpu.memory_space<hbm>>
      %dma_start3A_257 = tpu.memref_squeeze %dma_start3A_256 : memref<1x10240x64xf32, #tpu.memory_space<hbm>> -> memref<10240x64xf32, #tpu.memory_space<hbm>>
      %dma_start3A_258 = arith.constant 0 : i32
      %dma_start3A_259 = arith.constant 0 : i32
      %dma_start3A_260 = tpu.memref_slice %dma_start3A_257[%dma_start3A_258, %dma_start3A_259] : memref<10240x64xf32, #tpu.memory_space<hbm>> -> memref<10240x64xf32, #tpu.memory_space<hbm>>
      tpu.enqueue_indirect_dma source(%dma_start3A_260 : memref<10240x64xf32, #tpu.memory_space<hbm>>) target(%arg8 : memref<125x64xf32, #tpu.memory_space<vmem>>) offsets(%dma_start3A_253 : memref<125xi32, #tpu.memory_space<vmem>>) semaphore(%arg14 : memref<!tpu.dma_semaphore, #tpu.memory_space<semaphore_mem>>)
      %add3A_261 = arith.constant 1 : i32
      %add3A_262 = arith.addi %mul3A_147, %add3A_261 : i32
      %add3A_263 = arith.constant 5 : i32
      %add3A_264 = arith.addi %add3A_262, %add3A_263 : i32
      %min3A_265 = arith.constant 159 : i32
      %min3A_266 = arith.minsi %add3A_264, %min3A_265 : i32
      %add3A_267 = arith.constant 1 : i32
      %add3A_268 = arith.addi %mul3A_147, %add3A_267 : i32
      %dma_wait3A_269 = arith.constant 0 : i32
      %dma_wait3A_270 = tpu.memref_slice %arg7[%add3A_268, %dma_wait3A_269] : memref<160x125xi32, #tpu.memory_space<vmem>> -> memref<1x125xi32, #tpu.memory_space<vmem>>
      %dma_wait3A_271 = tpu.memref_squeeze %dma_wait3A_270 : memref<1x125xi32, #tpu.memory_space<vmem>> -> memref<125xi32, #tpu.memory_space<vmem>>
      %dma_wait3A_272 = arith.constant 0 : i32
      %dma_wait3A_273 = arith.constant 0 : i32
      %dma_wait3A_274 = tpu.memref_slice %arg13[%dma_wait3A_272, %dma_wait3A_273] : memref<10240x64xf32, #tpu.memory_space<vmem_shared>> -> memref<10240x64xf32, #tpu.memory_space<vmem_shared>>
      tpu.wait_indirect_dma semaphore(%arg20 : memref<!tpu.dma_semaphore, #tpu.memory_space<semaphore_mem>>) src(%arg9 : memref<125x64xf32, #tpu.memory_space<vmem>>) dst(%dma_wait3A_274 : memref<10240x64xf32, #tpu.memory_space<vmem_shared>>)
      %dma_start3A_275 = arith.constant 0 : i32
      %dma_start3A_276 = tpu.memref_slice %arg6[%min3A_266, %dma_start3A_275] : memref<160x125xi32, #tpu.memory_space<vmem>> -> memref<1x125xi32, #tpu.memory_space<vmem>>
      %dma_start3A_277 = tpu.memref_squeeze %dma_start3A_276 : memref<1x125xi32, #tpu.memory_space<vmem>> -> memref<125xi32, #tpu.memory_space<vmem>>
      %dma_start3A_278 = arith.constant 0 : i32
      %dma_start3A_279 = arith.constant 0 : i32
      %dma_start3A_280 = tpu.memref_slice %arg2[%arg0, %dma_start3A_278, %dma_start3A_279] : memref<2x10240x64xf32, #tpu.memory_space<hbm>> -> memref<1x10240x64xf32, #tpu.memory_space<hbm>>
      %dma_start3A_281 = tpu.memref_squeeze %dma_start3A_280 : memref<1x10240x64xf32, #tpu.memory_space<hbm>> -> memref<10240x64xf32, #tpu.memory_space<hbm>>
      %dma_start3A_282 = arith.constant 0 : i32
      %dma_start3A_283 = arith.constant 0 : i32
      %dma_start3A_284 = tpu.memref_slice %dma_start3A_281[%dma_start3A_282, %dma_start3A_283] : memref<10240x64xf32, #tpu.memory_space<hbm>> -> memref<10240x64xf32, #tpu.memory_space<hbm>>
      tpu.enqueue_indirect_dma source(%dma_start3A_284 : memref<10240x64xf32, #tpu.memory_space<hbm>>) target(%arg9 : memref<125x64xf32, #tpu.memory_space<vmem>>) offsets(%dma_start3A_277 : memref<125xi32, #tpu.memory_space<vmem>>) semaphore(%arg15 : memref<!tpu.dma_semaphore, #tpu.memory_space<semaphore_mem>>)
      %add3A_285 = arith.constant 2 : i32
      %add3A_286 = arith.addi %mul3A_147, %add3A_285 : i32
      %add3A_287 = arith.constant 5 : i32
      %add3A_288 = arith.addi %add3A_286, %add3A_287 : i32
      %min3A_289 = arith.constant 159 : i32
      %min3A_290 = arith.minsi %add3A_288, %min3A_289 : i32
      %add3A_291 = arith.constant 2 : i32
      %add3A_292 = arith.addi %mul3A_147, %add3A_291 : i32
      %dma_wait3A_293 = arith.constant 0 : i32
      %dma_wait3A_294 = tpu.memref_slice %arg7[%add3A_292, %dma_wait3A_293] : memref<160x125xi32, #tpu.memory_space<vmem>> -> memref<1x125xi32, #tpu.memory_space<vmem>>
      %dma_wait3A_295 = tpu.memref_squeeze %dma_wait3A_294 : memref<1x125xi32, #tpu.memory_space<vmem>> -> memref<125xi32, #tpu.memory_space<vmem>>
      %dma_wait3A_296 = arith.constant 0 : i32
      %dma_wait3A_297 = arith.constant 0 : i32
      %dma_wait3A_298 = tpu.memref_slice %arg13[%dma_wait3A_296, %dma_wait3A_297] : memref<10240x64xf32, #tpu.memory_space<vmem_shared>> -> memref<10240x64xf32, #tpu.memory_space<vmem_shared>>
      tpu.wait_indirect_dma semaphore(%arg21 : memref<!tpu.dma_semaphore, #tpu.memory_space<semaphore_mem>>) src(%arg10 : memref<125x64xf32, #tpu.memory_space<vmem>>) dst(%dma_wait3A_298 : memref<10240x64xf32, #tpu.memory_space<vmem_shared>>)
      %dma_start3A_299 = arith.constant 0 : i32
      %dma_start3A_300 = tpu.memref_slice %arg6[%min3A_290, %dma_start3A_299] : memref<160x125xi32, #tpu.memory_space<vmem>> -> memref<1x125xi32, #tpu.memory_space<vmem>>
      %dma_start3A_301 = tpu.memref_squeeze %dma_start3A_300 : memref<1x125xi32, #tpu.memory_space<vmem>> -> memref<125xi32, #tpu.memory_space<vmem>>
      %dma_start3A_302 = arith.constant 0 : i32
      %dma_start3A_303 = arith.constant 0 : i32
      %dma_start3A_304 = tpu.memref_slice %arg2[%arg0, %dma_start3A_302, %dma_start3A_303] : memref<2x10240x64xf32, #tpu.memory_space<hbm>> -> memref<1x10240x64xf32, #tpu.memory_space<hbm>>
      %dma_start3A_305 = tpu.memref_squeeze %dma_start3A_304 : memref<1x10240x64xf32, #tpu.memory_space<hbm>> -> memref<10240x64xf32, #tpu.memory_space<hbm>>
      %dma_start3A_306 = arith.constant 0 : i32
      %dma_start3A_307 = arith.constant 0 : i32
      %dma_start3A_308 = tpu.memref_slice %dma_start3A_305[%dma_start3A_306, %dma_start3A_307] : memref<10240x64xf32, #tpu.memory_space<hbm>> -> memref<10240x64xf32, #tpu.memory_space<hbm>>
      tpu.enqueue_indirect_dma source(%dma_start3A_308 : memref<10240x64xf32, #tpu.memory_space<hbm>>) target(%arg10 : memref<125x64xf32, #tpu.memory_space<vmem>>) offsets(%dma_start3A_301 : memref<125xi32, #tpu.memory_space<vmem>>) semaphore(%arg16 : memref<!tpu.dma_semaphore, #tpu.memory_space<semaphore_mem>>)
      %add3A_309 = arith.constant 3 : i32
      %add3A_310 = arith.addi %mul3A_147, %add3A_309 : i32
      %add3A_311 = arith.constant 5 : i32
      %add3A_312 = arith.addi %add3A_310, %add3A_311 : i32
      %min3A_313 = arith.constant 159 : i32
      %min3A_314 = arith.minsi %add3A_312, %min3A_313 : i32
      %add3A_315 = arith.constant 3 : i32
      %add3A_316 = arith.addi %mul3A_147, %add3A_315 : i32
      %dma_wait3A_317 = arith.constant 0 : i32
      %dma_wait3A_318 = tpu.memref_slice %arg7[%add3A_316, %dma_wait3A_317] : memref<160x125xi32, #tpu.memory_space<vmem>> -> memref<1x125xi32, #tpu.memory_space<vmem>>
      %dma_wait3A_319 = tpu.memref_squeeze %dma_wait3A_318 : memref<1x125xi32, #tpu.memory_space<vmem>> -> memref<125xi32, #tpu.memory_space<vmem>>
      %dma_wait3A_320 = arith.constant 0 : i32
      %dma_wait3A_321 = arith.constant 0 : i32
      %dma_wait3A_322 = tpu.memref_slice %arg13[%dma_wait3A_320, %dma_wait3A_321] : memref<10240x64xf32, #tpu.memory_space<vmem_shared>> -> memref<10240x64xf32, #tpu.memory_space<vmem_shared>>
      tpu.wait_indirect_dma semaphore(%arg22 : memref<!tpu.dma_semaphore, #tpu.memory_space<semaphore_mem>>) src(%arg11 : memref<125x64xf32, #tpu.memory_space<vmem>>) dst(%dma_wait3A_322 : memref<10240x64xf32, #tpu.memory_space<vmem_shared>>)
      %dma_start3A_323 = arith.constant 0 : i32
      %dma_start3A_324 = tpu.memref_slice %arg6[%min3A_314, %dma_start3A_323] : memref<160x125xi32, #tpu.memory_space<vmem>> -> memref<1x125xi32, #tpu.memory_space<vmem>>
      %dma_start3A_325 = tpu.memref_squeeze %dma_start3A_324 : memref<1x125xi32, #tpu.memory_space<vmem>> -> memref<125xi32, #tpu.memory_space<vmem>>
      %dma_start3A_326 = arith.constant 0 : i32
      %dma_start3A_327 = arith.constant 0 : i32
      %dma_start3A_328 = tpu.memref_slice %arg2[%arg0, %dma_start3A_326, %dma_start3A_327] : memref<2x10240x64xf32, #tpu.memory_space<hbm>> -> memref<1x10240x64xf32, #tpu.memory_space<hbm>>
      %dma_start3A_329 = tpu.memref_squeeze %dma_start3A_328 : memref<1x10240x64xf32, #tpu.memory_space<hbm>> -> memref<10240x64xf32, #tpu.memory_space<hbm>>
      %dma_start3A_330 = arith.constant 0 : i32
      %dma_start3A_331 = arith.constant 0 : i32
      %dma_start3A_332 = tpu.memref_slice %dma_start3A_329[%dma_start3A_330, %dma_start3A_331] : memref<10240x64xf32, #tpu.memory_space<hbm>> -> memref<10240x64xf32, #tpu.memory_space<hbm>>
      tpu.enqueue_indirect_dma source(%dma_start3A_332 : memref<10240x64xf32, #tpu.memory_space<hbm>>) target(%arg11 : memref<125x64xf32, #tpu.memory_space<vmem>>) offsets(%dma_start3A_325 : memref<125xi32, #tpu.memory_space<vmem>>) semaphore(%arg17 : memref<!tpu.dma_semaphore, #tpu.memory_space<semaphore_mem>>)
      %add3A_333 = arith.constant 4 : i32
      %add3A_334 = arith.addi %mul3A_147, %add3A_333 : i32
      %add3A_335 = arith.constant 5 : i32
      %add3A_336 = arith.addi %add3A_334, %add3A_335 : i32
      %min3A_337 = arith.constant 159 : i32
      %min3A_338 = arith.minsi %add3A_336, %min3A_337 : i32
      %add3A_339 = arith.constant 4 : i32
      %add3A_340 = arith.addi %mul3A_147, %add3A_339 : i32
      %dma_wait3A_341 = arith.constant 0 : i32
      %dma_wait3A_342 = tpu.memref_slice %arg7[%add3A_340, %dma_wait3A_341] : memref<160x125xi32, #tpu.memory_space<vmem>> -> memref<1x125xi32, #tpu.memory_space<vmem>>
      %dma_wait3A_343 = tpu.memref_squeeze %dma_wait3A_342 : memref<1x125xi32, #tpu.memory_space<vmem>> -> memref<125xi32, #tpu.memory_space<vmem>>
      %dma_wait3A_344 = arith.constant 0 : i32
      %dma_wait3A_345 = arith.constant 0 : i32
      %dma_wait3A_346 = tpu.memref_slice %arg13[%dma_wait3A_344, %dma_wait3A_345] : memref<10240x64xf32, #tpu.memory_space<vmem_shared>> -> memref<10240x64xf32, #tpu.memory_space<vmem_shared>>
      tpu.wait_indirect_dma semaphore(%arg23 : memref<!tpu.dma_semaphore, #tpu.memory_space<semaphore_mem>>) src(%arg12 : memref<125x64xf32, #tpu.memory_space<vmem>>) dst(%dma_wait3A_346 : memref<10240x64xf32, #tpu.memory_space<vmem_shared>>)
      %dma_start3A_347 = arith.constant 0 : i32
      %dma_start3A_348 = tpu.memref_slice %arg6[%min3A_338, %dma_start3A_347] : memref<160x125xi32, #tpu.memory_space<vmem>> -> memref<1x125xi32, #tpu.memory_space<vmem>>
      %dma_start3A_349 = tpu.memref_squeeze %dma_start3A_348 : memref<1x125xi32, #tpu.memory_space<vmem>> -> memref<125xi32, #tpu.memory_space<vmem>>
      %dma_start3A_350 = arith.constant 0 : i32
      %dma_start3A_351 = arith.constant 0 : i32
      %dma_start3A_352 = tpu.memref_slice %arg2[%arg0, %dma_start3A_350, %dma_start3A_351] : memref<2x10240x64xf32, #tpu.memory_space<hbm>> -> memref<1x10240x64xf32, #tpu.memory_space<hbm>>
      %dma_start3A_353 = tpu.memref_squeeze %dma_start3A_352 : memref<1x10240x64xf32, #tpu.memory_space<hbm>> -> memref<10240x64xf32, #tpu.memory_space<hbm>>
      %dma_start3A_354 = arith.constant 0 : i32
      %dma_start3A_355 = arith.constant 0 : i32
      %dma_start3A_356 = tpu.memref_slice %dma_start3A_353[%dma_start3A_354, %dma_start3A_355] : memref<10240x64xf32, #tpu.memory_space<hbm>> -> memref<10240x64xf32, #tpu.memory_space<hbm>>
      tpu.enqueue_indirect_dma source(%dma_start3A_356 : memref<10240x64xf32, #tpu.memory_space<hbm>>) target(%arg12 : memref<125x64xf32, #tpu.memory_space<vmem>>) offsets(%dma_start3A_349 : memref<125xi32, #tpu.memory_space<vmem>>) semaphore(%arg18 : memref<!tpu.dma_semaphore, #tpu.memory_space<semaphore_mem>>)
      %scan3A_357 = arith.constant 0 : i32
      scf.yield %scan3A_357 : i32
    }
    %scan3A_84 = arith.constant 32 : i32
    %dma_wait3A = arith.constant 0 : i32
    %dma_wait3A_85 = arith.constant 0 : i32
    %dma_wait3A_86 = tpu.memref_slice %arg6[%dma_wait3A, %dma_wait3A_85] : memref<160x125xi32, #tpu.memory_space<vmem>> -> memref<1x125xi32, #tpu.memory_space<vmem>>
    %dma_wait3A_87 = tpu.memref_squeeze %dma_wait3A_86 : memref<1x125xi32, #tpu.memory_space<vmem>> -> memref<125xi32, #tpu.memory_space<vmem>>
    %dma_wait3A_88 = arith.constant 0 : i32
    %dma_wait3A_89 = arith.constant 0 : i32
    %dma_wait3A_90 = tpu.memref_slice %arg2[%arg0, %dma_wait3A_88, %dma_wait3A_89] : memref<2x10240x64xf32, #tpu.memory_space<hbm>> -> memref<1x10240x64xf32, #tpu.memory_space<hbm>>
    %dma_wait3A_91 = tpu.memref_squeeze %dma_wait3A_90 : memref<1x10240x64xf32, #tpu.memory_space<hbm>> -> memref<10240x64xf32, #tpu.memory_space<hbm>>
    %dma_wait3A_92 = arith.constant 0 : i32
    %dma_wait3A_93 = arith.constant 0 : i32
    %dma_wait3A_94 = tpu.memref_slice %dma_wait3A_91[%dma_wait3A_92, %dma_wait3A_93] : memref<10240x64xf32, #tpu.memory_space<hbm>> -> memref<10240x64xf32, #tpu.memory_space<hbm>>
    tpu.wait_indirect_dma semaphore(%arg14 : memref<!tpu.dma_semaphore, #tpu.memory_space<semaphore_mem>>) src(%dma_wait3A_94 : memref<10240x64xf32, #tpu.memory_space<hbm>>) dst(%arg8 : memref<125x64xf32, #tpu.memory_space<vmem>>)
    %dma_wait3A_95 = arith.constant 0 : i32
    %dma_wait3A_96 = arith.constant 0 : i32
    %dma_wait3A_97 = tpu.memref_slice %arg6[%dma_wait3A_95, %dma_wait3A_96] : memref<160x125xi32, #tpu.memory_space<vmem>> -> memref<1x125xi32, #tpu.memory_space<vmem>>
    %dma_wait3A_98 = tpu.memref_squeeze %dma_wait3A_97 : memref<1x125xi32, #tpu.memory_space<vmem>> -> memref<125xi32, #tpu.memory_space<vmem>>
    %dma_wait3A_99 = arith.constant 0 : i32
    %dma_wait3A_100 = arith.constant 0 : i32
    %dma_wait3A_101 = tpu.memref_slice %arg2[%arg0, %dma_wait3A_99, %dma_wait3A_100] : memref<2x10240x64xf32, #tpu.memory_space<hbm>> -> memref<1x10240x64xf32, #tpu.memory_space<hbm>>
    %dma_wait3A_102 = tpu.memref_squeeze %dma_wait3A_101 : memref<1x10240x64xf32, #tpu.memory_space<hbm>> -> memref<10240x64xf32, #tpu.memory_space<hbm>>
    %dma_wait3A_103 = arith.constant 0 : i32
    %dma_wait3A_104 = arith.constant 0 : i32
    %dma_wait3A_105 = tpu.memref_slice %dma_wait3A_102[%dma_wait3A_103, %dma_wait3A_104] : memref<10240x64xf32, #tpu.memory_space<hbm>> -> memref<10240x64xf32, #tpu.memory_space<hbm>>
    tpu.wait_indirect_dma semaphore(%arg15 : memref<!tpu.dma_semaphore, #tpu.memory_space<semaphore_mem>>) src(%dma_wait3A_105 : memref<10240x64xf32, #tpu.memory_space<hbm>>) dst(%arg9 : memref<125x64xf32, #tpu.memory_space<vmem>>)
    %dma_wait3A_106 = arith.constant 0 : i32
    %dma_wait3A_107 = arith.constant 0 : i32
    %dma_wait3A_108 = tpu.memref_slice %arg6[%dma_wait3A_106, %dma_wait3A_107] : memref<160x125xi32, #tpu.memory_space<vmem>> -> memref<1x125xi32, #tpu.memory_space<vmem>>
    %dma_wait3A_109 = tpu.memref_squeeze %dma_wait3A_108 : memref<1x125xi32, #tpu.memory_space<vmem>> -> memref<125xi32, #tpu.memory_space<vmem>>
    %dma_wait3A_110 = arith.constant 0 : i32
    %dma_wait3A_111 = arith.constant 0 : i32
    %dma_wait3A_112 = tpu.memref_slice %arg2[%arg0, %dma_wait3A_110, %dma_wait3A_111] : memref<2x10240x64xf32, #tpu.memory_space<hbm>> -> memref<1x10240x64xf32, #tpu.memory_space<hbm>>
    %dma_wait3A_113 = tpu.memref_squeeze %dma_wait3A_112 : memref<1x10240x64xf32, #tpu.memory_space<hbm>> -> memref<10240x64xf32, #tpu.memory_space<hbm>>
    %dma_wait3A_114 = arith.constant 0 : i32
    %dma_wait3A_115 = arith.constant 0 : i32
    %dma_wait3A_116 = tpu.memref_slice %dma_wait3A_113[%dma_wait3A_114, %dma_wait3A_115] : memref<10240x64xf32, #tpu.memory_space<hbm>> -> memref<10240x64xf32, #tpu.memory_space<hbm>>
    tpu.wait_indirect_dma semaphore(%arg16 : memref<!tpu.dma_semaphore, #tpu.memory_space<semaphore_mem>>) src(%dma_wait3A_116 : memref<10240x64xf32, #tpu.memory_space<hbm>>) dst(%arg10 : memref<125x64xf32, #tpu.memory_space<vmem>>)
    %dma_wait3A_117 = arith.constant 0 : i32
    %dma_wait3A_118 = arith.constant 0 : i32
    %dma_wait3A_119 = tpu.memref_slice %arg6[%dma_wait3A_117, %dma_wait3A_118] : memref<160x125xi32, #tpu.memory_space<vmem>> -> memref<1x125xi32, #tpu.memory_space<vmem>>
    %dma_wait3A_120 = tpu.memref_squeeze %dma_wait3A_119 : memref<1x125xi32, #tpu.memory_space<vmem>> -> memref<125xi32, #tpu.memory_space<vmem>>
    %dma_wait3A_121 = arith.constant 0 : i32
    %dma_wait3A_122 = arith.constant 0 : i32
    %dma_wait3A_123 = tpu.memref_slice %arg2[%arg0, %dma_wait3A_121, %dma_wait3A_122] : memref<2x10240x64xf32, #tpu.memory_space<hbm>> -> memref<1x10240x64xf32, #tpu.memory_space<hbm>>
    %dma_wait3A_124 = tpu.memref_squeeze %dma_wait3A_123 : memref<1x10240x64xf32, #tpu.memory_space<hbm>> -> memref<10240x64xf32, #tpu.memory_space<hbm>>
    %dma_wait3A_125 = arith.constant 0 : i32
    %dma_wait3A_126 = arith.constant 0 : i32
    %dma_wait3A_127 = tpu.memref_slice %dma_wait3A_124[%dma_wait3A_125, %dma_wait3A_126] : memref<10240x64xf32, #tpu.memory_space<hbm>> -> memref<10240x64xf32, #tpu.memory_space<hbm>>
    tpu.wait_indirect_dma semaphore(%arg17 : memref<!tpu.dma_semaphore, #tpu.memory_space<semaphore_mem>>) src(%dma_wait3A_127 : memref<10240x64xf32, #tpu.memory_space<hbm>>) dst(%arg11 : memref<125x64xf32, #tpu.memory_space<vmem>>)
    %dma_wait3A_128 = arith.constant 0 : i32
    %dma_wait3A_129 = arith.constant 0 : i32
    %dma_wait3A_130 = tpu.memref_slice %arg6[%dma_wait3A_128, %dma_wait3A_129] : memref<160x125xi32, #tpu.memory_space<vmem>> -> memref<1x125xi32, #tpu.memory_space<vmem>>
    %dma_wait3A_131 = tpu.memref_squeeze %dma_wait3A_130 : memref<1x125xi32, #tpu.memory_space<vmem>> -> memref<125xi32, #tpu.memory_space<vmem>>
    %dma_wait3A_132 = arith.constant 0 : i32
    %dma_wait3A_133 = arith.constant 0 : i32
    %dma_wait3A_134 = tpu.memref_slice %arg2[%arg0, %dma_wait3A_132, %dma_wait3A_133] : memref<2x10240x64xf32, #tpu.memory_space<hbm>> -> memref<1x10240x64xf32, #tpu.memory_space<hbm>>
    %dma_wait3A_135 = tpu.memref_squeeze %dma_wait3A_134 : memref<1x10240x64xf32, #tpu.memory_space<hbm>> -> memref<10240x64xf32, #tpu.memory_space<hbm>>
    %dma_wait3A_136 = arith.constant 0 : i32
    %dma_wait3A_137 = arith.constant 0 : i32
    %dma_wait3A_138 = tpu.memref_slice %dma_wait3A_135[%dma_wait3A_136, %dma_wait3A_137] : memref<10240x64xf32, #tpu.memory_space<hbm>> -> memref<10240x64xf32, #tpu.memory_space<hbm>>
    tpu.wait_indirect_dma semaphore(%arg18 : memref<!tpu.dma_semaphore, #tpu.memory_space<semaphore_mem>>) src(%dma_wait3A_138 : memref<10240x64xf32, #tpu.memory_space<hbm>>) dst(%arg12 : memref<125x64xf32, #tpu.memory_space<vmem>>)
    %barrier3A_139 = arith.constant 0 : index
    tpu.barrier barrier_id(%barrier3A_139)
    %mul3A_140 = arith.constant 640 : i32
    %mul3A_141 = arith.muli %arg1, %mul3A_140 : i32
    %mul3A_142 = arith.constant 640 : i32
    %mul3A_143 = arith.muli %arg1, %mul3A_142 : i32
    "tpu.region"() ({
      %run_scoped3A = tpu.sem_alloc : memref<!tpu.dma_semaphore, #tpu.memory_space<semaphore_mem>>
      %dma_start3A_144 = arith.constant 0 : i32
      %dma_start3A_145 = arith.constant 0 : i32
      %dma_start3A_146 = tpu.memref_slice %arg5[%arg0, %dma_start3A_144, %dma_start3A_145] : memref<2x10240x64xf32, #tpu.memory_space<hbm>> -> memref<1x10240x64xf32, #tpu.memory_space<hbm>>
      %dma_start3A_147 = tpu.memref_squeeze %dma_start3A_146 : memref<1x10240x64xf32, #tpu.memory_space<hbm>> -> memref<10240x64xf32, #tpu.memory_space<hbm>>
      %dma_start3A_148 = arith.constant 0 : i32
      %dma_start3A_149 = tpu.memref_slice %dma_start3A_147[%mul3A_143, %dma_start3A_148] : memref<10240x64xf32, #tpu.memory_space<hbm>> -> memref<640x64xf32, #tpu.memory_space<hbm>>
      %dma_start3A_150 = arith.constant 0 : i32
      %dma_start3A_151 = tpu.memref_slice %arg13[%mul3A_141, %dma_start3A_150] : memref<10240x64xf32, #tpu.memory_space<vmem_shared>> -> memref<640x64xf32, #tpu.memory_space<vmem_shared>>
      tpu.enqueue_dma source(%dma_start3A_151 : memref<640x64xf32, #tpu.memory_space<vmem_shared>>) target(%dma_start3A_149 : memref<640x64xf32, #tpu.memory_space<hbm>>) target_semaphore(%run_scoped3A : memref<!tpu.dma_semaphore, #tpu.memory_space<semaphore_mem>>)
      %dma_wait3A_152 = arith.constant 0 : i32
      %dma_wait3A_153 = arith.constant 0 : i32
      %dma_wait3A_154 = tpu.memref_slice %arg5[%arg0, %dma_wait3A_152, %dma_wait3A_153] : memref<2x10240x64xf32, #tpu.memory_space<hbm>> -> memref<1x10240x64xf32, #tpu.memory_space<hbm>>
      %dma_wait3A_155 = tpu.memref_squeeze %dma_wait3A_154 : memref<1x10240x64xf32, #tpu.memory_space<hbm>> -> memref<10240x64xf32, #tpu.memory_space<hbm>>
      %dma_wait3A_156 = arith.constant 0 : i32
      %dma_wait3A_157 = tpu.memref_slice %dma_wait3A_155[%mul3A_143, %dma_wait3A_156] : memref<10240x64xf32, #tpu.memory_space<hbm>> -> memref<640x64xf32, #tpu.memory_space<hbm>>
      %dma_wait3A_158 = arith.constant 0 : i32
      %dma_wait3A_159 = tpu.memref_slice %arg13[%mul3A_141, %dma_wait3A_158] : memref<10240x64xf32, #tpu.memory_space<vmem_shared>> -> memref<640x64xf32, #tpu.memory_space<vmem_shared>>
      tpu.wait_dma2 semaphore(%run_scoped3A : memref<!tpu.dma_semaphore, #tpu.memory_space<semaphore_mem>>) src(%dma_wait3A_159 : memref<640x64xf32, #tpu.memory_space<vmem_shared>>) dst(%dma_wait3A_157 : memref<640x64xf32, #tpu.memory_space<hbm>>)
      tpu.yield
    }) : () -> ()
    return
  }
}

module attributes {stable_mosaic.version = 14 : i64} {
  func.func @_tc_layer1_body(%arg0: i32, %arg1: memref<2x2048x64xf32, #tpu.memory_space<vmem>>, %arg2: memref<2048x16xf32, #tpu.memory_space<vmem>>, %arg3: memref<2048x16xf32, #tpu.memory_space<vmem>>, %arg4: memref<128x128xf32, #tpu.memory_space<vmem>>, %arg5: memref<1x128xf32, #tpu.memory_space<vmem>>, %arg6: memref<2x2048x64xf32, #tpu.memory_space<vmem>>, %arg7: memref<2048x1xf32, #tpu.memory_space<vmem>>, %arg8: memref<2048x1xf32, #tpu.memory_space<vmem>>) attributes {dimension_semantics = [#tpu.dimension_semantics<arbitrary>], iteration_bounds = array<i64: 5>, scalar_prefetch = 0 : i64, scratch_operands = 0 : i64, tpu.core_type = #tpu.core_type<tc>, window_params = [{transform_indices = @transform_0, window_bounds = array<i64: 2, 2048, 64>}, {transform_indices = @transform_1, window_bounds = array<i64: 2048, 16>}, {transform_indices = @transform_2, window_bounds = array<i64: 2048, 16>}, {pipeline_mode = #tpu.pipeline_mode<synchronous>, transform_indices = @transform_3, window_bounds = array<i64: 128, 128>}, {pipeline_mode = #tpu.pipeline_mode<synchronous>, transform_indices = @transform_4, window_bounds = array<i64: 1, 128>}, {transform_indices = @transform_5, window_bounds = array<i64: 2, 2048, 64>}, {transform_indices = @transform_6, window_bounds = array<i64: 2048, 1>}, {transform_indices = @transform_7, window_bounds = array<i64: 2048, 1>}]} {
    %get3A = arith.constant 0 : index
    %get3A_0 = arith.constant 0 : index
    %get3A_1 = vector.load %arg2[%get3A, %get3A_0] : memref<2048x16xf32, #tpu.memory_space<vmem>>, vector<2048x16xf32>
    %get3A_2 = arith.constant 0 : index
    %get3A_3 = arith.constant 0 : index
    %get3A_4 = vector.load %arg3[%get3A_2, %get3A_3] : memref<2048x16xf32, #tpu.memory_space<vmem>>, vector<2048x16xf32>
    %add3A = arith.addf %get3A_1, %get3A_4 : vector<2048x16xf32>
    %slice3A = vector.extract_strided_slice %add3A {offsets = [0, 0], sizes = [2048, 1], strides = [1, 1]} : vector<2048x16xf32> to vector<2048x1xf32>
    %max3A = arith.constant 1.000000e+00 : f32
    %max3A_5 = vector.broadcast %max3A : f32 to vector<2048x1xf32>
    %max3A_6 = arith.maximumf %slice3A, %max3A_5 : vector<2048x1xf32>
    %div3A = arith.constant 1.000000e+00 : f32
    %div3A_7 = vector.broadcast %div3A : f32 to vector<2048x1xf32>
    %div3A_8 = arith.divf %div3A_7, %max3A_6 : vector<2048x1xf32>
    %gt3A = arith.constant 0.000000e+00 : f32
    %gt3A_9 = vector.broadcast %gt3A : f32 to vector<2048x1xf32>
    %gt3A_10 = arith.cmpf ogt, %slice3A, %gt3A_9 : vector<2048x1xf32>
    %convert_element_type3A = arith.extui %gt3A_10 : vector<2048x1xi1> to vector<2048x1xi32>
    %convert_element_type3A_11 = arith.sitofp %convert_element_type3A : vector<2048x1xi32> to vector<2048x1xf32>
    %get3A_12 = arith.constant 0 : index
    %get3A_13 = arith.constant 0 : index
    %get3A_14 = arith.constant 0 : index
    %get3A_15 = vector.load %arg1[%get3A_12, %get3A_13, %get3A_14] : memref<2x2048x64xf32, #tpu.memory_space<vmem>>, vector<1x2048x64xf32>
    %get3A_16 = vector.shape_cast %get3A_15 : vector<1x2048x64xf32> to vector<2048x64xf32>
    %get3A_17 = arith.constant 1 : index
    %get3A_18 = arith.constant 0 : index
    %get3A_19 = arith.constant 0 : index
    %get3A_20 = vector.load %arg1[%get3A_17, %get3A_18, %get3A_19] : memref<2x2048x64xf32, #tpu.memory_space<vmem>>, vector<1x2048x64xf32>
    %get3A_21 = vector.shape_cast %get3A_20 : vector<1x2048x64xf32> to vector<2048x64xf32>
    %concatenate3A = tpu.concatenate %get3A_16, %get3A_21 in 1 : vector<2048x64xf32>, vector<2048x64xf32> -> vector<2048x128xf32>
    %mul3A = vector.broadcast %div3A_8 : vector<2048x1xf32> to vector<2048x128xf32>
    %mul3A_22 = arith.mulf %concatenate3A, %mul3A : vector<2048x128xf32>
    %get3A_23 = arith.constant 0 : index
    %get3A_24 = arith.constant 0 : index
    %get3A_25 = vector.load %arg4[%get3A_23, %get3A_24] : memref<128x128xf32, #tpu.memory_space<vmem>>, vector<128x128xf32>
    %dot_general3A = arith.constant dense<0.000000e+00> : vector<2048x128xf32>
    %dot_general3A_26 = tpu.matmul %mul3A_22, %get3A_25, %dot_general3A {dimension_numbers = #tpu.dot_dimension_numbers<[1], [1], [0], [0], [0, 0, 1, 0], [], []>, transpose_lhs_hint = false} : vector<2048x128xf32>, vector<128x128xf32>, vector<2048x128xf32> -> vector<2048x128xf32>
    %get3A_27 = arith.constant 0 : index
    %get3A_28 = arith.constant 0 : index
    %get3A_29 = vector.load %arg5[%get3A_27, %get3A_28] : memref<1x128xf32, #tpu.memory_space<vmem>>, vector<1x128xf32>
    %mul3A_30 = vector.broadcast %get3A_29 : vector<1x128xf32> to vector<2048x128xf32>
    %mul3A_31 = vector.broadcast %convert_element_type3A_11 : vector<2048x1xf32> to vector<2048x128xf32>
    %mul3A_32 = arith.mulf %mul3A_30, %mul3A_31 : vector<2048x128xf32>
    %add3A_33 = arith.addf %dot_general3A_26, %mul3A_32 : vector<2048x128xf32>
    %max3A_34 = arith.constant 0.000000e+00 : f32
    %max3A_35 = vector.broadcast %max3A_34 : f32 to vector<2048x128xf32>
    %max3A_36 = arith.maximumf %add3A_33, %max3A_35 : vector<2048x128xf32>
    %tanh3A = math.tanh %max3A_36 : vector<2048x128xf32>
    %slice3A_37 = vector.extract_strided_slice %tanh3A {offsets = [0, 0], sizes = [2048, 64], strides = [1, 1]} : vector<2048x128xf32> to vector<2048x64xf32>
    %swap3A = arith.constant 0 : index
    %swap3A_38 = arith.constant 0 : index
    %swap3A_39 = arith.constant 0 : index
    %swap3A_40 = vector.load %arg6[%swap3A, %swap3A_38, %swap3A_39] : memref<2x2048x64xf32, #tpu.memory_space<vmem>>, vector<1x2048x64xf32>
    %swap3A_41 = vector.shape_cast %swap3A_40 : vector<1x2048x64xf32> to vector<2048x64xf32>
    %swap3A_42 = vector.shape_cast %slice3A_37 : vector<2048x64xf32> to vector<1x2048x64xf32>
    tpu.vector_store %arg6[%swap3A, %swap3A_38, %swap3A_39], %swap3A_42 {strides = array<i32>} : memref<2x2048x64xf32, #tpu.memory_space<vmem>>, vector<1x2048x64xf32>,
    %slice3A_43 = vector.extract_strided_slice %tanh3A {offsets = [0, 64], sizes = [2048, 64], strides = [1, 1]} : vector<2048x128xf32> to vector<2048x64xf32>
    %swap3A_44 = arith.constant 1 : index
    %swap3A_45 = arith.constant 0 : index
    %swap3A_46 = arith.constant 0 : index
    %swap3A_47 = vector.load %arg6[%swap3A_44, %swap3A_45, %swap3A_46] : memref<2x2048x64xf32, #tpu.memory_space<vmem>>, vector<1x2048x64xf32>
    %swap3A_48 = vector.shape_cast %swap3A_47 : vector<1x2048x64xf32> to vector<2048x64xf32>
    %swap3A_49 = vector.shape_cast %slice3A_43 : vector<2048x64xf32> to vector<1x2048x64xf32>
    tpu.vector_store %arg6[%swap3A_44, %swap3A_45, %swap3A_46], %swap3A_49 {strides = array<i32>} : memref<2x2048x64xf32, #tpu.memory_space<vmem>>, vector<1x2048x64xf32>,
    %swap3A_50 = arith.constant 0 : index
    %swap3A_51 = arith.constant 0 : index
    %swap3A_52 = vector.load %arg7[%swap3A_50, %swap3A_51] : memref<2048x1xf32, #tpu.memory_space<vmem>>, vector<2048x1xf32>
    tpu.vector_store %arg7[%swap3A_50, %swap3A_51], %div3A_8 {strides = array<i32>} : memref<2048x1xf32, #tpu.memory_space<vmem>>, vector<2048x1xf32>,
    %swap3A_53 = arith.constant 0 : index
    %swap3A_54 = arith.constant 0 : index
    %swap3A_55 = vector.load %arg8[%swap3A_53, %swap3A_54] : memref<2048x1xf32, #tpu.memory_space<vmem>>, vector<2048x1xf32>
    tpu.vector_store %arg8[%swap3A_53, %swap3A_54], %convert_element_type3A_11 {strides = array<i32>} : memref<2048x1xf32, #tpu.memory_space<vmem>>, vector<2048x1xf32>,
    return
  }
  func.func @transform_0(%arg0: i32) -> (i32, i32, i32) {
    %c0_i32 = arith.constant 0 : i32
    %c0_i32_0 = arith.constant 0 : i32
    %c0_i32_1 = arith.constant 0 : i32
    return %c0_i32, %arg0, %c0_i32_0 : i32, i32, i32
  }
  func.func @transform_1(%arg0: i32) -> (i32, i32) {
    %c0_i32 = arith.constant 0 : i32
    %c0_i32_0 = arith.constant 0 : i32
    return %arg0, %c0_i32 : i32, i32
  }
  func.func @transform_2(%arg0: i32) -> (i32, i32) {
    %c0_i32 = arith.constant 0 : i32
    %c0_i32_0 = arith.constant 0 : i32
    return %arg0, %c0_i32 : i32, i32
  }
  func.func @transform_3(%arg0: i32) -> (i32, i32) {
    %c0_i32 = arith.constant 0 : i32
    %c0_i32_0 = arith.constant 0 : i32
    %c0_i32_1 = arith.constant 0 : i32
    return %c0_i32, %c0_i32_0 : i32, i32
  }
  func.func @transform_4(%arg0: i32) -> (i32, i32) {
    %c0_i32 = arith.constant 0 : i32
    %c0_i32_0 = arith.constant 0 : i32
    %c0_i32_1 = arith.constant 0 : i32
    return %c0_i32, %c0_i32_0 : i32, i32
  }
  func.func @transform_5(%arg0: i32) -> (i32, i32, i32) {
    %c0_i32 = arith.constant 0 : i32
    %c0_i32_0 = arith.constant 0 : i32
    %c0_i32_1 = arith.constant 0 : i32
    return %c0_i32, %arg0, %c0_i32_0 : i32, i32, i32
  }
  func.func @transform_6(%arg0: i32) -> (i32, i32) {
    %c0_i32 = arith.constant 0 : i32
    %c0_i32_0 = arith.constant 0 : i32
    return %arg0, %c0_i32 : i32, i32
  }
  func.func @transform_7(%arg0: i32) -> (i32, i32) {
    %c0_i32 = arith.constant 0 : i32
    %c0_i32_0 = arith.constant 0 : i32
    return %arg0, %c0_i32 : i32, i32
  }
}

module attributes {stable_mosaic.version = 14 : i64} {
  func.func @_tc_layerk_body(%arg0: i32, %arg1: memref<2x2048x64xf32, #tpu.memory_space<vmem>>, %arg2: memref<2048x1xf32, #tpu.memory_space<vmem>>, %arg3: memref<2048x1xf32, #tpu.memory_space<vmem>>, %arg4: memref<128x128xf32, #tpu.memory_space<vmem>>, %arg5: memref<1x128xf32, #tpu.memory_space<vmem>>, %arg6: memref<2x2048x64xf32, #tpu.memory_space<vmem>>) attributes {dimension_semantics = [#tpu.dimension_semantics<arbitrary>], iteration_bounds = array<i64: 5>, scalar_prefetch = 0 : i64, scratch_operands = 0 : i64, tpu.core_type = #tpu.core_type<tc>, window_params = [{transform_indices = @transform_0, window_bounds = array<i64: 2, 2048, 64>}, {transform_indices = @transform_1, window_bounds = array<i64: 2048, 1>}, {transform_indices = @transform_2, window_bounds = array<i64: 2048, 1>}, {pipeline_mode = #tpu.pipeline_mode<synchronous>, transform_indices = @transform_3, window_bounds = array<i64: 128, 128>}, {pipeline_mode = #tpu.pipeline_mode<synchronous>, transform_indices = @transform_4, window_bounds = array<i64: 1, 128>}, {transform_indices = @transform_5, window_bounds = array<i64: 2, 2048, 64>}]} {
    %get3A = arith.constant 0 : index
    %get3A_0 = arith.constant 0 : index
    %get3A_1 = arith.constant 0 : index
    %get3A_2 = vector.load %arg1[%get3A, %get3A_0, %get3A_1] : memref<2x2048x64xf32, #tpu.memory_space<vmem>>, vector<1x2048x64xf32>
    %get3A_3 = vector.shape_cast %get3A_2 : vector<1x2048x64xf32> to vector<2048x64xf32>
    %get3A_4 = arith.constant 1 : index
    %get3A_5 = arith.constant 0 : index
    %get3A_6 = arith.constant 0 : index
    %get3A_7 = vector.load %arg1[%get3A_4, %get3A_5, %get3A_6] : memref<2x2048x64xf32, #tpu.memory_space<vmem>>, vector<1x2048x64xf32>
    %get3A_8 = vector.shape_cast %get3A_7 : vector<1x2048x64xf32> to vector<2048x64xf32>
    %concatenate3A = tpu.concatenate %get3A_3, %get3A_8 in 1 : vector<2048x64xf32>, vector<2048x64xf32> -> vector<2048x128xf32>
    %get3A_9 = arith.constant 0 : index
    %get3A_10 = arith.constant 0 : index
    %get3A_11 = vector.load %arg2[%get3A_9, %get3A_10] : memref<2048x1xf32, #tpu.memory_space<vmem>>, vector<2048x1xf32>
    %mul3A = vector.broadcast %get3A_11 : vector<2048x1xf32> to vector<2048x128xf32>
    %mul3A_12 = arith.mulf %concatenate3A, %mul3A : vector<2048x128xf32>
    %get3A_13 = arith.constant 0 : index
    %get3A_14 = arith.constant 0 : index
    %get3A_15 = vector.load %arg4[%get3A_13, %get3A_14] : memref<128x128xf32, #tpu.memory_space<vmem>>, vector<128x128xf32>
    %dot_general3A = arith.constant dense<0.000000e+00> : vector<2048x128xf32>
    %dot_general3A_16 = tpu.matmul %mul3A_12, %get3A_15, %dot_general3A {dimension_numbers = #tpu.dot_dimension_numbers<[1], [1], [0], [0], [0, 0, 1, 0], [], []>, transpose_lhs_hint = false} : vector<2048x128xf32>, vector<128x128xf32>, vector<2048x128xf32> -> vector<2048x128xf32>
    %get3A_17 = arith.constant 0 : index
    %get3A_18 = arith.constant 0 : index
    %get3A_19 = vector.load %arg5[%get3A_17, %get3A_18] : memref<1x128xf32, #tpu.memory_space<vmem>>, vector<1x128xf32>
    %get3A_20 = arith.constant 0 : index
    %get3A_21 = arith.constant 0 : index
    %get3A_22 = vector.load %arg3[%get3A_20, %get3A_21] : memref<2048x1xf32, #tpu.memory_space<vmem>>, vector<2048x1xf32>
    %mul3A_23 = vector.broadcast %get3A_19 : vector<1x128xf32> to vector<2048x128xf32>
    %mul3A_24 = vector.broadcast %get3A_22 : vector<2048x1xf32> to vector<2048x128xf32>
    %mul3A_25 = arith.mulf %mul3A_23, %mul3A_24 : vector<2048x128xf32>
    %add3A = arith.addf %dot_general3A_16, %mul3A_25 : vector<2048x128xf32>
    %max3A = arith.constant 0.000000e+00 : f32
    %max3A_26 = vector.broadcast %max3A : f32 to vector<2048x128xf32>
    %max3A_27 = arith.maximumf %add3A, %max3A_26 : vector<2048x128xf32>
    %tanh3A = math.tanh %max3A_27 : vector<2048x128xf32>
    %slice3A = vector.extract_strided_slice %tanh3A {offsets = [0, 0], sizes = [2048, 64], strides = [1, 1]} : vector<2048x128xf32> to vector<2048x64xf32>
    %swap3A = arith.constant 0 : index
    %swap3A_28 = arith.constant 0 : index
    %swap3A_29 = arith.constant 0 : index
    %swap3A_30 = vector.load %arg6[%swap3A, %swap3A_28, %swap3A_29] : memref<2x2048x64xf32, #tpu.memory_space<vmem>>, vector<1x2048x64xf32>
    %swap3A_31 = vector.shape_cast %swap3A_30 : vector<1x2048x64xf32> to vector<2048x64xf32>
    %swap3A_32 = vector.shape_cast %slice3A : vector<2048x64xf32> to vector<1x2048x64xf32>
    tpu.vector_store %arg6[%swap3A, %swap3A_28, %swap3A_29], %swap3A_32 {strides = array<i32>} : memref<2x2048x64xf32, #tpu.memory_space<vmem>>, vector<1x2048x64xf32>,
    %slice3A_33 = vector.extract_strided_slice %tanh3A {offsets = [0, 64], sizes = [2048, 64], strides = [1, 1]} : vector<2048x128xf32> to vector<2048x64xf32>
    %swap3A_34 = arith.constant 1 : index
    %swap3A_35 = arith.constant 0 : index
    %swap3A_36 = arith.constant 0 : index
    %swap3A_37 = vector.load %arg6[%swap3A_34, %swap3A_35, %swap3A_36] : memref<2x2048x64xf32, #tpu.memory_space<vmem>>, vector<1x2048x64xf32>
    %swap3A_38 = vector.shape_cast %swap3A_37 : vector<1x2048x64xf32> to vector<2048x64xf32>
    %swap3A_39 = vector.shape_cast %slice3A_33 : vector<2048x64xf32> to vector<1x2048x64xf32>
    tpu.vector_store %arg6[%swap3A_34, %swap3A_35, %swap3A_36], %swap3A_39 {strides = array<i32>} : memref<2x2048x64xf32, #tpu.memory_space<vmem>>, vector<1x2048x64xf32>,
    return
  }
  func.func @transform_0(%arg0: i32) -> (i32, i32, i32) {
    %c0_i32 = arith.constant 0 : i32
    %c0_i32_0 = arith.constant 0 : i32
    %c0_i32_1 = arith.constant 0 : i32
    return %c0_i32, %arg0, %c0_i32_0 : i32, i32, i32
  }
  func.func @transform_1(%arg0: i32) -> (i32, i32) {
    %c0_i32 = arith.constant 0 : i32
    %c0_i32_0 = arith.constant 0 : i32
    return %arg0, %c0_i32 : i32, i32
  }
  func.func @transform_2(%arg0: i32) -> (i32, i32) {
    %c0_i32 = arith.constant 0 : i32
    %c0_i32_0 = arith.constant 0 : i32
    return %arg0, %c0_i32 : i32, i32
  }
  func.func @transform_3(%arg0: i32) -> (i32, i32) {
    %c0_i32 = arith.constant 0 : i32
    %c0_i32_0 = arith.constant 0 : i32
    %c0_i32_1 = arith.constant 0 : i32
    return %c0_i32, %c0_i32_0 : i32, i32
  }
  func.func @transform_4(%arg0: i32) -> (i32, i32) {
    %c0_i32 = arith.constant 0 : i32
    %c0_i32_0 = arith.constant 0 : i32
    %c0_i32_1 = arith.constant 0 : i32
    return %c0_i32, %c0_i32_0 : i32, i32
  }
  func.func @transform_5(%arg0: i32) -> (i32, i32, i32) {
    %c0_i32 = arith.constant 0 : i32
    %c0_i32_0 = arith.constant 0 : i32
    %c0_i32_1 = arith.constant 0 : i32
    return %c0_i32, %arg0, %c0_i32_0 : i32, i32, i32
  }
}

module attributes {stable_mosaic.version = 14 : i64} {
  func.func @_tc_l4pool_body(%arg0: i32, %arg1: memref<2x2048x64xf32, #tpu.memory_space<vmem>>, %arg2: memref<2048x1xf32, #tpu.memory_space<vmem>>, %arg3: memref<2048x1xf32, #tpu.memory_space<vmem>>, %arg4: memref<128x128xf32, #tpu.memory_space<vmem>>, %arg5: memref<1x128xf32, #tpu.memory_space<vmem>>, %arg6: memref<2048x1xi32, #tpu.memory_space<vmem>>, %arg7: memref<128x128xf32, #tpu.memory_space<vmem>>, %arg8: memref<1x128xf32, #tpu.memory_space<vmem>>, %arg9: memref<8x128xf32, #tpu.memory_space<vmem>>, %arg10: memref<1x8xf32, #tpu.memory_space<vmem>>, %arg11: memref<64x8xf32, #tpu.memory_space<vmem>>, %arg12: memref<64x128xf32, #tpu.memory_space<vmem>>, %arg13: memref<64x128xf32, #tpu.memory_space<vmem>>) attributes {dimension_semantics = [#tpu.dimension_semantics<arbitrary>], iteration_bounds = array<i64: 5>, scalar_prefetch = 0 : i64, scratch_operands = 2 : i64, tpu.core_type = #tpu.core_type<tc>, window_params = [{transform_indices = @transform_0, window_bounds = array<i64: 2, 2048, 64>}, {transform_indices = @transform_1, window_bounds = array<i64: 2048, 1>}, {transform_indices = @transform_2, window_bounds = array<i64: 2048, 1>}, {pipeline_mode = #tpu.pipeline_mode<synchronous>, transform_indices = @transform_3, window_bounds = array<i64: 128, 128>}, {pipeline_mode = #tpu.pipeline_mode<synchronous>, transform_indices = @transform_4, window_bounds = array<i64: 1, 128>}, {transform_indices = @transform_5, window_bounds = array<i64: 2048, 1>}, {pipeline_mode = #tpu.pipeline_mode<synchronous>, transform_indices = @transform_6, window_bounds = array<i64: 128, 128>}, {pipeline_mode = #tpu.pipeline_mode<synchronous>, transform_indices = @transform_7, window_bounds = array<i64: 1, 128>}, {pipeline_mode = #tpu.pipeline_mode<synchronous>, transform_indices = @transform_8, window_bounds = array<i64: 8, 128>}, {pipeline_mode = #tpu.pipeline_mode<synchronous>, transform_indices = @transform_9, window_bounds = array<i64: 1, 8>}, {pipeline_mode = #tpu.pipeline_mode<synchronous>, transform_indices = @transform_10, window_bounds = array<i64: 64, 8>}]} {
    %eq3A = arith.constant 0 : i32
    %eq3A_0 = arith.cmpi eq, %arg0, %eq3A : i32
    %convert_element_type3A = arith.extui %eq3A_0 : i1 to i32
    %cond3A = arith.constant 0 : i32
    %cond3A_1 = arith.cmpi ne, %convert_element_type3A, %cond3A : i32
    scf.if %cond3A_1 {
      %broadcast_in_dim3A_60 = arith.constant 0.000000e+00 : f32
      %broadcast_in_dim3A_61 = vector.broadcast %broadcast_in_dim3A_60 : f32 to vector<64x128xf32>
      %swap3A_62 = arith.constant 0 : index
      %swap3A_63 = arith.constant 0 : index
      %swap3A_64 = vector.load %arg12[%swap3A_62, %swap3A_63] : memref<64x128xf32, #tpu.memory_space<vmem>>, vector<64x128xf32>
      tpu.vector_store %arg12[%swap3A_62, %swap3A_63], %broadcast_in_dim3A_61 {strides = array<i32>} : memref<64x128xf32, #tpu.memory_space<vmem>>, vector<64x128xf32>,
      %broadcast_in_dim3A_65 = arith.constant 0.000000e+00 : f32
      %broadcast_in_dim3A_66 = vector.broadcast %broadcast_in_dim3A_65 : f32 to vector<64x128xf32>
      %swap3A_67 = arith.constant 0 : index
      %swap3A_68 = arith.constant 0 : index
      %swap3A_69 = vector.load %arg13[%swap3A_67, %swap3A_68] : memref<64x128xf32, #tpu.memory_space<vmem>>, vector<64x128xf32>
      tpu.vector_store %arg13[%swap3A_67, %swap3A_68], %broadcast_in_dim3A_66 {strides = array<i32>} : memref<64x128xf32, #tpu.memory_space<vmem>>, vector<64x128xf32>,
    } else {
    }
    %get3A = arith.constant 0 : index
    %get3A_2 = arith.constant 0 : index
    %get3A_3 = arith.constant 0 : index
    %get3A_4 = vector.load %arg1[%get3A, %get3A_2, %get3A_3] : memref<2x2048x64xf32, #tpu.memory_space<vmem>>, vector<1x2048x64xf32>
    %get3A_5 = vector.shape_cast %get3A_4 : vector<1x2048x64xf32> to vector<2048x64xf32>
    %get3A_6 = arith.constant 1 : index
    %get3A_7 = arith.constant 0 : index
    %get3A_8 = arith.constant 0 : index
    %get3A_9 = vector.load %arg1[%get3A_6, %get3A_7, %get3A_8] : memref<2x2048x64xf32, #tpu.memory_space<vmem>>, vector<1x2048x64xf32>
    %get3A_10 = vector.shape_cast %get3A_9 : vector<1x2048x64xf32> to vector<2048x64xf32>
    %concatenate3A = tpu.concatenate %get3A_5, %get3A_10 in 1 : vector<2048x64xf32>, vector<2048x64xf32> -> vector<2048x128xf32>
    %get3A_11 = arith.constant 0 : index
    %get3A_12 = arith.constant 0 : index
    %get3A_13 = vector.load %arg2[%get3A_11, %get3A_12] : memref<2048x1xf32, #tpu.memory_space<vmem>>, vector<2048x1xf32>
    %mul3A = vector.broadcast %get3A_13 : vector<2048x1xf32> to vector<2048x128xf32>
    %mul3A_14 = arith.mulf %concatenate3A, %mul3A : vector<2048x128xf32>
    %get3A_15 = arith.constant 0 : index
    %get3A_16 = arith.constant 0 : index
    %get3A_17 = vector.load %arg4[%get3A_15, %get3A_16] : memref<128x128xf32, #tpu.memory_space<vmem>>, vector<128x128xf32>
    %dot_general3A = arith.constant dense<0.000000e+00> : vector<2048x128xf32>
    %dot_general3A_18 = tpu.matmul %mul3A_14, %get3A_17, %dot_general3A {dimension_numbers = #tpu.dot_dimension_numbers<[1], [1], [0], [0], [0, 0, 1, 0], [], []>, transpose_lhs_hint = false} : vector<2048x128xf32>, vector<128x128xf32>, vector<2048x128xf32> -> vector<2048x128xf32>
    %get3A_19 = arith.constant 0 : index
    %get3A_20 = arith.constant 0 : index
    %get3A_21 = vector.load %arg5[%get3A_19, %get3A_20] : memref<1x128xf32, #tpu.memory_space<vmem>>, vector<1x128xf32>
    %get3A_22 = arith.constant 0 : index
    %get3A_23 = arith.constant 0 : index
    %get3A_24 = vector.load %arg3[%get3A_22, %get3A_23] : memref<2048x1xf32, #tpu.memory_space<vmem>>, vector<2048x1xf32>
    %mul3A_25 = vector.broadcast %get3A_21 : vector<1x128xf32> to vector<2048x128xf32>
    %mul3A_26 = vector.broadcast %get3A_24 : vector<2048x1xf32> to vector<2048x128xf32>
    %mul3A_27 = arith.mulf %mul3A_25, %mul3A_26 : vector<2048x128xf32>
    %add3A = arith.addf %dot_general3A_18, %mul3A_27 : vector<2048x128xf32>
    %max3A = arith.constant 0.000000e+00 : f32
    %max3A_28 = vector.broadcast %max3A : f32 to vector<2048x128xf32>
    %max3A_29 = arith.maximumf %add3A, %max3A_28 : vector<2048x128xf32>
    %tanh3A = math.tanh %max3A_29 : vector<2048x128xf32>
    %iota3A = tpu.iota {dimensions = array<i32: 1>} : vector<1x64xi32>
    %get3A_30 = arith.constant 0 : index
    %get3A_31 = arith.constant 0 : index
    %get3A_32 = vector.load %arg6[%get3A_30, %get3A_31] : memref<2048x1xi32, #tpu.memory_space<vmem>>, vector<2048x1xi32>
    %eq3A_33 = vector.broadcast %get3A_32 : vector<2048x1xi32> to vector<2048x64xi32>
    %eq3A_34 = vector.broadcast %iota3A : vector<1x64xi32> to vector<2048x64xi32>
    %eq3A_35 = arith.cmpi eq, %eq3A_33, %eq3A_34 : vector<2048x64xi32>
    %convert_element_type3A_36 = arith.extui %eq3A_35 : vector<2048x64xi1> to vector<2048x64xi32>
    %convert_element_type3A_37 = arith.sitofp %convert_element_type3A_36 : vector<2048x64xi32> to vector<2048x64xf32>
    %get3A_38 = arith.constant 0 : index
    %get3A_39 = arith.constant 0 : index
    %get3A_40 = vector.load %arg12[%get3A_38, %get3A_39] : memref<64x128xf32, #tpu.memory_space<vmem>>, vector<64x128xf32>
    %dot_general3A_41 = arith.constant dense<0.000000e+00> : vector<64x128xf32>
    %dot_general3A_42 = tpu.matmul %convert_element_type3A_37, %tanh3A, %dot_general3A_41 {dimension_numbers = #tpu.dot_dimension_numbers<[0], [0], [1], [1], [0, 1, 1, 1], [], []>, transpose_lhs_hint = false} : vector<2048x64xf32>, vector<2048x128xf32>, vector<64x128xf32> -> vector<64x128xf32>
    %add3A_43 = arith.addf %get3A_40, %dot_general3A_42 : vector<64x128xf32>
    %swap3A = arith.constant 0 : index
    %swap3A_44 = arith.constant 0 : index
    %swap3A_45 = vector.load %arg12[%swap3A, %swap3A_44] : memref<64x128xf32, #tpu.memory_space<vmem>>, vector<64x128xf32>
    tpu.vector_store %arg12[%swap3A, %swap3A_44], %add3A_43 {strides = array<i32>} : memref<64x128xf32, #tpu.memory_space<vmem>>, vector<64x128xf32>,
    %get3A_46 = arith.constant 0 : index
    %get3A_47 = arith.constant 0 : index
    %get3A_48 = vector.load %arg13[%get3A_46, %get3A_47] : memref<64x128xf32, #tpu.memory_space<vmem>>, vector<64x128xf32>
    %reduce_sum3A = arith.constant dense<0.000000e+00> : vector<64xf32>
    %reduce_sum3A_49 = vector.multi_reduction <add>, %convert_element_type3A_37, %reduce_sum3A [0] : vector<2048x64xf32> to vector<64xf32>
    %broadcast_in_dim3A = vector.shape_cast %reduce_sum3A_49 : vector<64xf32> to vector<64x1xf32>
    %add3A_50 = vector.broadcast %broadcast_in_dim3A : vector<64x1xf32> to vector<64x128xf32>
    %add3A_51 = arith.addf %get3A_48, %add3A_50 : vector<64x128xf32>
    %swap3A_52 = arith.constant 0 : index
    %swap3A_53 = arith.constant 0 : index
    %swap3A_54 = vector.load %arg13[%swap3A_52, %swap3A_53] : memref<64x128xf32, #tpu.memory_space<vmem>>, vector<64x128xf32>
    tpu.vector_store %arg13[%swap3A_52, %swap3A_53], %add3A_51 {strides = array<i32>} : memref<64x128xf32, #tpu.memory_space<vmem>>, vector<64x128xf32>,
    %eq3A_55 = arith.constant 4 : i32
    %eq3A_56 = arith.cmpi eq, %arg0, %eq3A_55 : i32
    %convert_element_type3A_57 = arith.extui %eq3A_56 : i1 to i32
    %cond3A_58 = arith.constant 0 : i32
    %cond3A_59 = arith.cmpi ne, %convert_element_type3A_57, %cond3A_58 : i32
    scf.if %cond3A_59 {
      %get3A_60 = arith.constant 0 : index
      %get3A_61 = arith.constant 0 : index
      %get3A_62 = vector.load %arg12[%get3A_60, %get3A_61] : memref<64x128xf32, #tpu.memory_space<vmem>>, vector<64x128xf32>
      %get3A_63 = arith.constant 0 : index
      %get3A_64 = arith.constant 0 : index
      %get3A_65 = vector.load %arg13[%get3A_63, %get3A_64] : memref<64x128xf32, #tpu.memory_space<vmem>>, vector<64x128xf32>
      %max3A_66 = arith.constant 1.000000e+00 : f32
      %max3A_67 = vector.broadcast %max3A_66 : f32 to vector<64x128xf32>
      %max3A_68 = arith.maximumf %get3A_65, %max3A_67 : vector<64x128xf32>
      %div3A = arith.divf %get3A_62, %max3A_68 : vector<64x128xf32>
      %get3A_69 = arith.constant 0 : index
      %get3A_70 = arith.constant 0 : index
      %get3A_71 = vector.load %arg7[%get3A_69, %get3A_70] : memref<128x128xf32, #tpu.memory_space<vmem>>, vector<128x128xf32>
      %dot_general3A_72 = arith.constant dense<0.000000e+00> : vector<64x128xf32>
      %dot_general3A_73 = tpu.matmul %div3A, %get3A_71, %dot_general3A_72 {dimension_numbers = #tpu.dot_dimension_numbers<[1], [1], [0], [0], [0, 0, 1, 0], [], []>, transpose_lhs_hint = false} : vector<64x128xf32>, vector<128x128xf32>, vector<64x128xf32> -> vector<64x128xf32>
      %get3A_74 = arith.constant 0 : index
      %get3A_75 = arith.constant 0 : index
      %get3A_76 = vector.load %arg8[%get3A_74, %get3A_75] : memref<1x128xf32, #tpu.memory_space<vmem>>, vector<1x128xf32>
      %add3A_77 = vector.broadcast %get3A_76 : vector<1x128xf32> to vector<64x128xf32>
      %add3A_78 = arith.addf %dot_general3A_73, %add3A_77 : vector<64x128xf32>
      %max3A_79 = arith.constant 0.000000e+00 : f32
      %max3A_80 = vector.broadcast %max3A_79 : f32 to vector<64x128xf32>
      %max3A_81 = arith.maximumf %add3A_78, %max3A_80 : vector<64x128xf32>
      %get3A_82 = arith.constant 0 : index
      %get3A_83 = arith.constant 0 : index
      %get3A_84 = vector.load %arg9[%get3A_82, %get3A_83] : memref<8x128xf32, #tpu.memory_space<vmem>>, vector<8x128xf32>
      %dot_general3A_85 = arith.constant dense<0.000000e+00> : vector<64x8xf32>
      %dot_general3A_86 = tpu.matmul %max3A_81, %get3A_84, %dot_general3A_85 {dimension_numbers = #tpu.dot_dimension_numbers<[1], [1], [0], [0], [0, 0, 1, 0], [], []>, transpose_lhs_hint = false} : vector<64x128xf32>, vector<8x128xf32>, vector<64x8xf32> -> vector<64x8xf32>
      %get3A_87 = arith.constant 0 : index
      %get3A_88 = arith.constant 0 : index
      %get3A_89 = vector.load %arg10[%get3A_87, %get3A_88] : memref<1x8xf32, #tpu.memory_space<vmem>>, vector<1x8xf32>
      %add3A_90 = vector.broadcast %get3A_89 : vector<1x8xf32> to vector<64x8xf32>
      %add3A_91 = arith.addf %dot_general3A_86, %add3A_90 : vector<64x8xf32>
      %swap3A_92 = arith.constant 0 : index
      %swap3A_93 = arith.constant 0 : index
      %swap3A_94 = vector.load %arg11[%swap3A_92, %swap3A_93] : memref<64x8xf32, #tpu.memory_space<vmem>>, vector<64x8xf32>
      tpu.vector_store %arg11[%swap3A_92, %swap3A_93], %add3A_91 {strides = array<i32>} : memref<64x8xf32, #tpu.memory_space<vmem>>, vector<64x8xf32>,
    } else {
    }
    return
  }
  func.func @transform_0(%arg0: i32) -> (i32, i32, i32) {
    %c0_i32 = arith.constant 0 : i32
    %c0_i32_0 = arith.constant 0 : i32
    %c0_i32_1 = arith.constant 0 : i32
    return %c0_i32, %arg0, %c0_i32_0 : i32, i32, i32
  }
  func.func @transform_1(%arg0: i32) -> (i32, i32) {
    %c0_i32 = arith.constant 0 : i32
    %c0_i32_0 = arith.constant 0 : i32
    return %arg0, %c0_i32 : i32, i32
  }
  func.func @transform_2(%arg0: i32) -> (i32, i32) {
    %c0_i32 = arith.constant 0 : i32
    %c0_i32_0 = arith.constant 0 : i32
    return %arg0, %c0_i32 : i32, i32
  }
  func.func @transform_3(%arg0: i32) -> (i32, i32) {
    %c0_i32 = arith.constant 0 : i32
    %c0_i32_0 = arith.constant 0 : i32
    %c0_i32_1 = arith.constant 0 : i32
    return %c0_i32, %c0_i32_0 : i32, i32
  }
  func.func @transform_4(%arg0: i32) -> (i32, i32) {
    %c0_i32 = arith.constant 0 : i32
    %c0_i32_0 = arith.constant 0 : i32
    %c0_i32_1 = arith.constant 0 : i32
    return %c0_i32, %c0_i32_0 : i32, i32
  }
  func.func @transform_5(%arg0: i32) -> (i32, i32) {
    %c0_i32 = arith.constant 0 : i32
    %c0_i32_0 = arith.constant 0 : i32
    return %arg0, %c0_i32 : i32, i32
  }
  func.func @transform_6(%arg0: i32) -> (i32, i32) {
    %c0_i32 = arith.constant 0 : i32
    %c0_i32_0 = arith.constant 0 : i32
    %c0_i32_1 = arith.constant 0 : i32
    return %c0_i32, %c0_i32_0 : i32, i32
  }
  func.func @transform_7(%arg0: i32) -> (i32, i32) {
    %c0_i32 = arith.constant 0 : i32
    %c0_i32_0 = arith.constant 0 : i32
    %c0_i32_1 = arith.constant 0 : i32
    return %c0_i32, %c0_i32_0 : i32, i32
  }
  func.func @transform_8(%arg0: i32) -> (i32, i32) {
    %c0_i32 = arith.constant 0 : i32
    %c0_i32_0 = arith.constant 0 : i32
    %c0_i32_1 = arith.constant 0 : i32
    return %c0_i32, %c0_i32_0 : i32, i32
  }
  func.func @transform_9(%arg0: i32) -> (i32, i32) {
    %c0_i32 = arith.constant 0 : i32
    %c0_i32_0 = arith.constant 0 : i32
    %c0_i32_1 = arith.constant 0 : i32
    return %c0_i32, %c0_i32_0 : i32, i32
  }
  func.func @transform_10(%arg0: i32) -> (i32, i32) {
    %c0_i32 = arith.constant 0 : i32
    %c0_i32_0 = arith.constant 0 : i32
    %c0_i32_1 = arith.constant 0 : i32
    return %c0_i32, %c0_i32_0 : i32, i32
  }
}

</mosaic_0001>

<sc_bundles>
// kernel: kernel.11.cloned.1.call-start
scs
__scs_entry_jumppad:
0x0: {  	(pc) =	sbr.rel $0x88, $3  }
0x1: {  	(tag) =	ssettag $0x0;
	lr =	simm.s32 $0x1  }
0x2: {  	[smem:$0x3F92] =	sst lr;
	_ =	strace $0xD0000000  }
0x3: {  	_ = 	snop  }
0x4: {  	_ = 	snop  }
0x5: {  	_ = 	snop  }
0x6: {  	_ = 	snop  }
0x7: {  	_ = 	snop  }
__scs_overlays_trampoline_lowered:
0x8: {  	[smem:$0x3FA1] =	sst s0  }
0x9: {  	[smem:$0x3FA2] =	sst s1  }
0xa: {  	[smem:$0x3FA3] =	sst s2  }
0xb: {  	[smem:$0x3FA4] =	sst s3  }
0xc: {  	[smem:$0x3FA5] =	sst s4  }
0xd: {  	[smem:$0x3FA6] =	sst s5  }
0xe: {  	[smem:$0x3FA7] =	sst s6  }
0xf: {  	[smem:$0x3FA8] =	sst s7  }
0x10: {  	[smem:$0x3FA9] =	sst s8  }
0x11: {  	[smem:$0x3FAA] =	sst s9;
	s0 =	simm.s32 @!p0 $0x0  }
0x12: {  	s1 =	sld [smem:$0x3F90];
	s0 =	simm.s32 @p0 $0x1  }
0x13: {  	[smem:$0x3FAB] =	sst s0;
	s0 =	simm.s32 @!p1 $0x0  }
0x14: {  	s2 =	sld [smem:$0x3F8F];
	s0 =	simm.s32 @p1 $0x1  }
0x15: {  	[smem:$0x3FAC] =	sst s0;
	s0 =	simm.s32 @!p2 $0x0  }
0x16: {  	s3 =	sld [smem:$0x3FDB];
	s0 =	simm.s32 @p2 $0x1  }
0x17: {  	s4 =	simm.s32 $0x1BF5;
	[smem:$0x3FAE] =	sst s0  }
0x18: {  	s0 =	sld [smem:$0x3F91];
	_ =	swait.ge [sflag:s4], $0x0  }
0x19: {  	s7 =	sld [smem:$0x3F92]  }
0x1a: {  	s8 =	sadd.s32 $0xFFFFE003, lr  }
0x1b: {  	s9 =	sadd.s32 $0xFFFFFEF7, lr;
	s5 =	simm.s32 $0xFFFFFFFF;
	p2 =	slt.u32 s8, $0xFFFFF086  }
0x1c: {  	p1 =	slt.u32 s9, $0xF7A;
	s5 =	simm.s32 @!p2 $0x0  }
0x1d: {  	s5 =	simm.s32 @p1 $0x1;
	p0 =	seq.s32 s7, s2  }
0x1e: {  	s7 =	smul.u32 @!p0 $0xF7A, s2;
	p2 =	seq.s32 @!p0 s5, $0x0  }
0x1f: {  	s9 =	smul.u32 $0xF7A, s1;
	s8 =	simm.s32 @!p0 $0x1BF5;
	p2 =	por !p2, p0  }
0x20: {  	[sflag:s8] =	ssyncset.s32 @!p0 $0xFFFFF086;
	s6 =	sadd.s32 @!p0 s3, s7;
	s7 =	simm.s32 @!p0 $0x108  }
0x21: {  	s3 =	sadd.s32 s3, s9;
	s6 =	sadd.s32 @!p0 $0x88, s6;
	s7 =	simm.s32 @p2 $0x1082  }
0x22: {  	[simem:s7], [sflag:s8] =	dma.local @!p0 [hbm:s6], $0xF7A  }
0x23: {  	s9 =	sor.u32 $0xD0000000, s2;
	s6 =	simm.s32 $0x108;
	_ =	swait.ge @!p0 [sflag:s8], $0x0  }
0x24: {  	s3 =	sadd.s32 $0x88, s3;
	s6 =	simm.s32 @!p1 $0x1082;
	[sflag:s4] =	ssyncset.s32 $0xFFFFF086  }
0x25: {  	[simem:s6], [sflag:s4] =	dma.local [hbm:s3], $0xF7A  }
0x26: {  	[smem:$0x3F92] =	sst s1;
	(tag) =	ssettag s2;
	_ =	strace s9  }
0x27: {  	s1 =	sld [smem:$0x3FA2]  }
0x28: {  	s2 =	sld [smem:$0x3FA3]  }
0x29: {  	s4 =	sld [smem:$0x3FA5]  }
0x2a: {  	p0 =	seq.s32 s5, $0x0;
	s5 =	sld [smem:$0x3FA6]  }
0x2b: {  	s6 =	sld [smem:$0x3FA7]  }
0x2c: {  	s7 =	sld [smem:$0x3FA8]  }
0x2d: {  	s3 =	simm.s32 $0x108;
	s8 =	sld [smem:$0x3FA9]  }
0x2e: {  	s3 =	simm.s32 @!p0 $0x1082;
	s9 =	sld [smem:$0x3FAA]  }
0x2f: {  	lr =	sadd.s32 s0, s3;
	s0 =	sld [smem:$0x3FA1]  }
0x30: {  	s3 =	sld [smem:$0x3FA4]  }
0x31: {  	[smem:$0x3FAD] =	sst s10  }
0x32: {  	s10 =	sld [smem:$0x3FAB];
	_ =	sdelay $0x3  }
0x33: {  	p0 =	seq.s32 s10, $0x1;
	s10 =	sld [smem:$0x3FAD];
	_ =	sdelay $0x3  }
0x34: {  	[smem:$0x3FAD] =	sst s10  }
0x35: {  	s10 =	sld [smem:$0x3FAC];
	_ =	sdelay $0x3  }
0x36: {  	p1 =	seq.s32 s10, $0x1;
	s10 =	sld [smem:$0x3FAD];
	_ =	sdelay $0x3  }
0x37: {  	[smem:$0x3FAD] =	sst s10  }
0x38: {  	s10 =	sld [smem:$0x3FAE]  }
0x39: {  	_ = 	snop;
	(pc) =	sbr.ind lr, $3  }
0x3a: {  	_ = 	snop  }
0x3b: {  	_ = 	snop  }
0x3c: {  	p2 =	seq.s32 s10, $0x1;
	s10 =	sld [smem:$0x3FAD]  }
0x3d: {  	_ =	shalt  }
0x3e: {  	_ =	shalt  }
0x3f: {  	_ =	shalt  }
0x40: {  	_ =	shalt  }
0x41: {  	_ =	shalt  }
0x42: {  	_ =	shalt  }
0x43: {  	_ =	shalt  }
0x44: {  	_ =	shalt  }
0x45: {  	_ =	shalt  }
0x46: {  	_ =	shalt  }
0x47: {  	_ =	shalt  }
0x48: {  	_ =	shalt  }
0x49: {  	_ =	shalt  }
0x4a: {  	_ =	shalt  }
0x4b: {  	_ =	shalt  }
0x4c: {  	_ =	shalt  }
0x4d: {  	_ =	shalt  }
0x4e: {  	_ =	shalt  }
0x4f: {  	_ =	shalt  }
0x50: {  	_ =	shalt  }
0x51: {  	_ =	shalt  }
0x52: {  	_ =	shalt  }
0x53: {  	_ =	shalt  }
0x54: {  	_ =	shalt  }
0x55: {  	_ =	shalt  }
0x56: {  	_ =	shalt  }
0x57: {  	_ =	shalt  }
0x58: {  	_ =	shalt  }
0x59: {  	_ =	shalt  }
0x5a: {  	_ =	shalt  }
0x5b: {  	_ =	shalt  }
0x5c: {  	_ =	shalt  }
0x5d: {  	_ =	shalt  }
0x5e: {  	_ =	shalt  }
0x5f: {  	_ =	shalt  }
0x60: {  	_ =	shalt  }
0x61: {  	_ =	shalt  }
0x62: {  	_ =	shalt  }
0x63: {  	_ =	shalt  }
0x64: {  	_ =	shalt  }
0x65: {  	_ =	shalt  }
0x66: {  	_ =	shalt  }
0x67: {  	_ =	shalt  }
0x68: {  	_ =	shalt  }
0x69: {  	_ =	shalt  }
0x6a: {  	_ =	shalt  }
0x6b: {  	_ =	shalt  }
0x6c: {  	_ =	shalt  }
0x6d: {  	_ =	shalt  }
0x6e: {  	_ =	shalt  }
0x6f: {  	_ =	shalt  }
0x70: {  	_ =	shalt  }
0x71: {  	_ =	shalt  }
0x72: {  	_ =	shalt  }
0x73: {  	_ =	shalt  }
0x74: {  	_ =	shalt  }
0x75: {  	_ =	shalt  }
0x76: {  	_ =	shalt  }
0x77: {  	_ =	shalt  }
0x78: {  	_ =	shalt  }
0x79: {  	_ =	shalt  }
0x7a: {  	_ =	shalt  }
0x7b: {  	_ =	shalt  }
0x7c: {  	_ =	shalt  }
0x7d: {  	_ =	shalt  }
0x7e: {  	_ =	shalt  }
0x7f: {  	_ =	shalt  }
0x80: {  	_ =	shalt  }
0x81: {  	_ =	shalt  }
0x82: {  	_ =	shalt  }
0x83: {  	_ =	shalt  }
0x84: {  	_ =	shalt  }
0x85: {  	_ =	shalt  }
0x86: {  	_ =	shalt  }
0x87: {  	_ =	shalt  }
.Lfunc_end0:
.L_simem_size_0:
called_computation_lowered:
.L_overlay_start_0:
0x88: {  	s2 =	sld [smem:$0x3FD9]  }
0x89: {  	s3 =	sld [smem:$0x3FFE];
	_ =	sdelay $0x1  }
0x8a: {  	s1 =	srdreg.scid  }
0x8b: {  	s0 =	sand.u32 $0x1, s1  }
0x8c: {  	s17 =	sshll.u32 s0, $0xA;
	s2 =	sadd.s32 s3, s2  }
0x8d: {  	s2 =	sadd.s32 s2, s17  }
0x8e: {  	[smem:$0x3FB9] =	sst s2  }
0x8f: {  	_ = 	snop  }
0x90: {  	(tm) =	ssettm $0x1  }
0x91: {  	s18 =	sld [smem:$0x3FFB];
	_ =	sdelay $0x3  }
0x92: {  	_ =	strace s18  }
0x93: {  	s2 =	sld [smem:$0x3FFC];
	_ =	sdelay $0x3  }
0x94: {  	_ =	strace s2  }
0x95: {  	s2 =	sld [smem:$0x3FFD];
	_ =	sdelay $0x3  }
0x96: {  	_ =	strace s2  }
0x97: {  	_ =	strace $0x8FFFFFFF  }
0x98: {  	s19 =	sld [smem:$0x3FDB];
	_ =	sdelay $0x1  }
0x99: {  	s20 =	simm.s32 $_scs_section_size  }
0x9a: {  	s4 =	simm.s32 $_size__tile_overlayer_lowered;
	s5 =	simm.s32 $_tile_overlayer_lowered  }
0x9b: {  	s6 =	simm.s32 $0x1BFF;
	s21 =	sshll.u32 s5, $0x1;
	s3 =	sadd.s32 s20, s19  }
0x9c: {  	s22 =	simm.s32 $0x0;
	s4 =	sshll.u32 s4, $0x1;
	s5 =	sadd.s32 s21, s3  }
0x9d: {  	[timem:s22], [sflag:s6] =	dma.local [hbm:s5], s4  }
0x9e: {  	_ =	swait.ge [sflag:s6], s4  }
0x9f: {  	s4 =	ssub.s32 $0x0, s4;
	[sflag:s6] =	ssyncset.done $0x0  }
0xa0: {  	[sflag:s6] =	ssyncadd.s32 s4;
	_ =	sdelay $0x1  }
0xa1: {  	s23 =	simm.s32 $0x1B8B  }
0xa2: {  	_ =	swait.ge [sflag:s23], $0x1  }
0xa3: {  	[sflag:s23] =	ssyncset.done $0x0  }
0xa4: {  	[sflag:s23] =	ssyncadd.s32 $0xFFFFFFFF  }
0xa5: {  	s4 =	sld [smem:$0x0]  }
0xa6: {  	s5 =	sand.u32 $0xFFFFFFFE, s1  }
0xa7: {  	p0 =	sne.s32 s1, s5  }
0xa8: {  	s5 =	sshll.u32 @p0 s5, $0xE  }
0xa9: {  	s5 =	sadd.s32 @p0 $0x11B8D, s5;
	s6 =	sshll.u32 @p0 s4, $0x11  }
0xaa: {  	s5 =	sor.u32 @p0 s6, s5  }
0xab: {  	[sflag:s5] =	ssyncadd.remote.s32 @p0 $0x1;
	_ =	sdelay $0x1  }
0xac: {  	s5 =	simm.s32 @p0 $0x1B8D  }
0xad: {  	_ =	swait.eq @p0 [sflag:s5], $0x1  }
0xae: {  	[sflag:s5] =	ssyncadd.s32 @p0 $0xFFFFFFFF  }
0xaf: {  	s6 =	sshll.u32 @!p0 s1, $0xE  }
0xb0: {  	s6 =	sor.u32 @!p0 $0x4000, s6;
	s5 =	simm.s32 @!p0 $0x1B8D  }
0xb1: {  	s4 =	sshll.u32 @!p0 s4, $0x11;
	s6 =	sadd.s32 @!p0 $0x11B8D, s6;
	_ =	swait.eq @!p0 [sflag:s5], $0x1  }
0xb2: {  	s4 =	sor.u32 @!p0 s4, s6;
	[sflag:s5] =	ssyncadd.s32 @!p0 $0xFFFFFFFF  }
0xb3: {  	s25 =	simm.s32 $0x1B8E;
	s24 =	sld [smem:$0x3FFE];
	[sflag:s4] =	ssyncadd.remote.s32 @!p0 $0x1  }
0xb4: {  	s26 =	simm.s32 $execute0_lowered;
	[smem:$0x3FD2] =	sst s25  }
0xb5: {  	s5 =	sshll.u32 s26, $0x1;
	_ =	strace $0x80000049;
	[dreg:$0x1] =	wrdreg $0xFFFFFFFF  }
0xb6: {  	s28 =	simm.s32 $_size_execute0_lowered;
	s3 =	sadd.s32 s3, s5;
	[dreg:$0x0] =	wrdreg $0x0  }
0xb7: {  	s5 =	sshll.u32 s28, $0x1;
	[dreg:$0x2] =	wrdreg s3  }
0xb8: {  	[dreg:$0x3] =	wrdreg s5  }
0xb9: {  	[dreg:$0x4] =	wrdreg $0xC0  }
0xba: {  	_ =	task [dreg:s22], $0x5FFFF  }
0xbb: {  	[dreg:$0x1] =	wrdreg $0xFFFFFFFF  }
0xbc: {  	[dreg:$0x0] =	wrdreg $0x60  }
0xbd: {  	[dreg:$0x2] =	wrdreg s24  }
0xbe: {  	[dreg:$0x3] =	wrdreg $0x57D00  }
0xbf: {  	[dreg:$0x4] =	wrdreg $0x9  }
0xc0: {  	_ =	task.clear_ibuf [dreg:s22], $0x5FFFF;
	_ =	strace $0x90000049  }
0xc1: {  	s29 =	simm.s32 $0x9;
	_ =	strace $0x8000004B  }
0xc2: {  	_ =	swait.ge [sflag:s29], $0x1  }
0xc3: {  	[sflag:s29] =	ssyncadd.s32 $0xFFFFFFFF  }
0xc4: {  	_ =	strace $0x9000004B  }
0xc5: {  	_ =	sfence  }
0xc6: {  	s30 =	sld [smem:$0x0];
	_ =	sdelay $0x2  }
0xc7: {  	s31 =	sshll.u32 s1, $0xD;
	s1 =	sshrl.u32 s1, $0x2  }
0xc8: {  	s4 =	sand.u32 $0x4000, s31;
	s1 =	sadd.s32 s1, s30  }
0xc9: {  	s0 =	sor.u32 s4, s0;
	s1 =	sshll.u32 s1, $0x11  }
0xca: {  	s0 =	sor.u32 s1, s0  }
0xcb: {  	s0 =	sadd.s32 $0x8F2B, s0  }
0xcc: {  	[sflag:s0] =	ssyncadd.remote.s32 $0x1  }
0xcd: {  	_ =	sfence.sel $0xFFFF  }
0xce: {  	[dreg:$0x0] =	wrdreg $0xFFFFFFFF;
	(pc) =	sbr.abs _section_cstart, $3  }
0xcf: {  	[dreg:$0x1] =	wrdreg $0xFFFFFFFF  }
0xd0: {  	_ =	task.clear_ibuf [dreg:s22], $0x2FFFF;
	_ =	strace $0x9FFFFFFF  }
0xd1: {  	(tm) =	ssettm $0x7FFFFFFF  }
tec
execute0_lowered:
.L_overlay_start_1:
0x0: {  	(tag) =	ssettag $0x1  }
0x1: {  	s1 =	srdreg.scid;
	s5 =	rddreg [dreg:$0x0]  }
0x2: {  	s0 =	stileid.u32;
	s2 =	rddreg [dreg:$0x1];
	s3 =	simm.s32 $0x0  }
0x3: {  	s10 =	simm.s32 $0x2800;
	s4 =	sand.u32 $0x1, s1;
	s31 =	sshll.u32 s0, $0x1  }
0x4: {  	[smem:$0x7FF] =	sst s3;
	s8 =	smul.u32 $0x2800, s0;
	s13 =	sshll.u32 s0, $0x6  }
0x5: {  	s1 =	sor.u32 s4, s31;
	s7 =	smul.u32 $0x5000, s4;
	s4 =	ssub.s32 $0x2, s4  }
0x6: {  	s6 =	smul.u32 $0x500, s1;
	s1 =	rddreg [dreg:$0x2];
	_ =	strace $0x8000004A  }
0x7: {  	s9 =	sshrl.u32 s4, $0x1;
	s12 =	sshrl.u32 s8, $0x3;
	s7 =	sadd.s32 s7, s5  }
0x8: {  	s9 =	ssub.s32 s4, s9;
	s4 =	sadd.s32 s8, s2;
	s8 =	simm.s32 $0x1  }
0x9: {  	s6 =	sadd.s32 s6, s5;
	s11 =	sadd.s32 $0x71200, s7;
	s7 =	simm.s32 $0x2FD0  }
0xa: {  	s5 =	sadd.s32 $0x67200, s6;
	s6 =	smax.u32 s9, $0x1;
	s9 =	simm.s32 $0x7D  }
0xb: {  	v0 =	vimm.f32 $0.0e+00;
	v1 =	vimm.f32 $1.000000000e+00;
	s11 =	sadd.s32 s12, s11;
	s12 =	sor.u32 $0x1C01, s13;
	s13 =	sshrl.u32 s4, $0x3  }
.LBB2_1:
0xc: {  	s14 =	simm.s32 $0x40;
	s15 =	simm.s32 $0x0  }
.LBB2_2:
0xd: {  	p0 =	sne.s32 s14, $0x9FC0;
	[tilespmem:s15+$0x2FD0] =	vst v0;
	s15 =	smov.u32 s14;
	s14 =	sadd.s32 $0x40, s14  }
.Ltmp0:
0xe: {  	(pc) =	sbr.rel @p0 .LBB2_2-.Ltmp0, $2  }
0xf: {  	_ =	sdelay $0x2  }
0x10: {  	s15 =	sshra.s32 s15, $0x2  }
0x11: {  	[tilespmem:s15+$0x2FD0] =	vst v0  }
0x12: {  	[spmem:s4] =	stream.linear.scatter [tilespmem:s7], [sflag:$0x1], $0x2800, $0x38;
	[tilespmem:$0x7FD0] =	vst v63  }
0x13: {  	_ =	swait.ge [sflag:s8], $0x2800  }
0x14: {  	[sflag:s8] =	ssyncset.done $0x0  }
0x15: {  	s14 =	simm.s32 $0x40;
	s15 =	simm.s32 $0x0;
	[sflag:s8] =	ssyncadd.s32 $0xFFFFD800  }
.LBB2_4:
0x16: {  	p0 =	sne.s32 s14, $0x1F00;
	[tilespmem:s15+$0x2800] =	vst v1;
	s15 =	smov.u32 s14;
	s14 =	sadd.s32 $0x40, s14  }
.Ltmp1:
0x17: {  	(pc) =	sbr.rel @p0 .LBB2_4-.Ltmp1, $2  }
0x18: {  	_ =	sdelay $0x2  }
0x19: {  	s15 =	sshra.s32 s15, $0x2  }
0x1a: {  	[tilespmem:s15+$0x2800] =	vst v1;
	s14 =	simm.s32 $0x0  }
0x1b: {  	[tilespmem:s14], [sflag:$0x1] =	stream.linear.gather [hbm4b:s5+s14], $0x2800, $0x38;
	[tilespmem:$0x7FD0] =	vst v63  }
0x1c: {  	_ =	swait.ge [sflag:s8], $0x2800  }
0x1d: {  	[sflag:s8] =	ssyncset.done $0x0  }
0x1e: {  	[sflag:s8] =	ssyncadd.s32 $0xFFFFD800  }
0x1f: {  	s31 =	simm.s32 $0x0;
	[bflag:$0x0] =	sbarrier.arrive $0xFFFF  }
0x20: {  	[spmem:s2] =	stream.indirect.scatter.add.f32 [tilespmem:s10], [sflag:$0x1], $0x10, s31, s9, $0xb8;
	[tilespmem:$0x7FD0] =	vst v63  }
0x21: {  	_ =	swait.ge [sflag:s8], $0x7D0  }
0x22: {  	s14 =	simm.s32 $0x200;
	[sflag:s8] =	ssyncset.done $0x0  }
.LBB2_6:
0x23: {  	s15 =	sshra.s32 s14, $0x2;
	[sflag:s8] =	ssyncadd.s32 $0xFFFFF830;
	p0 =	sne.s32 s14, $0x9E00  }
0x24: {  	[spmem:s2] =	stream.indirect.scatter.add.f32 [tilespmem:s10], [sflag:$0x1], $0x10, s15, s9, $0xb8;
	[tilespmem:$0x7FD0] =	vst v63  }
.Ltmp2:
0x25: {  	_ = 	snop;
	(pc) =	sbr.rel @p0 .LBB2_6-.Ltmp2, $4  }
0x26: {  	_ = 	snop  }
0x27: {  	s14 =	sadd.s32 $0x200, s14  }
0x28: {  	_ =	swait.ge [sflag:s8], $0x7D0  }
0x29: {  	[sflag:s8] =	ssyncset.done $0x0  }
0x2a: {  	s3 =	sadd.s32 $0x1, s3  }
0x2b: {  	[sflag:s8] =	ssyncadd.s32 $0xFFFFF830;
	p0 =	sne.s32 s3, s6  }
.Ltmp3:
0x2c: {  	[bflag:$0x0] =	sbarrier.arrive $0xFFFF;
	(pc) =	sbr.rel @p0 .LBB2_1-.Ltmp3, $4  }
0x2d: {  	[hbm:s11], [sflag:s12] =	dma.local [spmem:s13], $0x500  }
0x2e: {  	_ =	swait.ge [sflag:s8], $0x500  }
0x2f: {  	[sflag:s8] =	ssyncset.done $0x0  }
0x30: {  	[sflag:s8] =	ssyncadd.s32 $0xFFFFFB00  }
0x31: {  	_ =	sfence.sel $0x180000  }
0x32: {  	[bflag:$0x0] =	sbarrier.arrive $0xFFFF  }
0x33: {  	p0 =	sne.s32 s0, $0x0;
	_ =	strace $0x9000004A  }
0x34: {  	s0 =	sadd.s32 @!p0 $0x100000, s1;
	[bflag:$0x2] =	sbarrier.arrive $0xFFFF  }
0x35: {  	[sflag:s0] =	ssyncadd.tile.s32 @!p0 $0x1;
	_ =	shalt  }
.Lfunc_end2:
_tile_overlayer_lowered:
.L_overlay_start_2:
0x36: {  	(tag) =	ssettag $0x2  }
0x37: {  	s0 =	rddreg [dreg:$0x0];
	s2 =	stileid.u32  }
0x38: {  	s1 =	rddreg [dreg:$0x1];
	p0 =	sne.s32 s2, $0x0  }
0x39: {  	s3 =	rddreg [dreg:$0x2];
	[bflag:$0x3] =	sbarrier.arrive $0xFFFF;
	s2 =	simm.s32 @!p0 $0x1C01  }
0x3a: {  	[timem:s3], [sflag:s2] =	dma.local @!p0 [hbm:s0], s1  }
0x3b: {  	s0 =	simm.s32 @!p0 $0x1  }
0x3c: {  	_ =	swait.ge @!p0 [sflag:s0], s1  }
0x3d: {  	s1 =	ssub.s32 @!p0 $0x0, s1;
	[sflag:s0] =	ssyncset.done @!p0 $0x0  }
0x3e: {  	[sflag:s0] =	ssyncadd.s32 @!p0 s1  }
0x3f: {  	[bflag:$0x3] =	sbarrier.arrive $0xFFFF  }
0x40: {  	_ =	shalt  }

// kernel: kernel.14.cloned.1.call-start
scs
__scs_entry_jumppad:
0x0: {  	(pc) =	sbr.rel $0x88, $3  }
0x1: {  	(tag) =	ssettag $0x0;
	lr =	simm.s32 $0x1  }
0x2: {  	[smem:$0x3F92] =	sst lr;
	_ =	strace $0xD0000000  }
0x3: {  	_ = 	snop  }
0x4: {  	_ = 	snop  }
0x5: {  	_ = 	snop  }
0x6: {  	_ = 	snop  }
0x7: {  	_ = 	snop  }
__scs_overlays_trampoline_lowered:
0x8: {  	[smem:$0x3FA1] =	sst s0  }
0x9: {  	[smem:$0x3FA2] =	sst s1  }
0xa: {  	[smem:$0x3FA3] =	sst s2  }
0xb: {  	[smem:$0x3FA4] =	sst s3  }
0xc: {  	[smem:$0x3FA5] =	sst s4  }
0xd: {  	[smem:$0x3FA6] =	sst s5  }
0xe: {  	[smem:$0x3FA7] =	sst s6  }
0xf: {  	[smem:$0x3FA8] =	sst s7  }
0x10: {  	[smem:$0x3FA9] =	sst s8  }
0x11: {  	[smem:$0x3FAA] =	sst s9;
	s0 =	simm.s32 @!p0 $0x0  }
0x12: {  	s1 =	sld [smem:$0x3F90];
	s0 =	simm.s32 @p0 $0x1  }
0x13: {  	[smem:$0x3FAB] =	sst s0;
	s0 =	simm.s32 @!p1 $0x0  }
0x14: {  	s2 =	sld [smem:$0x3F8F];
	s0 =	simm.s32 @p1 $0x1  }
0x15: {  	[smem:$0x3FAC] =	sst s0;
	s0 =	simm.s32 @!p2 $0x0  }
0x16: {  	s3 =	sld [smem:$0x3FDB];
	s0 =	simm.s32 @p2 $0x1  }
0x17: {  	s4 =	simm.s32 $0x1BF5;
	[smem:$0x3FAE] =	sst s0  }
0x18: {  	s0 =	sld [smem:$0x3F91];
	_ =	swait.ge [sflag:s4], $0x0  }
0x19: {  	s7 =	sld [smem:$0x3F92]  }
0x1a: {  	s8 =	sadd.s32 $0xFFFFE003, lr  }
0x1b: {  	s9 =	sadd.s32 $0xFFFFFEF7, lr;
	s5 =	simm.s32 $0xFFFFFFFF;
	p2 =	slt.u32 s8, $0xFFFFF086  }
0x1c: {  	p1 =	slt.u32 s9, $0xF7A;
	s5 =	simm.s32 @!p2 $0x0  }
0x1d: {  	s5 =	simm.s32 @p1 $0x1;
	p0 =	seq.s32 s7, s2  }
0x1e: {  	s7 =	smul.u32 @!p0 $0xF7A, s2;
	p2 =	seq.s32 @!p0 s5, $0x0  }
0x1f: {  	s9 =	smul.u32 $0xF7A, s1;
	s8 =	simm.s32 @!p0 $0x1BF5;
	p2 =	por !p2, p0  }
0x20: {  	[sflag:s8] =	ssyncset.s32 @!p0 $0xFFFFF086;
	s6 =	sadd.s32 @!p0 s3, s7;
	s7 =	simm.s32 @!p0 $0x108  }
0x21: {  	s3 =	sadd.s32 s3, s9;
	s6 =	sadd.s32 @!p0 $0x88, s6;
	s7 =	simm.s32 @p2 $0x1082  }
0x22: {  	[simem:s7], [sflag:s8] =	dma.local @!p0 [hbm:s6], $0xF7A  }
0x23: {  	s9 =	sor.u32 $0xD0000000, s2;
	s6 =	simm.s32 $0x108;
	_ =	swait.ge @!p0 [sflag:s8], $0x0  }
0x24: {  	s3 =	sadd.s32 $0x88, s3;
	s6 =	simm.s32 @!p1 $0x1082;
	[sflag:s4] =	ssyncset.s32 $0xFFFFF086  }
0x25: {  	[simem:s6], [sflag:s4] =	dma.local [hbm:s3], $0xF7A  }
0x26: {  	[smem:$0x3F92] =	sst s1;
	(tag) =	ssettag s2;
	_ =	strace s9  }
0x27: {  	s1 =	sld [smem:$0x3FA2]  }
0x28: {  	s2 =	sld [smem:$0x3FA3]  }
0x29: {  	s4 =	sld [smem:$0x3FA5]  }
0x2a: {  	p0 =	seq.s32 s5, $0x0;
	s5 =	sld [smem:$0x3FA6]  }
0x2b: {  	s6 =	sld [smem:$0x3FA7]  }
0x2c: {  	s7 =	sld [smem:$0x3FA8]  }
0x2d: {  	s3 =	simm.s32 $0x108;
	s8 =	sld [smem:$0x3FA9]  }
0x2e: {  	s3 =	simm.s32 @!p0 $0x1082;
	s9 =	sld [smem:$0x3FAA]  }
0x2f: {  	lr =	sadd.s32 s0, s3;
	s0 =	sld [smem:$0x3FA1]  }
0x30: {  	s3 =	sld [smem:$0x3FA4]  }
0x31: {  	[smem:$0x3FAD] =	sst s10  }
0x32: {  	s10 =	sld [smem:$0x3FAB];
	_ =	sdelay $0x3  }
0x33: {  	p0 =	seq.s32 s10, $0x1;
	s10 =	sld [smem:$0x3FAD];
	_ =	sdelay $0x3  }
0x34: {  	[smem:$0x3FAD] =	sst s10  }
0x35: {  	s10 =	sld [smem:$0x3FAC];
	_ =	sdelay $0x3  }
0x36: {  	p1 =	seq.s32 s10, $0x1;
	s10 =	sld [smem:$0x3FAD];
	_ =	sdelay $0x3  }
0x37: {  	[smem:$0x3FAD] =	sst s10  }
0x38: {  	s10 =	sld [smem:$0x3FAE]  }
0x39: {  	_ = 	snop;
	(pc) =	sbr.ind lr, $3  }
0x3a: {  	_ = 	snop  }
0x3b: {  	_ = 	snop  }
0x3c: {  	p2 =	seq.s32 s10, $0x1;
	s10 =	sld [smem:$0x3FAD]  }
0x3d: {  	_ =	shalt  }
0x3e: {  	_ =	shalt  }
0x3f: {  	_ =	shalt  }
0x40: {  	_ =	shalt  }
0x41: {  	_ =	shalt  }
0x42: {  	_ =	shalt  }
0x43: {  	_ =	shalt  }
0x44: {  	_ =	shalt  }
0x45: {  	_ =	shalt  }
0x46: {  	_ =	shalt  }
0x47: {  	_ =	shalt  }
0x48: {  	_ =	shalt  }
0x49: {  	_ =	shalt  }
0x4a: {  	_ =	shalt  }
0x4b: {  	_ =	shalt  }
0x4c: {  	_ =	shalt  }
0x4d: {  	_ =	shalt  }
0x4e: {  	_ =	shalt  }
0x4f: {  	_ =	shalt  }
0x50: {  	_ =	shalt  }
0x51: {  	_ =	shalt  }
0x52: {  	_ =	shalt  }
0x53: {  	_ =	shalt  }
0x54: {  	_ =	shalt  }
0x55: {  	_ =	shalt  }
0x56: {  	_ =	shalt  }
0x57: {  	_ =	shalt  }
0x58: {  	_ =	shalt  }
0x59: {  	_ =	shalt  }
0x5a: {  	_ =	shalt  }
0x5b: {  	_ =	shalt  }
0x5c: {  	_ =	shalt  }
0x5d: {  	_ =	shalt  }
0x5e: {  	_ =	shalt  }
0x5f: {  	_ =	shalt  }
0x60: {  	_ =	shalt  }
0x61: {  	_ =	shalt  }
0x62: {  	_ =	shalt  }
0x63: {  	_ =	shalt  }
0x64: {  	_ =	shalt  }
0x65: {  	_ =	shalt  }
0x66: {  	_ =	shalt  }
0x67: {  	_ =	shalt  }
0x68: {  	_ =	shalt  }
0x69: {  	_ =	shalt  }
0x6a: {  	_ =	shalt  }
0x6b: {  	_ =	shalt  }
0x6c: {  	_ =	shalt  }
0x6d: {  	_ =	shalt  }
0x6e: {  	_ =	shalt  }
0x6f: {  	_ =	shalt  }
0x70: {  	_ =	shalt  }
0x71: {  	_ =	shalt  }
0x72: {  	_ =	shalt  }
0x73: {  	_ =	shalt  }
0x74: {  	_ =	shalt  }
0x75: {  	_ =	shalt  }
0x76: {  	_ =	shalt  }
0x77: {  	_ =	shalt  }
0x78: {  	_ =	shalt  }
0x79: {  	_ =	shalt  }
0x7a: {  	_ =	shalt  }
0x7b: {  	_ =	shalt  }
0x7c: {  	_ =	shalt  }
0x7d: {  	_ =	shalt  }
0x7e: {  	_ =	shalt  }
0x7f: {  	_ =	shalt  }
0x80: {  	_ =	shalt  }
0x81: {  	_ =	shalt  }
0x82: {  	_ =	shalt  }
0x83: {  	_ =	shalt  }
0x84: {  	_ =	shalt  }
0x85: {  	_ =	shalt  }
0x86: {  	_ =	shalt  }
0x87: {  	_ =	shalt  }
.Lfunc_end0:
.L_simem_size_0:
called_computation.1_lowered:
.L_overlay_start_0:
0x88: {  	s2 =	sld [smem:$0x3FD9]  }
0x89: {  	s3 =	sld [smem:$0x3FFE];
	_ =	sdelay $0x1  }
0x8a: {  	s1 =	srdreg.scid  }
0x8b: {  	s0 =	sand.u32 $0x1, s1  }
0x8c: {  	s16 =	sshll.u32 s0, $0xA;
	s2 =	sadd.s32 s3, s2  }
0x8d: {  	s2 =	sadd.s32 s2, s16  }
0x8e: {  	[smem:$0x3FB9] =	sst s2  }
0x8f: {  	_ = 	snop  }
0x90: {  	(tm) =	ssettm $0x1  }
0x91: {  	s17 =	sld [smem:$0x3FFB];
	_ =	sdelay $0x3  }
0x92: {  	_ =	strace s17  }
0x93: {  	s2 =	sld [smem:$0x3FFC];
	_ =	sdelay $0x3  }
0x94: {  	_ =	strace s2  }
0x95: {  	s2 =	sld [smem:$0x3FFD];
	_ =	sdelay $0x3  }
0x96: {  	_ =	strace s2  }
0x97: {  	_ =	strace $0x8FFFFFFF  }
0x98: {  	s18 =	sld [smem:$0x3FDB];
	_ =	sdelay $0x1  }
0x99: {  	s19 =	simm.s32 $_scs_section_size  }
0x9a: {  	s4 =	simm.s32 $_size__tile_overlayer_lowered;
	s5 =	simm.s32 $_tile_overlayer_lowered  }
0x9b: {  	s22 =	simm.s32 $0x1BFF;
	s21 =	sshll.u32 s5, $0x1;
	s2 =	sadd.s32 s19, s18  }
0x9c: {  	s6 =	simm.s32 $0x0;
	s20 =	sshll.u32 s4, $0x1;
	s4 =	sadd.s32 s21, s2  }
0x9d: {  	[timem:s6], [sflag:s22] =	dma.local [hbm:s4], s20  }
0x9e: {  	_ =	swait.ge [sflag:s22], s20  }
0x9f: {  	s3 =	ssub.s32 $0x0, s20;
	[sflag:s22] =	ssyncset.done $0x0  }
0xa0: {  	[sflag:s22] =	ssyncadd.s32 s3;
	_ =	sdelay $0x1  }
0xa1: {  	s23 =	simm.s32 $0x1B8B  }
0xa2: {  	_ =	swait.ge [sflag:s23], $0x1  }
0xa3: {  	[sflag:s23] =	ssyncset.done $0x0  }
0xa4: {  	s25 =	simm.s32 $0x1B8E;
	s24 =	sld [smem:$0x3FFE];
	[sflag:s23] =	ssyncadd.s32 $0xFFFFFFFF  }
0xa5: {  	s26 =	simm.s32 $execute0_lowered;
	[smem:$0x3FD2] =	sst s25  }
0xa6: {  	s4 =	sshll.u32 s26, $0x1;
	_ =	strace $0x80000046;
	[dreg:$0x1] =	wrdreg $0xFFFFFFFF  }
0xa7: {  	s28 =	simm.s32 $_size_execute0_lowered;
	s2 =	sadd.s32 s2, s4;
	[dreg:$0x0] =	wrdreg $0x0  }
0xa8: {  	s4 =	sshll.u32 s28, $0x1;
	[dreg:$0x2] =	wrdreg s2  }
0xa9: {  	[dreg:$0x3] =	wrdreg s4  }
0xaa: {  	[dreg:$0x4] =	wrdreg $0xC0  }
0xab: {  	_ =	task [dreg:s6], $0x5FFFF  }
0xac: {  	[dreg:$0x1] =	wrdreg $0xFFFFFFFF  }
0xad: {  	[dreg:$0x0] =	wrdreg $0x60  }
0xae: {  	[dreg:$0x2] =	wrdreg s24  }
0xaf: {  	[dreg:$0x3] =	wrdreg $0x13C400  }
0xb0: {  	[dreg:$0x4] =	wrdreg $0xA  }
0xb1: {  	_ =	task.clear_ibuf [dreg:s6], $0x5FFFF;
	_ =	strace $0x90000046  }
0xb2: {  	s29 =	simm.s32 $0xA;
	_ =	strace $0x80000048  }
0xb3: {  	_ =	swait.ge [sflag:s29], $0x1  }
0xb4: {  	[sflag:s29] =	ssyncadd.s32 $0xFFFFFFFF  }
0xb5: {  	_ =	strace $0x90000048  }
0xb6: {  	_ =	sfence  }
0xb7: {  	s30 =	sld [smem:$0x0];
	_ =	sdelay $0x2  }
0xb8: {  	s31 =	sshll.u32 s1, $0xD;
	s1 =	sshrl.u32 s1, $0x2  }
0xb9: {  	s3 =	sand.u32 $0x4000, s31;
	s1 =	sadd.s32 s1, s30  }
0xba: {  	s0 =	sor.u32 s3, s0;
	s1 =	sshll.u32 s1, $0x11  }
0xbb: {  	s0 =	sor.u32 s1, s0  }
0xbc: {  	s0 =	sadd.s32 $0x8F2B, s0  }
0xbd: {  	[sflag:s0] =	ssyncadd.remote.s32 $0x1  }
0xbe: {  	_ =	sfence.sel $0xFFFF  }
0xbf: {  	[dreg:$0x0] =	wrdreg $0xFFFFFFFF;
	(pc) =	sbr.abs _section_cstart, $3  }
0xc0: {  	[dreg:$0x1] =	wrdreg $0xFFFFFFFF  }
0xc1: {  	_ =	task.clear_ibuf [dreg:s6], $0x2FFFF;
	_ =	strace $0x9FFFFFFF  }
0xc2: {  	(tm) =	ssettm $0x7FFFFFFF  }
0xc3: {  	_ =	shalt  }
tec
execute0_lowered:
.L_overlay_start_1:
0x0: {  	(tag) =	ssettag $0x1  }
0x1: {  	s0 =	rddreg [dreg:$0x0]  }
0x2: {  	s2 =	rddreg [dreg:$0x1];
	s7 =	stileid.u32  }
0x3: {  	s3 =	simm.s32 $0x0;
	s4 =	srdreg.scid;
	s14 =	simm.s32 $0xB  }
0x4: {  	s16 =	simm.s32 $0x7D;
	s18 =	simm.s32 $0xBF40;
	s20 =	simm.s32 $0xDE80  }
0x5: {  	s22 =	simm.s32 $0xFDC0;
	s28 =	simm.s32 $0x2;
	s29 =	simm.s32 $0x3  }
0x6: {  	s30 =	simm.s32 $0x4;
	s31 =	simm.s32 $0x5;
	s15 =	simm.s32 $0x7  }
0x7: {  	s17 =	simm.s32 $0x8;
	s19 =	simm.s32 $0x9;
	s1 =	smul.u32 $0xA00, s7  }
0x8: {  	s21 =	simm.s32 $0xA;
	[smem:$0x7FF] =	sst s3;
	s5 =	smul.u32 $0x28000, s7  }
0x9: {  	s4 =	sand.u32 $0x1, s4;
	s12 =	smul.u32 $0xA000, s7;
	_ =	strace $0x80000047  }
0xa: {  	s6 =	smul.u32 $0x14000, s4;
	s4 =	ssub.s32 $0x2, s4;
	s1 =	sadd.s32 s1, s0  }
0xb: {  	s5 =	sshrl.u32 s5, $0x2;
	s23 =	sshrl.u32 s4, $0x1;
	s26 =	sshrl.u32 s12, $0x3  }
0xc: {  	s0 =	sadd.s32 s6, s0;
	s5 =	sadd.s32 s5, s2;
	s13 =	ssub.s32 s4, s23  }
0xd: {  	s4 =	sadd.s32 s12, s2;
	s9 =	sadd.s32 $0xD200, s1;
	s10 =	sadd.s32 $0x3200, s1  }
0xe: {  	s23 =	simm.s32 $0x4F80;
	s24 =	sadd.s32 $0x2000, s5;
	s25 =	sadd.s32 $0x4000, s5  }
0xf: {  	s7 =	sadd.s32 $0x6000, s5;
	s8 =	sadd.s32 $0x8000, s5;
	s11 =	sadd.s32 $0x17200, s0  }
0x10: {  	s0 =	sadd.s32 $0x3F200, s0;
	s12 =	smax.u32 s13, $0x1;
	[dreg:$0x3] =	wrdreg s24  }
0x11: {  	s13 =	simm.s32 $0xA000;
	[dreg:$0x4] =	wrdreg s25;
	s24 =	sadd.s32 s26, s0  }
0x12: {  	v0 =	vimm.f32 $0.0e+00;
	s25 =	simm.s32 $0x11D00;
	s26 =	simm.s32 $0x1;
	s0 =	simm.s32 $0x6  }
.LBB2_1:
0x13: {  	s5 =	simm.s32 $0x100;
	s1 =	simm.s32 $0x0  }
.LBB2_2:
0x14: {  	p0 =	sne.s32 s5, $0x7F00;
	[tilespmem:s1+$0xA030] =	vst v0;
	s6 =	smov.u32 s5;
	s5 =	sadd.s32 $0x100, s5  }
.Ltmp0:
0x15: {  	[tilespmem:s1+$0xA020] =	vst v0;
	(pc) =	sbr.rel @p0 .LBB2_2-.Ltmp0, $3  }
0x16: {  	[tilespmem:s1+$0xA000] =	vst v0  }
0x17: {  	[tilespmem:s1+$0xA010] =	vst v0;
	_ =	sdelay $0x1  }
0x18: {  	s1 =	sshra.s32 s6, $0x2  }
0x19: {  	[tilespmem:s1+$0xA030] =	vst v0  }
0x1a: {  	[tilespmem:s1+$0xA020] =	vst v0  }
0x1b: {  	[tilespmem:s1+$0xA000] =	vst v0  }
0x1c: {  	[tilespmem:s1+$0xA010] =	vst v0  }
0x1d: {  	[spmem:s4] =	stream.linear.scatter [tilespmem:s13], [sflag:$0xB], $0x2000, $0x38;
	[tilespmem:$0x1DC40] =	vst v63  }
0x1e: {  	_ =	swait.ge [sflag:s14], $0x2000  }
0x1f: {  	[sflag:s14] =	ssyncset.done $0x0  }
0x20: {  	s6 =	rddreg [dreg:$0x3];
	[sflag:s14] =	ssyncadd.s32 $0xFFFFE000  }
0x21: {  	[spmem:s6] =	stream.linear.scatter [tilespmem:s13], [sflag:$0xB], $0x2000, $0x38;
	[tilespmem:$0x1DC40] =	vst v63  }
0x22: {  	_ =	swait.ge [sflag:s14], $0x2000  }
0x23: {  	[sflag:s14] =	ssyncset.done $0x0  }
0x24: {  	s5 =	rddreg [dreg:$0x4];
	[sflag:s14] =	ssyncadd.s32 $0xFFFFE000  }
0x25: {  	[spmem:s5] =	stream.linear.scatter [tilespmem:s13], [sflag:$0xB], $0x2000, $0x38;
	[tilespmem:$0x1DC40] =	vst v63  }
0x26: {  	_ =	swait.ge [sflag:s14], $0x2000  }
0x27: {  	[sflag:s14] =	ssyncset.done $0x0  }
0x28: {  	[sflag:s14] =	ssyncadd.s32 $0xFFFFE000  }
0x29: {  	[spmem:s7] =	stream.linear.scatter [tilespmem:s13], [sflag:$0xB], $0x2000, $0x38;
	[tilespmem:$0x1DC40] =	vst v63  }
0x2a: {  	_ =	swait.ge [sflag:s14], $0x2000  }
0x2b: {  	[sflag:s14] =	ssyncset.done $0x0  }
0x2c: {  	[sflag:s14] =	ssyncadd.s32 $0xFFFFE000  }
0x2d: {  	[spmem:s8] =	stream.linear.scatter [tilespmem:s13], [sflag:$0xB], $0x2000, $0x38;
	[tilespmem:$0x1DC40] =	vst v63  }
0x2e: {  	_ =	swait.ge [sflag:s14], $0x2000  }
0x2f: {  	[sflag:s14] =	ssyncset.done $0x0  }
0x30: {  	[sflag:s14] =	ssyncadd.s32 $0xFFFFE000  }
0x31: {  	s6 =	simm.s32 $0x0;
	[bflag:$0x0] =	sbarrier.arrive $0xFFFF  }
0x32: {  	[tilespmem:s6], [sflag:$0xB] =	stream.linear.gather [hbm4b:s9+s6], $0x5000, $0x38;
	[tilespmem:$0x1DC40] =	vst v63  }
0x33: {  	_ =	swait.ge [sflag:s14], $0x5000  }
0x34: {  	[sflag:s14] =	ssyncset.done $0x0  }
0x35: {  	s5 =	simm.s32 $0x5000;
	[sflag:s14] =	ssyncadd.s32 $0xFFFFB000  }
0x36: {  	[tilespmem:s5], [sflag:$0xB] =	stream.linear.gather [hbm4b:s10+s6], $0x5000, $0x38;
	[tilespmem:$0x1DC40] =	vst v63  }
0x37: {  	_ =	swait.ge [sflag:s14], $0x5000  }
0x38: {  	[sflag:s14] =	ssyncset.done $0x0  }
0x39: {  	[sflag:s14] =	ssyncadd.s32 $0xFFFFB000  }
0x3a: {  	[tilespmem:s13], [sflag:$0x1] =	stream.indirect.gather [hbm4b:s11+s16], $0x40, s6, s16, $0xb8;
	[tilespmem:$0x1DC40] =	vst v63  }
0x3b: {  	s6 =	simm.s32 $0x80  }
0x3c: {  	[tilespmem:s18], [sflag:$0x2] =	stream.indirect.gather [hbm4b:s11+s16], $0x40, s6, s16, $0xb8;
	[tilespmem:$0x1DC40] =	vst v63  }
0x3d: {  	s5 =	simm.s32 $0x100  }
0x3e: {  	[tilespmem:s20], [sflag:$0x3] =	stream.indirect.gather [hbm4b:s11+s16], $0x40, s5, s16, $0xb8;
	[tilespmem:$0x1DC40] =	vst v63  }
0x3f: {  	s6 =	simm.s32 $0x180  }
0x40: {  	[tilespmem:s22], [sflag:$0x4] =	stream.indirect.gather [hbm4b:s11+s16], $0x40, s6, s16, $0xb8;
	[tilespmem:$0x1DC40] =	vst v63  }
0x41: {  	s5 =	simm.s32 $0x200  }
0x42: {  	[tilespmem:s25], [sflag:$0x5] =	stream.indirect.gather [hbm4b:s11+s16], $0x40, s5, s16, $0xb8;
	[tilespmem:$0x1DC40] =	vst v63  }
0x43: {  	_ =	swait.ge [sflag:s26], $0x1F40  }
0x44: {  	[sflag:s26] =	ssyncset.done $0x0  }
0x45: {  	s6 =	simm.s32 $0x5000;
	[sflag:s26] =	ssyncadd.s32 $0xFFFFE0C0  }
0x46: {  	[spmem:s2] =	stream.indirect.scatter.add.f32 [tilespmem:s13], [sflag:$0x6], $0x40, s6, s16, $0xb8;
	[tilespmem:$0x1DC40] =	vst v63  }
0x47: {  	_ =	swait.ge [sflag:s28], $0x1F40  }
0x48: {  	[sflag:s28] =	ssyncset.done $0x0  }
0x49: {  	s5 =	simm.s32 $0x5080;
	[sflag:s28] =	ssyncadd.s32 $0xFFFFE0C0  }
0x4a: {  	[spmem:s2] =	stream.indirect.scatter.add.f32 [tilespmem:s18], [sflag:$0x7], $0x40, s5, s16, $0xb8;
	[tilespmem:$0x1DC40] =	vst v63  }
0x4b: {  	_ =	swait.ge [sflag:s29], $0x1F40  }
0x4c: {  	[sflag:s29] =	ssyncset.done $0x0  }
0x4d: {  	s6 =	simm.s32 $0x5100;
	[sflag:s29] =	ssyncadd.s32 $0xFFFFE0C0  }
0x4e: {  	[spmem:s2] =	stream.indirect.scatter.add.f32 [tilespmem:s20], [sflag:$0x8], $0x40, s6, s16, $0xb8;
	[tilespmem:$0x1DC40] =	vst v63  }
0x4f: {  	_ =	swait.ge [sflag:s30], $0x1F40  }
0x50: {  	[sflag:s30] =	ssyncset.done $0x0  }
0x51: {  	s5 =	simm.s32 $0x5180;
	[sflag:s30] =	ssyncadd.s32 $0xFFFFE0C0  }
0x52: {  	[spmem:s2] =	stream.indirect.scatter.add.f32 [tilespmem:s22], [sflag:$0x9], $0x40, s5, s16, $0xb8;
	[tilespmem:$0x1DC40] =	vst v63  }
0x53: {  	_ =	swait.ge [sflag:s31], $0x1F40  }
0x54: {  	[sflag:s31] =	ssyncset.done $0x0  }
0x55: {  	s6 =	simm.s32 $0x5200;
	[sflag:s31] =	ssyncadd.s32 $0xFFFFE0C0  }
0x56: {  	[spmem:s2] =	stream.indirect.scatter.add.f32 [tilespmem:s25], [sflag:$0xA], $0x40, s6, s16, $0xb8;
	[tilespmem:$0x1DC40] =	vst v63  }
0x57: {  	_ =	swait.ge [sflag:s0], $0x1F40  }
0x58: {  	[sflag:s0] =	ssyncset.done $0x0  }
0x59: {  	s5 =	simm.s32 $0x280;
	[sflag:s0] =	ssyncadd.s32 $0xFFFFE0C0  }
0x5a: {  	[tilespmem:s13], [sflag:$0x1] =	stream.indirect.gather [hbm4b:s11+s16], $0x40, s5, s16, $0xb8;
	[tilespmem:$0x1DC40] =	vst v63  }
0x5b: {  	_ =	swait.ge [sflag:s15], $0x1F40  }
0x5c: {  	[sflag:s15] =	ssyncset.done $0x0  }
0x5d: {  	s6 =	simm.s32 $0x300;
	[sflag:s15] =	ssyncadd.s32 $0xFFFFE0C0  }
0x5e: {  	[tilespmem:s18], [sflag:$0x2] =	stream.indirect.gather [hbm4b:s11+s16], $0x40, s6, s16, $0xb8;
	[tilespmem:$0x1DC40] =	vst v63  }
0x5f: {  	_ =	swait.ge [sflag:s17], $0x1F40  }
0x60: {  	[sflag:s17] =	ssyncset.done $0x0  }
0x61: {  	s5 =	simm.s32 $0x380;
	[sflag:s17] =	ssyncadd.s32 $0xFFFFE0C0  }
0x62: {  	[tilespmem:s20], [sflag:$0x3] =	stream.indirect.gather [hbm4b:s11+s16], $0x40, s5, s16, $0xb8;
	[tilespmem:$0x1DC40] =	vst v63  }
0x63: {  	_ =	swait.ge [sflag:s19], $0x1F40  }
0x64: {  	[sflag:s19] =	ssyncset.done $0x0  }
0x65: {  	s6 =	simm.s32 $0x400;
	[sflag:s19] =	ssyncadd.s32 $0xFFFFE0C0  }
0x66: {  	[tilespmem:s22], [sflag:$0x4] =	stream.indirect.gather [hbm4b:s11+s16], $0x40, s6, s16, $0xb8;
	[tilespmem:$0x1DC40] =	vst v63  }
0x67: {  	_ =	swait.ge [sflag:s21], $0x1F40  }
0x68: {  	[sflag:s21] =	ssyncset.done $0x0  }
0x69: {  	s1 =	simm.s32 $0xA00;
	s5 =	simm.s32 $0x480;
	[sflag:s21] =	ssyncadd.s32 $0xFFFFE0C0  }
.LBB2_4:
0x6a: {  	[tilespmem:s25], [sflag:$0x5] =	stream.indirect.gather [hbm4b:s11+s16], $0x40, s5, s16, $0xb8;
	[tilespmem:$0x1DC40] =	vst v63  }
0x6b: {  	s5 =	smov.u32 s1;
	s1 =	sadd.s32 $0xA00, s1;
	_ =	swait.ge [sflag:s26], $0x1F40  }
0x6c: {  	s5 =	sshra.s32 s5, $0x2;
	p0 =	sne.s32 s1, $0x12C00;
	[sflag:s26] =	ssyncset.done $0x0  }
0x6d: {  	s6 =	sadd.s32 $0x5000, s5;
	[sflag:s26] =	ssyncadd.s32 $0xFFFFE0C0  }
0x6e: {  	[spmem:s2] =	stream.indirect.scatter.add.f32 [tilespmem:s13], [sflag:$0x6], $0x40, s6, s16, $0xb8;
	[tilespmem:$0x1DC40] =	vst v63  }
0x6f: {  	_ =	swait.ge [sflag:s28], $0x1F40  }
0x70: {  	[sflag:s28] =	ssyncset.done $0x0  }
0x71: {  	s6 =	sadd.s32 $0x5080, s5;
	[sflag:s28] =	ssyncadd.s32 $0xFFFFE0C0  }
0x72: {  	[spmem:s2] =	stream.indirect.scatter.add.f32 [tilespmem:s18], [sflag:$0x7], $0x40, s6, s16, $0xb8;
	[tilespmem:$0x1DC40] =	vst v63  }
0x73: {  	_ =	swait.ge [sflag:s29], $0x1F40  }
0x74: {  	[sflag:s29] =	ssyncset.done $0x0  }
0x75: {  	s6 =	sadd.s32 $0x5100, s5;
	[sflag:s29] =	ssyncadd.s32 $0xFFFFE0C0  }
0x76: {  	[spmem:s2] =	stream.indirect.scatter.add.f32 [tilespmem:s20], [sflag:$0x8], $0x40, s6, s16, $0xb8;
	[tilespmem:$0x1DC40] =	vst v63  }
0x77: {  	_ =	swait.ge [sflag:s30], $0x1F40  }
0x78: {  	[sflag:s30] =	ssyncset.done $0x0  }
0x79: {  	s6 =	sadd.s32 $0x5180, s5;
	[sflag:s30] =	ssyncadd.s32 $0xFFFFE0C0  }
0x7a: {  	[spmem:s2] =	stream.indirect.scatter.add.f32 [tilespmem:s22], [sflag:$0x9], $0x40, s6, s16, $0xb8;
	[tilespmem:$0x1DC40] =	vst v63  }
0x7b: {  	_ =	swait.ge [sflag:s31], $0x1F40  }
0x7c: {  	[sflag:s31] =	ssyncset.done $0x0  }
0x7d: {  	s6 =	sadd.s32 $0x5200, s5;
	[sflag:s31] =	ssyncadd.s32 $0xFFFFE0C0  }
0x7e: {  	[spmem:s2] =	stream.indirect.scatter.add.f32 [tilespmem:s25], [sflag:$0xA], $0x40, s6, s16, $0xb8;
	[tilespmem:$0x1DC40] =	vst v63  }
0x7f: {  	_ =	swait.ge [sflag:s0], $0x1F40  }
0x80: {  	[sflag:s0] =	ssyncset.done $0x0  }
0x81: {  	s6 =	sadd.s32 $0x280, s5;
	[sflag:s0] =	ssyncadd.s32 $0xFFFFE0C0  }
0x82: {  	[tilespmem:s13], [sflag:$0x1] =	stream.indirect.gather [hbm4b:s11+s16], $0x40, s6, s16, $0xb8;
	[tilespmem:$0x1DC40] =	vst v63  }
0x83: {  	_ =	swait.ge [sflag:s15], $0x1F40  }
0x84: {  	[sflag:s15] =	ssyncset.done $0x0  }
0x85: {  	s6 =	sadd.s32 $0x300, s5;
	[sflag:s15] =	ssyncadd.s32 $0xFFFFE0C0  }
0x86: {  	[tilespmem:s18], [sflag:$0x2] =	stream.indirect.gather [hbm4b:s11+s16], $0x40, s6, s16, $0xb8;
	[tilespmem:$0x1DC40] =	vst v63  }
0x87: {  	_ =	swait.ge [sflag:s17], $0x1F40  }
0x88: {  	[sflag:s17] =	ssyncset.done $0x0  }
0x89: {  	s6 =	sadd.s32 $0x380, s5;
	[sflag:s17] =	ssyncadd.s32 $0xFFFFE0C0  }
0x8a: {  	[tilespmem:s20], [sflag:$0x3] =	stream.indirect.gather [hbm4b:s11+s16], $0x40, s6, s16, $0xb8;
	[tilespmem:$0x1DC40] =	vst v63  }
0x8b: {  	_ =	swait.ge [sflag:s19], $0x1F40  }
0x8c: {  	[sflag:s19] =	ssyncset.done $0x0  }
.Ltmp1:
0x8d: {  	s6 =	sadd.s32 $0x400, s5;
	[sflag:s19] =	ssyncadd.s32 $0xFFFFE0C0;
	(pc) =	sbr.rel @p0 .LBB2_4-.Ltmp1, $4  }
0x8e: {  	[tilespmem:s22], [sflag:$0x4] =	stream.indirect.gather [hbm4b:s11+s16], $0x40, s6, s16, $0xb8;
	[tilespmem:$0x1DC40] =	vst v63  }
0x8f: {  	_ =	swait.ge [sflag:s21], $0x1F40  }
0x90: {  	[sflag:s21] =	ssyncset.done $0x0  }
0x91: {  	s5 =	sadd.s32 $0x480, s5;
	[sflag:s21] =	ssyncadd.s32 $0xFFFFE0C0  }
0x92: {  	[tilespmem:s25], [sflag:$0x5] =	stream.indirect.gather [hbm4b:s11+s16], $0x40, s5, s16, $0xb8;
	[tilespmem:$0x1DC40] =	vst v63  }
0x93: {  	_ =	swait.ge [sflag:s26], $0x1F40  }
0x94: {  	s1 =	sshra.s32 s1, $0x2;
	[sflag:s26] =	ssyncset.done $0x0  }
0x95: {  	s6 =	sadd.s32 $0x5000, s1;
	[sflag:s26] =	ssyncadd.s32 $0xFFFFE0C0  }
0x96: {  	[spmem:s2] =	stream.indirect.scatter.add.f32 [tilespmem:s13], [sflag:$0x6], $0x40, s6, s16, $0xb8;
	[tilespmem:$0x1DC40] =	vst v63  }
0x97: {  	_ =	swait.ge [sflag:s28], $0x1F40  }
0x98: {  	[sflag:s28] =	ssyncset.done $0x0  }
0x99: {  	s6 =	sadd.s32 $0x5080, s1;
	[sflag:s28] =	ssyncadd.s32 $0xFFFFE0C0  }
0x9a: {  	[spmem:s2] =	stream.indirect.scatter.add.f32 [tilespmem:s18], [sflag:$0x7], $0x40, s6, s16, $0xb8;
	[tilespmem:$0x1DC40] =	vst v63  }
0x9b: {  	_ =	swait.ge [sflag:s29], $0x1F40  }
0x9c: {  	[sflag:s29] =	ssyncset.done $0x0  }
0x9d: {  	s6 =	sadd.s32 $0x5100, s1;
	[sflag:s29] =	ssyncadd.s32 $0xFFFFE0C0  }
0x9e: {  	[spmem:s2] =	stream.indirect.scatter.add.f32 [tilespmem:s20], [sflag:$0x8], $0x40, s6, s16, $0xb8;
	[tilespmem:$0x1DC40] =	vst v63  }
0x9f: {  	_ =	swait.ge [sflag:s30], $0x1F40  }
0xa0: {  	[sflag:s30] =	ssyncset.done $0x0  }
0xa1: {  	s6 =	sadd.s32 $0x5180, s1;
	[sflag:s30] =	ssyncadd.s32 $0xFFFFE0C0  }
0xa2: {  	[spmem:s2] =	stream.indirect.scatter.add.f32 [tilespmem:s22], [sflag:$0x9], $0x40, s6, s16, $0xb8;
	[tilespmem:$0x1DC40] =	vst v63  }
0xa3: {  	_ =	swait.ge [sflag:s31], $0x1F40  }
0xa4: {  	[sflag:s31] =	ssyncset.done $0x0  }
0xa5: {  	s1 =	sadd.s32 $0x5200, s1;
	[sflag:s31] =	ssyncadd.s32 $0xFFFFE0C0  }
0xa6: {  	[spmem:s2] =	stream.indirect.scatter.add.f32 [tilespmem:s25], [sflag:$0xA], $0x40, s1, s16, $0xb8;
	[tilespmem:$0x1DC40] =	vst v63  }
0xa7: {  	_ =	swait.ge [sflag:s0], $0x1F40  }
0xa8: {  	[sflag:s0] =	ssyncset.done $0x0  }
0xa9: {  	s6 =	simm.s32 $0x4D80;
	[sflag:s0] =	ssyncadd.s32 $0xFFFFE0C0  }
0xaa: {  	[tilespmem:s13], [sflag:$0x1] =	stream.indirect.gather [hbm4b:s11+s16], $0x40, s6, s16, $0xb8;
	[tilespmem:$0x1DC40] =	vst v63  }
0xab: {  	_ =	swait.ge [sflag:s15], $0x1F40  }
0xac: {  	[sflag:s15] =	ssyncset.done $0x0  }
0xad: {  	s5 =	simm.s32 $0x4E00;
	[sflag:s15] =	ssyncadd.s32 $0xFFFFE0C0  }
0xae: {  	[tilespmem:s18], [sflag:$0x2] =	stream.indirect.gather [hbm4b:s11+s16], $0x40, s5, s16, $0xb8;
	[tilespmem:$0x1DC40] =	vst v63  }
0xaf: {  	_ =	swait.ge [sflag:s17], $0x1F40  }
0xb0: {  	[sflag:s17] =	ssyncset.done $0x0  }
0xb1: {  	s6 =	simm.s32 $0x4E80;
	[sflag:s17] =	ssyncadd.s32 $0xFFFFE0C0  }
0xb2: {  	[tilespmem:s20], [sflag:$0x3] =	stream.indirect.gather [hbm4b:s11+s16], $0x40, s6, s16, $0xb8;
	[tilespmem:$0x1DC40] =	vst v63  }
0xb3: {  	_ =	swait.ge [sflag:s19], $0x1F40  }
0xb4: {  	[sflag:s19] =	ssyncset.done $0x0  }
0xb5: {  	s5 =	simm.s32 $0x4F00;
	[sflag:s19] =	ssyncadd.s32 $0xFFFFE0C0  }
0xb6: {  	[tilespmem:s22], [sflag:$0x4] =	stream.indirect.gather [hbm4b:s11+s16], $0x40, s5, s16, $0xb8;
	[tilespmem:$0x1DC40] =	vst v63  }
0xb7: {  	_ =	swait.ge [sflag:s21], $0x1F40  }
0xb8: {  	[sflag:s21] =	ssyncset.done $0x0  }
0xb9: {  	[sflag:s21] =	ssyncadd.s32 $0xFFFFE0C0  }
0xba: {  	[tilespmem:s25], [sflag:$0x5] =	stream.indirect.gather [hbm4b:s11+s16], $0x40, s23, s16, $0xb8;
	[tilespmem:$0x1DC40] =	vst v63  }
0xbb: {  	_ =	swait.ge [sflag:s26], $0x1F40  }
0xbc: {  	[sflag:s26] =	ssyncset.done $0x0  }
0xbd: {  	s6 =	simm.s32 $0x9D80;
	[sflag:s26] =	ssyncadd.s32 $0xFFFFE0C0  }
0xbe: {  	[spmem:s2] =	stream.indirect.scatter.add.f32 [tilespmem:s13], [sflag:$0x6], $0x40, s6, s16, $0xb8;
	[tilespmem:$0x1DC40] =	vst v63  }
0xbf: {  	_ =	swait.ge [sflag:s28], $0x1F40  }
0xc0: {  	[sflag:s28] =	ssyncset.done $0x0  }
0xc1: {  	s5 =	simm.s32 $0x9E00;
	[sflag:s28] =	ssyncadd.s32 $0xFFFFE0C0  }
0xc2: {  	[spmem:s2] =	stream.indirect.scatter.add.f32 [tilespmem:s18], [sflag:$0x7], $0x40, s5, s16, $0xb8;
	[tilespmem:$0x1DC40] =	vst v63  }
0xc3: {  	_ =	swait.ge [sflag:s29], $0x1F40  }
0xc4: {  	[sflag:s29] =	ssyncset.done $0x0  }
0xc5: {  	s6 =	simm.s32 $0x9E80;
	[sflag:s29] =	ssyncadd.s32 $0xFFFFE0C0  }
0xc6: {  	[spmem:s2] =	stream.indirect.scatter.add.f32 [tilespmem:s20], [sflag:$0x8], $0x40, s6, s16, $0xb8;
	[tilespmem:$0x1DC40] =	vst v63  }
0xc7: {  	_ =	swait.ge [sflag:s30], $0x1F40  }
0xc8: {  	[sflag:s30] =	ssyncset.done $0x0  }
0xc9: {  	s5 =	simm.s32 $0x9F00;
	[sflag:s30] =	ssyncadd.s32 $0xFFFFE0C0  }
0xca: {  	[spmem:s2] =	stream.indirect.scatter.add.f32 [tilespmem:s22], [sflag:$0x9], $0x40, s5, s16, $0xb8;
	[tilespmem:$0x1DC40] =	vst v63  }
0xcb: {  	_ =	swait.ge [sflag:s31], $0x1F40  }
0xcc: {  	[sflag:s31] =	ssyncset.done $0x0  }
0xcd: {  	s6 =	simm.s32 $0x9F80;
	[sflag:s31] =	ssyncadd.s32 $0xFFFFE0C0  }
0xce: {  	[spmem:s2] =	stream.indirect.scatter.add.f32 [tilespmem:s25], [sflag:$0xA], $0x40, s6, s16, $0xb8;
	[tilespmem:$0x1DC40] =	vst v63  }
0xcf: {  	_ =	swait.ge [sflag:s0], $0x1F40  }
0xd0: {  	[sflag:s0] =	ssyncset.done $0x0  }
0xd1: {  	[sflag:s0] =	ssyncadd.s32 $0xFFFFE0C0  }
0xd2: {  	[tilespmem:s13], [sflag:$0x1] =	stream.indirect.gather [hbm4b:s11+s16], $0x40, s23, s16, $0xb8;
	[tilespmem:$0x1DC40] =	vst v63  }
0xd3: {  	_ =	swait.ge [sflag:s15], $0x1F40  }
0xd4: {  	[sflag:s15] =	ssyncset.done $0x0  }
0xd5: {  	[sflag:s15] =	ssyncadd.s32 $0xFFFFE0C0  }
0xd6: {  	[tilespmem:s18], [sflag:$0x2] =	stream.indirect.gather [hbm4b:s11+s16], $0x40, s23, s16, $0xb8;
	[tilespmem:$0x1DC40] =	vst v63  }
0xd7: {  	_ =	swait.ge [sflag:s17], $0x1F40  }
0xd8: {  	[sflag:s17] =	ssyncset.done $0x0  }
0xd9: {  	[sflag:s17] =	ssyncadd.s32 $0xFFFFE0C0  }
0xda: {  	[tilespmem:s20], [sflag:$0x3] =	stream.indirect.gather [hbm4b:s11+s16], $0x40, s23, s16, $0xb8;
	[tilespmem:$0x1DC40] =	vst v63  }
0xdb: {  	_ =	swait.ge [sflag:s19], $0x1F40  }
0xdc: {  	[sflag:s19] =	ssyncset.done $0x0  }
0xdd: {  	[sflag:s19] =	ssyncadd.s32 $0xFFFFE0C0  }
0xde: {  	[tilespmem:s22], [sflag:$0x4] =	stream.indirect.gather [hbm4b:s11+s16], $0x40, s23, s16, $0xb8;
	[tilespmem:$0x1DC40] =	vst v63  }
0xdf: {  	_ =	swait.ge [sflag:s21], $0x1F40  }
0xe0: {  	[sflag:s21] =	ssyncset.done $0x0  }
0xe1: {  	[sflag:s21] =	ssyncadd.s32 $0xFFFFE0C0  }
0xe2: {  	[tilespmem:s25], [sflag:$0x5] =	stream.indirect.gather [hbm4b:s11+s16], $0x40, s23, s16, $0xb8;
	[tilespmem:$0x1DC40] =	vst v63  }
0xe3: {  	_ =	swait.ge [sflag:s26], $0x1F40  }
0xe4: {  	[sflag:s26] =	ssyncset.done $0x0  }
0xe5: {  	[sflag:s26] =	ssyncadd.s32 $0xFFFFE0C0  }
0xe6: {  	_ =	swait.ge [sflag:s28], $0x1F40  }
0xe7: {  	[sflag:s28] =	ssyncset.done $0x0  }
0xe8: {  	[sflag:s28] =	ssyncadd.s32 $0xFFFFE0C0  }
0xe9: {  	_ =	swait.ge [sflag:s29], $0x1F40  }
0xea: {  	[sflag:s29] =	ssyncset.done $0x0  }
0xeb: {  	[sflag:s29] =	ssyncadd.s32 $0xFFFFE0C0  }
0xec: {  	_ =	swait.ge [sflag:s30], $0x1F40  }
0xed: {  	[sflag:s30] =	ssyncset.done $0x0  }
0xee: {  	[sflag:s30] =	ssyncadd.s32 $0xFFFFE0C0  }
0xef: {  	s5 =	stileid.u32;
	_ =	swait.ge [sflag:s31], $0x1F40  }
0xf0: {  	s3 =	sadd.s32 $0x1, s3;
	s1 =	sshll.u32 s5, $0x6;
	[sflag:s31] =	ssyncset.done $0x0  }
0xf1: {  	p0 =	sne.s32 s3, s12;
	s1 =	sor.u32 $0x1C0B, s1;
	[sflag:s31] =	ssyncadd.s32 $0xFFFFE0C0  }
.Ltmp2:
0xf2: {  	s6 =	sshrl.u32 s4, $0x3;
	[bflag:$0x0] =	sbarrier.arrive $0xFFFF;
	(pc) =	sbr.rel @p0 .LBB2_1-.Ltmp2, $4  }
0xf3: {  	[hbm:s24], [sflag:s1] =	dma.local [spmem:s6], $0x1400  }
0xf4: {  	_ =	swait.ge [sflag:s14], $0x1400  }
0xf5: {  	[sflag:s14] =	ssyncset.done $0x0  }
0xf6: {  	[sflag:s14] =	ssyncadd.s32 $0xFFFFEC00  }
0xf7: {  	_ =	sfence.sel $0x180000  }
0xf8: {  	[bflag:$0x0] =	sbarrier.arrive $0xFFFF  }
0xf9: {  	_ =	strace $0x90000047  }
0xfa: {  	s0 =	stileid.u32;
	[bflag:$0x2] =	sbarrier.arrive $0xFFFF  }
0xfb: {  	p0 =	sne.s32 s0, $0x0;
	s0 =	rddreg [dreg:$0x2]  }
0xfc: {  	s0 =	sadd.s32 @!p0 $0x100000, s0  }
0xfd: {  	[sflag:s0] =	ssyncadd.tile.s32 @!p0 $0x1;
	_ =	shalt  }
.Lfunc_end2:
_tile_overlayer_lowered:
.L_overlay_start_2:
0xfe: {  	(tag) =	ssettag $0x2  }
0xff: {  	s0 =	rddreg [dreg:$0x0];
	s2 =	stileid.u32  }
0x100: {  	s1 =	rddreg [dreg:$0x1];
	p0 =	sne.s32 s2, $0x0  }
0x101: {  	s3 =	rddreg [dreg:$0x2];
	[bflag:$0x3] =	sbarrier.arrive $0xFFFF;
	s2 =	simm.s32 @!p0 $0x1C0B  }
0x102: {  	[timem:s3], [sflag:s2] =	dma.local @!p0 [hbm:s0], s1  }
0x103: {  	s0 =	simm.s32 @!p0 $0xB  }
0x104: {  	_ =	swait.ge @!p0 [sflag:s0], s1  }
0x105: {  	s1 =	ssub.s32 @!p0 $0x0, s1;
	[sflag:s0] =	ssyncset.done @!p0 $0x0  }
0x106: {  	[sflag:s0] =	ssyncadd.s32 @!p0 s1  }
0x107: {  	[bflag:$0x3] =	sbarrier.arrive $0xFFFF  }
0x108: {  	_ =	shalt  }

// kernel: kernel.17.cloned.1.call-start
scs
__scs_entry_jumppad:
0x0: {  	(pc) =	sbr.rel $0x88, $3  }
0x1: {  	(tag) =	ssettag $0x0;
	lr =	simm.s32 $0x1  }
0x2: {  	[smem:$0x3F92] =	sst lr;
	_ =	strace $0xD0000000  }
0x3: {  	_ = 	snop  }
0x4: {  	_ = 	snop  }
0x5: {  	_ = 	snop  }
0x6: {  	_ = 	snop  }
0x7: {  	_ = 	snop  }
__scs_overlays_trampoline_lowered:
0x8: {  	[smem:$0x3FA1] =	sst s0  }
0x9: {  	[smem:$0x3FA2] =	sst s1  }
0xa: {  	[smem:$0x3FA3] =	sst s2  }
0xb: {  	[smem:$0x3FA4] =	sst s3  }
0xc: {  	[smem:$0x3FA5] =	sst s4  }
0xd: {  	[smem:$0x3FA6] =	sst s5  }
0xe: {  	[smem:$0x3FA7] =	sst s6  }
0xf: {  	[smem:$0x3FA8] =	sst s7  }
0x10: {  	[smem:$0x3FA9] =	sst s8  }
0x11: {  	[smem:$0x3FAA] =	sst s9;
	s0 =	simm.s32 @!p0 $0x0  }
0x12: {  	s1 =	sld [smem:$0x3F90];
	s0 =	simm.s32 @p0 $0x1  }
0x13: {  	[smem:$0x3FAB] =	sst s0;
	s0 =	simm.s32 @!p1 $0x0  }
0x14: {  	s2 =	sld [smem:$0x3F8F];
	s0 =	simm.s32 @p1 $0x1  }
0x15: {  	[smem:$0x3FAC] =	sst s0;
	s0 =	simm.s32 @!p2 $0x0  }
0x16: {  	s3 =	sld [smem:$0x3FDB];
	s0 =	simm.s32 @p2 $0x1  }
0x17: {  	s4 =	simm.s32 $0x1BF5;
	[smem:$0x3FAE] =	sst s0  }
0x18: {  	s0 =	sld [smem:$0x3F91];
	_ =	swait.ge [sflag:s4], $0x0  }
0x19: {  	s7 =	sld [smem:$0x3F92]  }
0x1a: {  	s8 =	sadd.s32 $0xFFFFE003, lr  }
0x1b: {  	s9 =	sadd.s32 $0xFFFFFEF7, lr;
	s5 =	simm.s32 $0xFFFFFFFF;
	p2 =	slt.u32 s8, $0xFFFFF086  }
0x1c: {  	p1 =	slt.u32 s9, $0xF7A;
	s5 =	simm.s32 @!p2 $0x0  }
0x1d: {  	s5 =	simm.s32 @p1 $0x1;
	p0 =	seq.s32 s7, s2  }
0x1e: {  	s7 =	smul.u32 @!p0 $0xF7A, s2;
	p2 =	seq.s32 @!p0 s5, $0x0  }
0x1f: {  	s9 =	smul.u32 $0xF7A, s1;
	s8 =	simm.s32 @!p0 $0x1BF5;
	p2 =	por !p2, p0  }
0x20: {  	[sflag:s8] =	ssyncset.s32 @!p0 $0xFFFFF086;
	s6 =	sadd.s32 @!p0 s3, s7;
	s7 =	simm.s32 @!p0 $0x108  }
0x21: {  	s3 =	sadd.s32 s3, s9;
	s6 =	sadd.s32 @!p0 $0x88, s6;
	s7 =	simm.s32 @p2 $0x1082  }
0x22: {  	[simem:s7], [sflag:s8] =	dma.local @!p0 [hbm:s6], $0xF7A  }
0x23: {  	s9 =	sor.u32 $0xD0000000, s2;
	s6 =	simm.s32 $0x108;
	_ =	swait.ge @!p0 [sflag:s8], $0x0  }
0x24: {  	s3 =	sadd.s32 $0x88, s3;
	s6 =	simm.s32 @!p1 $0x1082;
	[sflag:s4] =	ssyncset.s32 $0xFFFFF086  }
0x25: {  	[simem:s6], [sflag:s4] =	dma.local [hbm:s3], $0xF7A  }
0x26: {  	[smem:$0x3F92] =	sst s1;
	(tag) =	ssettag s2;
	_ =	strace s9  }
0x27: {  	s1 =	sld [smem:$0x3FA2]  }
0x28: {  	s2 =	sld [smem:$0x3FA3]  }
0x29: {  	s4 =	sld [smem:$0x3FA5]  }
0x2a: {  	p0 =	seq.s32 s5, $0x0;
	s5 =	sld [smem:$0x3FA6]  }
0x2b: {  	s6 =	sld [smem:$0x3FA7]  }
0x2c: {  	s7 =	sld [smem:$0x3FA8]  }
0x2d: {  	s3 =	simm.s32 $0x108;
	s8 =	sld [smem:$0x3FA9]  }
0x2e: {  	s3 =	simm.s32 @!p0 $0x1082;
	s9 =	sld [smem:$0x3FAA]  }
0x2f: {  	lr =	sadd.s32 s0, s3;
	s0 =	sld [smem:$0x3FA1]  }
0x30: {  	s3 =	sld [smem:$0x3FA4]  }
0x31: {  	[smem:$0x3FAD] =	sst s10  }
0x32: {  	s10 =	sld [smem:$0x3FAB];
	_ =	sdelay $0x3  }
0x33: {  	p0 =	seq.s32 s10, $0x1;
	s10 =	sld [smem:$0x3FAD];
	_ =	sdelay $0x3  }
0x34: {  	[smem:$0x3FAD] =	sst s10  }
0x35: {  	s10 =	sld [smem:$0x3FAC];
	_ =	sdelay $0x3  }
0x36: {  	p1 =	seq.s32 s10, $0x1;
	s10 =	sld [smem:$0x3FAD];
	_ =	sdelay $0x3  }
0x37: {  	[smem:$0x3FAD] =	sst s10  }
0x38: {  	s10 =	sld [smem:$0x3FAE]  }
0x39: {  	_ = 	snop;
	(pc) =	sbr.ind lr, $3  }
0x3a: {  	_ = 	snop  }
0x3b: {  	_ = 	snop  }
0x3c: {  	p2 =	seq.s32 s10, $0x1;
	s10 =	sld [smem:$0x3FAD]  }
0x3d: {  	_ =	shalt  }
0x3e: {  	_ =	shalt  }
0x3f: {  	_ =	shalt  }
0x40: {  	_ =	shalt  }
0x41: {  	_ =	shalt  }
0x42: {  	_ =	shalt  }
0x43: {  	_ =	shalt  }
0x44: {  	_ =	shalt  }
0x45: {  	_ =	shalt  }
0x46: {  	_ =	shalt  }
0x47: {  	_ =	shalt  }
0x48: {  	_ =	shalt  }
0x49: {  	_ =	shalt  }
0x4a: {  	_ =	shalt  }
0x4b: {  	_ =	shalt  }
0x4c: {  	_ =	shalt  }
0x4d: {  	_ =	shalt  }
0x4e: {  	_ =	shalt  }
0x4f: {  	_ =	shalt  }
0x50: {  	_ =	shalt  }
0x51: {  	_ =	shalt  }
0x52: {  	_ =	shalt  }
0x53: {  	_ =	shalt  }
0x54: {  	_ =	shalt  }
0x55: {  	_ =	shalt  }
0x56: {  	_ =	shalt  }
0x57: {  	_ =	shalt  }
0x58: {  	_ =	shalt  }
0x59: {  	_ =	shalt  }
0x5a: {  	_ =	shalt  }
0x5b: {  	_ =	shalt  }
0x5c: {  	_ =	shalt  }
0x5d: {  	_ =	shalt  }
0x5e: {  	_ =	shalt  }
0x5f: {  	_ =	shalt  }
0x60: {  	_ =	shalt  }
0x61: {  	_ =	shalt  }
0x62: {  	_ =	shalt  }
0x63: {  	_ =	shalt  }
0x64: {  	_ =	shalt  }
0x65: {  	_ =	shalt  }
0x66: {  	_ =	shalt  }
0x67: {  	_ =	shalt  }
0x68: {  	_ =	shalt  }
0x69: {  	_ =	shalt  }
0x6a: {  	_ =	shalt  }
0x6b: {  	_ =	shalt  }
0x6c: {  	_ =	shalt  }
0x6d: {  	_ =	shalt  }
0x6e: {  	_ =	shalt  }
0x6f: {  	_ =	shalt  }
0x70: {  	_ =	shalt  }
0x71: {  	_ =	shalt  }
0x72: {  	_ =	shalt  }
0x73: {  	_ =	shalt  }
0x74: {  	_ =	shalt  }
0x75: {  	_ =	shalt  }
0x76: {  	_ =	shalt  }
0x77: {  	_ =	shalt  }
0x78: {  	_ =	shalt  }
0x79: {  	_ =	shalt  }
0x7a: {  	_ =	shalt  }
0x7b: {  	_ =	shalt  }
0x7c: {  	_ =	shalt  }
0x7d: {  	_ =	shalt  }
0x7e: {  	_ =	shalt  }
0x7f: {  	_ =	shalt  }
0x80: {  	_ =	shalt  }
0x81: {  	_ =	shalt  }
0x82: {  	_ =	shalt  }
0x83: {  	_ =	shalt  }
0x84: {  	_ =	shalt  }
0x85: {  	_ =	shalt  }
0x86: {  	_ =	shalt  }
0x87: {  	_ =	shalt  }
.Lfunc_end0:
.L_simem_size_0:
called_computation.2_lowered:
.L_overlay_start_0:
0x88: {  	s2 =	sld [smem:$0x3FD9]  }
0x89: {  	s3 =	sld [smem:$0x3FFE];
	_ =	sdelay $0x1  }
0x8a: {  	s1 =	srdreg.scid  }
0x8b: {  	s0 =	sand.u32 $0x1, s1  }
0x8c: {  	s16 =	sshll.u32 s0, $0xA;
	s2 =	sadd.s32 s3, s2  }
0x8d: {  	s2 =	sadd.s32 s2, s16  }
0x8e: {  	[smem:$0x3FB9] =	sst s2  }
0x8f: {  	_ = 	snop  }
0x90: {  	(tm) =	ssettm $0x1  }
0x91: {  	s17 =	sld [smem:$0x3FFB];
	_ =	sdelay $0x3  }
0x92: {  	_ =	strace s17  }
0x93: {  	s2 =	sld [smem:$0x3FFC];
	_ =	sdelay $0x3  }
0x94: {  	_ =	strace s2  }
0x95: {  	s2 =	sld [smem:$0x3FFD];
	_ =	sdelay $0x3  }
0x96: {  	_ =	strace s2  }
0x97: {  	_ =	strace $0x8FFFFFFF  }
0x98: {  	s18 =	sld [smem:$0x3FDB];
	_ =	sdelay $0x1  }
0x99: {  	s19 =	simm.s32 $_scs_section_size  }
0x9a: {  	s4 =	simm.s32 $_size__tile_overlayer_lowered;
	s5 =	simm.s32 $_tile_overlayer_lowered  }
0x9b: {  	s22 =	simm.s32 $0x1BFF;
	s21 =	sshll.u32 s5, $0x1;
	s2 =	sadd.s32 s19, s18  }
0x9c: {  	s6 =	simm.s32 $0x0;
	s20 =	sshll.u32 s4, $0x1;
	s4 =	sadd.s32 s21, s2  }
0x9d: {  	[timem:s6], [sflag:s22] =	dma.local [hbm:s4], s20  }
0x9e: {  	_ =	swait.ge [sflag:s22], s20  }
0x9f: {  	s3 =	ssub.s32 $0x0, s20;
	[sflag:s22] =	ssyncset.done $0x0  }
0xa0: {  	[sflag:s22] =	ssyncadd.s32 s3;
	_ =	sdelay $0x1  }
0xa1: {  	s23 =	simm.s32 $0x1B8B  }
0xa2: {  	_ =	swait.ge [sflag:s23], $0x1  }
0xa3: {  	[sflag:s23] =	ssyncset.done $0x0  }
0xa4: {  	s25 =	simm.s32 $0x1B8E;
	s24 =	sld [smem:$0x3FFE];
	[sflag:s23] =	ssyncadd.s32 $0xFFFFFFFF  }
0xa5: {  	s26 =	simm.s32 $execute0_lowered;
	[smem:$0x3FD2] =	sst s25  }
0xa6: {  	s4 =	sshll.u32 s26, $0x1;
	_ =	strace $0x8000004C;
	[dreg:$0x1] =	wrdreg $0xFFFFFFFF  }
0xa7: {  	s28 =	simm.s32 $_size_execute0_lowered;
	s2 =	sadd.s32 s2, s4;
	[dreg:$0x0] =	wrdreg $0x0  }
0xa8: {  	s4 =	sshll.u32 s28, $0x1;
	[dreg:$0x2] =	wrdreg s2  }
0xa9: {  	[dreg:$0x3] =	wrdreg s4  }
0xaa: {  	[dreg:$0x4] =	wrdreg $0xC0  }
0xab: {  	_ =	task [dreg:s6], $0x5FFFF  }
0xac: {  	[dreg:$0x1] =	wrdreg $0xFFFFFFFF  }
0xad: {  	[dreg:$0x0] =	wrdreg $0x60  }
0xae: {  	[dreg:$0x2] =	wrdreg s24  }
0xaf: {  	[dreg:$0x3] =	wrdreg $0x13C400  }
0xb0: {  	[dreg:$0x4] =	wrdreg $0x9  }
0xb1: {  	_ =	task.clear_ibuf [dreg:s6], $0x5FFFF;
	_ =	strace $0x9000004C  }
0xb2: {  	s29 =	simm.s32 $0x9;
	_ =	strace $0x8000004E  }
0xb3: {  	_ =	swait.ge [sflag:s29], $0x1  }
0xb4: {  	[sflag:s29] =	ssyncadd.s32 $0xFFFFFFFF  }
0xb5: {  	_ =	strace $0x9000004E  }
0xb6: {  	_ =	sfence  }
0xb7: {  	s30 =	sld [smem:$0x0];
	_ =	sdelay $0x2  }
0xb8: {  	s31 =	sshll.u32 s1, $0xD;
	s1 =	sshrl.u32 s1, $0x2  }
0xb9: {  	s3 =	sand.u32 $0x4000, s31;
	s1 =	sadd.s32 s1, s30  }
0xba: {  	s0 =	sor.u32 s3, s0;
	s1 =	sshll.u32 s1, $0x11  }
0xbb: {  	s0 =	sor.u32 s1, s0  }
0xbc: {  	s0 =	sadd.s32 $0x8F2B, s0  }
0xbd: {  	[sflag:s0] =	ssyncadd.remote.s32 $0x1  }
0xbe: {  	_ =	sfence.sel $0xFFFF  }
0xbf: {  	[dreg:$0x0] =	wrdreg $0xFFFFFFFF;
	(pc) =	sbr.abs _section_cstart, $3  }
0xc0: {  	[dreg:$0x1] =	wrdreg $0xFFFFFFFF  }
0xc1: {  	_ =	task.clear_ibuf [dreg:s6], $0x2FFFF;
	_ =	strace $0x9FFFFFFF  }
0xc2: {  	(tm) =	ssettm $0x7FFFFFFF  }
0xc3: {  	_ =	shalt  }
tec
execute0_lowered:
.L_overlay_start_1:
0x0: {  	(tag) =	ssettag $0x1  }
0x1: {  	s0 =	rddreg [dreg:$0x0]  }
0x2: {  	s2 =	rddreg [dreg:$0x1];
	s7 =	stileid.u32  }
0x3: {  	s3 =	simm.s32 $0x0;
	s4 =	srdreg.scid;
	s14 =	simm.s32 $0xB  }
0x4: {  	s16 =	simm.s32 $0x7D;
	s18 =	simm.s32 $0xBF40;
	s20 =	simm.s32 $0xDE80  }
0x5: {  	s22 =	simm.s32 $0xFDC0;
	s28 =	simm.s32 $0x2;
	s29 =	simm.s32 $0x3  }
0x6: {  	s30 =	simm.s32 $0x4;
	s31 =	simm.s32 $0x5;
	s15 =	simm.s32 $0x7  }
0x7: {  	s17 =	simm.s32 $0x8;
	s19 =	simm.s32 $0x9;
	s1 =	smul.u32 $0xA00, s7  }
0x8: {  	s21 =	simm.s32 $0xA;
	[smem:$0x7FF] =	sst s3;
	s5 =	smul.u32 $0x28000, s7  }
0x9: {  	s4 =	sand.u32 $0x1, s4;
	s12 =	smul.u32 $0xA000, s7;
	_ =	strace $0x8000004D  }
0xa: {  	s6 =	smul.u32 $0x14000, s4;
	s4 =	ssub.s32 $0x2, s4;
	s1 =	sadd.s32 s1, s0  }
0xb: {  	s5 =	sshrl.u32 s5, $0x2;
	s23 =	sshrl.u32 s4, $0x1;
	s26 =	sshrl.u32 s12, $0x3  }
0xc: {  	s0 =	sadd.s32 s6, s0;
	s5 =	sadd.s32 s5, s2;
	s13 =	ssub.s32 s4, s23  }
0xd: {  	s4 =	sadd.s32 s12, s2;
	s9 =	sadd.s32 $0xD200, s1;
	s10 =	sadd.s32 $0x3200, s1  }
0xe: {  	s23 =	simm.s32 $0x4F80;
	s24 =	sadd.s32 $0x2000, s5;
	s25 =	sadd.s32 $0x4000, s5  }
0xf: {  	s7 =	sadd.s32 $0x6000, s5;
	s8 =	sadd.s32 $0x8000, s5;
	s11 =	sadd.s32 $0x67200, s0  }
0x10: {  	s0 =	sadd.s32 $0x17200, s0;
	s12 =	smax.u32 s13, $0x1;
	[dreg:$0x3] =	wrdreg s24  }
0x11: {  	s13 =	simm.s32 $0xA000;
	[dreg:$0x4] =	wrdreg s25;
	s24 =	sadd.s32 s26, s0  }
0x12: {  	v0 =	vimm.f32 $0.0e+00;
	s25 =	simm.s32 $0x11D00;
	s26 =	simm.s32 $0x1;
	s0 =	simm.s32 $0x6  }
.LBB2_1:
0x13: {  	s5 =	simm.s32 $0x100;
	s1 =	simm.s32 $0x0  }
.LBB2_2:
0x14: {  	p0 =	sne.s32 s5, $0x7F00;
	[tilespmem:s1+$0xA030] =	vst v0;
	s6 =	smov.u32 s5;
	s5 =	sadd.s32 $0x100, s5  }
.Ltmp0:
0x15: {  	[tilespmem:s1+$0xA020] =	vst v0;
	(pc) =	sbr.rel @p0 .LBB2_2-.Ltmp0, $3  }
0x16: {  	[tilespmem:s1+$0xA000] =	vst v0  }
0x17: {  	[tilespmem:s1+$0xA010] =	vst v0;
	_ =	sdelay $0x1  }
0x18: {  	s1 =	sshra.s32 s6, $0x2  }
0x19: {  	[tilespmem:s1+$0xA030] =	vst v0  }
0x1a: {  	[tilespmem:s1+$0xA020] =	vst v0  }
0x1b: {  	[tilespmem:s1+$0xA000] =	vst v0  }
0x1c: {  	[tilespmem:s1+$0xA010] =	vst v0  }
0x1d: {  	[spmem:s4] =	stream.linear.scatter [tilespmem:s13], [sflag:$0xB], $0x2000, $0x38;
	[tilespmem:$0x1DC40] =	vst v63  }
0x1e: {  	_ =	swait.ge [sflag:s14], $0x2000  }
0x1f: {  	[sflag:s14] =	ssyncset.done $0x0  }
0x20: {  	s6 =	rddreg [dreg:$0x3];
	[sflag:s14] =	ssyncadd.s32 $0xFFFFE000  }
0x21: {  	[spmem:s6] =	stream.linear.scatter [tilespmem:s13], [sflag:$0xB], $0x2000, $0x38;
	[tilespmem:$0x1DC40] =	vst v63  }
0x22: {  	_ =	swait.ge [sflag:s14], $0x2000  }
0x23: {  	[sflag:s14] =	ssyncset.done $0x0  }
0x24: {  	s5 =	rddreg [dreg:$0x4];
	[sflag:s14] =	ssyncadd.s32 $0xFFFFE000  }
0x25: {  	[spmem:s5] =	stream.linear.scatter [tilespmem:s13], [sflag:$0xB], $0x2000, $0x38;
	[tilespmem:$0x1DC40] =	vst v63  }
0x26: {  	_ =	swait.ge [sflag:s14], $0x2000  }
0x27: {  	[sflag:s14] =	ssyncset.done $0x0  }
0x28: {  	[sflag:s14] =	ssyncadd.s32 $0xFFFFE000  }
0x29: {  	[spmem:s7] =	stream.linear.scatter [tilespmem:s13], [sflag:$0xB], $0x2000, $0x38;
	[tilespmem:$0x1DC40] =	vst v63  }
0x2a: {  	_ =	swait.ge [sflag:s14], $0x2000  }
0x2b: {  	[sflag:s14] =	ssyncset.done $0x0  }
0x2c: {  	[sflag:s14] =	ssyncadd.s32 $0xFFFFE000  }
0x2d: {  	[spmem:s8] =	stream.linear.scatter [tilespmem:s13], [sflag:$0xB], $0x2000, $0x38;
	[tilespmem:$0x1DC40] =	vst v63  }
0x2e: {  	_ =	swait.ge [sflag:s14], $0x2000  }
0x2f: {  	[sflag:s14] =	ssyncset.done $0x0  }
0x30: {  	[sflag:s14] =	ssyncadd.s32 $0xFFFFE000  }
0x31: {  	s6 =	simm.s32 $0x0;
	[bflag:$0x0] =	sbarrier.arrive $0xFFFF  }
0x32: {  	[tilespmem:s6], [sflag:$0xB] =	stream.linear.gather [hbm4b:s9+s6], $0x5000, $0x38;
	[tilespmem:$0x1DC40] =	vst v63  }
0x33: {  	_ =	swait.ge [sflag:s14], $0x5000  }
0x34: {  	[sflag:s14] =	ssyncset.done $0x0  }
0x35: {  	s5 =	simm.s32 $0x5000;
	[sflag:s14] =	ssyncadd.s32 $0xFFFFB000  }
0x36: {  	[tilespmem:s5], [sflag:$0xB] =	stream.linear.gather [hbm4b:s10+s6], $0x5000, $0x38;
	[tilespmem:$0x1DC40] =	vst v63  }
0x37: {  	_ =	swait.ge [sflag:s14], $0x5000  }
0x38: {  	[sflag:s14] =	ssyncset.done $0x0  }
0x39: {  	[sflag:s14] =	ssyncadd.s32 $0xFFFFB000  }
0x3a: {  	[tilespmem:s13], [sflag:$0x1] =	stream.indirect.gather [hbm4b:s11+s16], $0x40, s6, s16, $0xb8;
	[tilespmem:$0x1DC40] =	vst v63  }
0x3b: {  	s6 =	simm.s32 $0x80  }
0x3c: {  	[tilespmem:s18], [sflag:$0x2] =	stream.indirect.gather [hbm4b:s11+s16], $0x40, s6, s16, $0xb8;
	[tilespmem:$0x1DC40] =	vst v63  }
0x3d: {  	s5 =	simm.s32 $0x100  }
0x3e: {  	[tilespmem:s20], [sflag:$0x3] =	stream.indirect.gather [hbm4b:s11+s16], $0x40, s5, s16, $0xb8;
	[tilespmem:$0x1DC40] =	vst v63  }
0x3f: {  	s6 =	simm.s32 $0x180  }
0x40: {  	[tilespmem:s22], [sflag:$0x4] =	stream.indirect.gather [hbm4b:s11+s16], $0x40, s6, s16, $0xb8;
	[tilespmem:$0x1DC40] =	vst v63  }
0x41: {  	s5 =	simm.s32 $0x200  }
0x42: {  	[tilespmem:s25], [sflag:$0x5] =	stream.indirect.gather [hbm4b:s11+s16], $0x40, s5, s16, $0xb8;
	[tilespmem:$0x1DC40] =	vst v63  }
0x43: {  	_ =	swait.ge [sflag:s26], $0x1F40  }
0x44: {  	[sflag:s26] =	ssyncset.done $0x0  }
0x45: {  	s6 =	simm.s32 $0x5000;
	[sflag:s26] =	ssyncadd.s32 $0xFFFFE0C0  }
0x46: {  	[spmem:s2] =	stream.indirect.scatter.add.f32 [tilespmem:s13], [sflag:$0x6], $0x40, s6, s16, $0xb8;
	[tilespmem:$0x1DC40] =	vst v63  }
0x47: {  	_ =	swait.ge [sflag:s28], $0x1F40  }
0x48: {  	[sflag:s28] =	ssyncset.done $0x0  }
0x49: {  	s5 =	simm.s32 $0x5080;
	[sflag:s28] =	ssyncadd.s32 $0xFFFFE0C0  }
0x4a: {  	[spmem:s2] =	stream.indirect.scatter.add.f32 [tilespmem:s18], [sflag:$0x7], $0x40, s5, s16, $0xb8;
	[tilespmem:$0x1DC40] =	vst v63  }
0x4b: {  	_ =	swait.ge [sflag:s29], $0x1F40  }
0x4c: {  	[sflag:s29] =	ssyncset.done $0x0  }
0x4d: {  	s6 =	simm.s32 $0x5100;
	[sflag:s29] =	ssyncadd.s32 $0xFFFFE0C0  }
0x4e: {  	[spmem:s2] =	stream.indirect.scatter.add.f32 [tilespmem:s20], [sflag:$0x8], $0x40, s6, s16, $0xb8;
	[tilespmem:$0x1DC40] =	vst v63  }
0x4f: {  	_ =	swait.ge [sflag:s30], $0x1F40  }
0x50: {  	[sflag:s30] =	ssyncset.done $0x0  }
0x51: {  	s5 =	simm.s32 $0x5180;
	[sflag:s30] =	ssyncadd.s32 $0xFFFFE0C0  }
0x52: {  	[spmem:s2] =	stream.indirect.scatter.add.f32 [tilespmem:s22], [sflag:$0x9], $0x40, s5, s16, $0xb8;
	[tilespmem:$0x1DC40] =	vst v63  }
0x53: {  	_ =	swait.ge [sflag:s31], $0x1F40  }
0x54: {  	[sflag:s31] =	ssyncset.done $0x0  }
0x55: {  	s6 =	simm.s32 $0x5200;
	[sflag:s31] =	ssyncadd.s32 $0xFFFFE0C0  }
0x56: {  	[spmem:s2] =	stream.indirect.scatter.add.f32 [tilespmem:s25], [sflag:$0xA], $0x40, s6, s16, $0xb8;
	[tilespmem:$0x1DC40] =	vst v63  }
0x57: {  	_ =	swait.ge [sflag:s0], $0x1F40  }
0x58: {  	[sflag:s0] =	ssyncset.done $0x0  }
0x59: {  	s5 =	simm.s32 $0x280;
	[sflag:s0] =	ssyncadd.s32 $0xFFFFE0C0  }
0x5a: {  	[tilespmem:s13], [sflag:$0x1] =	stream.indirect.gather [hbm4b:s11+s16], $0x40, s5, s16, $0xb8;
	[tilespmem:$0x1DC40] =	vst v63  }
0x5b: {  	_ =	swait.ge [sflag:s15], $0x1F40  }
0x5c: {  	[sflag:s15] =	ssyncset.done $0x0  }
0x5d: {  	s6 =	simm.s32 $0x300;
	[sflag:s15] =	ssyncadd.s32 $0xFFFFE0C0  }
0x5e: {  	[tilespmem:s18], [sflag:$0x2] =	stream.indirect.gather [hbm4b:s11+s16], $0x40, s6, s16, $0xb8;
	[tilespmem:$0x1DC40] =	vst v63  }
0x5f: {  	_ =	swait.ge [sflag:s17], $0x1F40  }
0x60: {  	[sflag:s17] =	ssyncset.done $0x0  }
0x61: {  	s5 =	simm.s32 $0x380;
	[sflag:s17] =	ssyncadd.s32 $0xFFFFE0C0  }
0x62: {  	[tilespmem:s20], [sflag:$0x3] =	stream.indirect.gather [hbm4b:s11+s16], $0x40, s5, s16, $0xb8;
	[tilespmem:$0x1DC40] =	vst v63  }
0x63: {  	_ =	swait.ge [sflag:s19], $0x1F40  }
0x64: {  	[sflag:s19] =	ssyncset.done $0x0  }
0x65: {  	s6 =	simm.s32 $0x400;
	[sflag:s19] =	ssyncadd.s32 $0xFFFFE0C0  }
0x66: {  	[tilespmem:s22], [sflag:$0x4] =	stream.indirect.gather [hbm4b:s11+s16], $0x40, s6, s16, $0xb8;
	[tilespmem:$0x1DC40] =	vst v63  }
0x67: {  	_ =	swait.ge [sflag:s21], $0x1F40  }
0x68: {  	[sflag:s21] =	ssyncset.done $0x0  }
0x69: {  	s1 =	simm.s32 $0xA00;
	s5 =	simm.s32 $0x480;
	[sflag:s21] =	ssyncadd.s32 $0xFFFFE0C0  }
.LBB2_4:
0x6a: {  	[tilespmem:s25], [sflag:$0x5] =	stream.indirect.gather [hbm4b:s11+s16], $0x40, s5, s16, $0xb8;
	[tilespmem:$0x1DC40] =	vst v63  }
0x6b: {  	s5 =	smov.u32 s1;
	s1 =	sadd.s32 $0xA00, s1;
	_ =	swait.ge [sflag:s26], $0x1F40  }
0x6c: {  	s5 =	sshra.s32 s5, $0x2;
	p0 =	sne.s32 s1, $0x12C00;
	[sflag:s26] =	ssyncset.done $0x0  }
0x6d: {  	s6 =	sadd.s32 $0x5000, s5;
	[sflag:s26] =	ssyncadd.s32 $0xFFFFE0C0  }
0x6e: {  	[spmem:s2] =	stream.indirect.scatter.add.f32 [tilespmem:s13], [sflag:$0x6], $0x40, s6, s16, $0xb8;
	[tilespmem:$0x1DC40] =	vst v63  }
0x6f: {  	_ =	swait.ge [sflag:s28], $0x1F40  }
0x70: {  	[sflag:s28] =	ssyncset.done $0x0  }
0x71: {  	s6 =	sadd.s32 $0x5080, s5;
	[sflag:s28] =	ssyncadd.s32 $0xFFFFE0C0  }
0x72: {  	[spmem:s2] =	stream.indirect.scatter.add.f32 [tilespmem:s18], [sflag:$0x7], $0x40, s6, s16, $0xb8;
	[tilespmem:$0x1DC40] =	vst v63  }
0x73: {  	_ =	swait.ge [sflag:s29], $0x1F40  }
0x74: {  	[sflag:s29] =	ssyncset.done $0x0  }
0x75: {  	s6 =	sadd.s32 $0x5100, s5;
	[sflag:s29] =	ssyncadd.s32 $0xFFFFE0C0  }
0x76: {  	[spmem:s2] =	stream.indirect.scatter.add.f32 [tilespmem:s20], [sflag:$0x8], $0x40, s6, s16, $0xb8;
	[tilespmem:$0x1DC40] =	vst v63  }
0x77: {  	_ =	swait.ge [sflag:s30], $0x1F40  }
0x78: {  	[sflag:s30] =	ssyncset.done $0x0  }
0x79: {  	s6 =	sadd.s32 $0x5180, s5;
	[sflag:s30] =	ssyncadd.s32 $0xFFFFE0C0  }
0x7a: {  	[spmem:s2] =	stream.indirect.scatter.add.f32 [tilespmem:s22], [sflag:$0x9], $0x40, s6, s16, $0xb8;
	[tilespmem:$0x1DC40] =	vst v63  }
0x7b: {  	_ =	swait.ge [sflag:s31], $0x1F40  }
0x7c: {  	[sflag:s31] =	ssyncset.done $0x0  }
0x7d: {  	s6 =	sadd.s32 $0x5200, s5;
	[sflag:s31] =	ssyncadd.s32 $0xFFFFE0C0  }
0x7e: {  	[spmem:s2] =	stream.indirect.scatter.add.f32 [tilespmem:s25], [sflag:$0xA], $0x40, s6, s16, $0xb8;
	[tilespmem:$0x1DC40] =	vst v63  }
0x7f: {  	_ =	swait.ge [sflag:s0], $0x1F40  }
0x80: {  	[sflag:s0] =	ssyncset.done $0x0  }
0x81: {  	s6 =	sadd.s32 $0x280, s5;
	[sflag:s0] =	ssyncadd.s32 $0xFFFFE0C0  }
0x82: {  	[tilespmem:s13], [sflag:$0x1] =	stream.indirect.gather [hbm4b:s11+s16], $0x40, s6, s16, $0xb8;
	[tilespmem:$0x1DC40] =	vst v63  }
0x83: {  	_ =	swait.ge [sflag:s15], $0x1F40  }
0x84: {  	[sflag:s15] =	ssyncset.done $0x0  }
0x85: {  	s6 =	sadd.s32 $0x300, s5;
	[sflag:s15] =	ssyncadd.s32 $0xFFFFE0C0  }
0x86: {  	[tilespmem:s18], [sflag:$0x2] =	stream.indirect.gather [hbm4b:s11+s16], $0x40, s6, s16, $0xb8;
	[tilespmem:$0x1DC40] =	vst v63  }
0x87: {  	_ =	swait.ge [sflag:s17], $0x1F40  }
0x88: {  	[sflag:s17] =	ssyncset.done $0x0  }
0x89: {  	s6 =	sadd.s32 $0x380, s5;
	[sflag:s17] =	ssyncadd.s32 $0xFFFFE0C0  }
0x8a: {  	[tilespmem:s20], [sflag:$0x3] =	stream.indirect.gather [hbm4b:s11+s16], $0x40, s6, s16, $0xb8;
	[tilespmem:$0x1DC40] =	vst v63  }
0x8b: {  	_ =	swait.ge [sflag:s19], $0x1F40  }
0x8c: {  	[sflag:s19] =	ssyncset.done $0x0  }
.Ltmp1:
0x8d: {  	s6 =	sadd.s32 $0x400, s5;
	[sflag:s19] =	ssyncadd.s32 $0xFFFFE0C0;
	(pc) =	sbr.rel @p0 .LBB2_4-.Ltmp1, $4  }
0x8e: {  	[tilespmem:s22], [sflag:$0x4] =	stream.indirect.gather [hbm4b:s11+s16], $0x40, s6, s16, $0xb8;
	[tilespmem:$0x1DC40] =	vst v63  }
0x8f: {  	_ =	swait.ge [sflag:s21], $0x1F40  }
0x90: {  	[sflag:s21] =	ssyncset.done $0x0  }
0x91: {  	s5 =	sadd.s32 $0x480, s5;
	[sflag:s21] =	ssyncadd.s32 $0xFFFFE0C0  }
0x92: {  	[tilespmem:s25], [sflag:$0x5] =	stream.indirect.gather [hbm4b:s11+s16], $0x40, s5, s16, $0xb8;
	[tilespmem:$0x1DC40] =	vst v63  }
0x93: {  	_ =	swait.ge [sflag:s26], $0x1F40  }
0x94: {  	s1 =	sshra.s32 s1, $0x2;
	[sflag:s26] =	ssyncset.done $0x0  }
0x95: {  	s6 =	sadd.s32 $0x5000, s1;
	[sflag:s26] =	ssyncadd.s32 $0xFFFFE0C0  }
0x96: {  	[spmem:s2] =	stream.indirect.scatter.add.f32 [tilespmem:s13], [sflag:$0x6], $0x40, s6, s16, $0xb8;
	[tilespmem:$0x1DC40] =	vst v63  }
0x97: {  	_ =	swait.ge [sflag:s28], $0x1F40  }
0x98: {  	[sflag:s28] =	ssyncset.done $0x0  }
0x99: {  	s6 =	sadd.s32 $0x5080, s1;
	[sflag:s28] =	ssyncadd.s32 $0xFFFFE0C0  }
0x9a: {  	[spmem:s2] =	stream.indirect.scatter.add.f32 [tilespmem:s18], [sflag:$0x7], $0x40, s6, s16, $0xb8;
	[tilespmem:$0x1DC40] =	vst v63  }
0x9b: {  	_ =	swait.ge [sflag:s29], $0x1F40  }
0x9c: {  	[sflag:s29] =	ssyncset.done $0x0  }
0x9d: {  	s6 =	sadd.s32 $0x5100, s1;
	[sflag:s29] =	ssyncadd.s32 $0xFFFFE0C0  }
0x9e: {  	[spmem:s2] =	stream.indirect.scatter.add.f32 [tilespmem:s20], [sflag:$0x8], $0x40, s6, s16, $0xb8;
	[tilespmem:$0x1DC40] =	vst v63  }
0x9f: {  	_ =	swait.ge [sflag:s30], $0x1F40  }
0xa0: {  	[sflag:s30] =	ssyncset.done $0x0  }
0xa1: {  	s6 =	sadd.s32 $0x5180, s1;
	[sflag:s30] =	ssyncadd.s32 $0xFFFFE0C0  }
0xa2: {  	[spmem:s2] =	stream.indirect.scatter.add.f32 [tilespmem:s22], [sflag:$0x9], $0x40, s6, s16, $0xb8;
	[tilespmem:$0x1DC40] =	vst v63  }
0xa3: {  	_ =	swait.ge [sflag:s31], $0x1F40  }
0xa4: {  	[sflag:s31] =	ssyncset.done $0x0  }
0xa5: {  	s1 =	sadd.s32 $0x5200, s1;
	[sflag:s31] =	ssyncadd.s32 $0xFFFFE0C0  }
0xa6: {  	[spmem:s2] =	stream.indirect.scatter.add.f32 [tilespmem:s25], [sflag:$0xA], $0x40, s1, s16, $0xb8;
	[tilespmem:$0x1DC40] =	vst v63  }
0xa7: {  	_ =	swait.ge [sflag:s0], $0x1F40  }
0xa8: {  	[sflag:s0] =	ssyncset.done $0x0  }
0xa9: {  	s6 =	simm.s32 $0x4D80;
	[sflag:s0] =	ssyncadd.s32 $0xFFFFE0C0  }
0xaa: {  	[tilespmem:s13], [sflag:$0x1] =	stream.indirect.gather [hbm4b:s11+s16], $0x40, s6, s16, $0xb8;
	[tilespmem:$0x1DC40] =	vst v63  }
0xab: {  	_ =	swait.ge [sflag:s15], $0x1F40  }
0xac: {  	[sflag:s15] =	ssyncset.done $0x0  }
0xad: {  	s5 =	simm.s32 $0x4E00;
	[sflag:s15] =	ssyncadd.s32 $0xFFFFE0C0  }
0xae: {  	[tilespmem:s18], [sflag:$0x2] =	stream.indirect.gather [hbm4b:s11+s16], $0x40, s5, s16, $0xb8;
	[tilespmem:$0x1DC40] =	vst v63  }
0xaf: {  	_ =	swait.ge [sflag:s17], $0x1F40  }
0xb0: {  	[sflag:s17] =	ssyncset.done $0x0  }
0xb1: {  	s6 =	simm.s32 $0x4E80;
	[sflag:s17] =	ssyncadd.s32 $0xFFFFE0C0  }
0xb2: {  	[tilespmem:s20], [sflag:$0x3] =	stream.indirect.gather [hbm4b:s11+s16], $0x40, s6, s16, $0xb8;
	[tilespmem:$0x1DC40] =	vst v63  }
0xb3: {  	_ =	swait.ge [sflag:s19], $0x1F40  }
0xb4: {  	[sflag:s19] =	ssyncset.done $0x0  }
0xb5: {  	s5 =	simm.s32 $0x4F00;
	[sflag:s19] =	ssyncadd.s32 $0xFFFFE0C0  }
0xb6: {  	[tilespmem:s22], [sflag:$0x4] =	stream.indirect.gather [hbm4b:s11+s16], $0x40, s5, s16, $0xb8;
	[tilespmem:$0x1DC40] =	vst v63  }
0xb7: {  	_ =	swait.ge [sflag:s21], $0x1F40  }
0xb8: {  	[sflag:s21] =	ssyncset.done $0x0  }
0xb9: {  	[sflag:s21] =	ssyncadd.s32 $0xFFFFE0C0  }
0xba: {  	[tilespmem:s25], [sflag:$0x5] =	stream.indirect.gather [hbm4b:s11+s16], $0x40, s23, s16, $0xb8;
	[tilespmem:$0x1DC40] =	vst v63  }
0xbb: {  	_ =	swait.ge [sflag:s26], $0x1F40  }
0xbc: {  	[sflag:s26] =	ssyncset.done $0x0  }
0xbd: {  	s6 =	simm.s32 $0x9D80;
	[sflag:s26] =	ssyncadd.s32 $0xFFFFE0C0  }
0xbe: {  	[spmem:s2] =	stream.indirect.scatter.add.f32 [tilespmem:s13], [sflag:$0x6], $0x40, s6, s16, $0xb8;
	[tilespmem:$0x1DC40] =	vst v63  }
0xbf: {  	_ =	swait.ge [sflag:s28], $0x1F40  }
0xc0: {  	[sflag:s28] =	ssyncset.done $0x0  }
0xc1: {  	s5 =	simm.s32 $0x9E00;
	[sflag:s28] =	ssyncadd.s32 $0xFFFFE0C0  }
0xc2: {  	[spmem:s2] =	stream.indirect.scatter.add.f32 [tilespmem:s18], [sflag:$0x7], $0x40, s5, s16, $0xb8;
	[tilespmem:$0x1DC40] =	vst v63  }
0xc3: {  	_ =	swait.ge [sflag:s29], $0x1F40  }
0xc4: {  	[sflag:s29] =	ssyncset.done $0x0  }
0xc5: {  	s6 =	simm.s32 $0x9E80;
	[sflag:s29] =	ssyncadd.s32 $0xFFFFE0C0  }
0xc6: {  	[spmem:s2] =	stream.indirect.scatter.add.f32 [tilespmem:s20], [sflag:$0x8], $0x40, s6, s16, $0xb8;
	[tilespmem:$0x1DC40] =	vst v63  }
0xc7: {  	_ =	swait.ge [sflag:s30], $0x1F40  }
0xc8: {  	[sflag:s30] =	ssyncset.done $0x0  }
0xc9: {  	s5 =	simm.s32 $0x9F00;
	[sflag:s30] =	ssyncadd.s32 $0xFFFFE0C0  }
0xca: {  	[spmem:s2] =	stream.indirect.scatter.add.f32 [tilespmem:s22], [sflag:$0x9], $0x40, s5, s16, $0xb8;
	[tilespmem:$0x1DC40] =	vst v63  }
0xcb: {  	_ =	swait.ge [sflag:s31], $0x1F40  }
0xcc: {  	[sflag:s31] =	ssyncset.done $0x0  }
0xcd: {  	s6 =	simm.s32 $0x9F80;
	[sflag:s31] =	ssyncadd.s32 $0xFFFFE0C0  }
0xce: {  	[spmem:s2] =	stream.indirect.scatter.add.f32 [tilespmem:s25], [sflag:$0xA], $0x40, s6, s16, $0xb8;
	[tilespmem:$0x1DC40] =	vst v63  }
0xcf: {  	_ =	swait.ge [sflag:s0], $0x1F40  }
0xd0: {  	[sflag:s0] =	ssyncset.done $0x0  }
0xd1: {  	[sflag:s0] =	ssyncadd.s32 $0xFFFFE0C0  }
0xd2: {  	[tilespmem:s13], [sflag:$0x1] =	stream.indirect.gather [hbm4b:s11+s16], $0x40, s23, s16, $0xb8;
	[tilespmem:$0x1DC40] =	vst v63  }
0xd3: {  	_ =	swait.ge [sflag:s15], $0x1F40  }
0xd4: {  	[sflag:s15] =	ssyncset.done $0x0  }
0xd5: {  	[sflag:s15] =	ssyncadd.s32 $0xFFFFE0C0  }
0xd6: {  	[tilespmem:s18], [sflag:$0x2] =	stream.indirect.gather [hbm4b:s11+s16], $0x40, s23, s16, $0xb8;
	[tilespmem:$0x1DC40] =	vst v63  }
0xd7: {  	_ =	swait.ge [sflag:s17], $0x1F40  }
0xd8: {  	[sflag:s17] =	ssyncset.done $0x0  }
0xd9: {  	[sflag:s17] =	ssyncadd.s32 $0xFFFFE0C0  }
0xda: {  	[tilespmem:s20], [sflag:$0x3] =	stream.indirect.gather [hbm4b:s11+s16], $0x40, s23, s16, $0xb8;
	[tilespmem:$0x1DC40] =	vst v63  }
0xdb: {  	_ =	swait.ge [sflag:s19], $0x1F40  }
0xdc: {  	[sflag:s19] =	ssyncset.done $0x0  }
0xdd: {  	[sflag:s19] =	ssyncadd.s32 $0xFFFFE0C0  }
0xde: {  	[tilespmem:s22], [sflag:$0x4] =	stream.indirect.gather [hbm4b:s11+s16], $0x40, s23, s16, $0xb8;
	[tilespmem:$0x1DC40] =	vst v63  }
0xdf: {  	_ =	swait.ge [sflag:s21], $0x1F40  }
0xe0: {  	[sflag:s21] =	ssyncset.done $0x0  }
0xe1: {  	[sflag:s21] =	ssyncadd.s32 $0xFFFFE0C0  }
0xe2: {  	[tilespmem:s25], [sflag:$0x5] =	stream.indirect.gather [hbm4b:s11+s16], $0x40, s23, s16, $0xb8;
	[tilespmem:$0x1DC40] =	vst v63  }
0xe3: {  	_ =	swait.ge [sflag:s26], $0x1F40  }
0xe4: {  	[sflag:s26] =	ssyncset.done $0x0  }
0xe5: {  	[sflag:s26] =	ssyncadd.s32 $0xFFFFE0C0  }
0xe6: {  	_ =	swait.ge [sflag:s28], $0x1F40  }
0xe7: {  	[sflag:s28] =	ssyncset.done $0x0  }
0xe8: {  	[sflag:s28] =	ssyncadd.s32 $0xFFFFE0C0  }
0xe9: {  	_ =	swait.ge [sflag:s29], $0x1F40  }
0xea: {  	[sflag:s29] =	ssyncset.done $0x0  }
0xeb: {  	[sflag:s29] =	ssyncadd.s32 $0xFFFFE0C0  }
0xec: {  	_ =	swait.ge [sflag:s30], $0x1F40  }
0xed: {  	[sflag:s30] =	ssyncset.done $0x0  }
0xee: {  	[sflag:s30] =	ssyncadd.s32 $0xFFFFE0C0  }
0xef: {  	s5 =	stileid.u32;
	_ =	swait.ge [sflag:s31], $0x1F40  }
0xf0: {  	s3 =	sadd.s32 $0x1, s3;
	s1 =	sshll.u32 s5, $0x6;
	[sflag:s31] =	ssyncset.done $0x0  }
0xf1: {  	p0 =	sne.s32 s3, s12;
	s1 =	sor.u32 $0x1C0B, s1;
	[sflag:s31] =	ssyncadd.s32 $0xFFFFE0C0  }
.Ltmp2:
0xf2: {  	s6 =	sshrl.u32 s4, $0x3;
	[bflag:$0x0] =	sbarrier.arrive $0xFFFF;
	(pc) =	sbr.rel @p0 .LBB2_1-.Ltmp2, $4  }
0xf3: {  	[hbm:s24], [sflag:s1] =	dma.local [spmem:s6], $0x1400  }
0xf4: {  	_ =	swait.ge [sflag:s14], $0x1400  }
0xf5: {  	[sflag:s14] =	ssyncset.done $0x0  }
0xf6: {  	[sflag:s14] =	ssyncadd.s32 $0xFFFFEC00  }
0xf7: {  	_ =	sfence.sel $0x180000  }
0xf8: {  	[bflag:$0x0] =	sbarrier.arrive $0xFFFF  }
0xf9: {  	_ =	strace $0x9000004D  }
0xfa: {  	s0 =	stileid.u32;
	[bflag:$0x2] =	sbarrier.arrive $0xFFFF  }
0xfb: {  	p0 =	sne.s32 s0, $0x0;
	s0 =	rddreg [dreg:$0x2]  }
0xfc: {  	s0 =	sadd.s32 @!p0 $0x100000, s0  }
0xfd: {  	[sflag:s0] =	ssyncadd.tile.s32 @!p0 $0x1;
	_ =	shalt  }
.Lfunc_end2:
_tile_overlayer_lowered:
.L_overlay_start_2:
0xfe: {  	(tag) =	ssettag $0x2  }
0xff: {  	s0 =	rddreg [dreg:$0x0];
	s2 =	stileid.u32  }
0x100: {  	s1 =	rddreg [dreg:$0x1];
	p0 =	sne.s32 s2, $0x0  }
0x101: {  	s3 =	rddreg [dreg:$0x2];
	[bflag:$0x3] =	sbarrier.arrive $0xFFFF;
	s2 =	simm.s32 @!p0 $0x1C0B  }
0x102: {  	[timem:s3], [sflag:s2] =	dma.local @!p0 [hbm:s0], s1  }
0x103: {  	s0 =	simm.s32 @!p0 $0xB  }
0x104: {  	_ =	swait.ge @!p0 [sflag:s0], s1  }
0x105: {  	s1 =	ssub.s32 @!p0 $0x0, s1;
	[sflag:s0] =	ssyncset.done @!p0 $0x0  }
0x106: {  	[sflag:s0] =	ssyncadd.s32 @!p0 s1  }
0x107: {  	[bflag:$0x3] =	sbarrier.arrive $0xFFFF  }
0x108: {  	_ =	shalt  }

// kernel: kernel.20.cloned.1.call-start
scs
__scs_entry_jumppad:
0x0: {  	(pc) =	sbr.rel $0x88, $3  }
0x1: {  	(tag) =	ssettag $0x0;
	lr =	simm.s32 $0x1  }
0x2: {  	[smem:$0x3F92] =	sst lr;
	_ =	strace $0xD0000000  }
0x3: {  	_ = 	snop  }
0x4: {  	_ = 	snop  }
0x5: {  	_ = 	snop  }
0x6: {  	_ = 	snop  }
0x7: {  	_ = 	snop  }
__scs_overlays_trampoline_lowered:
0x8: {  	[smem:$0x3FA1] =	sst s0  }
0x9: {  	[smem:$0x3FA2] =	sst s1  }
0xa: {  	[smem:$0x3FA3] =	sst s2  }
0xb: {  	[smem:$0x3FA4] =	sst s3  }
0xc: {  	[smem:$0x3FA5] =	sst s4  }
0xd: {  	[smem:$0x3FA6] =	sst s5  }
0xe: {  	[smem:$0x3FA7] =	sst s6  }
0xf: {  	[smem:$0x3FA8] =	sst s7  }
0x10: {  	[smem:$0x3FA9] =	sst s8  }
0x11: {  	[smem:$0x3FAA] =	sst s9;
	s0 =	simm.s32 @!p0 $0x0  }
0x12: {  	s1 =	sld [smem:$0x3F90];
	s0 =	simm.s32 @p0 $0x1  }
0x13: {  	[smem:$0x3FAB] =	sst s0;
	s0 =	simm.s32 @!p1 $0x0  }
0x14: {  	s2 =	sld [smem:$0x3F8F];
	s0 =	simm.s32 @p1 $0x1  }
0x15: {  	[smem:$0x3FAC] =	sst s0;
	s0 =	simm.s32 @!p2 $0x0  }
0x16: {  	s3 =	sld [smem:$0x3FDB];
	s0 =	simm.s32 @p2 $0x1  }
0x17: {  	s4 =	simm.s32 $0x1BF5;
	[smem:$0x3FAE] =	sst s0  }
0x18: {  	s0 =	sld [smem:$0x3F91];
	_ =	swait.ge [sflag:s4], $0x0  }
0x19: {  	s7 =	sld [smem:$0x3F92]  }
0x1a: {  	s8 =	sadd.s32 $0xFFFFE003, lr  }
0x1b: {  	s9 =	sadd.s32 $0xFFFFFEF7, lr;
	s5 =	simm.s32 $0xFFFFFFFF;
	p2 =	slt.u32 s8, $0xFFFFF086  }
0x1c: {  	p1 =	slt.u32 s9, $0xF7A;
	s5 =	simm.s32 @!p2 $0x0  }
0x1d: {  	s5 =	simm.s32 @p1 $0x1;
	p0 =	seq.s32 s7, s2  }
0x1e: {  	s7 =	smul.u32 @!p0 $0xF7A, s2;
	p2 =	seq.s32 @!p0 s5, $0x0  }
0x1f: {  	s9 =	smul.u32 $0xF7A, s1;
	s8 =	simm.s32 @!p0 $0x1BF5;
	p2 =	por !p2, p0  }
0x20: {  	[sflag:s8] =	ssyncset.s32 @!p0 $0xFFFFF086;
	s6 =	sadd.s32 @!p0 s3, s7;
	s7 =	simm.s32 @!p0 $0x108  }
0x21: {  	s3 =	sadd.s32 s3, s9;
	s6 =	sadd.s32 @!p0 $0x88, s6;
	s7 =	simm.s32 @p2 $0x1082  }
0x22: {  	[simem:s7], [sflag:s8] =	dma.local @!p0 [hbm:s6], $0xF7A  }
0x23: {  	s9 =	sor.u32 $0xD0000000, s2;
	s6 =	simm.s32 $0x108;
	_ =	swait.ge @!p0 [sflag:s8], $0x0  }
0x24: {  	s3 =	sadd.s32 $0x88, s3;
	s6 =	simm.s32 @!p1 $0x1082;
	[sflag:s4] =	ssyncset.s32 $0xFFFFF086  }
0x25: {  	[simem:s6], [sflag:s4] =	dma.local [hbm:s3], $0xF7A  }
0x26: {  	[smem:$0x3F92] =	sst s1;
	(tag) =	ssettag s2;
	_ =	strace s9  }
0x27: {  	s1 =	sld [smem:$0x3FA2]  }
0x28: {  	s2 =	sld [smem:$0x3FA3]  }
0x29: {  	s4 =	sld [smem:$0x3FA5]  }
0x2a: {  	p0 =	seq.s32 s5, $0x0;
	s5 =	sld [smem:$0x3FA6]  }
0x2b: {  	s6 =	sld [smem:$0x3FA7]  }
0x2c: {  	s7 =	sld [smem:$0x3FA8]  }
0x2d: {  	s3 =	simm.s32 $0x108;
	s8 =	sld [smem:$0x3FA9]  }
0x2e: {  	s3 =	simm.s32 @!p0 $0x1082;
	s9 =	sld [smem:$0x3FAA]  }
0x2f: {  	lr =	sadd.s32 s0, s3;
	s0 =	sld [smem:$0x3FA1]  }
0x30: {  	s3 =	sld [smem:$0x3FA4]  }
0x31: {  	[smem:$0x3FAD] =	sst s10  }
0x32: {  	s10 =	sld [smem:$0x3FAB];
	_ =	sdelay $0x3  }
0x33: {  	p0 =	seq.s32 s10, $0x1;
	s10 =	sld [smem:$0x3FAD];
	_ =	sdelay $0x3  }
0x34: {  	[smem:$0x3FAD] =	sst s10  }
0x35: {  	s10 =	sld [smem:$0x3FAC];
	_ =	sdelay $0x3  }
0x36: {  	p1 =	seq.s32 s10, $0x1;
	s10 =	sld [smem:$0x3FAD];
	_ =	sdelay $0x3  }
0x37: {  	[smem:$0x3FAD] =	sst s10  }
0x38: {  	s10 =	sld [smem:$0x3FAE]  }
0x39: {  	_ = 	snop;
	(pc) =	sbr.ind lr, $3  }
0x3a: {  	_ = 	snop  }
0x3b: {  	_ = 	snop  }
0x3c: {  	p2 =	seq.s32 s10, $0x1;
	s10 =	sld [smem:$0x3FAD]  }
0x3d: {  	_ =	shalt  }
0x3e: {  	_ =	shalt  }
0x3f: {  	_ =	shalt  }
0x40: {  	_ =	shalt  }
0x41: {  	_ =	shalt  }
0x42: {  	_ =	shalt  }
0x43: {  	_ =	shalt  }
0x44: {  	_ =	shalt  }
0x45: {  	_ =	shalt  }
0x46: {  	_ =	shalt  }
0x47: {  	_ =	shalt  }
0x48: {  	_ =	shalt  }
0x49: {  	_ =	shalt  }
0x4a: {  	_ =	shalt  }
0x4b: {  	_ =	shalt  }
0x4c: {  	_ =	shalt  }
0x4d: {  	_ =	shalt  }
0x4e: {  	_ =	shalt  }
0x4f: {  	_ =	shalt  }
0x50: {  	_ =	shalt  }
0x51: {  	_ =	shalt  }
0x52: {  	_ =	shalt  }
0x53: {  	_ =	shalt  }
0x54: {  	_ =	shalt  }
0x55: {  	_ =	shalt  }
0x56: {  	_ =	shalt  }
0x57: {  	_ =	shalt  }
0x58: {  	_ =	shalt  }
0x59: {  	_ =	shalt  }
0x5a: {  	_ =	shalt  }
0x5b: {  	_ =	shalt  }
0x5c: {  	_ =	shalt  }
0x5d: {  	_ =	shalt  }
0x5e: {  	_ =	shalt  }
0x5f: {  	_ =	shalt  }
0x60: {  	_ =	shalt  }
0x61: {  	_ =	shalt  }
0x62: {  	_ =	shalt  }
0x63: {  	_ =	shalt  }
0x64: {  	_ =	shalt  }
0x65: {  	_ =	shalt  }
0x66: {  	_ =	shalt  }
0x67: {  	_ =	shalt  }
0x68: {  	_ =	shalt  }
0x69: {  	_ =	shalt  }
0x6a: {  	_ =	shalt  }
0x6b: {  	_ =	shalt  }
0x6c: {  	_ =	shalt  }
0x6d: {  	_ =	shalt  }
0x6e: {  	_ =	shalt  }
0x6f: {  	_ =	shalt  }
0x70: {  	_ =	shalt  }
0x71: {  	_ =	shalt  }
0x72: {  	_ =	shalt  }
0x73: {  	_ =	shalt  }
0x74: {  	_ =	shalt  }
0x75: {  	_ =	shalt  }
0x76: {  	_ =	shalt  }
0x77: {  	_ =	shalt  }
0x78: {  	_ =	shalt  }
0x79: {  	_ =	shalt  }
0x7a: {  	_ =	shalt  }
0x7b: {  	_ =	shalt  }
0x7c: {  	_ =	shalt  }
0x7d: {  	_ =	shalt  }
0x7e: {  	_ =	shalt  }
0x7f: {  	_ =	shalt  }
0x80: {  	_ =	shalt  }
0x81: {  	_ =	shalt  }
0x82: {  	_ =	shalt  }
0x83: {  	_ =	shalt  }
0x84: {  	_ =	shalt  }
0x85: {  	_ =	shalt  }
0x86: {  	_ =	shalt  }
0x87: {  	_ =	shalt  }
.Lfunc_end0:
.L_simem_size_0:
called_computation.3_lowered:
.L_overlay_start_0:
0x88: {  	s2 =	sld [smem:$0x3FD9]  }
0x89: {  	s3 =	sld [smem:$0x3FFE];
	_ =	sdelay $0x1  }
0x8a: {  	s1 =	srdreg.scid  }
0x8b: {  	s0 =	sand.u32 $0x1, s1  }
0x8c: {  	s16 =	sshll.u32 s0, $0xA;
	s2 =	sadd.s32 s3, s2  }
0x8d: {  	s2 =	sadd.s32 s2, s16  }
0x8e: {  	[smem:$0x3FB9] =	sst s2  }
0x8f: {  	_ = 	snop  }
0x90: {  	(tm) =	ssettm $0x1  }
0x91: {  	s17 =	sld [smem:$0x3FFB];
	_ =	sdelay $0x3  }
0x92: {  	_ =	strace s17  }
0x93: {  	s2 =	sld [smem:$0x3FFC];
	_ =	sdelay $0x3  }
0x94: {  	_ =	strace s2  }
0x95: {  	s2 =	sld [smem:$0x3FFD];
	_ =	sdelay $0x3  }
0x96: {  	_ =	strace s2  }
0x97: {  	_ =	strace $0x8FFFFFFF  }
0x98: {  	s18 =	sld [smem:$0x3FDB];
	_ =	sdelay $0x1  }
0x99: {  	s19 =	simm.s32 $_scs_section_size  }
0x9a: {  	s4 =	simm.s32 $_size__tile_overlayer_lowered;
	s5 =	simm.s32 $_tile_overlayer_lowered  }
0x9b: {  	s22 =	simm.s32 $0x1BFF;
	s21 =	sshll.u32 s5, $0x1;
	s2 =	sadd.s32 s19, s18  }
0x9c: {  	s6 =	simm.s32 $0x0;
	s20 =	sshll.u32 s4, $0x1;
	s4 =	sadd.s32 s21, s2  }
0x9d: {  	[timem:s6], [sflag:s22] =	dma.local [hbm:s4], s20  }
0x9e: {  	_ =	swait.ge [sflag:s22], s20  }
0x9f: {  	s3 =	ssub.s32 $0x0, s20;
	[sflag:s22] =	ssyncset.done $0x0  }
0xa0: {  	[sflag:s22] =	ssyncadd.s32 s3;
	_ =	sdelay $0x1  }
0xa1: {  	s23 =	simm.s32 $0x1B8B  }
0xa2: {  	_ =	swait.ge [sflag:s23], $0x1  }
0xa3: {  	[sflag:s23] =	ssyncset.done $0x0  }
0xa4: {  	s25 =	simm.s32 $0x1B8E;
	s24 =	sld [smem:$0x3FFE];
	[sflag:s23] =	ssyncadd.s32 $0xFFFFFFFF  }
0xa5: {  	s26 =	simm.s32 $execute0_lowered;
	[smem:$0x3FD2] =	sst s25  }
0xa6: {  	s4 =	sshll.u32 s26, $0x1;
	_ =	strace $0x8000004F;
	[dreg:$0x1] =	wrdreg $0xFFFFFFFF  }
0xa7: {  	s28 =	simm.s32 $_size_execute0_lowered;
	s2 =	sadd.s32 s2, s4;
	[dreg:$0x0] =	wrdreg $0x0  }
0xa8: {  	s4 =	sshll.u32 s28, $0x1;
	[dreg:$0x2] =	wrdreg s2  }
0xa9: {  	[dreg:$0x3] =	wrdreg s4  }
0xaa: {  	[dreg:$0x4] =	wrdreg $0xC0  }
0xab: {  	_ =	task [dreg:s6], $0x5FFFF  }
0xac: {  	[dreg:$0x1] =	wrdreg $0xFFFFFFFF  }
0xad: {  	[dreg:$0x0] =	wrdreg $0x60  }
0xae: {  	[dreg:$0x2] =	wrdreg s24  }
0xaf: {  	[dreg:$0x3] =	wrdreg $0x13C400  }
0xb0: {  	[dreg:$0x4] =	wrdreg $0x9  }
0xb1: {  	_ =	task.clear_ibuf [dreg:s6], $0x5FFFF;
	_ =	strace $0x9000004F  }
0xb2: {  	s29 =	simm.s32 $0x9;
	_ =	strace $0x80000051  }
0xb3: {  	_ =	swait.ge [sflag:s29], $0x1  }
0xb4: {  	[sflag:s29] =	ssyncadd.s32 $0xFFFFFFFF  }
0xb5: {  	_ =	strace $0x90000051  }
0xb6: {  	_ =	sfence  }
0xb7: {  	s30 =	sld [smem:$0x0];
	_ =	sdelay $0x2  }
0xb8: {  	s31 =	sshll.u32 s1, $0xD;
	s1 =	sshrl.u32 s1, $0x2  }
0xb9: {  	s3 =	sand.u32 $0x4000, s31;
	s1 =	sadd.s32 s1, s30  }
0xba: {  	s0 =	sor.u32 s3, s0;
	s1 =	sshll.u32 s1, $0x11  }
0xbb: {  	s0 =	sor.u32 s1, s0  }
0xbc: {  	s0 =	sadd.s32 $0x8F2B, s0  }
0xbd: {  	[sflag:s0] =	ssyncadd.remote.s32 $0x1  }
0xbe: {  	_ =	sfence.sel $0xFFFF  }
0xbf: {  	[dreg:$0x0] =	wrdreg $0xFFFFFFFF;
	(pc) =	sbr.abs _section_cstart, $3  }
0xc0: {  	[dreg:$0x1] =	wrdreg $0xFFFFFFFF  }
0xc1: {  	_ =	task.clear_ibuf [dreg:s6], $0x2FFFF;
	_ =	strace $0x9FFFFFFF  }
0xc2: {  	(tm) =	ssettm $0x7FFFFFFF  }
0xc3: {  	_ =	shalt  }
tec
execute0_lowered:
.L_overlay_start_1:
0x0: {  	(tag) =	ssettag $0x1  }
0x1: {  	s0 =	rddreg [dreg:$0x0]  }
0x2: {  	s2 =	rddreg [dreg:$0x1];
	s7 =	stileid.u32  }
0x3: {  	s3 =	simm.s32 $0x0;
	s4 =	srdreg.scid;
	s14 =	simm.s32 $0xB  }
0x4: {  	s16 =	simm.s32 $0x7D;
	s18 =	simm.s32 $0xBF40;
	s20 =	simm.s32 $0xDE80  }
0x5: {  	s22 =	simm.s32 $0xFDC0;
	s28 =	simm.s32 $0x2;
	s29 =	simm.s32 $0x3  }
0x6: {  	s30 =	simm.s32 $0x4;
	s31 =	simm.s32 $0x5;
	s15 =	simm.s32 $0x7  }
0x7: {  	s17 =	simm.s32 $0x8;
	s19 =	simm.s32 $0x9;
	s1 =	smul.u32 $0xA00, s7  }
0x8: {  	s21 =	simm.s32 $0xA;
	[smem:$0x7FF] =	sst s3;
	s5 =	smul.u32 $0x28000, s7  }
0x9: {  	s4 =	sand.u32 $0x1, s4;
	s12 =	smul.u32 $0xA000, s7;
	_ =	strace $0x80000050  }
0xa: {  	s6 =	smul.u32 $0x14000, s4;
	s4 =	ssub.s32 $0x2, s4;
	s1 =	sadd.s32 s1, s0  }
0xb: {  	s5 =	sshrl.u32 s5, $0x2;
	s23 =	sshrl.u32 s4, $0x1;
	s26 =	sshrl.u32 s12, $0x3  }
0xc: {  	s0 =	sadd.s32 s6, s0;
	s5 =	sadd.s32 s5, s2;
	s13 =	ssub.s32 s4, s23  }
0xd: {  	s4 =	sadd.s32 s12, s2;
	s9 =	sadd.s32 $0xD200, s1;
	s10 =	sadd.s32 $0x3200, s1  }
0xe: {  	s23 =	simm.s32 $0x4F80;
	s24 =	sadd.s32 $0x2000, s5;
	s25 =	sadd.s32 $0x4000, s5  }
0xf: {  	s7 =	sadd.s32 $0x6000, s5;
	s8 =	sadd.s32 $0x8000, s5;
	s11 =	sadd.s32 $0x17200, s0  }
0x10: {  	s0 =	sadd.s32 $0x3F200, s0;
	s12 =	smax.u32 s13, $0x1;
	[dreg:$0x3] =	wrdreg s24  }
0x11: {  	s13 =	simm.s32 $0xA000;
	[dreg:$0x4] =	wrdreg s25;
	s24 =	sadd.s32 s26, s0  }
0x12: {  	v0 =	vimm.f32 $0.0e+00;
	s25 =	simm.s32 $0x11D00;
	s26 =	simm.s32 $0x1;
	s0 =	simm.s32 $0x6  }
.LBB2_1:
0x13: {  	s5 =	simm.s32 $0x100;
	s1 =	simm.s32 $0x0  }
.LBB2_2:
0x14: {  	p0 =	sne.s32 s5, $0x7F00;
	[tilespmem:s1+$0xA030] =	vst v0;
	s6 =	smov.u32 s5;
	s5 =	sadd.s32 $0x100, s5  }
.Ltmp0:
0x15: {  	[tilespmem:s1+$0xA020] =	vst v0;
	(pc) =	sbr.rel @p0 .LBB2_2-.Ltmp0, $3  }
0x16: {  	[tilespmem:s1+$0xA000] =	vst v0  }
0x17: {  	[tilespmem:s1+$0xA010] =	vst v0;
	_ =	sdelay $0x1  }
0x18: {  	s1 =	sshra.s32 s6, $0x2  }
0x19: {  	[tilespmem:s1+$0xA030] =	vst v0  }
0x1a: {  	[tilespmem:s1+$0xA020] =	vst v0  }
0x1b: {  	[tilespmem:s1+$0xA000] =	vst v0  }
0x1c: {  	[tilespmem:s1+$0xA010] =	vst v0  }
0x1d: {  	[spmem:s4] =	stream.linear.scatter [tilespmem:s13], [sflag:$0xB], $0x2000, $0x38;
	[tilespmem:$0x1DC40] =	vst v63  }
0x1e: {  	_ =	swait.ge [sflag:s14], $0x2000  }
0x1f: {  	[sflag:s14] =	ssyncset.done $0x0  }
0x20: {  	s6 =	rddreg [dreg:$0x3];
	[sflag:s14] =	ssyncadd.s32 $0xFFFFE000  }
0x21: {  	[spmem:s6] =	stream.linear.scatter [tilespmem:s13], [sflag:$0xB], $0x2000, $0x38;
	[tilespmem:$0x1DC40] =	vst v63  }
0x22: {  	_ =	swait.ge [sflag:s14], $0x2000  }
0x23: {  	[sflag:s14] =	ssyncset.done $0x0  }
0x24: {  	s5 =	rddreg [dreg:$0x4];
	[sflag:s14] =	ssyncadd.s32 $0xFFFFE000  }
0x25: {  	[spmem:s5] =	stream.linear.scatter [tilespmem:s13], [sflag:$0xB], $0x2000, $0x38;
	[tilespmem:$0x1DC40] =	vst v63  }
0x26: {  	_ =	swait.ge [sflag:s14], $0x2000  }
0x27: {  	[sflag:s14] =	ssyncset.done $0x0  }
0x28: {  	[sflag:s14] =	ssyncadd.s32 $0xFFFFE000  }
0x29: {  	[spmem:s7] =	stream.linear.scatter [tilespmem:s13], [sflag:$0xB], $0x2000, $0x38;
	[tilespmem:$0x1DC40] =	vst v63  }
0x2a: {  	_ =	swait.ge [sflag:s14], $0x2000  }
0x2b: {  	[sflag:s14] =	ssyncset.done $0x0  }
0x2c: {  	[sflag:s14] =	ssyncadd.s32 $0xFFFFE000  }
0x2d: {  	[spmem:s8] =	stream.linear.scatter [tilespmem:s13], [sflag:$0xB], $0x2000, $0x38;
	[tilespmem:$0x1DC40] =	vst v63  }
0x2e: {  	_ =	swait.ge [sflag:s14], $0x2000  }
0x2f: {  	[sflag:s14] =	ssyncset.done $0x0  }
0x30: {  	[sflag:s14] =	ssyncadd.s32 $0xFFFFE000  }
0x31: {  	s6 =	simm.s32 $0x0;
	[bflag:$0x0] =	sbarrier.arrive $0xFFFF  }
0x32: {  	[tilespmem:s6], [sflag:$0xB] =	stream.linear.gather [hbm4b:s9+s6], $0x5000, $0x38;
	[tilespmem:$0x1DC40] =	vst v63  }
0x33: {  	_ =	swait.ge [sflag:s14], $0x5000  }
0x34: {  	[sflag:s14] =	ssyncset.done $0x0  }
0x35: {  	s5 =	simm.s32 $0x5000;
	[sflag:s14] =	ssyncadd.s32 $0xFFFFB000  }
0x36: {  	[tilespmem:s5], [sflag:$0xB] =	stream.linear.gather [hbm4b:s10+s6], $0x5000, $0x38;
	[tilespmem:$0x1DC40] =	vst v63  }
0x37: {  	_ =	swait.ge [sflag:s14], $0x5000  }
0x38: {  	[sflag:s14] =	ssyncset.done $0x0  }
0x39: {  	[sflag:s14] =	ssyncadd.s32 $0xFFFFB000  }
0x3a: {  	[tilespmem:s13], [sflag:$0x1] =	stream.indirect.gather [hbm4b:s11+s16], $0x40, s6, s16, $0xb8;
	[tilespmem:$0x1DC40] =	vst v63  }
0x3b: {  	s6 =	simm.s32 $0x80  }
0x3c: {  	[tilespmem:s18], [sflag:$0x2] =	stream.indirect.gather [hbm4b:s11+s16], $0x40, s6, s16, $0xb8;
	[tilespmem:$0x1DC40] =	vst v63  }
0x3d: {  	s5 =	simm.s32 $0x100  }
0x3e: {  	[tilespmem:s20], [sflag:$0x3] =	stream.indirect.gather [hbm4b:s11+s16], $0x40, s5, s16, $0xb8;
	[tilespmem:$0x1DC40] =	vst v63  }
0x3f: {  	s6 =	simm.s32 $0x180  }
0x40: {  	[tilespmem:s22], [sflag:$0x4] =	stream.indirect.gather [hbm4b:s11+s16], $0x40, s6, s16, $0xb8;
	[tilespmem:$0x1DC40] =	vst v63  }
0x41: {  	s5 =	simm.s32 $0x200  }
0x42: {  	[tilespmem:s25], [sflag:$0x5] =	stream.indirect.gather [hbm4b:s11+s16], $0x40, s5, s16, $0xb8;
	[tilespmem:$0x1DC40] =	vst v63  }
0x43: {  	_ =	swait.ge [sflag:s26], $0x1F40  }
0x44: {  	[sflag:s26] =	ssyncset.done $0x0  }
0x45: {  	s6 =	simm.s32 $0x5000;
	[sflag:s26] =	ssyncadd.s32 $0xFFFFE0C0  }
0x46: {  	[spmem:s2] =	stream.indirect.scatter.add.f32 [tilespmem:s13], [sflag:$0x6], $0x40, s6, s16, $0xb8;
	[tilespmem:$0x1DC40] =	vst v63  }
0x47: {  	_ =	swait.ge [sflag:s28], $0x1F40  }
0x48: {  	[sflag:s28] =	ssyncset.done $0x0  }
0x49: {  	s5 =	simm.s32 $0x5080;
	[sflag:s28] =	ssyncadd.s32 $0xFFFFE0C0  }
0x4a: {  	[spmem:s2] =	stream.indirect.scatter.add.f32 [tilespmem:s18], [sflag:$0x7], $0x40, s5, s16, $0xb8;
	[tilespmem:$0x1DC40] =	vst v63  }
0x4b: {  	_ =	swait.ge [sflag:s29], $0x1F40  }
0x4c: {  	[sflag:s29] =	ssyncset.done $0x0  }
0x4d: {  	s6 =	simm.s32 $0x5100;
	[sflag:s29] =	ssyncadd.s32 $0xFFFFE0C0  }
0x4e: {  	[spmem:s2] =	stream.indirect.scatter.add.f32 [tilespmem:s20], [sflag:$0x8], $0x40, s6, s16, $0xb8;
	[tilespmem:$0x1DC40] =	vst v63  }
0x4f: {  	_ =	swait.ge [sflag:s30], $0x1F40  }
0x50: {  	[sflag:s30] =	ssyncset.done $0x0  }
0x51: {  	s5 =	simm.s32 $0x5180;
	[sflag:s30] =	ssyncadd.s32 $0xFFFFE0C0  }
0x52: {  	[spmem:s2] =	stream.indirect.scatter.add.f32 [tilespmem:s22], [sflag:$0x9], $0x40, s5, s16, $0xb8;
	[tilespmem:$0x1DC40] =	vst v63  }
0x53: {  	_ =	swait.ge [sflag:s31], $0x1F40  }
0x54: {  	[sflag:s31] =	ssyncset.done $0x0  }
0x55: {  	s6 =	simm.s32 $0x5200;
	[sflag:s31] =	ssyncadd.s32 $0xFFFFE0C0  }
0x56: {  	[spmem:s2] =	stream.indirect.scatter.add.f32 [tilespmem:s25], [sflag:$0xA], $0x40, s6, s16, $0xb8;
	[tilespmem:$0x1DC40] =	vst v63  }
0x57: {  	_ =	swait.ge [sflag:s0], $0x1F40  }
0x58: {  	[sflag:s0] =	ssyncset.done $0x0  }
0x59: {  	s5 =	simm.s32 $0x280;
	[sflag:s0] =	ssyncadd.s32 $0xFFFFE0C0  }
0x5a: {  	[tilespmem:s13], [sflag:$0x1] =	stream.indirect.gather [hbm4b:s11+s16], $0x40, s5, s16, $0xb8;
	[tilespmem:$0x1DC40] =	vst v63  }
0x5b: {  	_ =	swait.ge [sflag:s15], $0x1F40  }
0x5c: {  	[sflag:s15] =	ssyncset.done $0x0  }
0x5d: {  	s6 =	simm.s32 $0x300;
	[sflag:s15] =	ssyncadd.s32 $0xFFFFE0C0  }
0x5e: {  	[tilespmem:s18], [sflag:$0x2] =	stream.indirect.gather [hbm4b:s11+s16], $0x40, s6, s16, $0xb8;
	[tilespmem:$0x1DC40] =	vst v63  }
0x5f: {  	_ =	swait.ge [sflag:s17], $0x1F40  }
0x60: {  	[sflag:s17] =	ssyncset.done $0x0  }
0x61: {  	s5 =	simm.s32 $0x380;
	[sflag:s17] =	ssyncadd.s32 $0xFFFFE0C0  }
0x62: {  	[tilespmem:s20], [sflag:$0x3] =	stream.indirect.gather [hbm4b:s11+s16], $0x40, s5, s16, $0xb8;
	[tilespmem:$0x1DC40] =	vst v63  }
0x63: {  	_ =	swait.ge [sflag:s19], $0x1F40  }
0x64: {  	[sflag:s19] =	ssyncset.done $0x0  }
0x65: {  	s6 =	simm.s32 $0x400;
	[sflag:s19] =	ssyncadd.s32 $0xFFFFE0C0  }
0x66: {  	[tilespmem:s22], [sflag:$0x4] =	stream.indirect.gather [hbm4b:s11+s16], $0x40, s6, s16, $0xb8;
	[tilespmem:$0x1DC40] =	vst v63  }
0x67: {  	_ =	swait.ge [sflag:s21], $0x1F40  }
0x68: {  	[sflag:s21] =	ssyncset.done $0x0  }
0x69: {  	s1 =	simm.s32 $0xA00;
	s5 =	simm.s32 $0x480;
	[sflag:s21] =	ssyncadd.s32 $0xFFFFE0C0  }
.LBB2_4:
0x6a: {  	[tilespmem:s25], [sflag:$0x5] =	stream.indirect.gather [hbm4b:s11+s16], $0x40, s5, s16, $0xb8;
	[tilespmem:$0x1DC40] =	vst v63  }
0x6b: {  	s5 =	smov.u32 s1;
	s1 =	sadd.s32 $0xA00, s1;
	_ =	swait.ge [sflag:s26], $0x1F40  }
0x6c: {  	s5 =	sshra.s32 s5, $0x2;
	p0 =	sne.s32 s1, $0x12C00;
	[sflag:s26] =	ssyncset.done $0x0  }
0x6d: {  	s6 =	sadd.s32 $0x5000, s5;
	[sflag:s26] =	ssyncadd.s32 $0xFFFFE0C0  }
0x6e: {  	[spmem:s2] =	stream.indirect.scatter.add.f32 [tilespmem:s13], [sflag:$0x6], $0x40, s6, s16, $0xb8;
	[tilespmem:$0x1DC40] =	vst v63  }
0x6f: {  	_ =	swait.ge [sflag:s28], $0x1F40  }
0x70: {  	[sflag:s28] =	ssyncset.done $0x0  }
0x71: {  	s6 =	sadd.s32 $0x5080, s5;
	[sflag:s28] =	ssyncadd.s32 $0xFFFFE0C0  }
0x72: {  	[spmem:s2] =	stream.indirect.scatter.add.f32 [tilespmem:s18], [sflag:$0x7], $0x40, s6, s16, $0xb8;
	[tilespmem:$0x1DC40] =	vst v63  }
0x73: {  	_ =	swait.ge [sflag:s29], $0x1F40  }
0x74: {  	[sflag:s29] =	ssyncset.done $0x0  }
0x75: {  	s6 =	sadd.s32 $0x5100, s5;
	[sflag:s29] =	ssyncadd.s32 $0xFFFFE0C0  }
0x76: {  	[spmem:s2] =	stream.indirect.scatter.add.f32 [tilespmem:s20], [sflag:$0x8], $0x40, s6, s16, $0xb8;
	[tilespmem:$0x1DC40] =	vst v63  }
0x77: {  	_ =	swait.ge [sflag:s30], $0x1F40  }
0x78: {  	[sflag:s30] =	ssyncset.done $0x0  }
0x79: {  	s6 =	sadd.s32 $0x5180, s5;
	[sflag:s30] =	ssyncadd.s32 $0xFFFFE0C0  }
0x7a: {  	[spmem:s2] =	stream.indirect.scatter.add.f32 [tilespmem:s22], [sflag:$0x9], $0x40, s6, s16, $0xb8;
	[tilespmem:$0x1DC40] =	vst v63  }
0x7b: {  	_ =	swait.ge [sflag:s31], $0x1F40  }
0x7c: {  	[sflag:s31] =	ssyncset.done $0x0  }
0x7d: {  	s6 =	sadd.s32 $0x5200, s5;
	[sflag:s31] =	ssyncadd.s32 $0xFFFFE0C0  }
0x7e: {  	[spmem:s2] =	stream.indirect.scatter.add.f32 [tilespmem:s25], [sflag:$0xA], $0x40, s6, s16, $0xb8;
	[tilespmem:$0x1DC40] =	vst v63  }
0x7f: {  	_ =	swait.ge [sflag:s0], $0x1F40  }
0x80: {  	[sflag:s0] =	ssyncset.done $0x0  }
0x81: {  	s6 =	sadd.s32 $0x280, s5;
	[sflag:s0] =	ssyncadd.s32 $0xFFFFE0C0  }
0x82: {  	[tilespmem:s13], [sflag:$0x1] =	stream.indirect.gather [hbm4b:s11+s16], $0x40, s6, s16, $0xb8;
	[tilespmem:$0x1DC40] =	vst v63  }
0x83: {  	_ =	swait.ge [sflag:s15], $0x1F40  }
0x84: {  	[sflag:s15] =	ssyncset.done $0x0  }
0x85: {  	s6 =	sadd.s32 $0x300, s5;
	[sflag:s15] =	ssyncadd.s32 $0xFFFFE0C0  }
0x86: {  	[tilespmem:s18], [sflag:$0x2] =	stream.indirect.gather [hbm4b:s11+s16], $0x40, s6, s16, $0xb8;
	[tilespmem:$0x1DC40] =	vst v63  }
0x87: {  	_ =	swait.ge [sflag:s17], $0x1F40  }
0x88: {  	[sflag:s17] =	ssyncset.done $0x0  }
0x89: {  	s6 =	sadd.s32 $0x380, s5;
	[sflag:s17] =	ssyncadd.s32 $0xFFFFE0C0  }
0x8a: {  	[tilespmem:s20], [sflag:$0x3] =	stream.indirect.gather [hbm4b:s11+s16], $0x40, s6, s16, $0xb8;
	[tilespmem:$0x1DC40] =	vst v63  }
0x8b: {  	_ =	swait.ge [sflag:s19], $0x1F40  }
0x8c: {  	[sflag:s19] =	ssyncset.done $0x0  }
.Ltmp1:
0x8d: {  	s6 =	sadd.s32 $0x400, s5;
	[sflag:s19] =	ssyncadd.s32 $0xFFFFE0C0;
	(pc) =	sbr.rel @p0 .LBB2_4-.Ltmp1, $4  }
0x8e: {  	[tilespmem:s22], [sflag:$0x4] =	stream.indirect.gather [hbm4b:s11+s16], $0x40, s6, s16, $0xb8;
	[tilespmem:$0x1DC40] =	vst v63  }
0x8f: {  	_ =	swait.ge [sflag:s21], $0x1F40  }
0x90: {  	[sflag:s21] =	ssyncset.done $0x0  }
0x91: {  	s5 =	sadd.s32 $0x480, s5;
	[sflag:s21] =	ssyncadd.s32 $0xFFFFE0C0  }
0x92: {  	[tilespmem:s25], [sflag:$0x5] =	stream.indirect.gather [hbm4b:s11+s16], $0x40, s5, s16, $0xb8;
	[tilespmem:$0x1DC40] =	vst v63  }
0x93: {  	_ =	swait.ge [sflag:s26], $0x1F40  }
0x94: {  	s1 =	sshra.s32 s1, $0x2;
	[sflag:s26] =	ssyncset.done $0x0  }
0x95: {  	s6 =	sadd.s32 $0x5000, s1;
	[sflag:s26] =	ssyncadd.s32 $0xFFFFE0C0  }
0x96: {  	[spmem:s2] =	stream.indirect.scatter.add.f32 [tilespmem:s13], [sflag:$0x6], $0x40, s6, s16, $0xb8;
	[tilespmem:$0x1DC40] =	vst v63  }
0x97: {  	_ =	swait.ge [sflag:s28], $0x1F40  }
0x98: {  	[sflag:s28] =	ssyncset.done $0x0  }
0x99: {  	s6 =	sadd.s32 $0x5080, s1;
	[sflag:s28] =	ssyncadd.s32 $0xFFFFE0C0  }
0x9a: {  	[spmem:s2] =	stream.indirect.scatter.add.f32 [tilespmem:s18], [sflag:$0x7], $0x40, s6, s16, $0xb8;
	[tilespmem:$0x1DC40] =	vst v63  }
0x9b: {  	_ =	swait.ge [sflag:s29], $0x1F40  }
0x9c: {  	[sflag:s29] =	ssyncset.done $0x0  }
0x9d: {  	s6 =	sadd.s32 $0x5100, s1;
	[sflag:s29] =	ssyncadd.s32 $0xFFFFE0C0  }
0x9e: {  	[spmem:s2] =	stream.indirect.scatter.add.f32 [tilespmem:s20], [sflag:$0x8], $0x40, s6, s16, $0xb8;
	[tilespmem:$0x1DC40] =	vst v63  }
0x9f: {  	_ =	swait.ge [sflag:s30], $0x1F40  }
0xa0: {  	[sflag:s30] =	ssyncset.done $0x0  }
0xa1: {  	s6 =	sadd.s32 $0x5180, s1;
	[sflag:s30] =	ssyncadd.s32 $0xFFFFE0C0  }
0xa2: {  	[spmem:s2] =	stream.indirect.scatter.add.f32 [tilespmem:s22], [sflag:$0x9], $0x40, s6, s16, $0xb8;
	[tilespmem:$0x1DC40] =	vst v63  }
0xa3: {  	_ =	swait.ge [sflag:s31], $0x1F40  }
0xa4: {  	[sflag:s31] =	ssyncset.done $0x0  }
0xa5: {  	s1 =	sadd.s32 $0x5200, s1;
	[sflag:s31] =	ssyncadd.s32 $0xFFFFE0C0  }
0xa6: {  	[spmem:s2] =	stream.indirect.scatter.add.f32 [tilespmem:s25], [sflag:$0xA], $0x40, s1, s16, $0xb8;
	[tilespmem:$0x1DC40] =	vst v63  }
0xa7: {  	_ =	swait.ge [sflag:s0], $0x1F40  }
0xa8: {  	[sflag:s0] =	ssyncset.done $0x0  }
0xa9: {  	s6 =	simm.s32 $0x4D80;
	[sflag:s0] =	ssyncadd.s32 $0xFFFFE0C0  }
0xaa: {  	[tilespmem:s13], [sflag:$0x1] =	stream.indirect.gather [hbm4b:s11+s16], $0x40, s6, s16, $0xb8;
	[tilespmem:$0x1DC40] =	vst v63  }
0xab: {  	_ =	swait.ge [sflag:s15], $0x1F40  }
0xac: {  	[sflag:s15] =	ssyncset.done $0x0  }
0xad: {  	s5 =	simm.s32 $0x4E00;
	[sflag:s15] =	ssyncadd.s32 $0xFFFFE0C0  }
0xae: {  	[tilespmem:s18], [sflag:$0x2] =	stream.indirect.gather [hbm4b:s11+s16], $0x40, s5, s16, $0xb8;
	[tilespmem:$0x1DC40] =	vst v63  }
0xaf: {  	_ =	swait.ge [sflag:s17], $0x1F40  }
0xb0: {  	[sflag:s17] =	ssyncset.done $0x0  }
0xb1: {  	s6 =	simm.s32 $0x4E80;
	[sflag:s17] =	ssyncadd.s32 $0xFFFFE0C0  }
0xb2: {  	[tilespmem:s20], [sflag:$0x3] =	stream.indirect.gather [hbm4b:s11+s16], $0x40, s6, s16, $0xb8;
	[tilespmem:$0x1DC40] =	vst v63  }
0xb3: {  	_ =	swait.ge [sflag:s19], $0x1F40  }
0xb4: {  	[sflag:s19] =	ssyncset.done $0x0  }
0xb5: {  	s5 =	simm.s32 $0x4F00;
	[sflag:s19] =	ssyncadd.s32 $0xFFFFE0C0  }
0xb6: {  	[tilespmem:s22], [sflag:$0x4] =	stream.indirect.gather [hbm4b:s11+s16], $0x40, s5, s16, $0xb8;
	[tilespmem:$0x1DC40] =	vst v63  }
0xb7: {  	_ =	swait.ge [sflag:s21], $0x1F40  }
0xb8: {  	[sflag:s21] =	ssyncset.done $0x0  }
0xb9: {  	[sflag:s21] =	ssyncadd.s32 $0xFFFFE0C0  }
0xba: {  	[tilespmem:s25], [sflag:$0x5] =	stream.indirect.gather [hbm4b:s11+s16], $0x40, s23, s16, $0xb8;
	[tilespmem:$0x1DC40] =	vst v63  }
0xbb: {  	_ =	swait.ge [sflag:s26], $0x1F40  }
0xbc: {  	[sflag:s26] =	ssyncset.done $0x0  }
0xbd: {  	s6 =	simm.s32 $0x9D80;
	[sflag:s26] =	ssyncadd.s32 $0xFFFFE0C0  }
0xbe: {  	[spmem:s2] =	stream.indirect.scatter.add.f32 [tilespmem:s13], [sflag:$0x6], $0x40, s6, s16, $0xb8;
	[tilespmem:$0x1DC40] =	vst v63  }
0xbf: {  	_ =	swait.ge [sflag:s28], $0x1F40  }
0xc0: {  	[sflag:s28] =	ssyncset.done $0x0  }
0xc1: {  	s5 =	simm.s32 $0x9E00;
	[sflag:s28] =	ssyncadd.s32 $0xFFFFE0C0  }
0xc2: {  	[spmem:s2] =	stream.indirect.scatter.add.f32 [tilespmem:s18], [sflag:$0x7], $0x40, s5, s16, $0xb8;
	[tilespmem:$0x1DC40] =	vst v63  }
0xc3: {  	_ =	swait.ge [sflag:s29], $0x1F40  }
0xc4: {  	[sflag:s29] =	ssyncset.done $0x0  }
0xc5: {  	s6 =	simm.s32 $0x9E80;
	[sflag:s29] =	ssyncadd.s32 $0xFFFFE0C0  }
0xc6: {  	[spmem:s2] =	stream.indirect.scatter.add.f32 [tilespmem:s20], [sflag:$0x8], $0x40, s6, s16, $0xb8;
	[tilespmem:$0x1DC40] =	vst v63  }
0xc7: {  	_ =	swait.ge [sflag:s30], $0x1F40  }
0xc8: {  	[sflag:s30] =	ssyncset.done $0x0  }
0xc9: {  	s5 =	simm.s32 $0x9F00;
	[sflag:s30] =	ssyncadd.s32 $0xFFFFE0C0  }
0xca: {  	[spmem:s2] =	stream.indirect.scatter.add.f32 [tilespmem:s22], [sflag:$0x9], $0x40, s5, s16, $0xb8;
	[tilespmem:$0x1DC40] =	vst v63  }
0xcb: {  	_ =	swait.ge [sflag:s31], $0x1F40  }
0xcc: {  	[sflag:s31] =	ssyncset.done $0x0  }
0xcd: {  	s6 =	simm.s32 $0x9F80;
	[sflag:s31] =	ssyncadd.s32 $0xFFFFE0C0  }
0xce: {  	[spmem:s2] =	stream.indirect.scatter.add.f32 [tilespmem:s25], [sflag:$0xA], $0x40, s6, s16, $0xb8;
	[tilespmem:$0x1DC40] =	vst v63  }
0xcf: {  	_ =	swait.ge [sflag:s0], $0x1F40  }
0xd0: {  	[sflag:s0] =	ssyncset.done $0x0  }
0xd1: {  	[sflag:s0] =	ssyncadd.s32 $0xFFFFE0C0  }
0xd2: {  	[tilespmem:s13], [sflag:$0x1] =	stream.indirect.gather [hbm4b:s11+s16], $0x40, s23, s16, $0xb8;
	[tilespmem:$0x1DC40] =	vst v63  }
0xd3: {  	_ =	swait.ge [sflag:s15], $0x1F40  }
0xd4: {  	[sflag:s15] =	ssyncset.done $0x0  }
0xd5: {  	[sflag:s15] =	ssyncadd.s32 $0xFFFFE0C0  }
0xd6: {  	[tilespmem:s18], [sflag:$0x2] =	stream.indirect.gather [hbm4b:s11+s16], $0x40, s23, s16, $0xb8;
	[tilespmem:$0x1DC40] =	vst v63  }
0xd7: {  	_ =	swait.ge [sflag:s17], $0x1F40  }
0xd8: {  	[sflag:s17] =	ssyncset.done $0x0  }
0xd9: {  	[sflag:s17] =	ssyncadd.s32 $0xFFFFE0C0  }
0xda: {  	[tilespmem:s20], [sflag:$0x3] =	stream.indirect.gather [hbm4b:s11+s16], $0x40, s23, s16, $0xb8;
	[tilespmem:$0x1DC40] =	vst v63  }
0xdb: {  	_ =	swait.ge [sflag:s19], $0x1F40  }
0xdc: {  	[sflag:s19] =	ssyncset.done $0x0  }
0xdd: {  	[sflag:s19] =	ssyncadd.s32 $0xFFFFE0C0  }
0xde: {  	[tilespmem:s22], [sflag:$0x4] =	stream.indirect.gather [hbm4b:s11+s16], $0x40, s23, s16, $0xb8;
	[tilespmem:$0x1DC40] =	vst v63  }
0xdf: {  	_ =	swait.ge [sflag:s21], $0x1F40  }
0xe0: {  	[sflag:s21] =	ssyncset.done $0x0  }
0xe1: {  	[sflag:s21] =	ssyncadd.s32 $0xFFFFE0C0  }
0xe2: {  	[tilespmem:s25], [sflag:$0x5] =	stream.indirect.gather [hbm4b:s11+s16], $0x40, s23, s16, $0xb8;
	[tilespmem:$0x1DC40] =	vst v63  }
0xe3: {  	_ =	swait.ge [sflag:s26], $0x1F40  }
0xe4: {  	[sflag:s26] =	ssyncset.done $0x0  }
0xe5: {  	[sflag:s26] =	ssyncadd.s32 $0xFFFFE0C0  }
0xe6: {  	_ =	swait.ge [sflag:s28], $0x1F40  }
0xe7: {  	[sflag:s28] =	ssyncset.done $0x0  }
0xe8: {  	[sflag:s28] =	ssyncadd.s32 $0xFFFFE0C0  }
0xe9: {  	_ =	swait.ge [sflag:s29], $0x1F40  }
0xea: {  	[sflag:s29] =	ssyncset.done $0x0  }
0xeb: {  	[sflag:s29] =	ssyncadd.s32 $0xFFFFE0C0  }
0xec: {  	_ =	swait.ge [sflag:s30], $0x1F40  }
0xed: {  	[sflag:s30] =	ssyncset.done $0x0  }
0xee: {  	[sflag:s30] =	ssyncadd.s32 $0xFFFFE0C0  }
0xef: {  	s5 =	stileid.u32;
	_ =	swait.ge [sflag:s31], $0x1F40  }
0xf0: {  	s3 =	sadd.s32 $0x1, s3;
	s1 =	sshll.u32 s5, $0x6;
	[sflag:s31] =	ssyncset.done $0x0  }
0xf1: {  	p0 =	sne.s32 s3, s12;
	s1 =	sor.u32 $0x1C0B, s1;
	[sflag:s31] =	ssyncadd.s32 $0xFFFFE0C0  }
.Ltmp2:
0xf2: {  	s6 =	sshrl.u32 s4, $0x3;
	[bflag:$0x0] =	sbarrier.arrive $0xFFFF;
	(pc) =	sbr.rel @p0 .LBB2_1-.Ltmp2, $4  }
0xf3: {  	[hbm:s24], [sflag:s1] =	dma.local [spmem:s6], $0x1400  }
0xf4: {  	_ =	swait.ge [sflag:s14], $0x1400  }
0xf5: {  	[sflag:s14] =	ssyncset.done $0x0  }
0xf6: {  	[sflag:s14] =	ssyncadd.s32 $0xFFFFEC00  }
0xf7: {  	_ =	sfence.sel $0x180000  }
0xf8: {  	[bflag:$0x0] =	sbarrier.arrive $0xFFFF  }
0xf9: {  	_ =	strace $0x90000050  }
0xfa: {  	s0 =	stileid.u32;
	[bflag:$0x2] =	sbarrier.arrive $0xFFFF  }
0xfb: {  	p0 =	sne.s32 s0, $0x0;
	s0 =	rddreg [dreg:$0x2]  }
0xfc: {  	s0 =	sadd.s32 @!p0 $0x100000, s0  }
0xfd: {  	[sflag:s0] =	ssyncadd.tile.s32 @!p0 $0x1;
	_ =	shalt  }
.Lfunc_end2:
_tile_overlayer_lowered:
.L_overlay_start_2:
0xfe: {  	(tag) =	ssettag $0x2  }
0xff: {  	s0 =	rddreg [dreg:$0x0];
	s2 =	stileid.u32  }
0x100: {  	s1 =	rddreg [dreg:$0x1];
	p0 =	sne.s32 s2, $0x0  }
0x101: {  	s3 =	rddreg [dreg:$0x2];
	[bflag:$0x3] =	sbarrier.arrive $0xFFFF;
	s2 =	simm.s32 @!p0 $0x1C0B  }
0x102: {  	[timem:s3], [sflag:s2] =	dma.local @!p0 [hbm:s0], s1  }
0x103: {  	s0 =	simm.s32 @!p0 $0xB  }
0x104: {  	_ =	swait.ge @!p0 [sflag:s0], s1  }
0x105: {  	s1 =	ssub.s32 @!p0 $0x0, s1;
	[sflag:s0] =	ssyncset.done @!p0 $0x0  }
0x106: {  	[sflag:s0] =	ssyncadd.s32 @!p0 s1  }
0x107: {  	[bflag:$0x3] =	sbarrier.arrive $0xFFFF  }
0x108: {  	_ =	shalt  }

// kernel: kernel.23.cloned.1.call-start
scs
__scs_entry_jumppad:
0x0: {  	(pc) =	sbr.rel $0x88, $3  }
0x1: {  	(tag) =	ssettag $0x0;
	lr =	simm.s32 $0x1  }
0x2: {  	[smem:$0x3F92] =	sst lr;
	_ =	strace $0xD0000000  }
0x3: {  	_ = 	snop  }
0x4: {  	_ = 	snop  }
0x5: {  	_ = 	snop  }
0x6: {  	_ = 	snop  }
0x7: {  	_ = 	snop  }
__scs_overlays_trampoline_lowered:
0x8: {  	[smem:$0x3FA1] =	sst s0  }
0x9: {  	[smem:$0x3FA2] =	sst s1  }
0xa: {  	[smem:$0x3FA3] =	sst s2  }
0xb: {  	[smem:$0x3FA4] =	sst s3  }
0xc: {  	[smem:$0x3FA5] =	sst s4  }
0xd: {  	[smem:$0x3FA6] =	sst s5  }
0xe: {  	[smem:$0x3FA7] =	sst s6  }
0xf: {  	[smem:$0x3FA8] =	sst s7  }
0x10: {  	[smem:$0x3FA9] =	sst s8  }
0x11: {  	[smem:$0x3FAA] =	sst s9;
	s0 =	simm.s32 @!p0 $0x0  }
0x12: {  	s1 =	sld [smem:$0x3F90];
	s0 =	simm.s32 @p0 $0x1  }
0x13: {  	[smem:$0x3FAB] =	sst s0;
	s0 =	simm.s32 @!p1 $0x0  }
0x14: {  	s2 =	sld [smem:$0x3F8F];
	s0 =	simm.s32 @p1 $0x1  }
0x15: {  	[smem:$0x3FAC] =	sst s0;
	s0 =	simm.s32 @!p2 $0x0  }
0x16: {  	s3 =	sld [smem:$0x3FDB];
	s0 =	simm.s32 @p2 $0x1  }
0x17: {  	s4 =	simm.s32 $0x1BF5;
	[smem:$0x3FAE] =	sst s0  }
0x18: {  	s0 =	sld [smem:$0x3F91];
	_ =	swait.ge [sflag:s4], $0x0  }
0x19: {  	s7 =	sld [smem:$0x3F92]  }
0x1a: {  	s8 =	sadd.s32 $0xFFFFE003, lr  }
0x1b: {  	s9 =	sadd.s32 $0xFFFFFEF7, lr;
	s5 =	simm.s32 $0xFFFFFFFF;
	p2 =	slt.u32 s8, $0xFFFFF086  }
0x1c: {  	p1 =	slt.u32 s9, $0xF7A;
	s5 =	simm.s32 @!p2 $0x0  }
0x1d: {  	s5 =	simm.s32 @p1 $0x1;
	p0 =	seq.s32 s7, s2  }
0x1e: {  	s7 =	smul.u32 @!p0 $0xF7A, s2;
	p2 =	seq.s32 @!p0 s5, $0x0  }
0x1f: {  	s9 =	smul.u32 $0xF7A, s1;
	s8 =	simm.s32 @!p0 $0x1BF5;
	p2 =	por !p2, p0  }
0x20: {  	[sflag:s8] =	ssyncset.s32 @!p0 $0xFFFFF086;
	s6 =	sadd.s32 @!p0 s3, s7;
	s7 =	simm.s32 @!p0 $0x108  }
0x21: {  	s3 =	sadd.s32 s3, s9;
	s6 =	sadd.s32 @!p0 $0x88, s6;
	s7 =	simm.s32 @p2 $0x1082  }
0x22: {  	[simem:s7], [sflag:s8] =	dma.local @!p0 [hbm:s6], $0xF7A  }
0x23: {  	s9 =	sor.u32 $0xD0000000, s2;
	s6 =	simm.s32 $0x108;
	_ =	swait.ge @!p0 [sflag:s8], $0x0  }
0x24: {  	s3 =	sadd.s32 $0x88, s3;
	s6 =	simm.s32 @!p1 $0x1082;
	[sflag:s4] =	ssyncset.s32 $0xFFFFF086  }
0x25: {  	[simem:s6], [sflag:s4] =	dma.local [hbm:s3], $0xF7A  }
0x26: {  	[smem:$0x3F92] =	sst s1;
	(tag) =	ssettag s2;
	_ =	strace s9  }
0x27: {  	s1 =	sld [smem:$0x3FA2]  }
0x28: {  	s2 =	sld [smem:$0x3FA3]  }
0x29: {  	s4 =	sld [smem:$0x3FA5]  }
0x2a: {  	p0 =	seq.s32 s5, $0x0;
	s5 =	sld [smem:$0x3FA6]  }
0x2b: {  	s6 =	sld [smem:$0x3FA7]  }
0x2c: {  	s7 =	sld [smem:$0x3FA8]  }
0x2d: {  	s3 =	simm.s32 $0x108;
	s8 =	sld [smem:$0x3FA9]  }
0x2e: {  	s3 =	simm.s32 @!p0 $0x1082;
	s9 =	sld [smem:$0x3FAA]  }
0x2f: {  	lr =	sadd.s32 s0, s3;
	s0 =	sld [smem:$0x3FA1]  }
0x30: {  	s3 =	sld [smem:$0x3FA4]  }
0x31: {  	[smem:$0x3FAD] =	sst s10  }
0x32: {  	s10 =	sld [smem:$0x3FAB];
	_ =	sdelay $0x3  }
0x33: {  	p0 =	seq.s32 s10, $0x1;
	s10 =	sld [smem:$0x3FAD];
	_ =	sdelay $0x3  }
0x34: {  	[smem:$0x3FAD] =	sst s10  }
0x35: {  	s10 =	sld [smem:$0x3FAC];
	_ =	sdelay $0x3  }
0x36: {  	p1 =	seq.s32 s10, $0x1;
	s10 =	sld [smem:$0x3FAD];
	_ =	sdelay $0x3  }
0x37: {  	[smem:$0x3FAD] =	sst s10  }
0x38: {  	s10 =	sld [smem:$0x3FAE]  }
0x39: {  	_ = 	snop;
	(pc) =	sbr.ind lr, $3  }
0x3a: {  	_ = 	snop  }
0x3b: {  	_ = 	snop  }
0x3c: {  	p2 =	seq.s32 s10, $0x1;
	s10 =	sld [smem:$0x3FAD]  }
0x3d: {  	_ =	shalt  }
0x3e: {  	_ =	shalt  }
0x3f: {  	_ =	shalt  }
0x40: {  	_ =	shalt  }
0x41: {  	_ =	shalt  }
0x42: {  	_ =	shalt  }
0x43: {  	_ =	shalt  }
0x44: {  	_ =	shalt  }
0x45: {  	_ =	shalt  }
0x46: {  	_ =	shalt  }
0x47: {  	_ =	shalt  }
0x48: {  	_ =	shalt  }
0x49: {  	_ =	shalt  }
0x4a: {  	_ =	shalt  }
0x4b: {  	_ =	shalt  }
0x4c: {  	_ =	shalt  }
0x4d: {  	_ =	shalt  }
0x4e: {  	_ =	shalt  }
0x4f: {  	_ =	shalt  }
0x50: {  	_ =	shalt  }
0x51: {  	_ =	shalt  }
0x52: {  	_ =	shalt  }
0x53: {  	_ =	shalt  }
0x54: {  	_ =	shalt  }
0x55: {  	_ =	shalt  }
0x56: {  	_ =	shalt  }
0x57: {  	_ =	shalt  }
0x58: {  	_ =	shalt  }
0x59: {  	_ =	shalt  }
0x5a: {  	_ =	shalt  }
0x5b: {  	_ =	shalt  }
0x5c: {  	_ =	shalt  }
0x5d: {  	_ =	shalt  }
0x5e: {  	_ =	shalt  }
0x5f: {  	_ =	shalt  }
0x60: {  	_ =	shalt  }
0x61: {  	_ =	shalt  }
0x62: {  	_ =	shalt  }
0x63: {  	_ =	shalt  }
0x64: {  	_ =	shalt  }
0x65: {  	_ =	shalt  }
0x66: {  	_ =	shalt  }
0x67: {  	_ =	shalt  }
0x68: {  	_ =	shalt  }
0x69: {  	_ =	shalt  }
0x6a: {  	_ =	shalt  }
0x6b: {  	_ =	shalt  }
0x6c: {  	_ =	shalt  }
0x6d: {  	_ =	shalt  }
0x6e: {  	_ =	shalt  }
0x6f: {  	_ =	shalt  }
0x70: {  	_ =	shalt  }
0x71: {  	_ =	shalt  }
0x72: {  	_ =	shalt  }
0x73: {  	_ =	shalt  }
0x74: {  	_ =	shalt  }
0x75: {  	_ =	shalt  }
0x76: {  	_ =	shalt  }
0x77: {  	_ =	shalt  }
0x78: {  	_ =	shalt  }
0x79: {  	_ =	shalt  }
0x7a: {  	_ =	shalt  }
0x7b: {  	_ =	shalt  }
0x7c: {  	_ =	shalt  }
0x7d: {  	_ =	shalt  }
0x7e: {  	_ =	shalt  }
0x7f: {  	_ =	shalt  }
0x80: {  	_ =	shalt  }
0x81: {  	_ =	shalt  }
0x82: {  	_ =	shalt  }
0x83: {  	_ =	shalt  }
0x84: {  	_ =	shalt  }
0x85: {  	_ =	shalt  }
0x86: {  	_ =	shalt  }
0x87: {  	_ =	shalt  }
.Lfunc_end0:
.L_simem_size_0:
called_computation.4_lowered:
.L_overlay_start_0:
0x88: {  	s2 =	sld [smem:$0x3FD9]  }
0x89: {  	s3 =	sld [smem:$0x3FFE];
	_ =	sdelay $0x1  }
0x8a: {  	s1 =	srdreg.scid  }
0x8b: {  	s0 =	sand.u32 $0x1, s1  }
0x8c: {  	s16 =	sshll.u32 s0, $0xA;
	s2 =	sadd.s32 s3, s2  }
0x8d: {  	s2 =	sadd.s32 s2, s16  }
0x8e: {  	[smem:$0x3FB9] =	sst s2  }
0x8f: {  	_ = 	snop  }
0x90: {  	(tm) =	ssettm $0x1  }
0x91: {  	s17 =	sld [smem:$0x3FFB];
	_ =	sdelay $0x3  }
0x92: {  	_ =	strace s17  }
0x93: {  	s2 =	sld [smem:$0x3FFC];
	_ =	sdelay $0x3  }
0x94: {  	_ =	strace s2  }
0x95: {  	s2 =	sld [smem:$0x3FFD];
	_ =	sdelay $0x3  }
0x96: {  	_ =	strace s2  }
0x97: {  	_ =	strace $0x8FFFFFFF  }
0x98: {  	s18 =	sld [smem:$0x3FDB];
	_ =	sdelay $0x1  }
0x99: {  	s19 =	simm.s32 $_scs_section_size  }
0x9a: {  	s4 =	simm.s32 $_size__tile_overlayer_lowered;
	s5 =	simm.s32 $_tile_overlayer_lowered  }
0x9b: {  	s22 =	simm.s32 $0x1BFF;
	s21 =	sshll.u32 s5, $0x1;
	s2 =	sadd.s32 s19, s18  }
0x9c: {  	s6 =	simm.s32 $0x0;
	s20 =	sshll.u32 s4, $0x1;
	s4 =	sadd.s32 s21, s2  }
0x9d: {  	[timem:s6], [sflag:s22] =	dma.local [hbm:s4], s20  }
0x9e: {  	_ =	swait.ge [sflag:s22], s20  }
0x9f: {  	s3 =	ssub.s32 $0x0, s20;
	[sflag:s22] =	ssyncset.done $0x0  }
0xa0: {  	[sflag:s22] =	ssyncadd.s32 s3;
	_ =	sdelay $0x1  }
0xa1: {  	s23 =	simm.s32 $0x1B8B  }
0xa2: {  	_ =	swait.ge [sflag:s23], $0x1  }
0xa3: {  	[sflag:s23] =	ssyncset.done $0x0  }
0xa4: {  	s25 =	simm.s32 $0x1B8E;
	s24 =	sld [smem:$0x3FFE];
	[sflag:s23] =	ssyncadd.s32 $0xFFFFFFFF  }
0xa5: {  	s26 =	simm.s32 $execute0_lowered;
	[smem:$0x3FD2] =	sst s25  }
0xa6: {  	s4 =	sshll.u32 s26, $0x1;
	_ =	strace $0x80000052;
	[dreg:$0x1] =	wrdreg $0xFFFFFFFF  }
0xa7: {  	s28 =	simm.s32 $_size_execute0_lowered;
	s2 =	sadd.s32 s2, s4;
	[dreg:$0x0] =	wrdreg $0x0  }
0xa8: {  	s4 =	sshll.u32 s28, $0x1;
	[dreg:$0x2] =	wrdreg s2  }
0xa9: {  	[dreg:$0x3] =	wrdreg s4  }
0xaa: {  	[dreg:$0x4] =	wrdreg $0xC0  }
0xab: {  	_ =	task [dreg:s6], $0x5FFFF  }
0xac: {  	[dreg:$0x1] =	wrdreg $0xFFFFFFFF  }
0xad: {  	[dreg:$0x0] =	wrdreg $0x60  }
0xae: {  	[dreg:$0x2] =	wrdreg s24  }
0xaf: {  	[dreg:$0x3] =	wrdreg $0x13C400  }
0xb0: {  	[dreg:$0x4] =	wrdreg $0x9  }
0xb1: {  	_ =	task.clear_ibuf [dreg:s6], $0x5FFFF;
	_ =	strace $0x90000052  }
0xb2: {  	s29 =	simm.s32 $0x9;
	_ =	strace $0x80000054  }
0xb3: {  	_ =	swait.ge [sflag:s29], $0x1  }
0xb4: {  	[sflag:s29] =	ssyncadd.s32 $0xFFFFFFFF  }
0xb5: {  	_ =	strace $0x90000054  }
0xb6: {  	_ =	sfence  }
0xb7: {  	s30 =	sld [smem:$0x0];
	_ =	sdelay $0x2  }
0xb8: {  	s31 =	sshll.u32 s1, $0xD;
	s1 =	sshrl.u32 s1, $0x2  }
0xb9: {  	s3 =	sand.u32 $0x4000, s31;
	s1 =	sadd.s32 s1, s30  }
0xba: {  	s0 =	sor.u32 s3, s0;
	s1 =	sshll.u32 s1, $0x11  }
0xbb: {  	s0 =	sor.u32 s1, s0  }
0xbc: {  	s0 =	sadd.s32 $0x8F2B, s0  }
0xbd: {  	[sflag:s0] =	ssyncadd.remote.s32 $0x1  }
0xbe: {  	_ =	sfence.sel $0xFFFF  }
0xbf: {  	[dreg:$0x0] =	wrdreg $0xFFFFFFFF;
	(pc) =	sbr.abs _section_cstart, $3  }
0xc0: {  	[dreg:$0x1] =	wrdreg $0xFFFFFFFF  }
0xc1: {  	_ =	task.clear_ibuf [dreg:s6], $0x2FFFF;
	_ =	strace $0x9FFFFFFF  }
0xc2: {  	(tm) =	ssettm $0x7FFFFFFF  }
0xc3: {  	_ =	shalt  }
tec
execute0_lowered:
.L_overlay_start_1:
0x0: {  	(tag) =	ssettag $0x1  }
0x1: {  	s0 =	rddreg [dreg:$0x0]  }
0x2: {  	s2 =	rddreg [dreg:$0x1];
	s7 =	stileid.u32  }
0x3: {  	s3 =	simm.s32 $0x0;
	s4 =	srdreg.scid;
	s14 =	simm.s32 $0xB  }
0x4: {  	s16 =	simm.s32 $0x7D;
	s18 =	simm.s32 $0xBF40;
	s20 =	simm.s32 $0xDE80  }
0x5: {  	s22 =	simm.s32 $0xFDC0;
	s28 =	simm.s32 $0x2;
	s29 =	simm.s32 $0x3  }
0x6: {  	s30 =	simm.s32 $0x4;
	s31 =	simm.s32 $0x5;
	s15 =	simm.s32 $0x7  }
0x7: {  	s17 =	simm.s32 $0x8;
	s19 =	simm.s32 $0x9;
	s1 =	smul.u32 $0xA00, s7  }
0x8: {  	s21 =	simm.s32 $0xA;
	[smem:$0x7FF] =	sst s3;
	s5 =	smul.u32 $0x28000, s7  }
0x9: {  	s4 =	sand.u32 $0x1, s4;
	s12 =	smul.u32 $0xA000, s7;
	_ =	strace $0x80000053  }
0xa: {  	s6 =	smul.u32 $0x14000, s4;
	s4 =	ssub.s32 $0x2, s4;
	s1 =	sadd.s32 s1, s0  }
0xb: {  	s5 =	sshrl.u32 s5, $0x2;
	s23 =	sshrl.u32 s4, $0x1;
	s26 =	sshrl.u32 s12, $0x3  }
0xc: {  	s0 =	sadd.s32 s6, s0;
	s5 =	sadd.s32 s5, s2;
	s13 =	ssub.s32 s4, s23  }
0xd: {  	s4 =	sadd.s32 s12, s2;
	s9 =	sadd.s32 $0xD200, s1;
	s10 =	sadd.s32 $0x3200, s1  }
0xe: {  	s23 =	simm.s32 $0x4F80;
	s24 =	sadd.s32 $0x2000, s5;
	s25 =	sadd.s32 $0x4000, s5  }
0xf: {  	s7 =	sadd.s32 $0x6000, s5;
	s8 =	sadd.s32 $0x8000, s5;
	s11 =	sadd.s32 $0x17200, s0  }
0x10: {  	s0 =	sadd.s32 $0x3F200, s0;
	s12 =	smax.u32 s13, $0x1;
	[dreg:$0x3] =	wrdreg s24  }
0x11: {  	s13 =	simm.s32 $0xA000;
	[dreg:$0x4] =	wrdreg s25;
	s24 =	sadd.s32 s26, s0  }
0x12: {  	v0 =	vimm.f32 $0.0e+00;
	s25 =	simm.s32 $0x11D00;
	s26 =	simm.s32 $0x1;
	s0 =	simm.s32 $0x6  }
.LBB2_1:
0x13: {  	s5 =	simm.s32 $0x100;
	s1 =	simm.s32 $0x0  }
.LBB2_2:
0x14: {  	p0 =	sne.s32 s5, $0x7F00;
	[tilespmem:s1+$0xA030] =	vst v0;
	s6 =	smov.u32 s5;
	s5 =	sadd.s32 $0x100, s5  }
.Ltmp0:
0x15: {  	[tilespmem:s1+$0xA020] =	vst v0;
	(pc) =	sbr.rel @p0 .LBB2_2-.Ltmp0, $3  }
0x16: {  	[tilespmem:s1+$0xA000] =	vst v0  }
0x17: {  	[tilespmem:s1+$0xA010] =	vst v0;
	_ =	sdelay $0x1  }
0x18: {  	s1 =	sshra.s32 s6, $0x2  }
0x19: {  	[tilespmem:s1+$0xA030] =	vst v0  }
0x1a: {  	[tilespmem:s1+$0xA020] =	vst v0  }
0x1b: {  	[tilespmem:s1+$0xA000] =	vst v0  }
0x1c: {  	[tilespmem:s1+$0xA010] =	vst v0  }
0x1d: {  	[spmem:s4] =	stream.linear.scatter [tilespmem:s13], [sflag:$0xB], $0x2000, $0x38;
	[tilespmem:$0x1DC40] =	vst v63  }
0x1e: {  	_ =	swait.ge [sflag:s14], $0x2000  }
0x1f: {  	[sflag:s14] =	ssyncset.done $0x0  }
0x20: {  	s6 =	rddreg [dreg:$0x3];
	[sflag:s14] =	ssyncadd.s32 $0xFFFFE000  }
0x21: {  	[spmem:s6] =	stream.linear.scatter [tilespmem:s13], [sflag:$0xB], $0x2000, $0x38;
	[tilespmem:$0x1DC40] =	vst v63  }
0x22: {  	_ =	swait.ge [sflag:s14], $0x2000  }
0x23: {  	[sflag:s14] =	ssyncset.done $0x0  }
0x24: {  	s5 =	rddreg [dreg:$0x4];
	[sflag:s14] =	ssyncadd.s32 $0xFFFFE000  }
0x25: {  	[spmem:s5] =	stream.linear.scatter [tilespmem:s13], [sflag:$0xB], $0x2000, $0x38;
	[tilespmem:$0x1DC40] =	vst v63  }
0x26: {  	_ =	swait.ge [sflag:s14], $0x2000  }
0x27: {  	[sflag:s14] =	ssyncset.done $0x0  }
0x28: {  	[sflag:s14] =	ssyncadd.s32 $0xFFFFE000  }
0x29: {  	[spmem:s7] =	stream.linear.scatter [tilespmem:s13], [sflag:$0xB], $0x2000, $0x38;
	[tilespmem:$0x1DC40] =	vst v63  }
0x2a: {  	_ =	swait.ge [sflag:s14], $0x2000  }
0x2b: {  	[sflag:s14] =	ssyncset.done $0x0  }
0x2c: {  	[sflag:s14] =	ssyncadd.s32 $0xFFFFE000  }
0x2d: {  	[spmem:s8] =	stream.linear.scatter [tilespmem:s13], [sflag:$0xB], $0x2000, $0x38;
	[tilespmem:$0x1DC40] =	vst v63  }
0x2e: {  	_ =	swait.ge [sflag:s14], $0x2000  }
0x2f: {  	[sflag:s14] =	ssyncset.done $0x0  }
0x30: {  	[sflag:s14] =	ssyncadd.s32 $0xFFFFE000  }
0x31: {  	s6 =	simm.s32 $0x0;
	[bflag:$0x0] =	sbarrier.arrive $0xFFFF  }
0x32: {  	[tilespmem:s6], [sflag:$0xB] =	stream.linear.gather [hbm4b:s9+s6], $0x5000, $0x38;
	[tilespmem:$0x1DC40] =	vst v63  }
0x33: {  	_ =	swait.ge [sflag:s14], $0x5000  }
0x34: {  	[sflag:s14] =	ssyncset.done $0x0  }
0x35: {  	s5 =	simm.s32 $0x5000;
	[sflag:s14] =	ssyncadd.s32 $0xFFFFB000  }
0x36: {  	[tilespmem:s5], [sflag:$0xB] =	stream.linear.gather [hbm4b:s10+s6], $0x5000, $0x38;
	[tilespmem:$0x1DC40] =	vst v63  }
0x37: {  	_ =	swait.ge [sflag:s14], $0x5000  }
0x38: {  	[sflag:s14] =	ssyncset.done $0x0  }
0x39: {  	[sflag:s14] =	ssyncadd.s32 $0xFFFFB000  }
0x3a: {  	[tilespmem:s13], [sflag:$0x1] =	stream.indirect.gather [hbm4b:s11+s16], $0x40, s6, s16, $0xb8;
	[tilespmem:$0x1DC40] =	vst v63  }
0x3b: {  	s6 =	simm.s32 $0x80  }
0x3c: {  	[tilespmem:s18], [sflag:$0x2] =	stream.indirect.gather [hbm4b:s11+s16], $0x40, s6, s16, $0xb8;
	[tilespmem:$0x1DC40] =	vst v63  }
0x3d: {  	s5 =	simm.s32 $0x100  }
0x3e: {  	[tilespmem:s20], [sflag:$0x3] =	stream.indirect.gather [hbm4b:s11+s16], $0x40, s5, s16, $0xb8;
	[tilespmem:$0x1DC40] =	vst v63  }
0x3f: {  	s6 =	simm.s32 $0x180  }
0x40: {  	[tilespmem:s22], [sflag:$0x4] =	stream.indirect.gather [hbm4b:s11+s16], $0x40, s6, s16, $0xb8;
	[tilespmem:$0x1DC40] =	vst v63  }
0x41: {  	s5 =	simm.s32 $0x200  }
0x42: {  	[tilespmem:s25], [sflag:$0x5] =	stream.indirect.gather [hbm4b:s11+s16], $0x40, s5, s16, $0xb8;
	[tilespmem:$0x1DC40] =	vst v63  }
0x43: {  	_ =	swait.ge [sflag:s26], $0x1F40  }
0x44: {  	[sflag:s26] =	ssyncset.done $0x0  }
0x45: {  	s6 =	simm.s32 $0x5000;
	[sflag:s26] =	ssyncadd.s32 $0xFFFFE0C0  }
0x46: {  	[spmem:s2] =	stream.indirect.scatter.add.f32 [tilespmem:s13], [sflag:$0x6], $0x40, s6, s16, $0xb8;
	[tilespmem:$0x1DC40] =	vst v63  }
0x47: {  	_ =	swait.ge [sflag:s28], $0x1F40  }
0x48: {  	[sflag:s28] =	ssyncset.done $0x0  }
0x49: {  	s5 =	simm.s32 $0x5080;
	[sflag:s28] =	ssyncadd.s32 $0xFFFFE0C0  }
0x4a: {  	[spmem:s2] =	stream.indirect.scatter.add.f32 [tilespmem:s18], [sflag:$0x7], $0x40, s5, s16, $0xb8;
	[tilespmem:$0x1DC40] =	vst v63  }
0x4b: {  	_ =	swait.ge [sflag:s29], $0x1F40  }
0x4c: {  	[sflag:s29] =	ssyncset.done $0x0  }
0x4d: {  	s6 =	simm.s32 $0x5100;
	[sflag:s29] =	ssyncadd.s32 $0xFFFFE0C0  }
0x4e: {  	[spmem:s2] =	stream.indirect.scatter.add.f32 [tilespmem:s20], [sflag:$0x8], $0x40, s6, s16, $0xb8;
	[tilespmem:$0x1DC40] =	vst v63  }
0x4f: {  	_ =	swait.ge [sflag:s30], $0x1F40  }
0x50: {  	[sflag:s30] =	ssyncset.done $0x0  }
0x51: {  	s5 =	simm.s32 $0x5180;
	[sflag:s30] =	ssyncadd.s32 $0xFFFFE0C0  }
0x52: {  	[spmem:s2] =	stream.indirect.scatter.add.f32 [tilespmem:s22], [sflag:$0x9], $0x40, s5, s16, $0xb8;
	[tilespmem:$0x1DC40] =	vst v63  }
0x53: {  	_ =	swait.ge [sflag:s31], $0x1F40  }
0x54: {  	[sflag:s31] =	ssyncset.done $0x0  }
0x55: {  	s6 =	simm.s32 $0x5200;
	[sflag:s31] =	ssyncadd.s32 $0xFFFFE0C0  }
0x56: {  	[spmem:s2] =	stream.indirect.scatter.add.f32 [tilespmem:s25], [sflag:$0xA], $0x40, s6, s16, $0xb8;
	[tilespmem:$0x1DC40] =	vst v63  }
0x57: {  	_ =	swait.ge [sflag:s0], $0x1F40  }
0x58: {  	[sflag:s0] =	ssyncset.done $0x0  }
0x59: {  	s5 =	simm.s32 $0x280;
	[sflag:s0] =	ssyncadd.s32 $0xFFFFE0C0  }
0x5a: {  	[tilespmem:s13], [sflag:$0x1] =	stream.indirect.gather [hbm4b:s11+s16], $0x40, s5, s16, $0xb8;
	[tilespmem:$0x1DC40] =	vst v63  }
0x5b: {  	_ =	swait.ge [sflag:s15], $0x1F40  }
0x5c: {  	[sflag:s15] =	ssyncset.done $0x0  }
0x5d: {  	s6 =	simm.s32 $0x300;
	[sflag:s15] =	ssyncadd.s32 $0xFFFFE0C0  }
0x5e: {  	[tilespmem:s18], [sflag:$0x2] =	stream.indirect.gather [hbm4b:s11+s16], $0x40, s6, s16, $0xb8;
	[tilespmem:$0x1DC40] =	vst v63  }
0x5f: {  	_ =	swait.ge [sflag:s17], $0x1F40  }
0x60: {  	[sflag:s17] =	ssyncset.done $0x0  }
0x61: {  	s5 =	simm.s32 $0x380;
	[sflag:s17] =	ssyncadd.s32 $0xFFFFE0C0  }
0x62: {  	[tilespmem:s20], [sflag:$0x3] =	stream.indirect.gather [hbm4b:s11+s16], $0x40, s5, s16, $0xb8;
	[tilespmem:$0x1DC40] =	vst v63  }
0x63: {  	_ =	swait.ge [sflag:s19], $0x1F40  }
0x64: {  	[sflag:s19] =	ssyncset.done $0x0  }
0x65: {  	s6 =	simm.s32 $0x400;
	[sflag:s19] =	ssyncadd.s32 $0xFFFFE0C0  }
0x66: {  	[tilespmem:s22], [sflag:$0x4] =	stream.indirect.gather [hbm4b:s11+s16], $0x40, s6, s16, $0xb8;
	[tilespmem:$0x1DC40] =	vst v63  }
0x67: {  	_ =	swait.ge [sflag:s21], $0x1F40  }
0x68: {  	[sflag:s21] =	ssyncset.done $0x0  }
0x69: {  	s1 =	simm.s32 $0xA00;
	s5 =	simm.s32 $0x480;
	[sflag:s21] =	ssyncadd.s32 $0xFFFFE0C0  }
.LBB2_4:
0x6a: {  	[tilespmem:s25], [sflag:$0x5] =	stream.indirect.gather [hbm4b:s11+s16], $0x40, s5, s16, $0xb8;
	[tilespmem:$0x1DC40] =	vst v63  }
0x6b: {  	s5 =	smov.u32 s1;
	s1 =	sadd.s32 $0xA00, s1;
	_ =	swait.ge [sflag:s26], $0x1F40  }
0x6c: {  	s5 =	sshra.s32 s5, $0x2;
	p0 =	sne.s32 s1, $0x12C00;
	[sflag:s26] =	ssyncset.done $0x0  }
0x6d: {  	s6 =	sadd.s32 $0x5000, s5;
	[sflag:s26] =	ssyncadd.s32 $0xFFFFE0C0  }
0x6e: {  	[spmem:s2] =	stream.indirect.scatter.add.f32 [tilespmem:s13], [sflag:$0x6], $0x40, s6, s16, $0xb8;
	[tilespmem:$0x1DC40] =	vst v63  }
0x6f: {  	_ =	swait.ge [sflag:s28], $0x1F40  }
0x70: {  	[sflag:s28] =	ssyncset.done $0x0  }
0x71: {  	s6 =	sadd.s32 $0x5080, s5;
	[sflag:s28] =	ssyncadd.s32 $0xFFFFE0C0  }
0x72: {  	[spmem:s2] =	stream.indirect.scatter.add.f32 [tilespmem:s18], [sflag:$0x7], $0x40, s6, s16, $0xb8;
	[tilespmem:$0x1DC40] =	vst v63  }
0x73: {  	_ =	swait.ge [sflag:s29], $0x1F40  }
0x74: {  	[sflag:s29] =	ssyncset.done $0x0  }
0x75: {  	s6 =	sadd.s32 $0x5100, s5;
	[sflag:s29] =	ssyncadd.s32 $0xFFFFE0C0  }
0x76: {  	[spmem:s2] =	stream.indirect.scatter.add.f32 [tilespmem:s20], [sflag:$0x8], $0x40, s6, s16, $0xb8;
	[tilespmem:$0x1DC40] =	vst v63  }
0x77: {  	_ =	swait.ge [sflag:s30], $0x1F40  }
0x78: {  	[sflag:s30] =	ssyncset.done $0x0  }
0x79: {  	s6 =	sadd.s32 $0x5180, s5;
	[sflag:s30] =	ssyncadd.s32 $0xFFFFE0C0  }
0x7a: {  	[spmem:s2] =	stream.indirect.scatter.add.f32 [tilespmem:s22], [sflag:$0x9], $0x40, s6, s16, $0xb8;
	[tilespmem:$0x1DC40] =	vst v63  }
0x7b: {  	_ =	swait.ge [sflag:s31], $0x1F40  }
0x7c: {  	[sflag:s31] =	ssyncset.done $0x0  }
0x7d: {  	s6 =	sadd.s32 $0x5200, s5;
	[sflag:s31] =	ssyncadd.s32 $0xFFFFE0C0  }
0x7e: {  	[spmem:s2] =	stream.indirect.scatter.add.f32 [tilespmem:s25], [sflag:$0xA], $0x40, s6, s16, $0xb8;
	[tilespmem:$0x1DC40] =	vst v63  }
0x7f: {  	_ =	swait.ge [sflag:s0], $0x1F40  }
0x80: {  	[sflag:s0] =	ssyncset.done $0x0  }
0x81: {  	s6 =	sadd.s32 $0x280, s5;
	[sflag:s0] =	ssyncadd.s32 $0xFFFFE0C0  }
0x82: {  	[tilespmem:s13], [sflag:$0x1] =	stream.indirect.gather [hbm4b:s11+s16], $0x40, s6, s16, $0xb8;
	[tilespmem:$0x1DC40] =	vst v63  }
0x83: {  	_ =	swait.ge [sflag:s15], $0x1F40  }
0x84: {  	[sflag:s15] =	ssyncset.done $0x0  }
0x85: {  	s6 =	sadd.s32 $0x300, s5;
	[sflag:s15] =	ssyncadd.s32 $0xFFFFE0C0  }
0x86: {  	[tilespmem:s18], [sflag:$0x2] =	stream.indirect.gather [hbm4b:s11+s16], $0x40, s6, s16, $0xb8;
	[tilespmem:$0x1DC40] =	vst v63  }
0x87: {  	_ =	swait.ge [sflag:s17], $0x1F40  }
0x88: {  	[sflag:s17] =	ssyncset.done $0x0  }
0x89: {  	s6 =	sadd.s32 $0x380, s5;
	[sflag:s17] =	ssyncadd.s32 $0xFFFFE0C0  }
0x8a: {  	[tilespmem:s20], [sflag:$0x3] =	stream.indirect.gather [hbm4b:s11+s16], $0x40, s6, s16, $0xb8;
	[tilespmem:$0x1DC40] =	vst v63  }
0x8b: {  	_ =	swait.ge [sflag:s19], $0x1F40  }
0x8c: {  	[sflag:s19] =	ssyncset.done $0x0  }
.Ltmp1:
0x8d: {  	s6 =	sadd.s32 $0x400, s5;
	[sflag:s19] =	ssyncadd.s32 $0xFFFFE0C0;
	(pc) =	sbr.rel @p0 .LBB2_4-.Ltmp1, $4  }
0x8e: {  	[tilespmem:s22], [sflag:$0x4] =	stream.indirect.gather [hbm4b:s11+s16], $0x40, s6, s16, $0xb8;
	[tilespmem:$0x1DC40] =	vst v63  }
0x8f: {  	_ =	swait.ge [sflag:s21], $0x1F40  }
0x90: {  	[sflag:s21] =	ssyncset.done $0x0  }
0x91: {  	s5 =	sadd.s32 $0x480, s5;
	[sflag:s21] =	ssyncadd.s32 $0xFFFFE0C0  }
0x92: {  	[tilespmem:s25], [sflag:$0x5] =	stream.indirect.gather [hbm4b:s11+s16], $0x40, s5, s16, $0xb8;
	[tilespmem:$0x1DC40] =	vst v63  }
0x93: {  	_ =	swait.ge [sflag:s26], $0x1F40  }
0x94: {  	s1 =	sshra.s32 s1, $0x2;
	[sflag:s26] =	ssyncset.done $0x0  }
0x95: {  	s6 =	sadd.s32 $0x5000, s1;
	[sflag:s26] =	ssyncadd.s32 $0xFFFFE0C0  }
0x96: {  	[spmem:s2] =	stream.indirect.scatter.add.f32 [tilespmem:s13], [sflag:$0x6], $0x40, s6, s16, $0xb8;
	[tilespmem:$0x1DC40] =	vst v63  }
0x97: {  	_ =	swait.ge [sflag:s28], $0x1F40  }
0x98: {  	[sflag:s28] =	ssyncset.done $0x0  }
0x99: {  	s6 =	sadd.s32 $0x5080, s1;
	[sflag:s28] =	ssyncadd.s32 $0xFFFFE0C0  }
0x9a: {  	[spmem:s2] =	stream.indirect.scatter.add.f32 [tilespmem:s18], [sflag:$0x7], $0x40, s6, s16, $0xb8;
	[tilespmem:$0x1DC40] =	vst v63  }
0x9b: {  	_ =	swait.ge [sflag:s29], $0x1F40  }
0x9c: {  	[sflag:s29] =	ssyncset.done $0x0  }
0x9d: {  	s6 =	sadd.s32 $0x5100, s1;
	[sflag:s29] =	ssyncadd.s32 $0xFFFFE0C0  }
0x9e: {  	[spmem:s2] =	stream.indirect.scatter.add.f32 [tilespmem:s20], [sflag:$0x8], $0x40, s6, s16, $0xb8;
	[tilespmem:$0x1DC40] =	vst v63  }
0x9f: {  	_ =	swait.ge [sflag:s30], $0x1F40  }
0xa0: {  	[sflag:s30] =	ssyncset.done $0x0  }
0xa1: {  	s6 =	sadd.s32 $0x5180, s1;
	[sflag:s30] =	ssyncadd.s32 $0xFFFFE0C0  }
0xa2: {  	[spmem:s2] =	stream.indirect.scatter.add.f32 [tilespmem:s22], [sflag:$0x9], $0x40, s6, s16, $0xb8;
	[tilespmem:$0x1DC40] =	vst v63  }
0xa3: {  	_ =	swait.ge [sflag:s31], $0x1F40  }
0xa4: {  	[sflag:s31] =	ssyncset.done $0x0  }
0xa5: {  	s1 =	sadd.s32 $0x5200, s1;
	[sflag:s31] =	ssyncadd.s32 $0xFFFFE0C0  }
0xa6: {  	[spmem:s2] =	stream.indirect.scatter.add.f32 [tilespmem:s25], [sflag:$0xA], $0x40, s1, s16, $0xb8;
	[tilespmem:$0x1DC40] =	vst v63  }
0xa7: {  	_ =	swait.ge [sflag:s0], $0x1F40  }
0xa8: {  	[sflag:s0] =	ssyncset.done $0x0  }
0xa9: {  	s6 =	simm.s32 $0x4D80;
	[sflag:s0] =	ssyncadd.s32 $0xFFFFE0C0  }
0xaa: {  	[tilespmem:s13], [sflag:$0x1] =	stream.indirect.gather [hbm4b:s11+s16], $0x40, s6, s16, $0xb8;
	[tilespmem:$0x1DC40] =	vst v63  }
0xab: {  	_ =	swait.ge [sflag:s15], $0x1F40  }
0xac: {  	[sflag:s15] =	ssyncset.done $0x0  }
0xad: {  	s5 =	simm.s32 $0x4E00;
	[sflag:s15] =	ssyncadd.s32 $0xFFFFE0C0  }
0xae: {  	[tilespmem:s18], [sflag:$0x2] =	stream.indirect.gather [hbm4b:s11+s16], $0x40, s5, s16, $0xb8;
	[tilespmem:$0x1DC40] =	vst v63  }
0xaf: {  	_ =	swait.ge [sflag:s17], $0x1F40  }
0xb0: {  	[sflag:s17] =	ssyncset.done $0x0  }
0xb1: {  	s6 =	simm.s32 $0x4E80;
	[sflag:s17] =	ssyncadd.s32 $0xFFFFE0C0  }
0xb2: {  	[tilespmem:s20], [sflag:$0x3] =	stream.indirect.gather [hbm4b:s11+s16], $0x40, s6, s16, $0xb8;
	[tilespmem:$0x1DC40] =	vst v63  }
0xb3: {  	_ =	swait.ge [sflag:s19], $0x1F40  }
0xb4: {  	[sflag:s19] =	ssyncset.done $0x0  }
0xb5: {  	s5 =	simm.s32 $0x4F00;
	[sflag:s19] =	ssyncadd.s32 $0xFFFFE0C0  }
0xb6: {  	[tilespmem:s22], [sflag:$0x4] =	stream.indirect.gather [hbm4b:s11+s16], $0x40, s5, s16, $0xb8;
	[tilespmem:$0x1DC40] =	vst v63  }
0xb7: {  	_ =	swait.ge [sflag:s21], $0x1F40  }
0xb8: {  	[sflag:s21] =	ssyncset.done $0x0  }
0xb9: {  	[sflag:s21] =	ssyncadd.s32 $0xFFFFE0C0  }
0xba: {  	[tilespmem:s25], [sflag:$0x5] =	stream.indirect.gather [hbm4b:s11+s16], $0x40, s23, s16, $0xb8;
	[tilespmem:$0x1DC40] =	vst v63  }
0xbb: {  	_ =	swait.ge [sflag:s26], $0x1F40  }
0xbc: {  	[sflag:s26] =	ssyncset.done $0x0  }
0xbd: {  	s6 =	simm.s32 $0x9D80;
	[sflag:s26] =	ssyncadd.s32 $0xFFFFE0C0  }
0xbe: {  	[spmem:s2] =	stream.indirect.scatter.add.f32 [tilespmem:s13], [sflag:$0x6], $0x40, s6, s16, $0xb8;
	[tilespmem:$0x1DC40] =	vst v63  }
0xbf: {  	_ =	swait.ge [sflag:s28], $0x1F40  }
0xc0: {  	[sflag:s28] =	ssyncset.done $0x0  }
0xc1: {  	s5 =	simm.s32 $0x9E00;
	[sflag:s28] =	ssyncadd.s32 $0xFFFFE0C0  }
0xc2: {  	[spmem:s2] =	stream.indirect.scatter.add.f32 [tilespmem:s18], [sflag:$0x7], $0x40, s5, s16, $0xb8;
	[tilespmem:$0x1DC40] =	vst v63  }
0xc3: {  	_ =	swait.ge [sflag:s29], $0x1F40  }
0xc4: {  	[sflag:s29] =	ssyncset.done $0x0  }
0xc5: {  	s6 =	simm.s32 $0x9E80;
	[sflag:s29] =	ssyncadd.s32 $0xFFFFE0C0  }
0xc6: {  	[spmem:s2] =	stream.indirect.scatter.add.f32 [tilespmem:s20], [sflag:$0x8], $0x40, s6, s16, $0xb8;
	[tilespmem:$0x1DC40] =	vst v63  }
0xc7: {  	_ =	swait.ge [sflag:s30], $0x1F40  }
0xc8: {  	[sflag:s30] =	ssyncset.done $0x0  }
0xc9: {  	s5 =	simm.s32 $0x9F00;
	[sflag:s30] =	ssyncadd.s32 $0xFFFFE0C0  }
0xca: {  	[spmem:s2] =	stream.indirect.scatter.add.f32 [tilespmem:s22], [sflag:$0x9], $0x40, s5, s16, $0xb8;
	[tilespmem:$0x1DC40] =	vst v63  }
0xcb: {  	_ =	swait.ge [sflag:s31], $0x1F40  }
0xcc: {  	[sflag:s31] =	ssyncset.done $0x0  }
0xcd: {  	s6 =	simm.s32 $0x9F80;
	[sflag:s31] =	ssyncadd.s32 $0xFFFFE0C0  }
0xce: {  	[spmem:s2] =	stream.indirect.scatter.add.f32 [tilespmem:s25], [sflag:$0xA], $0x40, s6, s16, $0xb8;
	[tilespmem:$0x1DC40] =	vst v63  }
0xcf: {  	_ =	swait.ge [sflag:s0], $0x1F40  }
0xd0: {  	[sflag:s0] =	ssyncset.done $0x0  }
0xd1: {  	[sflag:s0] =	ssyncadd.s32 $0xFFFFE0C0  }
0xd2: {  	[tilespmem:s13], [sflag:$0x1] =	stream.indirect.gather [hbm4b:s11+s16], $0x40, s23, s16, $0xb8;
	[tilespmem:$0x1DC40] =	vst v63  }
0xd3: {  	_ =	swait.ge [sflag:s15], $0x1F40  }
0xd4: {  	[sflag:s15] =	ssyncset.done $0x0  }
0xd5: {  	[sflag:s15] =	ssyncadd.s32 $0xFFFFE0C0  }
0xd6: {  	[tilespmem:s18], [sflag:$0x2] =	stream.indirect.gather [hbm4b:s11+s16], $0x40, s23, s16, $0xb8;
	[tilespmem:$0x1DC40] =	vst v63  }
0xd7: {  	_ =	swait.ge [sflag:s17], $0x1F40  }
0xd8: {  	[sflag:s17] =	ssyncset.done $0x0  }
0xd9: {  	[sflag:s17] =	ssyncadd.s32 $0xFFFFE0C0  }
0xda: {  	[tilespmem:s20], [sflag:$0x3] =	stream.indirect.gather [hbm4b:s11+s16], $0x40, s23, s16, $0xb8;
	[tilespmem:$0x1DC40] =	vst v63  }
0xdb: {  	_ =	swait.ge [sflag:s19], $0x1F40  }
0xdc: {  	[sflag:s19] =	ssyncset.done $0x0  }
0xdd: {  	[sflag:s19] =	ssyncadd.s32 $0xFFFFE0C0  }
0xde: {  	[tilespmem:s22], [sflag:$0x4] =	stream.indirect.gather [hbm4b:s11+s16], $0x40, s23, s16, $0xb8;
	[tilespmem:$0x1DC40] =	vst v63  }
0xdf: {  	_ =	swait.ge [sflag:s21], $0x1F40  }
0xe0: {  	[sflag:s21] =	ssyncset.done $0x0  }
0xe1: {  	[sflag:s21] =	ssyncadd.s32 $0xFFFFE0C0  }
0xe2: {  	[tilespmem:s25], [sflag:$0x5] =	stream.indirect.gather [hbm4b:s11+s16], $0x40, s23, s16, $0xb8;
	[tilespmem:$0x1DC40] =	vst v63  }
0xe3: {  	_ =	swait.ge [sflag:s26], $0x1F40  }
0xe4: {  	[sflag:s26] =	ssyncset.done $0x0  }
0xe5: {  	[sflag:s26] =	ssyncadd.s32 $0xFFFFE0C0  }
0xe6: {  	_ =	swait.ge [sflag:s28], $0x1F40  }
0xe7: {  	[sflag:s28] =	ssyncset.done $0x0  }
0xe8: {  	[sflag:s28] =	ssyncadd.s32 $0xFFFFE0C0  }
0xe9: {  	_ =	swait.ge [sflag:s29], $0x1F40  }
0xea: {  	[sflag:s29] =	ssyncset.done $0x0  }
0xeb: {  	[sflag:s29] =	ssyncadd.s32 $0xFFFFE0C0  }
0xec: {  	_ =	swait.ge [sflag:s30], $0x1F40  }
0xed: {  	[sflag:s30] =	ssyncset.done $0x0  }
0xee: {  	[sflag:s30] =	ssyncadd.s32 $0xFFFFE0C0  }
0xef: {  	s5 =	stileid.u32;
	_ =	swait.ge [sflag:s31], $0x1F40  }
0xf0: {  	s3 =	sadd.s32 $0x1, s3;
	s1 =	sshll.u32 s5, $0x6;
	[sflag:s31] =	ssyncset.done $0x0  }
0xf1: {  	p0 =	sne.s32 s3, s12;
	s1 =	sor.u32 $0x1C0B, s1;
	[sflag:s31] =	ssyncadd.s32 $0xFFFFE0C0  }
.Ltmp2:
0xf2: {  	s6 =	sshrl.u32 s4, $0x3;
	[bflag:$0x0] =	sbarrier.arrive $0xFFFF;
	(pc) =	sbr.rel @p0 .LBB2_1-.Ltmp2, $4  }
0xf3: {  	[hbm:s24], [sflag:s1] =	dma.local [spmem:s6], $0x1400  }
0xf4: {  	_ =	swait.ge [sflag:s14], $0x1400  }
0xf5: {  	[sflag:s14] =	ssyncset.done $0x0  }
0xf6: {  	[sflag:s14] =	ssyncadd.s32 $0xFFFFEC00  }
0xf7: {  	_ =	sfence.sel $0x180000  }
0xf8: {  	[bflag:$0x0] =	sbarrier.arrive $0xFFFF  }
0xf9: {  	_ =	strace $0x90000053  }
0xfa: {  	s0 =	stileid.u32;
	[bflag:$0x2] =	sbarrier.arrive $0xFFFF  }
0xfb: {  	p0 =	sne.s32 s0, $0x0;
	s0 =	rddreg [dreg:$0x2]  }
0xfc: {  	s0 =	sadd.s32 @!p0 $0x100000, s0  }
0xfd: {  	[sflag:s0] =	ssyncadd.tile.s32 @!p0 $0x1;
	_ =	shalt  }
.Lfunc_end2:
_tile_overlayer_lowered:
.L_overlay_start_2:
0xfe: {  	(tag) =	ssettag $0x2  }
0xff: {  	s0 =	rddreg [dreg:$0x0];
	s2 =	stileid.u32  }
0x100: {  	s1 =	rddreg [dreg:$0x1];
	p0 =	sne.s32 s2, $0x0  }
0x101: {  	s3 =	rddreg [dreg:$0x2];
	[bflag:$0x3] =	sbarrier.arrive $0xFFFF;
	s2 =	simm.s32 @!p0 $0x1C0B  }
0x102: {  	[timem:s3], [sflag:s2] =	dma.local @!p0 [hbm:s0], s1  }
0x103: {  	s0 =	simm.s32 @!p0 $0xB  }
0x104: {  	_ =	swait.ge @!p0 [sflag:s0], s1  }
0x105: {  	s1 =	ssub.s32 @!p0 $0x0, s1;
	[sflag:s0] =	ssyncset.done @!p0 $0x0  }
0x106: {  	[sflag:s0] =	ssyncadd.s32 @!p0 s1  }
0x107: {  	[bflag:$0x3] =	sbarrier.arrive $0xFFFF  }
0x108: {  	_ =	shalt  }

</sc_bundles>
